<compile_context>
chip_gen: v7x
topology: tpu7x:2x2x1
jax: 0.10.2.dev20260603
libtpu: 0.0.44.dev20260713+nightly
codegen_flags: <defaults>
</compile_context>

<pallas_src>
import functools

import jax
import jax.numpy as jnp
from jax import lax
from jax.experimental import pallas as pl
from jax.experimental.pallas import tpu as pltpu
from jax.experimental.pallas import tpu_sc as plsc

_VOCAB = 100000
_HIDDEN = 128
_BATCH = 1024
_SEQ = 50

_NC = 2
_NS = 16
_NW = _NC * _NS
_B_PER_W = _BATCH // _NW
_LANES = 16


def _tree_sum(vals):
    while len(vals) > 1:
        nxt = [vals[i] + vals[i + 1] for i in range(0, len(vals) - 1, 2)]
        if len(vals) % 2:
            nxt.append(vals[-1])
        vals = nxt
    return vals[0]


def _gather_mean(x, table):
    mesh = plsc.VectorSubcoreMesh(core_axis_name="c", subcore_axis_name="s")

    @functools.partial(
        pl.kernel,
        out_type=jax.ShapeDtypeStruct((_BATCH, _HIDDEN), jnp.float32),
        mesh=mesh,
        scratch_types=[
            pltpu.VMEM((_B_PER_W, _SEQ), jnp.int32),
            pltpu.VMEM((_SEQ, _HIDDEN), jnp.float32),
            pltpu.VMEM((_SEQ, _HIDDEN), jnp.float32),
            pltpu.VMEM((_B_PER_W, _HIDDEN), jnp.float32),
            pltpu.SemaphoreType.DMA,
            pltpu.SemaphoreType.DMA,
        ],
    )
    def gm(x_hbm, table_hbm, out_hbm, idx_v, rows0_v, rows1_v, acc_v, sem0, sem1):
        wid = lax.axis_index("s") * _NC + lax.axis_index("c")
        base = wid * _B_PER_W
        pltpu.sync_copy(x_hbm.at[pl.ds(base, _B_PER_W)], idx_v)

        bufs = (rows0_v, rows1_v)
        sems = (sem0, sem1)

        def start(i, slot):
            pltpu.async_copy(table_hbm.at[idx_v.at[i]], bufs[slot], sems[slot])

        def finish(i, slot):
            pltpu.make_async_copy(table_hbm.at[idx_v.at[i]], bufs[slot],
                                  sems[slot]).wait()
            rows = bufs[slot]
            for d in range(_HIDDEN // _LANES):
                sl = pl.ds(d * _LANES, _LANES)
                total = _tree_sum([rows[l, sl] for l in range(_SEQ)])
                acc_v[i, sl] = total * (1.0 / _SEQ)

        start(0, 0)

        def body(k, _):
            i = k * 2
            start(i + 1, 1)
            finish(i, 0)

            @pl.when(i + 2 < _B_PER_W)
            def _():
                start(i + 2, 0)

            finish(i + 1, 1)
            return 0

        lax.fori_loop(0, _B_PER_W // 2, body, 0)
        pltpu.sync_copy(acc_v, out_hbm.at[pl.ds(base, _B_PER_W)])

    return gm(x, table)


_V_BLK = 2048


def _mm_body(vec_ref, w_ref, b_ref, out_ref):
    acc = lax.dot_general(
        vec_ref[...].astype(jnp.bfloat16),
        w_ref[...].astype(jnp.bfloat16),
        dimension_numbers=(((1,), (1,)), ((), ())),
        preferred_element_type=jnp.float32,
    )
    out_ref[...] = acc + b_ref[...]


def _linear(vec, W, b):
    return pl.pallas_call(
        _mm_body,
        grid=(pl.cdiv(_VOCAB, _V_BLK),),
        in_specs=[
            pl.BlockSpec((_BATCH, _HIDDEN), lambda j: (0, 0)),
            pl.BlockSpec((_V_BLK, _HIDDEN), lambda j: (j, 0)),
            pl.BlockSpec((1, _V_BLK), lambda j: (0, j)),
        ],
        out_specs=pl.BlockSpec((_BATCH, _V_BLK), lambda j: (0, j)),
        out_shape=jax.ShapeDtypeStruct((_BATCH, _VOCAB), jnp.float32),
    )(vec, W, b.reshape(1, _VOCAB))


def kernel(x, table, W, b):
    vec = _gather_mean(x, table)
    return _linear(vec, W, b)

# --- scband reference (transcript-rebuilt; emitter-appended) ---
"""Pipeline reference for scband-word2vec-predict-17944373363094 (READ-ONLY COPY).

The authoritative reference and input builder live on the scoring server;
editing this copy changes nothing except your own understanding.
"""

import jax, jax.numpy as jnp
import numpy as np

VOCAB = 100000
HIDDEN = 128
BATCH = 1024
SEQ = 50

def setup_inputs(seed: int = 0) -> dict:
    key = jax.random.key(seed)
    k1, k2, k3, k4 = jax.random.split(key, 4)
    x = jax.random.randint(k1, (BATCH, SEQ), 0, VOCAB, dtype=jnp.int64 if jax.config.jax_enable_x64 else jnp.int32)
    table = jax.random.normal(k2, (VOCAB, HIDDEN), dtype=jnp.float32)
    # padding_idx=0 -> embedding row 0 initialized to zeros (nn.Embedding semantics)
    table = table.at[0].set(0.0)
    W = jax.random.normal(k3, (VOCAB, HIDDEN), dtype=jnp.float32) * 0.01
    b = jax.random.normal(k4, (VOCAB,), dtype=jnp.float32) * 0.01
    return {"x": x, "table": table, "W": W, "b": b}

def reference(x, table, W, b):
    # vec = self.encoder(x)
    vec = jnp.take(table, x, axis=0)            # [B, L, H] gather (SparseCore-friendly)
    # vec = torch.mean(vec, dim=1)
    vec = jnp.mean(vec, axis=1)                 # [B, H]
    # pred = self.linear(vec)
    pred = vec @ W.T + b                        # [B, V]
    return pred

if __name__ == "__main__":
    import jax
    _d = setup_inputs()
    print(jax.jit(kernel)(*tuple(_d.values())))

</pallas_src>

<mosaic_0001>
#map = affine_map<(d0, d1) -> (0, 0)>
module attributes {stable_mosaic.version = 14 : i64} {
  func.func @gm(%arg0: i32, %arg1: i32, %arg2: memref<1024x50xi32, #tpu.memory_space<hbm>>, %arg3: memref<100000x128xf32, #tpu.memory_space<hbm>>, %arg4: memref<1024x128xf32, #tpu.memory_space<hbm>>, %arg5: memref<32x50xi32, #tpu.memory_space<vmem>>, %arg6: memref<50x128xf32, #tpu.memory_space<vmem>>, %arg7: memref<50x128xf32, #tpu.memory_space<vmem>>, %arg8: memref<32x128xf32, #tpu.memory_space<vmem>>, %arg9: memref<!tpu.dma_semaphore, #tpu.memory_space<semaphore_mem>>, %arg10: memref<!tpu.dma_semaphore, #tpu.memory_space<semaphore_mem>>) attributes {dimension_semantics = [#tpu.dimension_semantics<core_parallel>, #tpu.dimension_semantics<subcore_parallel>], iteration_bounds = array<i64: 2, 16>, scalar_prefetch = 0 : i64, scratch_operands = 6 : i64, tpu.core_type = #tpu.core_type<sc_vector_subcore>, window_params = [{transform_indices = #map}, {transform_indices = #map}, {transform_indices = #map}]} {
    %mul3A = arith.constant 2 : i32
    %mul3A_0 = arith.muli %arg1, %mul3A : i32
    %add3A = arith.addi %mul3A_0, %arg0 : i32
    %mul3A_1 = arith.constant 32 : i32
    %mul3A_2 = arith.muli %add3A, %mul3A_1 : i32
    "tpu.region"() ({
      %run_scoped3A = tpu.sem_alloc : memref<!tpu.dma_semaphore, #tpu.memory_space<semaphore_mem>>
      %dma_start3A_15 = arith.constant 0 : i32
      %dma_start3A_16 = tpu.memref_slice %arg2[%mul3A_2, %dma_start3A_15] : memref<1024x50xi32, #tpu.memory_space<hbm>> -> memref<32x50xi32, #tpu.memory_space<hbm>>
      %dma_start3A_17 = arith.constant 0 : i32
      %dma_start3A_18 = tpu.memref_slice %arg2[%mul3A_2, %dma_start3A_17] : memref<1024x50xi32, #tpu.memory_space<hbm>> -> memref<32x50xi32, #tpu.memory_space<hbm>>
      tpu.enqueue_dma source(%dma_start3A_18 : memref<32x50xi32, #tpu.memory_space<hbm>>) target(%arg5 : memref<32x50xi32, #tpu.memory_space<vmem>>) target_semaphore(%run_scoped3A : memref<!tpu.dma_semaphore, #tpu.memory_space<semaphore_mem>>)
      %dma_wait3A = arith.constant 0 : i32
      %dma_wait3A_19 = tpu.memref_slice %arg2[%mul3A_2, %dma_wait3A] : memref<1024x50xi32, #tpu.memory_space<hbm>> -> memref<32x50xi32, #tpu.memory_space<hbm>>
      %dma_wait3A_20 = arith.constant 0 : i32
      %dma_wait3A_21 = tpu.memref_slice %arg2[%mul3A_2, %dma_wait3A_20] : memref<1024x50xi32, #tpu.memory_space<hbm>> -> memref<32x50xi32, #tpu.memory_space<hbm>>
      tpu.wait_dma2 semaphore(%run_scoped3A : memref<!tpu.dma_semaphore, #tpu.memory_space<semaphore_mem>>) src(%dma_wait3A_21 : memref<32x50xi32, #tpu.memory_space<hbm>>) dst(%arg5 : memref<32x50xi32, #tpu.memory_space<vmem>>)
      tpu.yield
    }) : () -> ()
    %dma_start3A = arith.constant 0 : i32
    %dma_start3A_3 = arith.constant 0 : i32
    %dma_start3A_4 = tpu.memref_slice %arg5[%dma_start3A, %dma_start3A_3] : memref<32x50xi32, #tpu.memory_space<vmem>> -> memref<1x50xi32, #tpu.memory_space<vmem>>
    %dma_start3A_5 = tpu.memref_squeeze %dma_start3A_4 : memref<1x50xi32, #tpu.memory_space<vmem>> -> memref<50xi32, #tpu.memory_space<vmem>>
    %dma_start3A_6 = arith.constant 0 : i32
    %dma_start3A_7 = arith.constant 0 : i32
    %dma_start3A_8 = tpu.memref_slice %arg3[%dma_start3A_6, %dma_start3A_7] : memref<100000x128xf32, #tpu.memory_space<hbm>> -> memref<100000x128xf32, #tpu.memory_space<hbm>>
    tpu.enqueue_indirect_dma source(%dma_start3A_8 : memref<100000x128xf32, #tpu.memory_space<hbm>>) target(%arg6 : memref<50x128xf32, #tpu.memory_space<vmem>>) offsets(%dma_start3A_5 : memref<50xi32, #tpu.memory_space<vmem>>) semaphore(%arg9 : memref<!tpu.dma_semaphore, #tpu.memory_space<semaphore_mem>>)
    %scan3A = arith.constant 0 : i32
    %scan3A_9 = arith.constant 0 : i32
    %scan3A_10 = arith.constant 16 : i32
    %scan3A_11 = arith.addi %scan3A_9, %scan3A_10 : i32
    %scan3A_12 = arith.constant 1 : i32
    %scan3A_13 = scf.for %scan3A_15 = %scan3A_9 to %scan3A_11 step %scan3A_12 iter_args(%scan3A_16 = %scan3A) -> (i32)  : i32 {
      %mul3A_17 = arith.constant 2 : i32
      %mul3A_18 = arith.muli %scan3A_15, %mul3A_17 : i32
      %add3A_19 = arith.constant 1 : i32
      %add3A_20 = arith.addi %mul3A_18, %add3A_19 : i32
      %dma_start3A_21 = arith.constant 0 : i32
      %dma_start3A_22 = tpu.memref_slice %arg5[%add3A_20, %dma_start3A_21] : memref<32x50xi32, #tpu.memory_space<vmem>> -> memref<1x50xi32, #tpu.memory_space<vmem>>
      %dma_start3A_23 = tpu.memref_squeeze %dma_start3A_22 : memref<1x50xi32, #tpu.memory_space<vmem>> -> memref<50xi32, #tpu.memory_space<vmem>>
      %dma_start3A_24 = arith.constant 0 : i32
      %dma_start3A_25 = arith.constant 0 : i32
      %dma_start3A_26 = tpu.memref_slice %arg3[%dma_start3A_24, %dma_start3A_25] : memref<100000x128xf32, #tpu.memory_space<hbm>> -> memref<100000x128xf32, #tpu.memory_space<hbm>>
      tpu.enqueue_indirect_dma source(%dma_start3A_26 : memref<100000x128xf32, #tpu.memory_space<hbm>>) target(%arg7 : memref<50x128xf32, #tpu.memory_space<vmem>>) offsets(%dma_start3A_23 : memref<50xi32, #tpu.memory_space<vmem>>) semaphore(%arg10 : memref<!tpu.dma_semaphore, #tpu.memory_space<semaphore_mem>>)
      %dma_wait3A = arith.constant 0 : i32
      %dma_wait3A_27 = tpu.memref_slice %arg5[%mul3A_18, %dma_wait3A] : memref<32x50xi32, #tpu.memory_space<vmem>> -> memref<1x50xi32, #tpu.memory_space<vmem>>
      %dma_wait3A_28 = tpu.memref_squeeze %dma_wait3A_27 : memref<1x50xi32, #tpu.memory_space<vmem>> -> memref<50xi32, #tpu.memory_space<vmem>>
      %dma_wait3A_29 = arith.constant 0 : i32
      %dma_wait3A_30 = arith.constant 0 : i32
      %dma_wait3A_31 = tpu.memref_slice %arg3[%dma_wait3A_29, %dma_wait3A_30] : memref<100000x128xf32, #tpu.memory_space<hbm>> -> memref<100000x128xf32, #tpu.memory_space<hbm>>
      tpu.wait_indirect_dma semaphore(%arg9 : memref<!tpu.dma_semaphore, #tpu.memory_space<semaphore_mem>>) src(%dma_wait3A_31 : memref<100000x128xf32, #tpu.memory_space<hbm>>) dst(%arg6 : memref<50x128xf32, #tpu.memory_space<vmem>>)
      %get3A = arith.constant 0 : i32
      %get3A_32 = arith.index_cast %get3A : i32 to index
      %get3A_33 = arith.constant 0 : index
      %get3A_34 = tpu.vector_load %arg6[%get3A_32, %get3A_33] {strides = array<i32>} : memref<50x128xf32, #tpu.memory_space<vmem>>, vector<1x16xf32>,
      %get3A_35 = vector.shape_cast %get3A_34 : vector<1x16xf32> to vector<16xf32>
      %get3A_36 = arith.constant 1 : i32
      %get3A_37 = arith.index_cast %get3A_36 : i32 to index
      %get3A_38 = arith.constant 0 : index
      %get3A_39 = tpu.vector_load %arg6[%get3A_37, %get3A_38] {strides = array<i32>} : memref<50x128xf32, #tpu.memory_space<vmem>>, vector<1x16xf32>,
      %get3A_40 = vector.shape_cast %get3A_39 : vector<1x16xf32> to vector<16xf32>
      %get3A_41 = arith.constant 2 : i32
      %get3A_42 = arith.index_cast %get3A_41 : i32 to index
      %get3A_43 = arith.constant 0 : index
      %get3A_44 = tpu.vector_load %arg6[%get3A_42, %get3A_43] {strides = array<i32>} : memref<50x128xf32, #tpu.memory_space<vmem>>, vector<1x16xf32>,
      %get3A_45 = vector.shape_cast %get3A_44 : vector<1x16xf32> to vector<16xf32>
      %get3A_46 = arith.constant 3 : i32
      %get3A_47 = arith.index_cast %get3A_46 : i32 to index
      %get3A_48 = arith.constant 0 : index
      %get3A_49 = tpu.vector_load %arg6[%get3A_47, %get3A_48] {strides = array<i32>} : memref<50x128xf32, #tpu.memory_space<vmem>>, vector<1x16xf32>,
      %get3A_50 = vector.shape_cast %get3A_49 : vector<1x16xf32> to vector<16xf32>
      %get3A_51 = arith.constant 4 : i32
      %get3A_52 = arith.index_cast %get3A_51 : i32 to index
      %get3A_53 = arith.constant 0 : index
      %get3A_54 = tpu.vector_load %arg6[%get3A_52, %get3A_53] {strides = array<i32>} : memref<50x128xf32, #tpu.memory_space<vmem>>, vector<1x16xf32>,
      %get3A_55 = vector.shape_cast %get3A_54 : vector<1x16xf32> to vector<16xf32>
      %get3A_56 = arith.constant 5 : i32
      %get3A_57 = arith.index_cast %get3A_56 : i32 to index
      %get3A_58 = arith.constant 0 : index
      %get3A_59 = tpu.vector_load %arg6[%get3A_57, %get3A_58] {strides = array<i32>} : memref<50x128xf32, #tpu.memory_space<vmem>>, vector<1x16xf32>,
      %get3A_60 = vector.shape_cast %get3A_59 : vector<1x16xf32> to vector<16xf32>
      %get3A_61 = arith.constant 6 : i32
      %get3A_62 = arith.index_cast %get3A_61 : i32 to index
      %get3A_63 = arith.constant 0 : index
      %get3A_64 = tpu.vector_load %arg6[%get3A_62, %get3A_63] {strides = array<i32>} : memref<50x128xf32, #tpu.memory_space<vmem>>, vector<1x16xf32>,
      %get3A_65 = vector.shape_cast %get3A_64 : vector<1x16xf32> to vector<16xf32>
      %get3A_66 = arith.constant 7 : i32
      %get3A_67 = arith.index_cast %get3A_66 : i32 to index
      %get3A_68 = arith.constant 0 : index
      %get3A_69 = tpu.vector_load %arg6[%get3A_67, %get3A_68] {strides = array<i32>} : memref<50x128xf32, #tpu.memory_space<vmem>>, vector<1x16xf32>,
      %get3A_70 = vector.shape_cast %get3A_69 : vector<1x16xf32> to vector<16xf32>
      %get3A_71 = arith.constant 8 : i32
      %get3A_72 = arith.index_cast %get3A_71 : i32 to index
      %get3A_73 = arith.constant 0 : index
      %get3A_74 = tpu.vector_load %arg6[%get3A_72, %get3A_73] {strides = array<i32>} : memref<50x128xf32, #tpu.memory_space<vmem>>, vector<1x16xf32>,
      %get3A_75 = vector.shape_cast %get3A_74 : vector<1x16xf32> to vector<16xf32>
      %get3A_76 = arith.constant 9 : i32
      %get3A_77 = arith.index_cast %get3A_76 : i32 to index
      %get3A_78 = arith.constant 0 : index
      %get3A_79 = tpu.vector_load %arg6[%get3A_77, %get3A_78] {strides = array<i32>} : memref<50x128xf32, #tpu.memory_space<vmem>>, vector<1x16xf32>,
      %get3A_80 = vector.shape_cast %get3A_79 : vector<1x16xf32> to vector<16xf32>
      %get3A_81 = arith.constant 10 : i32
      %get3A_82 = arith.index_cast %get3A_81 : i32 to index
      %get3A_83 = arith.constant 0 : index
      %get3A_84 = tpu.vector_load %arg6[%get3A_82, %get3A_83] {strides = array<i32>} : memref<50x128xf32, #tpu.memory_space<vmem>>, vector<1x16xf32>,
      %get3A_85 = vector.shape_cast %get3A_84 : vector<1x16xf32> to vector<16xf32>
      %get3A_86 = arith.constant 11 : i32
      %get3A_87 = arith.index_cast %get3A_86 : i32 to index
      %get3A_88 = arith.constant 0 : index
      %get3A_89 = tpu.vector_load %arg6[%get3A_87, %get3A_88] {strides = array<i32>} : memref<50x128xf32, #tpu.memory_space<vmem>>, vector<1x16xf32>,
      %get3A_90 = vector.shape_cast %get3A_89 : vector<1x16xf32> to vector<16xf32>
      %get3A_91 = arith.constant 12 : i32
      %get3A_92 = arith.index_cast %get3A_91 : i32 to index
      %get3A_93 = arith.constant 0 : index
      %get3A_94 = tpu.vector_load %arg6[%get3A_92, %get3A_93] {strides = array<i32>} : memref<50x128xf32, #tpu.memory_space<vmem>>, vector<1x16xf32>,
      %get3A_95 = vector.shape_cast %get3A_94 : vector<1x16xf32> to vector<16xf32>
      %get3A_96 = arith.constant 13 : i32
      %get3A_97 = arith.index_cast %get3A_96 : i32 to index
      %get3A_98 = arith.constant 0 : index
      %get3A_99 = tpu.vector_load %arg6[%get3A_97, %get3A_98] {strides = array<i32>} : memref<50x128xf32, #tpu.memory_space<vmem>>, vector<1x16xf32>,
      %get3A_100 = vector.shape_cast %get3A_99 : vector<1x16xf32> to vector<16xf32>
      %get3A_101 = arith.constant 14 : i32
      %get3A_102 = arith.index_cast %get3A_101 : i32 to index
      %get3A_103 = arith.constant 0 : index
      %get3A_104 = tpu.vector_load %arg6[%get3A_102, %get3A_103] {strides = array<i32>} : memref<50x128xf32, #tpu.memory_space<vmem>>, vector<1x16xf32>,
      %get3A_105 = vector.shape_cast %get3A_104 : vector<1x16xf32> to vector<16xf32>
      %get3A_106 = arith.constant 15 : i32
      %get3A_107 = arith.index_cast %get3A_106 : i32 to index
      %get3A_108 = arith.constant 0 : index
      %get3A_109 = tpu.vector_load %arg6[%get3A_107, %get3A_108] {strides = array<i32>} : memref<50x128xf32, #tpu.memory_space<vmem>>, vector<1x16xf32>,
      %get3A_110 = vector.shape_cast %get3A_109 : vector<1x16xf32> to vector<16xf32>
      %get3A_111 = arith.constant 16 : i32
      %get3A_112 = arith.index_cast %get3A_111 : i32 to index
      %get3A_113 = arith.constant 0 : index
      %get3A_114 = tpu.vector_load %arg6[%get3A_112, %get3A_113] {strides = array<i32>} : memref<50x128xf32, #tpu.memory_space<vmem>>, vector<1x16xf32>,
      %get3A_115 = vector.shape_cast %get3A_114 : vector<1x16xf32> to vector<16xf32>
      %get3A_116 = arith.constant 17 : i32
      %get3A_117 = arith.index_cast %get3A_116 : i32 to index
      %get3A_118 = arith.constant 0 : index
      %get3A_119 = tpu.vector_load %arg6[%get3A_117, %get3A_118] {strides = array<i32>} : memref<50x128xf32, #tpu.memory_space<vmem>>, vector<1x16xf32>,
      %get3A_120 = vector.shape_cast %get3A_119 : vector<1x16xf32> to vector<16xf32>
      %get3A_121 = arith.constant 18 : i32
      %get3A_122 = arith.index_cast %get3A_121 : i32 to index
      %get3A_123 = arith.constant 0 : index
      %get3A_124 = tpu.vector_load %arg6[%get3A_122, %get3A_123] {strides = array<i32>} : memref<50x128xf32, #tpu.memory_space<vmem>>, vector<1x16xf32>,
      %get3A_125 = vector.shape_cast %get3A_124 : vector<1x16xf32> to vector<16xf32>
      %get3A_126 = arith.constant 19 : i32
      %get3A_127 = arith.index_cast %get3A_126 : i32 to index
      %get3A_128 = arith.constant 0 : index
      %get3A_129 = tpu.vector_load %arg6[%get3A_127, %get3A_128] {strides = array<i32>} : memref<50x128xf32, #tpu.memory_space<vmem>>, vector<1x16xf32>,
      %get3A_130 = vector.shape_cast %get3A_129 : vector<1x16xf32> to vector<16xf32>
      %get3A_131 = arith.constant 20 : i32
      %get3A_132 = arith.index_cast %get3A_131 : i32 to index
      %get3A_133 = arith.constant 0 : index
      %get3A_134 = tpu.vector_load %arg6[%get3A_132, %get3A_133] {strides = array<i32>} : memref<50x128xf32, #tpu.memory_space<vmem>>, vector<1x16xf32>,
      %get3A_135 = vector.shape_cast %get3A_134 : vector<1x16xf32> to vector<16xf32>
      %get3A_136 = arith.constant 21 : i32
      %get3A_137 = arith.index_cast %get3A_136 : i32 to index
      %get3A_138 = arith.constant 0 : index
      %get3A_139 = tpu.vector_load %arg6[%get3A_137, %get3A_138] {strides = array<i32>} : memref<50x128xf32, #tpu.memory_space<vmem>>, vector<1x16xf32>,
      %get3A_140 = vector.shape_cast %get3A_139 : vector<1x16xf32> to vector<16xf32>
      %get3A_141 = arith.constant 22 : i32
      %get3A_142 = arith.index_cast %get3A_141 : i32 to index
      %get3A_143 = arith.constant 0 : index
      %get3A_144 = tpu.vector_load %arg6[%get3A_142, %get3A_143] {strides = array<i32>} : memref<50x128xf32, #tpu.memory_space<vmem>>, vector<1x16xf32>,
      %get3A_145 = vector.shape_cast %get3A_144 : vector<1x16xf32> to vector<16xf32>
      %get3A_146 = arith.constant 23 : i32
      %get3A_147 = arith.index_cast %get3A_146 : i32 to index
      %get3A_148 = arith.constant 0 : index
      %get3A_149 = tpu.vector_load %arg6[%get3A_147, %get3A_148] {strides = array<i32>} : memref<50x128xf32, #tpu.memory_space<vmem>>, vector<1x16xf32>,
      %get3A_150 = vector.shape_cast %get3A_149 : vector<1x16xf32> to vector<16xf32>
      %get3A_151 = arith.constant 24 : i32
      %get3A_152 = arith.index_cast %get3A_151 : i32 to index
      %get3A_153 = arith.constant 0 : index
      %get3A_154 = tpu.vector_load %arg6[%get3A_152, %get3A_153] {strides = array<i32>} : memref<50x128xf32, #tpu.memory_space<vmem>>, vector<1x16xf32>,
      %get3A_155 = vector.shape_cast %get3A_154 : vector<1x16xf32> to vector<16xf32>
      %get3A_156 = arith.constant 25 : i32
      %get3A_157 = arith.index_cast %get3A_156 : i32 to index
      %get3A_158 = arith.constant 0 : index
      %get3A_159 = tpu.vector_load %arg6[%get3A_157, %get3A_158] {strides = array<i32>} : memref<50x128xf32, #tpu.memory_space<vmem>>, vector<1x16xf32>,
      %get3A_160 = vector.shape_cast %get3A_159 : vector<1x16xf32> to vector<16xf32>
      %get3A_161 = arith.constant 26 : i32
      %get3A_162 = arith.index_cast %get3A_161 : i32 to index
      %get3A_163 = arith.constant 0 : index
      %get3A_164 = tpu.vector_load %arg6[%get3A_162, %get3A_163] {strides = array<i32>} : memref<50x128xf32, #tpu.memory_space<vmem>>, vector<1x16xf32>,
      %get3A_165 = vector.shape_cast %get3A_164 : vector<1x16xf32> to vector<16xf32>
      %get3A_166 = arith.constant 27 : i32
      %get3A_167 = arith.index_cast %get3A_166 : i32 to index
      %get3A_168 = arith.constant 0 : index
      %get3A_169 = tpu.vector_load %arg6[%get3A_167, %get3A_168] {strides = array<i32>} : memref<50x128xf32, #tpu.memory_space<vmem>>, vector<1x16xf32>,
      %get3A_170 = vector.shape_cast %get3A_169 : vector<1x16xf32> to vector<16xf32>
      %get3A_171 = arith.constant 28 : i32
      %get3A_172 = arith.index_cast %get3A_171 : i32 to index
      %get3A_173 = arith.constant 0 : index
      %get3A_174 = tpu.vector_load %arg6[%get3A_172, %get3A_173] {strides = array<i32>} : memref<50x128xf32, #tpu.memory_space<vmem>>, vector<1x16xf32>,
      %get3A_175 = vector.shape_cast %get3A_174 : vector<1x16xf32> to vector<16xf32>
      %get3A_176 = arith.constant 29 : i32
      %get3A_177 = arith.index_cast %get3A_176 : i32 to index
      %get3A_178 = arith.constant 0 : index
      %get3A_179 = tpu.vector_load %arg6[%get3A_177, %get3A_178] {strides = array<i32>} : memref<50x128xf32, #tpu.memory_space<vmem>>, vector<1x16xf32>,
      %get3A_180 = vector.shape_cast %get3A_179 : vector<1x16xf32> to vector<16xf32>
      %get3A_181 = arith.constant 30 : i32
      %get3A_182 = arith.index_cast %get3A_181 : i32 to index
      %get3A_183 = arith.constant 0 : index
      %get3A_184 = tpu.vector_load %arg6[%get3A_182, %get3A_183] {strides = array<i32>} : memref<50x128xf32, #tpu.memory_space<vmem>>, vector<1x16xf32>,
      %get3A_185 = vector.shape_cast %get3A_184 : vector<1x16xf32> to vector<16xf32>
      %get3A_186 = arith.constant 31 : i32
      %get3A_187 = arith.index_cast %get3A_186 : i32 to index
      %get3A_188 = arith.constant 0 : index
      %get3A_189 = tpu.vector_load %arg6[%get3A_187, %get3A_188] {strides = array<i32>} : memref<50x128xf32, #tpu.memory_space<vmem>>, vector<1x16xf32>,
      %get3A_190 = vector.shape_cast %get3A_189 : vector<1x16xf32> to vector<16xf32>
      %get3A_191 = arith.constant 32 : i32
      %get3A_192 = arith.index_cast %get3A_191 : i32 to index
      %get3A_193 = arith.constant 0 : index
      %get3A_194 = tpu.vector_load %arg6[%get3A_192, %get3A_193] {strides = array<i32>} : memref<50x128xf32, #tpu.memory_space<vmem>>, vector<1x16xf32>,
      %get3A_195 = vector.shape_cast %get3A_194 : vector<1x16xf32> to vector<16xf32>
      %get3A_196 = arith.constant 33 : i32
      %get3A_197 = arith.index_cast %get3A_196 : i32 to index
      %get3A_198 = arith.constant 0 : index
      %get3A_199 = tpu.vector_load %arg6[%get3A_197, %get3A_198] {strides = array<i32>} : memref<50x128xf32, #tpu.memory_space<vmem>>, vector<1x16xf32>,
      %get3A_200 = vector.shape_cast %get3A_199 : vector<1x16xf32> to vector<16xf32>
      %get3A_201 = arith.constant 34 : i32
      %get3A_202 = arith.index_cast %get3A_201 : i32 to index
      %get3A_203 = arith.constant 0 : index
      %get3A_204 = tpu.vector_load %arg6[%get3A_202, %get3A_203] {strides = array<i32>} : memref<50x128xf32, #tpu.memory_space<vmem>>, vector<1x16xf32>,
      %get3A_205 = vector.shape_cast %get3A_204 : vector<1x16xf32> to vector<16xf32>
      %get3A_206 = arith.constant 35 : i32
      %get3A_207 = arith.index_cast %get3A_206 : i32 to index
      %get3A_208 = arith.constant 0 : index
      %get3A_209 = tpu.vector_load %arg6[%get3A_207, %get3A_208] {strides = array<i32>} : memref<50x128xf32, #tpu.memory_space<vmem>>, vector<1x16xf32>,
      %get3A_210 = vector.shape_cast %get3A_209 : vector<1x16xf32> to vector<16xf32>
      %get3A_211 = arith.constant 36 : i32
      %get3A_212 = arith.index_cast %get3A_211 : i32 to index
      %get3A_213 = arith.constant 0 : index
      %get3A_214 = tpu.vector_load %arg6[%get3A_212, %get3A_213] {strides = array<i32>} : memref<50x128xf32, #tpu.memory_space<vmem>>, vector<1x16xf32>,
      %get3A_215 = vector.shape_cast %get3A_214 : vector<1x16xf32> to vector<16xf32>
      %get3A_216 = arith.constant 37 : i32
      %get3A_217 = arith.index_cast %get3A_216 : i32 to index
      %get3A_218 = arith.constant 0 : index
      %get3A_219 = tpu.vector_load %arg6[%get3A_217, %get3A_218] {strides = array<i32>} : memref<50x128xf32, #tpu.memory_space<vmem>>, vector<1x16xf32>,
      %get3A_220 = vector.shape_cast %get3A_219 : vector<1x16xf32> to vector<16xf32>
      %get3A_221 = arith.constant 38 : i32
      %get3A_222 = arith.index_cast %get3A_221 : i32 to index
      %get3A_223 = arith.constant 0 : index
      %get3A_224 = tpu.vector_load %arg6[%get3A_222, %get3A_223] {strides = array<i32>} : memref<50x128xf32, #tpu.memory_space<vmem>>, vector<1x16xf32>,
      %get3A_225 = vector.shape_cast %get3A_224 : vector<1x16xf32> to vector<16xf32>
      %get3A_226 = arith.constant 39 : i32
      %get3A_227 = arith.index_cast %get3A_226 : i32 to index
      %get3A_228 = arith.constant 0 : index
      %get3A_229 = tpu.vector_load %arg6[%get3A_227, %get3A_228] {strides = array<i32>} : memref<50x128xf32, #tpu.memory_space<vmem>>, vector<1x16xf32>,
      %get3A_230 = vector.shape_cast %get3A_229 : vector<1x16xf32> to vector<16xf32>
      %get3A_231 = arith.constant 40 : i32
      %get3A_232 = arith.index_cast %get3A_231 : i32 to index
      %get3A_233 = arith.constant 0 : index
      %get3A_234 = tpu.vector_load %arg6[%get3A_232, %get3A_233] {strides = array<i32>} : memref<50x128xf32, #tpu.memory_space<vmem>>, vector<1x16xf32>,
      %get3A_235 = vector.shape_cast %get3A_234 : vector<1x16xf32> to vector<16xf32>
      %get3A_236 = arith.constant 41 : i32
      %get3A_237 = arith.index_cast %get3A_236 : i32 to index
      %get3A_238 = arith.constant 0 : index
      %get3A_239 = tpu.vector_load %arg6[%get3A_237, %get3A_238] {strides = array<i32>} : memref<50x128xf32, #tpu.memory_space<vmem>>, vector<1x16xf32>,
      %get3A_240 = vector.shape_cast %get3A_239 : vector<1x16xf32> to vector<16xf32>
      %get3A_241 = arith.constant 42 : i32
      %get3A_242 = arith.index_cast %get3A_241 : i32 to index
      %get3A_243 = arith.constant 0 : index
      %get3A_244 = tpu.vector_load %arg6[%get3A_242, %get3A_243] {strides = array<i32>} : memref<50x128xf32, #tpu.memory_space<vmem>>, vector<1x16xf32>,
      %get3A_245 = vector.shape_cast %get3A_244 : vector<1x16xf32> to vector<16xf32>
      %get3A_246 = arith.constant 43 : i32
      %get3A_247 = arith.index_cast %get3A_246 : i32 to index
      %get3A_248 = arith.constant 0 : index
      %get3A_249 = tpu.vector_load %arg6[%get3A_247, %get3A_248] {strides = array<i32>} : memref<50x128xf32, #tpu.memory_space<vmem>>, vector<1x16xf32>,
      %get3A_250 = vector.shape_cast %get3A_249 : vector<1x16xf32> to vector<16xf32>
      %get3A_251 = arith.constant 44 : i32
      %get3A_252 = arith.index_cast %get3A_251 : i32 to index
      %get3A_253 = arith.constant 0 : index
      %get3A_254 = tpu.vector_load %arg6[%get3A_252, %get3A_253] {strides = array<i32>} : memref<50x128xf32, #tpu.memory_space<vmem>>, vector<1x16xf32>,
      %get3A_255 = vector.shape_cast %get3A_254 : vector<1x16xf32> to vector<16xf32>
      %get3A_256 = arith.constant 45 : i32
      %get3A_257 = arith.index_cast %get3A_256 : i32 to index
      %get3A_258 = arith.constant 0 : index
      %get3A_259 = tpu.vector_load %arg6[%get3A_257, %get3A_258] {strides = array<i32>} : memref<50x128xf32, #tpu.memory_space<vmem>>, vector<1x16xf32>,
      %get3A_260 = vector.shape_cast %get3A_259 : vector<1x16xf32> to vector<16xf32>
      %get3A_261 = arith.constant 46 : i32
      %get3A_262 = arith.index_cast %get3A_261 : i32 to index
      %get3A_263 = arith.constant 0 : index
      %get3A_264 = tpu.vector_load %arg6[%get3A_262, %get3A_263] {strides = array<i32>} : memref<50x128xf32, #tpu.memory_space<vmem>>, vector<1x16xf32>,
      %get3A_265 = vector.shape_cast %get3A_264 : vector<1x16xf32> to vector<16xf32>
      %get3A_266 = arith.constant 47 : i32
      %get3A_267 = arith.index_cast %get3A_266 : i32 to index
      %get3A_268 = arith.constant 0 : index
      %get3A_269 = tpu.vector_load %arg6[%get3A_267, %get3A_268] {strides = array<i32>} : memref<50x128xf32, #tpu.memory_space<vmem>>, vector<1x16xf32>,
      %get3A_270 = vector.shape_cast %get3A_269 : vector<1x16xf32> to vector<16xf32>
      %get3A_271 = arith.constant 48 : i32
      %get3A_272 = arith.index_cast %get3A_271 : i32 to index
      %get3A_273 = arith.constant 0 : index
      %get3A_274 = tpu.vector_load %arg6[%get3A_272, %get3A_273] {strides = array<i32>} : memref<50x128xf32, #tpu.memory_space<vmem>>, vector<1x16xf32>,
      %get3A_275 = vector.shape_cast %get3A_274 : vector<1x16xf32> to vector<16xf32>
      %get3A_276 = arith.constant 49 : i32
      %get3A_277 = arith.index_cast %get3A_276 : i32 to index
      %get3A_278 = arith.constant 0 : index
      %get3A_279 = tpu.vector_load %arg6[%get3A_277, %get3A_278] {strides = array<i32>} : memref<50x128xf32, #tpu.memory_space<vmem>>, vector<1x16xf32>,
      %get3A_280 = vector.shape_cast %get3A_279 : vector<1x16xf32> to vector<16xf32>
      %add3A_281 = arith.addf %get3A_35, %get3A_40 : vector<16xf32>
      %add3A_282 = arith.addf %get3A_45, %get3A_50 : vector<16xf32>
      %add3A_283 = arith.addf %get3A_55, %get3A_60 : vector<16xf32>
      %add3A_284 = arith.addf %get3A_65, %get3A_70 : vector<16xf32>
      %add3A_285 = arith.addf %get3A_75, %get3A_80 : vector<16xf32>
      %add3A_286 = arith.addf %get3A_85, %get3A_90 : vector<16xf32>
      %add3A_287 = arith.addf %get3A_95, %get3A_100 : vector<16xf32>
      %add3A_288 = arith.addf %get3A_105, %get3A_110 : vector<16xf32>
      %add3A_289 = arith.addf %get3A_115, %get3A_120 : vector<16xf32>
      %add3A_290 = arith.addf %get3A_125, %get3A_130 : vector<16xf32>
      %add3A_291 = arith.addf %get3A_135, %get3A_140 : vector<16xf32>
      %add3A_292 = arith.addf %get3A_145, %get3A_150 : vector<16xf32>
      %add3A_293 = arith.addf %get3A_155, %get3A_160 : vector<16xf32>
      %add3A_294 = arith.addf %get3A_165, %get3A_170 : vector<16xf32>
      %add3A_295 = arith.addf %get3A_175, %get3A_180 : vector<16xf32>
      %add3A_296 = arith.addf %get3A_185, %get3A_190 : vector<16xf32>
      %add3A_297 = arith.addf %get3A_195, %get3A_200 : vector<16xf32>
      %add3A_298 = arith.addf %get3A_205, %get3A_210 : vector<16xf32>
      %add3A_299 = arith.addf %get3A_215, %get3A_220 : vector<16xf32>
      %add3A_300 = arith.addf %get3A_225, %get3A_230 : vector<16xf32>
      %add3A_301 = arith.addf %get3A_235, %get3A_240 : vector<16xf32>
      %add3A_302 = arith.addf %get3A_245, %get3A_250 : vector<16xf32>
      %add3A_303 = arith.addf %get3A_255, %get3A_260 : vector<16xf32>
      %add3A_304 = arith.addf %get3A_265, %get3A_270 : vector<16xf32>
      %add3A_305 = arith.addf %get3A_275, %get3A_280 : vector<16xf32>
      %add3A_306 = arith.addf %add3A_281, %add3A_282 : vector<16xf32>
      %add3A_307 = arith.addf %add3A_283, %add3A_284 : vector<16xf32>
      %add3A_308 = arith.addf %add3A_285, %add3A_286 : vector<16xf32>
      %add3A_309 = arith.addf %add3A_287, %add3A_288 : vector<16xf32>
      %add3A_310 = arith.addf %add3A_289, %add3A_290 : vector<16xf32>
      %add3A_311 = arith.addf %add3A_291, %add3A_292 : vector<16xf32>
      %add3A_312 = arith.addf %add3A_293, %add3A_294 : vector<16xf32>
      %add3A_313 = arith.addf %add3A_295, %add3A_296 : vector<16xf32>
      %add3A_314 = arith.addf %add3A_297, %add3A_298 : vector<16xf32>
      %add3A_315 = arith.addf %add3A_299, %add3A_300 : vector<16xf32>
      %add3A_316 = arith.addf %add3A_301, %add3A_302 : vector<16xf32>
      %add3A_317 = arith.addf %add3A_303, %add3A_304 : vector<16xf32>
      %add3A_318 = arith.addf %add3A_306, %add3A_307 : vector<16xf32>
      %add3A_319 = arith.addf %add3A_308, %add3A_309 : vector<16xf32>
      %add3A_320 = arith.addf %add3A_310, %add3A_311 : vector<16xf32>
      %add3A_321 = arith.addf %add3A_312, %add3A_313 : vector<16xf32>
      %add3A_322 = arith.addf %add3A_314, %add3A_315 : vector<16xf32>
      %add3A_323 = arith.addf %add3A_316, %add3A_317 : vector<16xf32>
      %add3A_324 = arith.addf %add3A_318, %add3A_319 : vector<16xf32>
      %add3A_325 = arith.addf %add3A_320, %add3A_321 : vector<16xf32>
      %add3A_326 = arith.addf %add3A_322, %add3A_323 : vector<16xf32>
      %add3A_327 = arith.addf %add3A_324, %add3A_325 : vector<16xf32>
      %add3A_328 = arith.addf %add3A_326, %add3A_305 : vector<16xf32>
      %add3A_329 = arith.addf %add3A_327, %add3A_328 : vector<16xf32>
      %mul3A_330 = arith.constant 2.000000e-02 : f32
      %mul3A_331 = vector.broadcast %mul3A_330 : f32 to vector<16xf32>
      %mul3A_332 = arith.mulf %add3A_329, %mul3A_331 : vector<16xf32>
      %swap3A = arith.index_cast %mul3A_18 : i32 to index
      %swap3A_333 = arith.constant 0 : index
      %swap3A_334 = tpu.vector_load %arg8[%swap3A, %swap3A_333] {strides = array<i32>} : memref<32x128xf32, #tpu.memory_space<vmem>>, vector<1x16xf32>,
      %swap3A_335 = vector.shape_cast %swap3A_334 : vector<1x16xf32> to vector<16xf32>
      %swap3A_336 = vector.shape_cast %mul3A_332 : vector<16xf32> to vector<1x16xf32>
      tpu.vector_store %arg8[%swap3A, %swap3A_333], %swap3A_336 {strides = array<i32>} : memref<32x128xf32, #tpu.memory_space<vmem>>, vector<1x16xf32>,
      %get3A_337 = arith.constant 0 : i32
      %get3A_338 = arith.index_cast %get3A_337 : i32 to index
      %get3A_339 = arith.constant 16 : index
      %get3A_340 = tpu.vector_load %arg6[%get3A_338, %get3A_339] {strides = array<i32>} : memref<50x128xf32, #tpu.memory_space<vmem>>, vector<1x16xf32>,
      %get3A_341 = vector.shape_cast %get3A_340 : vector<1x16xf32> to vector<16xf32>
      %get3A_342 = arith.constant 1 : i32
      %get3A_343 = arith.index_cast %get3A_342 : i32 to index
      %get3A_344 = arith.constant 16 : index
      %get3A_345 = tpu.vector_load %arg6[%get3A_343, %get3A_344] {strides = array<i32>} : memref<50x128xf32, #tpu.memory_space<vmem>>, vector<1x16xf32>,
      %get3A_346 = vector.shape_cast %get3A_345 : vector<1x16xf32> to vector<16xf32>
      %get3A_347 = arith.constant 2 : i32
      %get3A_348 = arith.index_cast %get3A_347 : i32 to index
      %get3A_349 = arith.constant 16 : index
      %get3A_350 = tpu.vector_load %arg6[%get3A_348, %get3A_349] {strides = array<i32>} : memref<50x128xf32, #tpu.memory_space<vmem>>, vector<1x16xf32>,
      %get3A_351 = vector.shape_cast %get3A_350 : vector<1x16xf32> to vector<16xf32>
      %get3A_352 = arith.constant 3 : i32
      %get3A_353 = arith.index_cast %get3A_352 : i32 to index
      %get3A_354 = arith.constant 16 : index
      %get3A_355 = tpu.vector_load %arg6[%get3A_353, %get3A_354] {strides = array<i32>} : memref<50x128xf32, #tpu.memory_space<vmem>>, vector<1x16xf32>,
      %get3A_356 = vector.shape_cast %get3A_355 : vector<1x16xf32> to vector<16xf32>
      %get3A_357 = arith.constant 4 : i32
      %get3A_358 = arith.index_cast %get3A_357 : i32 to index
      %get3A_359 = arith.constant 16 : index
      %get3A_360 = tpu.vector_load %arg6[%get3A_358, %get3A_359] {strides = array<i32>} : memref<50x128xf32, #tpu.memory_space<vmem>>, vector<1x16xf32>,
      %get3A_361 = vector.shape_cast %get3A_360 : vector<1x16xf32> to vector<16xf32>
      %get3A_362 = arith.constant 5 : i32
      %get3A_363 = arith.index_cast %get3A_362 : i32 to index
      %get3A_364 = arith.constant 16 : index
      %get3A_365 = tpu.vector_load %arg6[%get3A_363, %get3A_364] {strides = array<i32>} : memref<50x128xf32, #tpu.memory_space<vmem>>, vector<1x16xf32>,
      %get3A_366 = vector.shape_cast %get3A_365 : vector<1x16xf32> to vector<16xf32>
      %get3A_367 = arith.constant 6 : i32
      %get3A_368 = arith.index_cast %get3A_367 : i32 to index
      %get3A_369 = arith.constant 16 : index
      %get3A_370 = tpu.vector_load %arg6[%get3A_368, %get3A_369] {strides = array<i32>} : memref<50x128xf32, #tpu.memory_space<vmem>>, vector<1x16xf32>,
      %get3A_371 = vector.shape_cast %get3A_370 : vector<1x16xf32> to vector<16xf32>
      %get3A_372 = arith.constant 7 : i32
      %get3A_373 = arith.index_cast %get3A_372 : i32 to index
      %get3A_374 = arith.constant 16 : index
      %get3A_375 = tpu.vector_load %arg6[%get3A_373, %get3A_374] {strides = array<i32>} : memref<50x128xf32, #tpu.memory_space<vmem>>, vector<1x16xf32>,
      %get3A_376 = vector.shape_cast %get3A_375 : vector<1x16xf32> to vector<16xf32>
      %get3A_377 = arith.constant 8 : i32
      %get3A_378 = arith.index_cast %get3A_377 : i32 to index
      %get3A_379 = arith.constant 16 : index
      %get3A_380 = tpu.vector_load %arg6[%get3A_378, %get3A_379] {strides = array<i32>} : memref<50x128xf32, #tpu.memory_space<vmem>>, vector<1x16xf32>,
      %get3A_381 = vector.shape_cast %get3A_380 : vector<1x16xf32> to vector<16xf32>
      %get3A_382 = arith.constant 9 : i32
      %get3A_383 = arith.index_cast %get3A_382 : i32 to index
      %get3A_384 = arith.constant 16 : index
      %get3A_385 = tpu.vector_load %arg6[%get3A_383, %get3A_384] {strides = array<i32>} : memref<50x128xf32, #tpu.memory_space<vmem>>, vector<1x16xf32>,
      %get3A_386 = vector.shape_cast %get3A_385 : vector<1x16xf32> to vector<16xf32>
      %get3A_387 = arith.constant 10 : i32
      %get3A_388 = arith.index_cast %get3A_387 : i32 to index
      %get3A_389 = arith.constant 16 : index
      %get3A_390 = tpu.vector_load %arg6[%get3A_388, %get3A_389] {strides = array<i32>} : memref<50x128xf32, #tpu.memory_space<vmem>>, vector<1x16xf32>,
      %get3A_391 = vector.shape_cast %get3A_390 : vector<1x16xf32> to vector<16xf32>
      %get3A_392 = arith.constant 11 : i32
      %get3A_393 = arith.index_cast %get3A_392 : i32 to index
      %get3A_394 = arith.constant 16 : index
      %get3A_395 = tpu.vector_load %arg6[%get3A_393, %get3A_394] {strides = array<i32>} : memref<50x128xf32, #tpu.memory_space<vmem>>, vector<1x16xf32>,
      %get3A_396 = vector.shape_cast %get3A_395 : vector<1x16xf32> to vector<16xf32>
      %get3A_397 = arith.constant 12 : i32
      %get3A_398 = arith.index_cast %get3A_397 : i32 to index
      %get3A_399 = arith.constant 16 : index
      %get3A_400 = tpu.vector_load %arg6[%get3A_398, %get3A_399] {strides = array<i32>} : memref<50x128xf32, #tpu.memory_space<vmem>>, vector<1x16xf32>,
      %get3A_401 = vector.shape_cast %get3A_400 : vector<1x16xf32> to vector<16xf32>
      %get3A_402 = arith.constant 13 : i32
      %get3A_403 = arith.index_cast %get3A_402 : i32 to index
      %get3A_404 = arith.constant 16 : index
      %get3A_405 = tpu.vector_load %arg6[%get3A_403, %get3A_404] {strides = array<i32>} : memref<50x128xf32, #tpu.memory_space<vmem>>, vector<1x16xf32>,
      %get3A_406 = vector.shape_cast %get3A_405 : vector<1x16xf32> to vector<16xf32>
      %get3A_407 = arith.constant 14 : i32
      %get3A_408 = arith.index_cast %get3A_407 : i32 to index
      %get3A_409 = arith.constant 16 : index
      %get3A_410 = tpu.vector_load %arg6[%get3A_408, %get3A_409] {strides = array<i32>} : memref<50x128xf32, #tpu.memory_space<vmem>>, vector<1x16xf32>,
      %get3A_411 = vector.shape_cast %get3A_410 : vector<1x16xf32> to vector<16xf32>
      %get3A_412 = arith.constant 15 : i32
      %get3A_413 = arith.index_cast %get3A_412 : i32 to index
      %get3A_414 = arith.constant 16 : index
      %get3A_415 = tpu.vector_load %arg6[%get3A_413, %get3A_414] {strides = array<i32>} : memref<50x128xf32, #tpu.memory_space<vmem>>, vector<1x16xf32>,
      %get3A_416 = vector.shape_cast %get3A_415 : vector<1x16xf32> to vector<16xf32>
      %get3A_417 = arith.constant 16 : i32
      %get3A_418 = arith.index_cast %get3A_417 : i32 to index
      %get3A_419 = arith.constant 16 : index
      %get3A_420 = tpu.vector_load %arg6[%get3A_418, %get3A_419] {strides = array<i32>} : memref<50x128xf32, #tpu.memory_space<vmem>>, vector<1x16xf32>,
      %get3A_421 = vector.shape_cast %get3A_420 : vector<1x16xf32> to vector<16xf32>
      %get3A_422 = arith.constant 17 : i32
      %get3A_423 = arith.index_cast %get3A_422 : i32 to index
      %get3A_424 = arith.constant 16 : index
      %get3A_425 = tpu.vector_load %arg6[%get3A_423, %get3A_424] {strides = array<i32>} : memref<50x128xf32, #tpu.memory_space<vmem>>, vector<1x16xf32>,
      %get3A_426 = vector.shape_cast %get3A_425 : vector<1x16xf32> to vector<16xf32>
      %get3A_427 = arith.constant 18 : i32
      %get3A_428 = arith.index_cast %get3A_427 : i32 to index
      %get3A_429 = arith.constant 16 : index
      %get3A_430 = tpu.vector_load %arg6[%get3A_428, %get3A_429] {strides = array<i32>} : memref<50x128xf32, #tpu.memory_space<vmem>>, vector<1x16xf32>,
      %get3A_431 = vector.shape_cast %get3A_430 : vector<1x16xf32> to vector<16xf32>
      %get3A_432 = arith.constant 19 : i32
      %get3A_433 = arith.index_cast %get3A_432 : i32 to index
      %get3A_434 = arith.constant 16 : index
      %get3A_435 = tpu.vector_load %arg6[%get3A_433, %get3A_434] {strides = array<i32>} : memref<50x128xf32, #tpu.memory_space<vmem>>, vector<1x16xf32>,
      %get3A_436 = vector.shape_cast %get3A_435 : vector<1x16xf32> to vector<16xf32>
      %get3A_437 = arith.constant 20 : i32
      %get3A_438 = arith.index_cast %get3A_437 : i32 to index
      %get3A_439 = arith.constant 16 : index
      %get3A_440 = tpu.vector_load %arg6[%get3A_438, %get3A_439] {strides = array<i32>} : memref<50x128xf32, #tpu.memory_space<vmem>>, vector<1x16xf32>,
      %get3A_441 = vector.shape_cast %get3A_440 : vector<1x16xf32> to vector<16xf32>
      %get3A_442 = arith.constant 21 : i32
      %get3A_443 = arith.index_cast %get3A_442 : i32 to index
      %get3A_444 = arith.constant 16 : index
      %get3A_445 = tpu.vector_load %arg6[%get3A_443, %get3A_444] {strides = array<i32>} : memref<50x128xf32, #tpu.memory_space<vmem>>, vector<1x16xf32>,
      %get3A_446 = vector.shape_cast %get3A_445 : vector<1x16xf32> to vector<16xf32>
      %get3A_447 = arith.constant 22 : i32
      %get3A_448 = arith.index_cast %get3A_447 : i32 to index
      %get3A_449 = arith.constant 16 : index
      %get3A_450 = tpu.vector_load %arg6[%get3A_448, %get3A_449] {strides = array<i32>} : memref<50x128xf32, #tpu.memory_space<vmem>>, vector<1x16xf32>,
      %get3A_451 = vector.shape_cast %get3A_450 : vector<1x16xf32> to vector<16xf32>
      %get3A_452 = arith.constant 23 : i32
      %get3A_453 = arith.index_cast %get3A_452 : i32 to index
      %get3A_454 = arith.constant 16 : index
      %get3A_455 = tpu.vector_load %arg6[%get3A_453, %get3A_454] {strides = array<i32>} : memref<50x128xf32, #tpu.memory_space<vmem>>, vector<1x16xf32>,
      %get3A_456 = vector.shape_cast %get3A_455 : vector<1x16xf32> to vector<16xf32>
      %get3A_457 = arith.constant 24 : i32
      %get3A_458 = arith.index_cast %get3A_457 : i32 to index
      %get3A_459 = arith.constant 16 : index
      %get3A_460 = tpu.vector_load %arg6[%get3A_458, %get3A_459] {strides = array<i32>} : memref<50x128xf32, #tpu.memory_space<vmem>>, vector<1x16xf32>,
      %get3A_461 = vector.shape_cast %get3A_460 : vector<1x16xf32> to vector<16xf32>
      %get3A_462 = arith.constant 25 : i32
      %get3A_463 = arith.index_cast %get3A_462 : i32 to index
      %get3A_464 = arith.constant 16 : index
      %get3A_465 = tpu.vector_load %arg6[%get3A_463, %get3A_464] {strides = array<i32>} : memref<50x128xf32, #tpu.memory_space<vmem>>, vector<1x16xf32>,
      %get3A_466 = vector.shape_cast %get3A_465 : vector<1x16xf32> to vector<16xf32>
      %get3A_467 = arith.constant 26 : i32
      %get3A_468 = arith.index_cast %get3A_467 : i32 to index
      %get3A_469 = arith.constant 16 : index
      %get3A_470 = tpu.vector_load %arg6[%get3A_468, %get3A_469] {strides = array<i32>} : memref<50x128xf32, #tpu.memory_space<vmem>>, vector<1x16xf32>,
      %get3A_471 = vector.shape_cast %get3A_470 : vector<1x16xf32> to vector<16xf32>
      %get3A_472 = arith.constant 27 : i32
      %get3A_473 = arith.index_cast %get3A_472 : i32 to index
      %get3A_474 = arith.constant 16 : index
      %get3A_475 = tpu.vector_load %arg6[%get3A_473, %get3A_474] {strides = array<i32>} : memref<50x128xf32, #tpu.memory_space<vmem>>, vector<1x16xf32>,
      %get3A_476 = vector.shape_cast %get3A_475 : vector<1x16xf32> to vector<16xf32>
      %get3A_477 = arith.constant 28 : i32
      %get3A_478 = arith.index_cast %get3A_477 : i32 to index
      %get3A_479 = arith.constant 16 : index
      %get3A_480 = tpu.vector_load %arg6[%get3A_478, %get3A_479] {strides = array<i32>} : memref<50x128xf32, #tpu.memory_space<vmem>>, vector<1x16xf32>,
      %get3A_481 = vector.shape_cast %get3A_480 : vector<1x16xf32> to vector<16xf32>
      %get3A_482 = arith.constant 29 : i32
      %get3A_483 = arith.index_cast %get3A_482 : i32 to index
      %get3A_484 = arith.constant 16 : index
      %get3A_485 = tpu.vector_load %arg6[%get3A_483, %get3A_484] {strides = array<i32>} : memref<50x128xf32, #tpu.memory_space<vmem>>, vector<1x16xf32>,
      %get3A_486 = vector.shape_cast %get3A_485 : vector<1x16xf32> to vector<16xf32>
      %get3A_487 = arith.constant 30 : i32
      %get3A_488 = arith.index_cast %get3A_487 : i32 to index
      %get3A_489 = arith.constant 16 : index
      %get3A_490 = tpu.vector_load %arg6[%get3A_488, %get3A_489] {strides = array<i32>} : memref<50x128xf32, #tpu.memory_space<vmem>>, vector<1x16xf32>,
      %get3A_491 = vector.shape_cast %get3A_490 : vector<1x16xf32> to vector<16xf32>
      %get3A_492 = arith.constant 31 : i32
      %get3A_493 = arith.index_cast %get3A_492 : i32 to index
      %get3A_494 = arith.constant 16 : index
      %get3A_495 = tpu.vector_load %arg6[%get3A_493, %get3A_494] {strides = array<i32>} : memref<50x128xf32, #tpu.memory_space<vmem>>, vector<1x16xf32>,
      %get3A_496 = vector.shape_cast %get3A_495 : vector<1x16xf32> to vector<16xf32>
      %get3A_497 = arith.constant 32 : i32
      %get3A_498 = arith.index_cast %get3A_497 : i32 to index
      %get3A_499 = arith.constant 16 : index
      %get3A_500 = tpu.vector_load %arg6[%get3A_498, %get3A_499] {strides = array<i32>} : memref<50x128xf32, #tpu.memory_space<vmem>>, vector<1x16xf32>,
      %get3A_501 = vector.shape_cast %get3A_500 : vector<1x16xf32> to vector<16xf32>
      %get3A_502 = arith.constant 33 : i32
      %get3A_503 = arith.index_cast %get3A_502 : i32 to index
      %get3A_504 = arith.constant 16 : index
      %get3A_505 = tpu.vector_load %arg6[%get3A_503, %get3A_504] {strides = array<i32>} : memref<50x128xf32, #tpu.memory_space<vmem>>, vector<1x16xf32>,
      %get3A_506 = vector.shape_cast %get3A_505 : vector<1x16xf32> to vector<16xf32>
      %get3A_507 = arith.constant 34 : i32
      %get3A_508 = arith.index_cast %get3A_507 : i32 to index
      %get3A_509 = arith.constant 16 : index
      %get3A_510 = tpu.vector_load %arg6[%get3A_508, %get3A_509] {strides = array<i32>} : memref<50x128xf32, #tpu.memory_space<vmem>>, vector<1x16xf32>,
      %get3A_511 = vector.shape_cast %get3A_510 : vector<1x16xf32> to vector<16xf32>
      %get3A_512 = arith.constant 35 : i32
      %get3A_513 = arith.index_cast %get3A_512 : i32 to index
      %get3A_514 = arith.constant 16 : index
      %get3A_515 = tpu.vector_load %arg6[%get3A_513, %get3A_514] {strides = array<i32>} : memref<50x128xf32, #tpu.memory_space<vmem>>, vector<1x16xf32>,
      %get3A_516 = vector.shape_cast %get3A_515 : vector<1x16xf32> to vector<16xf32>
      %get3A_517 = arith.constant 36 : i32
      %get3A_518 = arith.index_cast %get3A_517 : i32 to index
      %get3A_519 = arith.constant 16 : index
      %get3A_520 = tpu.vector_load %arg6[%get3A_518, %get3A_519] {strides = array<i32>} : memref<50x128xf32, #tpu.memory_space<vmem>>, vector<1x16xf32>,
      %get3A_521 = vector.shape_cast %get3A_520 : vector<1x16xf32> to vector<16xf32>
      %get3A_522 = arith.constant 37 : i32
      %get3A_523 = arith.index_cast %get3A_522 : i32 to index
      %get3A_524 = arith.constant 16 : index
      %get3A_525 = tpu.vector_load %arg6[%get3A_523, %get3A_524] {strides = array<i32>} : memref<50x128xf32, #tpu.memory_space<vmem>>, vector<1x16xf32>,
      %get3A_526 = vector.shape_cast %get3A_525 : vector<1x16xf32> to vector<16xf32>
      %get3A_527 = arith.constant 38 : i32
      %get3A_528 = arith.index_cast %get3A_527 : i32 to index
      %get3A_529 = arith.constant 16 : index
      %get3A_530 = tpu.vector_load %arg6[%get3A_528, %get3A_529] {strides = array<i32>} : memref<50x128xf32, #tpu.memory_space<vmem>>, vector<1x16xf32>,
      %get3A_531 = vector.shape_cast %get3A_530 : vector<1x16xf32> to vector<16xf32>
      %get3A_532 = arith.constant 39 : i32
      %get3A_533 = arith.index_cast %get3A_532 : i32 to index
      %get3A_534 = arith.constant 16 : index
      %get3A_535 = tpu.vector_load %arg6[%get3A_533, %get3A_534] {strides = array<i32>} : memref<50x128xf32, #tpu.memory_space<vmem>>, vector<1x16xf32>,
      %get3A_536 = vector.shape_cast %get3A_535 : vector<1x16xf32> to vector<16xf32>
      %get3A_537 = arith.constant 40 : i32
      %get3A_538 = arith.index_cast %get3A_537 : i32 to index
      %get3A_539 = arith.constant 16 : index
      %get3A_540 = tpu.vector_load %arg6[%get3A_538, %get3A_539] {strides = array<i32>} : memref<50x128xf32, #tpu.memory_space<vmem>>, vector<1x16xf32>,
      %get3A_541 = vector.shape_cast %get3A_540 : vector<1x16xf32> to vector<16xf32>
      %get3A_542 = arith.constant 41 : i32
      %get3A_543 = arith.index_cast %get3A_542 : i32 to index
      %get3A_544 = arith.constant 16 : index
      %get3A_545 = tpu.vector_load %arg6[%get3A_543, %get3A_544] {strides = array<i32>} : memref<50x128xf32, #tpu.memory_space<vmem>>, vector<1x16xf32>,
      %get3A_546 = vector.shape_cast %get3A_545 : vector<1x16xf32> to vector<16xf32>
      %get3A_547 = arith.constant 42 : i32
      %get3A_548 = arith.index_cast %get3A_547 : i32 to index
      %get3A_549 = arith.constant 16 : index
      %get3A_550 = tpu.vector_load %arg6[%get3A_548, %get3A_549] {strides = array<i32>} : memref<50x128xf32, #tpu.memory_space<vmem>>, vector<1x16xf32>,
      %get3A_551 = vector.shape_cast %get3A_550 : vector<1x16xf32> to vector<16xf32>
      %get3A_552 = arith.constant 43 : i32
      %get3A_553 = arith.index_cast %get3A_552 : i32 to index
      %get3A_554 = arith.constant 16 : index
      %get3A_555 = tpu.vector_load %arg6[%get3A_553, %get3A_554] {strides = array<i32>} : memref<50x128xf32, #tpu.memory_space<vmem>>, vector<1x16xf32>,
      %get3A_556 = vector.shape_cast %get3A_555 : vector<1x16xf32> to vector<16xf32>
      %get3A_557 = arith.constant 44 : i32
      %get3A_558 = arith.index_cast %get3A_557 : i32 to index
      %get3A_559 = arith.constant 16 : index
      %get3A_560 = tpu.vector_load %arg6[%get3A_558, %get3A_559] {strides = array<i32>} : memref<50x128xf32, #tpu.memory_space<vmem>>, vector<1x16xf32>,
      %get3A_561 = vector.shape_cast %get3A_560 : vector<1x16xf32> to vector<16xf32>
      %get3A_562 = arith.constant 45 : i32
      %get3A_563 = arith.index_cast %get3A_562 : i32 to index
      %get3A_564 = arith.constant 16 : index
      %get3A_565 = tpu.vector_load %arg6[%get3A_563, %get3A_564] {strides = array<i32>} : memref<50x128xf32, #tpu.memory_space<vmem>>, vector<1x16xf32>,
      %get3A_566 = vector.shape_cast %get3A_565 : vector<1x16xf32> to vector<16xf32>
      %get3A_567 = arith.constant 46 : i32
      %get3A_568 = arith.index_cast %get3A_567 : i32 to index
      %get3A_569 = arith.constant 16 : index
      %get3A_570 = tpu.vector_load %arg6[%get3A_568, %get3A_569] {strides = array<i32>} : memref<50x128xf32, #tpu.memory_space<vmem>>, vector<1x16xf32>,
      %get3A_571 = vector.shape_cast %get3A_570 : vector<1x16xf32> to vector<16xf32>
      %get3A_572 = arith.constant 47 : i32
      %get3A_573 = arith.index_cast %get3A_572 : i32 to index
      %get3A_574 = arith.constant 16 : index
      %get3A_575 = tpu.vector_load %arg6[%get3A_573, %get3A_574] {strides = array<i32>} : memref<50x128xf32, #tpu.memory_space<vmem>>, vector<1x16xf32>,
      %get3A_576 = vector.shape_cast %get3A_575 : vector<1x16xf32> to vector<16xf32>
      %get3A_577 = arith.constant 48 : i32
      %get3A_578 = arith.index_cast %get3A_577 : i32 to index
      %get3A_579 = arith.constant 16 : index
      %get3A_580 = tpu.vector_load %arg6[%get3A_578, %get3A_579] {strides = array<i32>} : memref<50x128xf32, #tpu.memory_space<vmem>>, vector<1x16xf32>,
      %get3A_581 = vector.shape_cast %get3A_580 : vector<1x16xf32> to vector<16xf32>
      %get3A_582 = arith.constant 49 : i32
      %get3A_583 = arith.index_cast %get3A_582 : i32 to index
      %get3A_584 = arith.constant 16 : index
      %get3A_585 = tpu.vector_load %arg6[%get3A_583, %get3A_584] {strides = array<i32>} : memref<50x128xf32, #tpu.memory_space<vmem>>, vector<1x16xf32>,
      %get3A_586 = vector.shape_cast %get3A_585 : vector<1x16xf32> to vector<16xf32>
      %add3A_587 = arith.addf %get3A_341, %get3A_346 : vector<16xf32>
      %add3A_588 = arith.addf %get3A_351, %get3A_356 : vector<16xf32>
      %add3A_589 = arith.addf %get3A_361, %get3A_366 : vector<16xf32>
      %add3A_590 = arith.addf %get3A_371, %get3A_376 : vector<16xf32>
      %add3A_591 = arith.addf %get3A_381, %get3A_386 : vector<16xf32>
      %add3A_592 = arith.addf %get3A_391, %get3A_396 : vector<16xf32>
      %add3A_593 = arith.addf %get3A_401, %get3A_406 : vector<16xf32>
      %add3A_594 = arith.addf %get3A_411, %get3A_416 : vector<16xf32>
      %add3A_595 = arith.addf %get3A_421, %get3A_426 : vector<16xf32>
      %add3A_596 = arith.addf %get3A_431, %get3A_436 : vector<16xf32>
      %add3A_597 = arith.addf %get3A_441, %get3A_446 : vector<16xf32>
      %add3A_598 = arith.addf %get3A_451, %get3A_456 : vector<16xf32>
      %add3A_599 = arith.addf %get3A_461, %get3A_466 : vector<16xf32>
      %add3A_600 = arith.addf %get3A_471, %get3A_476 : vector<16xf32>
      %add3A_601 = arith.addf %get3A_481, %get3A_486 : vector<16xf32>
      %add3A_602 = arith.addf %get3A_491, %get3A_496 : vector<16xf32>
      %add3A_603 = arith.addf %get3A_501, %get3A_506 : vector<16xf32>
      %add3A_604 = arith.addf %get3A_511, %get3A_516 : vector<16xf32>
      %add3A_605 = arith.addf %get3A_521, %get3A_526 : vector<16xf32>
      %add3A_606 = arith.addf %get3A_531, %get3A_536 : vector<16xf32>
      %add3A_607 = arith.addf %get3A_541, %get3A_546 : vector<16xf32>
      %add3A_608 = arith.addf %get3A_551, %get3A_556 : vector<16xf32>
      %add3A_609 = arith.addf %get3A_561, %get3A_566 : vector<16xf32>
      %add3A_610 = arith.addf %get3A_571, %get3A_576 : vector<16xf32>
      %add3A_611 = arith.addf %get3A_581, %get3A_586 : vector<16xf32>
      %add3A_612 = arith.addf %add3A_587, %add3A_588 : vector<16xf32>
      %add3A_613 = arith.addf %add3A_589, %add3A_590 : vector<16xf32>
      %add3A_614 = arith.addf %add3A_591, %add3A_592 : vector<16xf32>
      %add3A_615 = arith.addf %add3A_593, %add3A_594 : vector<16xf32>
      %add3A_616 = arith.addf %add3A_595, %add3A_596 : vector<16xf32>
      %add3A_617 = arith.addf %add3A_597, %add3A_598 : vector<16xf32>
      %add3A_618 = arith.addf %add3A_599, %add3A_600 : vector<16xf32>
      %add3A_619 = arith.addf %add3A_601, %add3A_602 : vector<16xf32>
      %add3A_620 = arith.addf %add3A_603, %add3A_604 : vector<16xf32>
      %add3A_621 = arith.addf %add3A_605, %add3A_606 : vector<16xf32>
      %add3A_622 = arith.addf %add3A_607, %add3A_608 : vector<16xf32>
      %add3A_623 = arith.addf %add3A_609, %add3A_610 : vector<16xf32>
      %add3A_624 = arith.addf %add3A_612, %add3A_613 : vector<16xf32>
      %add3A_625 = arith.addf %add3A_614, %add3A_615 : vector<16xf32>
      %add3A_626 = arith.addf %add3A_616, %add3A_617 : vector<16xf32>
      %add3A_627 = arith.addf %add3A_618, %add3A_619 : vector<16xf32>
      %add3A_628 = arith.addf %add3A_620, %add3A_621 : vector<16xf32>
      %add3A_629 = arith.addf %add3A_622, %add3A_623 : vector<16xf32>
      %add3A_630 = arith.addf %add3A_624, %add3A_625 : vector<16xf32>
      %add3A_631 = arith.addf %add3A_626, %add3A_627 : vector<16xf32>
      %add3A_632 = arith.addf %add3A_628, %add3A_629 : vector<16xf32>
      %add3A_633 = arith.addf %add3A_630, %add3A_631 : vector<16xf32>
      %add3A_634 = arith.addf %add3A_632, %add3A_611 : vector<16xf32>
      %add3A_635 = arith.addf %add3A_633, %add3A_634 : vector<16xf32>
      %mul3A_636 = arith.constant 2.000000e-02 : f32
      %mul3A_637 = vector.broadcast %mul3A_636 : f32 to vector<16xf32>
      %mul3A_638 = arith.mulf %add3A_635, %mul3A_637 : vector<16xf32>
      %swap3A_639 = arith.index_cast %mul3A_18 : i32 to index
      %swap3A_640 = arith.constant 16 : index
      %swap3A_641 = tpu.vector_load %arg8[%swap3A_639, %swap3A_640] {strides = array<i32>} : memref<32x128xf32, #tpu.memory_space<vmem>>, vector<1x16xf32>,
      %swap3A_642 = vector.shape_cast %swap3A_641 : vector<1x16xf32> to vector<16xf32>
      %swap3A_643 = vector.shape_cast %mul3A_638 : vector<16xf32> to vector<1x16xf32>
      tpu.vector_store %arg8[%swap3A_639, %swap3A_640], %swap3A_643 {strides = array<i32>} : memref<32x128xf32, #tpu.memory_space<vmem>>, vector<1x16xf32>,
      %get3A_644 = arith.constant 0 : i32
      %get3A_645 = arith.index_cast %get3A_644 : i32 to index
      %get3A_646 = arith.constant 32 : index
      %get3A_647 = tpu.vector_load %arg6[%get3A_645, %get3A_646] {strides = array<i32>} : memref<50x128xf32, #tpu.memory_space<vmem>>, vector<1x16xf32>,
      %get3A_648 = vector.shape_cast %get3A_647 : vector<1x16xf32> to vector<16xf32>
      %get3A_649 = arith.constant 1 : i32
      %get3A_650 = arith.index_cast %get3A_649 : i32 to index
      %get3A_651 = arith.constant 32 : index
      %get3A_652 = tpu.vector_load %arg6[%get3A_650, %get3A_651] {strides = array<i32>} : memref<50x128xf32, #tpu.memory_space<vmem>>, vector<1x16xf32>,
      %get3A_653 = vector.shape_cast %get3A_652 : vector<1x16xf32> to vector<16xf32>
      %get3A_654 = arith.constant 2 : i32
      %get3A_655 = arith.index_cast %get3A_654 : i32 to index
      %get3A_656 = arith.constant 32 : index
      %get3A_657 = tpu.vector_load %arg6[%get3A_655, %get3A_656] {strides = array<i32>} : memref<50x128xf32, #tpu.memory_space<vmem>>, vector<1x16xf32>,
      %get3A_658 = vector.shape_cast %get3A_657 : vector<1x16xf32> to vector<16xf32>
      %get3A_659 = arith.constant 3 : i32
      %get3A_660 = arith.index_cast %get3A_659 : i32 to index
      %get3A_661 = arith.constant 32 : index
      %get3A_662 = tpu.vector_load %arg6[%get3A_660, %get3A_661] {strides = array<i32>} : memref<50x128xf32, #tpu.memory_space<vmem>>, vector<1x16xf32>,
      %get3A_663 = vector.shape_cast %get3A_662 : vector<1x16xf32> to vector<16xf32>
      %get3A_664 = arith.constant 4 : i32
      %get3A_665 = arith.index_cast %get3A_664 : i32 to index
      %get3A_666 = arith.constant 32 : index
      %get3A_667 = tpu.vector_load %arg6[%get3A_665, %get3A_666] {strides = array<i32>} : memref<50x128xf32, #tpu.memory_space<vmem>>, vector<1x16xf32>,
      %get3A_668 = vector.shape_cast %get3A_667 : vector<1x16xf32> to vector<16xf32>
      %get3A_669 = arith.constant 5 : i32
      %get3A_670 = arith.index_cast %get3A_669 : i32 to index
      %get3A_671 = arith.constant 32 : index
      %get3A_672 = tpu.vector_load %arg6[%get3A_670, %get3A_671] {strides = array<i32>} : memref<50x128xf32, #tpu.memory_space<vmem>>, vector<1x16xf32>,
      %get3A_673 = vector.shape_cast %get3A_672 : vector<1x16xf32> to vector<16xf32>
      %get3A_674 = arith.constant 6 : i32
      %get3A_675 = arith.index_cast %get3A_674 : i32 to index
      %get3A_676 = arith.constant 32 : index
      %get3A_677 = tpu.vector_load %arg6[%get3A_675, %get3A_676] {strides = array<i32>} : memref<50x128xf32, #tpu.memory_space<vmem>>, vector<1x16xf32>,
      %get3A_678 = vector.shape_cast %get3A_677 : vector<1x16xf32> to vector<16xf32>
      %get3A_679 = arith.constant 7 : i32
      %get3A_680 = arith.index_cast %get3A_679 : i32 to index
      %get3A_681 = arith.constant 32 : index
      %get3A_682 = tpu.vector_load %arg6[%get3A_680, %get3A_681] {strides = array<i32>} : memref<50x128xf32, #tpu.memory_space<vmem>>, vector<1x16xf32>,
      %get3A_683 = vector.shape_cast %get3A_682 : vector<1x16xf32> to vector<16xf32>
      %get3A_684 = arith.constant 8 : i32
      %get3A_685 = arith.index_cast %get3A_684 : i32 to index
      %get3A_686 = arith.constant 32 : index
      %get3A_687 = tpu.vector_load %arg6[%get3A_685, %get3A_686] {strides = array<i32>} : memref<50x128xf32, #tpu.memory_space<vmem>>, vector<1x16xf32>,
      %get3A_688 = vector.shape_cast %get3A_687 : vector<1x16xf32> to vector<16xf32>
      %get3A_689 = arith.constant 9 : i32
      %get3A_690 = arith.index_cast %get3A_689 : i32 to index
      %get3A_691 = arith.constant 32 : index
      %get3A_692 = tpu.vector_load %arg6[%get3A_690, %get3A_691] {strides = array<i32>} : memref<50x128xf32, #tpu.memory_space<vmem>>, vector<1x16xf32>,
      %get3A_693 = vector.shape_cast %get3A_692 : vector<1x16xf32> to vector<16xf32>
      %get3A_694 = arith.constant 10 : i32
      %get3A_695 = arith.index_cast %get3A_694 : i32 to index
      %get3A_696 = arith.constant 32 : index
      %get3A_697 = tpu.vector_load %arg6[%get3A_695, %get3A_696] {strides = array<i32>} : memref<50x128xf32, #tpu.memory_space<vmem>>, vector<1x16xf32>,
      %get3A_698 = vector.shape_cast %get3A_697 : vector<1x16xf32> to vector<16xf32>
      %get3A_699 = arith.constant 11 : i32
      %get3A_700 = arith.index_cast %get3A_699 : i32 to index
      %get3A_701 = arith.constant 32 : index
      %get3A_702 = tpu.vector_load %arg6[%get3A_700, %get3A_701] {strides = array<i32>} : memref<50x128xf32, #tpu.memory_space<vmem>>, vector<1x16xf32>,
      %get3A_703 = vector.shape_cast %get3A_702 : vector<1x16xf32> to vector<16xf32>
      %get3A_704 = arith.constant 12 : i32
      %get3A_705 = arith.index_cast %get3A_704 : i32 to index
      %get3A_706 = arith.constant 32 : index
      %get3A_707 = tpu.vector_load %arg6[%get3A_705, %get3A_706] {strides = array<i32>} : memref<50x128xf32, #tpu.memory_space<vmem>>, vector<1x16xf32>,
      %get3A_708 = vector.shape_cast %get3A_707 : vector<1x16xf32> to vector<16xf32>
      %get3A_709 = arith.constant 13 : i32
      %get3A_710 = arith.index_cast %get3A_709 : i32 to index
      %get3A_711 = arith.constant 32 : index
      %get3A_712 = tpu.vector_load %arg6[%get3A_710, %get3A_711] {strides = array<i32>} : memref<50x128xf32, #tpu.memory_space<vmem>>, vector<1x16xf32>,
      %get3A_713 = vector.shape_cast %get3A_712 : vector<1x16xf32> to vector<16xf32>
      %get3A_714 = arith.constant 14 : i32
      %get3A_715 = arith.index_cast %get3A_714 : i32 to index
      %get3A_716 = arith.constant 32 : index
      %get3A_717 = tpu.vector_load %arg6[%get3A_715, %get3A_716] {strides = array<i32>} : memref<50x128xf32, #tpu.memory_space<vmem>>, vector<1x16xf32>,
      %get3A_718 = vector.shape_cast %get3A_717 : vector<1x16xf32> to vector<16xf32>
      %get3A_719 = arith.constant 15 : i32
      %get3A_720 = arith.index_cast %get3A_719 : i32 to index
      %get3A_721 = arith.constant 32 : index
      %get3A_722 = tpu.vector_load %arg6[%get3A_720, %get3A_721] {strides = array<i32>} : memref<50x128xf32, #tpu.memory_space<vmem>>, vector<1x16xf32>,
      %get3A_723 = vector.shape_cast %get3A_722 : vector<1x16xf32> to vector<16xf32>
      %get3A_724 = arith.constant 16 : i32
      %get3A_725 = arith.index_cast %get3A_724 : i32 to index
      %get3A_726 = arith.constant 32 : index
      %get3A_727 = tpu.vector_load %arg6[%get3A_725, %get3A_726] {strides = array<i32>} : memref<50x128xf32, #tpu.memory_space<vmem>>, vector<1x16xf32>,
      %get3A_728 = vector.shape_cast %get3A_727 : vector<1x16xf32> to vector<16xf32>
      %get3A_729 = arith.constant 17 : i32
      %get3A_730 = arith.index_cast %get3A_729 : i32 to index
      %get3A_731 = arith.constant 32 : index
      %get3A_732 = tpu.vector_load %arg6[%get3A_730, %get3A_731] {strides = array<i32>} : memref<50x128xf32, #tpu.memory_space<vmem>>, vector<1x16xf32>,
      %get3A_733 = vector.shape_cast %get3A_732 : vector<1x16xf32> to vector<16xf32>
      %get3A_734 = arith.constant 18 : i32
      %get3A_735 = arith.index_cast %get3A_734 : i32 to index
      %get3A_736 = arith.constant 32 : index
      %get3A_737 = tpu.vector_load %arg6[%get3A_735, %get3A_736] {strides = array<i32>} : memref<50x128xf32, #tpu.memory_space<vmem>>, vector<1x16xf32>,
      %get3A_738 = vector.shape_cast %get3A_737 : vector<1x16xf32> to vector<16xf32>
      %get3A_739 = arith.constant 19 : i32
      %get3A_740 = arith.index_cast %get3A_739 : i32 to index
      %get3A_741 = arith.constant 32 : index
      %get3A_742 = tpu.vector_load %arg6[%get3A_740, %get3A_741] {strides = array<i32>} : memref<50x128xf32, #tpu.memory_space<vmem>>, vector<1x16xf32>,
      %get3A_743 = vector.shape_cast %get3A_742 : vector<1x16xf32> to vector<16xf32>
      %get3A_744 = arith.constant 20 : i32
      %get3A_745 = arith.index_cast %get3A_744 : i32 to index
      %get3A_746 = arith.constant 32 : index
      %get3A_747 = tpu.vector_load %arg6[%get3A_745, %get3A_746] {strides = array<i32>} : memref<50x128xf32, #tpu.memory_space<vmem>>, vector<1x16xf32>,
      %get3A_748 = vector.shape_cast %get3A_747 : vector<1x16xf32> to vector<16xf32>
      %get3A_749 = arith.constant 21 : i32
      %get3A_750 = arith.index_cast %get3A_749 : i32 to index
      %get3A_751 = arith.constant 32 : index
      %get3A_752 = tpu.vector_load %arg6[%get3A_750, %get3A_751] {strides = array<i32>} : memref<50x128xf32, #tpu.memory_space<vmem>>, vector<1x16xf32>,
      %get3A_753 = vector.shape_cast %get3A_752 : vector<1x16xf32> to vector<16xf32>
      %get3A_754 = arith.constant 22 : i32
      %get3A_755 = arith.index_cast %get3A_754 : i32 to index
      %get3A_756 = arith.constant 32 : index
      %get3A_757 = tpu.vector_load %arg6[%get3A_755, %get3A_756] {strides = array<i32>} : memref<50x128xf32, #tpu.memory_space<vmem>>, vector<1x16xf32>,
      %get3A_758 = vector.shape_cast %get3A_757 : vector<1x16xf32> to vector<16xf32>
      %get3A_759 = arith.constant 23 : i32
      %get3A_760 = arith.index_cast %get3A_759 : i32 to index
      %get3A_761 = arith.constant 32 : index
      %get3A_762 = tpu.vector_load %arg6[%get3A_760, %get3A_761] {strides = array<i32>} : memref<50x128xf32, #tpu.memory_space<vmem>>, vector<1x16xf32>,
      %get3A_763 = vector.shape_cast %get3A_762 : vector<1x16xf32> to vector<16xf32>
      %get3A_764 = arith.constant 24 : i32
      %get3A_765 = arith.index_cast %get3A_764 : i32 to index
      %get3A_766 = arith.constant 32 : index
      %get3A_767 = tpu.vector_load %arg6[%get3A_765, %get3A_766] {strides = array<i32>} : memref<50x128xf32, #tpu.memory_space<vmem>>, vector<1x16xf32>,
      %get3A_768 = vector.shape_cast %get3A_767 : vector<1x16xf32> to vector<16xf32>
      %get3A_769 = arith.constant 25 : i32
      %get3A_770 = arith.index_cast %get3A_769 : i32 to index
      %get3A_771 = arith.constant 32 : index
      %get3A_772 = tpu.vector_load %arg6[%get3A_770, %get3A_771] {strides = array<i32>} : memref<50x128xf32, #tpu.memory_space<vmem>>, vector<1x16xf32>,
      %get3A_773 = vector.shape_cast %get3A_772 : vector<1x16xf32> to vector<16xf32>
      %get3A_774 = arith.constant 26 : i32
      %get3A_775 = arith.index_cast %get3A_774 : i32 to index
      %get3A_776 = arith.constant 32 : index
      %get3A_777 = tpu.vector_load %arg6[%get3A_775, %get3A_776] {strides = array<i32>} : memref<50x128xf32, #tpu.memory_space<vmem>>, vector<1x16xf32>,
      %get3A_778 = vector.shape_cast %get3A_777 : vector<1x16xf32> to vector<16xf32>
      %get3A_779 = arith.constant 27 : i32
      %get3A_780 = arith.index_cast %get3A_779 : i32 to index
      %get3A_781 = arith.constant 32 : index
      %get3A_782 = tpu.vector_load %arg6[%get3A_780, %get3A_781] {strides = array<i32>} : memref<50x128xf32, #tpu.memory_space<vmem>>, vector<1x16xf32>,
      %get3A_783 = vector.shape_cast %get3A_782 : vector<1x16xf32> to vector<16xf32>
      %get3A_784 = arith.constant 28 : i32
      %get3A_785 = arith.index_cast %get3A_784 : i32 to index
      %get3A_786 = arith.constant 32 : index
      %get3A_787 = tpu.vector_load %arg6[%get3A_785, %get3A_786] {strides = array<i32>} : memref<50x128xf32, #tpu.memory_space<vmem>>, vector<1x16xf32>,
      %get3A_788 = vector.shape_cast %get3A_787 : vector<1x16xf32> to vector<16xf32>
      %get3A_789 = arith.constant 29 : i32
      %get3A_790 = arith.index_cast %get3A_789 : i32 to index
      %get3A_791 = arith.constant 32 : index
      %get3A_792 = tpu.vector_load %arg6[%get3A_790, %get3A_791] {strides = array<i32>} : memref<50x128xf32, #tpu.memory_space<vmem>>, vector<1x16xf32>,
      %get3A_793 = vector.shape_cast %get3A_792 : vector<1x16xf32> to vector<16xf32>
      %get3A_794 = arith.constant 30 : i32
      %get3A_795 = arith.index_cast %get3A_794 : i32 to index
      %get3A_796 = arith.constant 32 : index
      %get3A_797 = tpu.vector_load %arg6[%get3A_795, %get3A_796] {strides = array<i32>} : memref<50x128xf32, #tpu.memory_space<vmem>>, vector<1x16xf32>,
      %get3A_798 = vector.shape_cast %get3A_797 : vector<1x16xf32> to vector<16xf32>
      %get3A_799 = arith.constant 31 : i32
      %get3A_800 = arith.index_cast %get3A_799 : i32 to index
      %get3A_801 = arith.constant 32 : index
      %get3A_802 = tpu.vector_load %arg6[%get3A_800, %get3A_801] {strides = array<i32>} : memref<50x128xf32, #tpu.memory_space<vmem>>, vector<1x16xf32>,
      %get3A_803 = vector.shape_cast %get3A_802 : vector<1x16xf32> to vector<16xf32>
      %get3A_804 = arith.constant 32 : i32
      %get3A_805 = arith.index_cast %get3A_804 : i32 to index
      %get3A_806 = arith.constant 32 : index
      %get3A_807 = tpu.vector_load %arg6[%get3A_805, %get3A_806] {strides = array<i32>} : memref<50x128xf32, #tpu.memory_space<vmem>>, vector<1x16xf32>,
      %get3A_808 = vector.shape_cast %get3A_807 : vector<1x16xf32> to vector<16xf32>
      %get3A_809 = arith.constant 33 : i32
      %get3A_810 = arith.index_cast %get3A_809 : i32 to index
      %get3A_811 = arith.constant 32 : index
      %get3A_812 = tpu.vector_load %arg6[%get3A_810, %get3A_811] {strides = array<i32>} : memref<50x128xf32, #tpu.memory_space<vmem>>, vector<1x16xf32>,
      %get3A_813 = vector.shape_cast %get3A_812 : vector<1x16xf32> to vector<16xf32>
      %get3A_814 = arith.constant 34 : i32
      %get3A_815 = arith.index_cast %get3A_814 : i32 to index
      %get3A_816 = arith.constant 32 : index
      %get3A_817 = tpu.vector_load %arg6[%get3A_815, %get3A_816] {strides = array<i32>} : memref<50x128xf32, #tpu.memory_space<vmem>>, vector<1x16xf32>,
      %get3A_818 = vector.shape_cast %get3A_817 : vector<1x16xf32> to vector<16xf32>
      %get3A_819 = arith.constant 35 : i32
      %get3A_820 = arith.index_cast %get3A_819 : i32 to index
      %get3A_821 = arith.constant 32 : index
      %get3A_822 = tpu.vector_load %arg6[%get3A_820, %get3A_821] {strides = array<i32>} : memref<50x128xf32, #tpu.memory_space<vmem>>, vector<1x16xf32>,
      %get3A_823 = vector.shape_cast %get3A_822 : vector<1x16xf32> to vector<16xf32>
      %get3A_824 = arith.constant 36 : i32
      %get3A_825 = arith.index_cast %get3A_824 : i32 to index
      %get3A_826 = arith.constant 32 : index
      %get3A_827 = tpu.vector_load %arg6[%get3A_825, %get3A_826] {strides = array<i32>} : memref<50x128xf32, #tpu.memory_space<vmem>>, vector<1x16xf32>,
      %get3A_828 = vector.shape_cast %get3A_827 : vector<1x16xf32> to vector<16xf32>
      %get3A_829 = arith.constant 37 : i32
      %get3A_830 = arith.index_cast %get3A_829 : i32 to index
      %get3A_831 = arith.constant 32 : index
      %get3A_832 = tpu.vector_load %arg6[%get3A_830, %get3A_831] {strides = array<i32>} : memref<50x128xf32, #tpu.memory_space<vmem>>, vector<1x16xf32>,
      %get3A_833 = vector.shape_cast %get3A_832 : vector<1x16xf32> to vector<16xf32>
      %get3A_834 = arith.constant 38 : i32
      %get3A_835 = arith.index_cast %get3A_834 : i32 to index
      %get3A_836 = arith.constant 32 : index
      %get3A_837 = tpu.vector_load %arg6[%get3A_835, %get3A_836] {strides = array<i32>} : memref<50x128xf32, #tpu.memory_space<vmem>>, vector<1x16xf32>,
      %get3A_838 = vector.shape_cast %get3A_837 : vector<1x16xf32> to vector<16xf32>
      %get3A_839 = arith.constant 39 : i32
      %get3A_840 = arith.index_cast %get3A_839 : i32 to index
      %get3A_841 = arith.constant 32 : index
      %get3A_842 = tpu.vector_load %arg6[%get3A_840, %get3A_841] {strides = array<i32>} : memref<50x128xf32, #tpu.memory_space<vmem>>, vector<1x16xf32>,
      %get3A_843 = vector.shape_cast %get3A_842 : vector<1x16xf32> to vector<16xf32>
      %get3A_844 = arith.constant 40 : i32
      %get3A_845 = arith.index_cast %get3A_844 : i32 to index
      %get3A_846 = arith.constant 32 : index
      %get3A_847 = tpu.vector_load %arg6[%get3A_845, %get3A_846] {strides = array<i32>} : memref<50x128xf32, #tpu.memory_space<vmem>>, vector<1x16xf32>,
      %get3A_848 = vector.shape_cast %get3A_847 : vector<1x16xf32> to vector<16xf32>
      %get3A_849 = arith.constant 41 : i32
      %get3A_850 = arith.index_cast %get3A_849 : i32 to index
      %get3A_851 = arith.constant 32 : index
      %get3A_852 = tpu.vector_load %arg6[%get3A_850, %get3A_851] {strides = array<i32>} : memref<50x128xf32, #tpu.memory_space<vmem>>, vector<1x16xf32>,
      %get3A_853 = vector.shape_cast %get3A_852 : vector<1x16xf32> to vector<16xf32>
      %get3A_854 = arith.constant 42 : i32
      %get3A_855 = arith.index_cast %get3A_854 : i32 to index
      %get3A_856 = arith.constant 32 : index
      %get3A_857 = tpu.vector_load %arg6[%get3A_855, %get3A_856] {strides = array<i32>} : memref<50x128xf32, #tpu.memory_space<vmem>>, vector<1x16xf32>,
      %get3A_858 = vector.shape_cast %get3A_857 : vector<1x16xf32> to vector<16xf32>
      %get3A_859 = arith.constant 43 : i32
      %get3A_860 = arith.index_cast %get3A_859 : i32 to index
      %get3A_861 = arith.constant 32 : index
      %get3A_862 = tpu.vector_load %arg6[%get3A_860, %get3A_861] {strides = array<i32>} : memref<50x128xf32, #tpu.memory_space<vmem>>, vector<1x16xf32>,
      %get3A_863 = vector.shape_cast %get3A_862 : vector<1x16xf32> to vector<16xf32>
      %get3A_864 = arith.constant 44 : i32
      %get3A_865 = arith.index_cast %get3A_864 : i32 to index
      %get3A_866 = arith.constant 32 : index
      %get3A_867 = tpu.vector_load %arg6[%get3A_865, %get3A_866] {strides = array<i32>} : memref<50x128xf32, #tpu.memory_space<vmem>>, vector<1x16xf32>,
      %get3A_868 = vector.shape_cast %get3A_867 : vector<1x16xf32> to vector<16xf32>
      %get3A_869 = arith.constant 45 : i32
      %get3A_870 = arith.index_cast %get3A_869 : i32 to index
      %get3A_871 = arith.constant 32 : index
      %get3A_872 = tpu.vector_load %arg6[%get3A_870, %get3A_871] {strides = array<i32>} : memref<50x128xf32, #tpu.memory_space<vmem>>, vector<1x16xf32>,
      %get3A_873 = vector.shape_cast %get3A_872 : vector<1x16xf32> to vector<16xf32>
      %get3A_874 = arith.constant 46 : i32
      %get3A_875 = arith.index_cast %get3A_874 : i32 to index
      %get3A_876 = arith.constant 32 : index
      %get3A_877 = tpu.vector_load %arg6[%get3A_875, %get3A_876] {strides = array<i32>} : memref<50x128xf32, #tpu.memory_space<vmem>>, vector<1x16xf32>,
      %get3A_878 = vector.shape_cast %get3A_877 : vector<1x16xf32> to vector<16xf32>
      %get3A_879 = arith.constant 47 : i32
      %get3A_880 = arith.index_cast %get3A_879 : i32 to index
      %get3A_881 = arith.constant 32 : index
      %get3A_882 = tpu.vector_load %arg6[%get3A_880, %get3A_881] {strides = array<i32>} : memref<50x128xf32, #tpu.memory_space<vmem>>, vector<1x16xf32>,
      %get3A_883 = vector.shape_cast %get3A_882 : vector<1x16xf32> to vector<16xf32>
      %get3A_884 = arith.constant 48 : i32
      %get3A_885 = arith.index_cast %get3A_884 : i32 to index
      %get3A_886 = arith.constant 32 : index
      %get3A_887 = tpu.vector_load %arg6[%get3A_885, %get3A_886] {strides = array<i32>} : memref<50x128xf32, #tpu.memory_space<vmem>>, vector<1x16xf32>,
      %get3A_888 = vector.shape_cast %get3A_887 : vector<1x16xf32> to vector<16xf32>
      %get3A_889 = arith.constant 49 : i32
      %get3A_890 = arith.index_cast %get3A_889 : i32 to index
      %get3A_891 = arith.constant 32 : index
      %get3A_892 = tpu.vector_load %arg6[%get3A_890, %get3A_891] {strides = array<i32>} : memref<50x128xf32, #tpu.memory_space<vmem>>, vector<1x16xf32>,
      %get3A_893 = vector.shape_cast %get3A_892 : vector<1x16xf32> to vector<16xf32>
      %add3A_894 = arith.addf %get3A_648, %get3A_653 : vector<16xf32>
      %add3A_895 = arith.addf %get3A_658, %get3A_663 : vector<16xf32>
      %add3A_896 = arith.addf %get3A_668, %get3A_673 : vector<16xf32>
      %add3A_897 = arith.addf %get3A_678, %get3A_683 : vector<16xf32>
      %add3A_898 = arith.addf %get3A_688, %get3A_693 : vector<16xf32>
      %add3A_899 = arith.addf %get3A_698, %get3A_703 : vector<16xf32>
      %add3A_900 = arith.addf %get3A_708, %get3A_713 : vector<16xf32>
      %add3A_901 = arith.addf %get3A_718, %get3A_723 : vector<16xf32>
      %add3A_902 = arith.addf %get3A_728, %get3A_733 : vector<16xf32>
      %add3A_903 = arith.addf %get3A_738, %get3A_743 : vector<16xf32>
      %add3A_904 = arith.addf %get3A_748, %get3A_753 : vector<16xf32>
      %add3A_905 = arith.addf %get3A_758, %get3A_763 : vector<16xf32>
      %add3A_906 = arith.addf %get3A_768, %get3A_773 : vector<16xf32>
      %add3A_907 = arith.addf %get3A_778, %get3A_783 : vector<16xf32>
      %add3A_908 = arith.addf %get3A_788, %get3A_793 : vector<16xf32>
      %add3A_909 = arith.addf %get3A_798, %get3A_803 : vector<16xf32>
      %add3A_910 = arith.addf %get3A_808, %get3A_813 : vector<16xf32>
      %add3A_911 = arith.addf %get3A_818, %get3A_823 : vector<16xf32>
      %add3A_912 = arith.addf %get3A_828, %get3A_833 : vector<16xf32>
      %add3A_913 = arith.addf %get3A_838, %get3A_843 : vector<16xf32>
      %add3A_914 = arith.addf %get3A_848, %get3A_853 : vector<16xf32>
      %add3A_915 = arith.addf %get3A_858, %get3A_863 : vector<16xf32>
      %add3A_916 = arith.addf %get3A_868, %get3A_873 : vector<16xf32>
      %add3A_917 = arith.addf %get3A_878, %get3A_883 : vector<16xf32>
      %add3A_918 = arith.addf %get3A_888, %get3A_893 : vector<16xf32>
      %add3A_919 = arith.addf %add3A_894, %add3A_895 : vector<16xf32>
      %add3A_920 = arith.addf %add3A_896, %add3A_897 : vector<16xf32>
      %add3A_921 = arith.addf %add3A_898, %add3A_899 : vector<16xf32>
      %add3A_922 = arith.addf %add3A_900, %add3A_901 : vector<16xf32>
      %add3A_923 = arith.addf %add3A_902, %add3A_903 : vector<16xf32>
      %add3A_924 = arith.addf %add3A_904, %add3A_905 : vector<16xf32>
      %add3A_925 = arith.addf %add3A_906, %add3A_907 : vector<16xf32>
      %add3A_926 = arith.addf %add3A_908, %add3A_909 : vector<16xf32>
      %add3A_927 = arith.addf %add3A_910, %add3A_911 : vector<16xf32>
      %add3A_928 = arith.addf %add3A_912, %add3A_913 : vector<16xf32>
      %add3A_929 = arith.addf %add3A_914, %add3A_915 : vector<16xf32>
      %add3A_930 = arith.addf %add3A_916, %add3A_917 : vector<16xf32>
      %add3A_931 = arith.addf %add3A_919, %add3A_920 : vector<16xf32>
      %add3A_932 = arith.addf %add3A_921, %add3A_922 : vector<16xf32>
      %add3A_933 = arith.addf %add3A_923, %add3A_924 : vector<16xf32>
      %add3A_934 = arith.addf %add3A_925, %add3A_926 : vector<16xf32>
      %add3A_935 = arith.addf %add3A_927, %add3A_928 : vector<16xf32>
      %add3A_936 = arith.addf %add3A_929, %add3A_930 : vector<16xf32>
      %add3A_937 = arith.addf %add3A_931, %add3A_932 : vector<16xf32>
      %add3A_938 = arith.addf %add3A_933, %add3A_934 : vector<16xf32>
      %add3A_939 = arith.addf %add3A_935, %add3A_936 : vector<16xf32>
      %add3A_940 = arith.addf %add3A_937, %add3A_938 : vector<16xf32>
      %add3A_941 = arith.addf %add3A_939, %add3A_918 : vector<16xf32>
      %add3A_942 = arith.addf %add3A_940, %add3A_941 : vector<16xf32>
      %mul3A_943 = arith.constant 2.000000e-02 : f32
      %mul3A_944 = vector.broadcast %mul3A_943 : f32 to vector<16xf32>
      %mul3A_945 = arith.mulf %add3A_942, %mul3A_944 : vector<16xf32>
      %swap3A_946 = arith.index_cast %mul3A_18 : i32 to index
      %swap3A_947 = arith.constant 32 : index
      %swap3A_948 = tpu.vector_load %arg8[%swap3A_946, %swap3A_947] {strides = array<i32>} : memref<32x128xf32, #tpu.memory_space<vmem>>, vector<1x16xf32>,
      %swap3A_949 = vector.shape_cast %swap3A_948 : vector<1x16xf32> to vector<16xf32>
      %swap3A_950 = vector.shape_cast %mul3A_945 : vector<16xf32> to vector<1x16xf32>
      tpu.vector_store %arg8[%swap3A_946, %swap3A_947], %swap3A_950 {strides = array<i32>} : memref<32x128xf32, #tpu.memory_space<vmem>>, vector<1x16xf32>,
      %get3A_951 = arith.constant 0 : i32
      %get3A_952 = arith.index_cast %get3A_951 : i32 to index
      %get3A_953 = arith.constant 48 : index
      %get3A_954 = tpu.vector_load %arg6[%get3A_952, %get3A_953] {strides = array<i32>} : memref<50x128xf32, #tpu.memory_space<vmem>>, vector<1x16xf32>,
      %get3A_955 = vector.shape_cast %get3A_954 : vector<1x16xf32> to vector<16xf32>
      %get3A_956 = arith.constant 1 : i32
      %get3A_957 = arith.index_cast %get3A_956 : i32 to index
      %get3A_958 = arith.constant 48 : index
      %get3A_959 = tpu.vector_load %arg6[%get3A_957, %get3A_958] {strides = array<i32>} : memref<50x128xf32, #tpu.memory_space<vmem>>, vector<1x16xf32>,
      %get3A_960 = vector.shape_cast %get3A_959 : vector<1x16xf32> to vector<16xf32>
      %get3A_961 = arith.constant 2 : i32
      %get3A_962 = arith.index_cast %get3A_961 : i32 to index
      %get3A_963 = arith.constant 48 : index
      %get3A_964 = tpu.vector_load %arg6[%get3A_962, %get3A_963] {strides = array<i32>} : memref<50x128xf32, #tpu.memory_space<vmem>>, vector<1x16xf32>,
      %get3A_965 = vector.shape_cast %get3A_964 : vector<1x16xf32> to vector<16xf32>
      %get3A_966 = arith.constant 3 : i32
      %get3A_967 = arith.index_cast %get3A_966 : i32 to index
      %get3A_968 = arith.constant 48 : index
      %get3A_969 = tpu.vector_load %arg6[%get3A_967, %get3A_968] {strides = array<i32>} : memref<50x128xf32, #tpu.memory_space<vmem>>, vector<1x16xf32>,
      %get3A_970 = vector.shape_cast %get3A_969 : vector<1x16xf32> to vector<16xf32>
      %get3A_971 = arith.constant 4 : i32
      %get3A_972 = arith.index_cast %get3A_971 : i32 to index
      %get3A_973 = arith.constant 48 : index
      %get3A_974 = tpu.vector_load %arg6[%get3A_972, %get3A_973] {strides = array<i32>} : memref<50x128xf32, #tpu.memory_space<vmem>>, vector<1x16xf32>,
      %get3A_975 = vector.shape_cast %get3A_974 : vector<1x16xf32> to vector<16xf32>
      %get3A_976 = arith.constant 5 : i32
      %get3A_977 = arith.index_cast %get3A_976 : i32 to index
      %get3A_978 = arith.constant 48 : index
      %get3A_979 = tpu.vector_load %arg6[%get3A_977, %get3A_978] {strides = array<i32>} : memref<50x128xf32, #tpu.memory_space<vmem>>, vector<1x16xf32>,
      %get3A_980 = vector.shape_cast %get3A_979 : vector<1x16xf32> to vector<16xf32>
      %get3A_981 = arith.constant 6 : i32
      %get3A_982 = arith.index_cast %get3A_981 : i32 to index
      %get3A_983 = arith.constant 48 : index
      %get3A_984 = tpu.vector_load %arg6[%get3A_982, %get3A_983] {strides = array<i32>} : memref<50x128xf32, #tpu.memory_space<vmem>>, vector<1x16xf32>,
      %get3A_985 = vector.shape_cast %get3A_984 : vector<1x16xf32> to vector<16xf32>
      %get3A_986 = arith.constant 7 : i32
      %get3A_987 = arith.index_cast %get3A_986 : i32 to index
      %get3A_988 = arith.constant 48 : index
      %get3A_989 = tpu.vector_load %arg6[%get3A_987, %get3A_988] {strides = array<i32>} : memref<50x128xf32, #tpu.memory_space<vmem>>, vector<1x16xf32>,
      %get3A_990 = vector.shape_cast %get3A_989 : vector<1x16xf32> to vector<16xf32>
      %get3A_991 = arith.constant 8 : i32
      %get3A_992 = arith.index_cast %get3A_991 : i32 to index
      %get3A_993 = arith.constant 48 : index
      %get3A_994 = tpu.vector_load %arg6[%get3A_992, %get3A_993] {strides = array<i32>} : memref<50x128xf32, #tpu.memory_space<vmem>>, vector<1x16xf32>,
      %get3A_995 = vector.shape_cast %get3A_994 : vector<1x16xf32> to vector<16xf32>
      %get3A_996 = arith.constant 9 : i32
      %get3A_997 = arith.index_cast %get3A_996 : i32 to index
      %get3A_998 = arith.constant 48 : index
      %get3A_999 = tpu.vector_load %arg6[%get3A_997, %get3A_998] {strides = array<i32>} : memref<50x128xf32, #tpu.memory_space<vmem>>, vector<1x16xf32>,
      %get3A_1000 = vector.shape_cast %get3A_999 : vector<1x16xf32> to vector<16xf32>
      %get3A_1001 = arith.constant 10 : i32
      %get3A_1002 = arith.index_cast %get3A_1001 : i32 to index
      %get3A_1003 = arith.constant 48 : index
      %get3A_1004 = tpu.vector_load %arg6[%get3A_1002, %get3A_1003] {strides = array<i32>} : memref<50x128xf32, #tpu.memory_space<vmem>>, vector<1x16xf32>,
      %get3A_1005 = vector.shape_cast %get3A_1004 : vector<1x16xf32> to vector<16xf32>
      %get3A_1006 = arith.constant 11 : i32
      %get3A_1007 = arith.index_cast %get3A_1006 : i32 to index
      %get3A_1008 = arith.constant 48 : index
      %get3A_1009 = tpu.vector_load %arg6[%get3A_1007, %get3A_1008] {strides = array<i32>} : memref<50x128xf32, #tpu.memory_space<vmem>>, vector<1x16xf32>,
      %get3A_1010 = vector.shape_cast %get3A_1009 : vector<1x16xf32> to vector<16xf32>
      %get3A_1011 = arith.constant 12 : i32
      %get3A_1012 = arith.index_cast %get3A_1011 : i32 to index
      %get3A_1013 = arith.constant 48 : index
      %get3A_1014 = tpu.vector_load %arg6[%get3A_1012, %get3A_1013] {strides = array<i32>} : memref<50x128xf32, #tpu.memory_space<vmem>>, vector<1x16xf32>,
      %get3A_1015 = vector.shape_cast %get3A_1014 : vector<1x16xf32> to vector<16xf32>
      %get3A_1016 = arith.constant 13 : i32
      %get3A_1017 = arith.index_cast %get3A_1016 : i32 to index
      %get3A_1018 = arith.constant 48 : index
      %get3A_1019 = tpu.vector_load %arg6[%get3A_1017, %get3A_1018] {strides = array<i32>} : memref<50x128xf32, #tpu.memory_space<vmem>>, vector<1x16xf32>,
      %get3A_1020 = vector.shape_cast %get3A_1019 : vector<1x16xf32> to vector<16xf32>
      %get3A_1021 = arith.constant 14 : i32
      %get3A_1022 = arith.index_cast %get3A_1021 : i32 to index
      %get3A_1023 = arith.constant 48 : index
      %get3A_1024 = tpu.vector_load %arg6[%get3A_1022, %get3A_1023] {strides = array<i32>} : memref<50x128xf32, #tpu.memory_space<vmem>>, vector<1x16xf32>,
      %get3A_1025 = vector.shape_cast %get3A_1024 : vector<1x16xf32> to vector<16xf32>
      %get3A_1026 = arith.constant 15 : i32
      %get3A_1027 = arith.index_cast %get3A_1026 : i32 to index
      %get3A_1028 = arith.constant 48 : index
      %get3A_1029 = tpu.vector_load %arg6[%get3A_1027, %get3A_1028] {strides = array<i32>} : memref<50x128xf32, #tpu.memory_space<vmem>>, vector<1x16xf32>,
      %get3A_1030 = vector.shape_cast %get3A_1029 : vector<1x16xf32> to vector<16xf32>
      %get3A_1031 = arith.constant 16 : i32
      %get3A_1032 = arith.index_cast %get3A_1031 : i32 to index
      %get3A_1033 = arith.constant 48 : index
      %get3A_1034 = tpu.vector_load %arg6[%get3A_1032, %get3A_1033] {strides = array<i32>} : memref<50x128xf32, #tpu.memory_space<vmem>>, vector<1x16xf32>,
      %get3A_1035 = vector.shape_cast %get3A_1034 : vector<1x16xf32> to vector<16xf32>
      %get3A_1036 = arith.constant 17 : i32
      %get3A_1037 = arith.index_cast %get3A_1036 : i32 to index
      %get3A_1038 = arith.constant 48 : index
      %get3A_1039 = tpu.vector_load %arg6[%get3A_1037, %get3A_1038] {strides = array<i32>} : memref<50x128xf32, #tpu.memory_space<vmem>>, vector<1x16xf32>,
      %get3A_1040 = vector.shape_cast %get3A_1039 : vector<1x16xf32> to vector<16xf32>
      %get3A_1041 = arith.constant 18 : i32
      %get3A_1042 = arith.index_cast %get3A_1041 : i32 to index
      %get3A_1043 = arith.constant 48 : index
      %get3A_1044 = tpu.vector_load %arg6[%get3A_1042, %get3A_1043] {strides = array<i32>} : memref<50x128xf32, #tpu.memory_space<vmem>>, vector<1x16xf32>,
      %get3A_1045 = vector.shape_cast %get3A_1044 : vector<1x16xf32> to vector<16xf32>
      %get3A_1046 = arith.constant 19 : i32
      %get3A_1047 = arith.index_cast %get3A_1046 : i32 to index
      %get3A_1048 = arith.constant 48 : index
      %get3A_1049 = tpu.vector_load %arg6[%get3A_1047, %get3A_1048] {strides = array<i32>} : memref<50x128xf32, #tpu.memory_space<vmem>>, vector<1x16xf32>,
      %get3A_1050 = vector.shape_cast %get3A_1049 : vector<1x16xf32> to vector<16xf32>
      %get3A_1051 = arith.constant 20 : i32
      %get3A_1052 = arith.index_cast %get3A_1051 : i32 to index
      %get3A_1053 = arith.constant 48 : index
      %get3A_1054 = tpu.vector_load %arg6[%get3A_1052, %get3A_1053] {strides = array<i32>} : memref<50x128xf32, #tpu.memory_space<vmem>>, vector<1x16xf32>,
      %get3A_1055 = vector.shape_cast %get3A_1054 : vector<1x16xf32> to vector<16xf32>
      %get3A_1056 = arith.constant 21 : i32
      %get3A_1057 = arith.index_cast %get3A_1056 : i32 to index
      %get3A_1058 = arith.constant 48 : index
      %get3A_1059 = tpu.vector_load %arg6[%get3A_1057, %get3A_1058] {strides = array<i32>} : memref<50x128xf32, #tpu.memory_space<vmem>>, vector<1x16xf32>,
      %get3A_1060 = vector.shape_cast %get3A_1059 : vector<1x16xf32> to vector<16xf32>
      %get3A_1061 = arith.constant 22 : i32
      %get3A_1062 = arith.index_cast %get3A_1061 : i32 to index
      %get3A_1063 = arith.constant 48 : index
      %get3A_1064 = tpu.vector_load %arg6[%get3A_1062, %get3A_1063] {strides = array<i32>} : memref<50x128xf32, #tpu.memory_space<vmem>>, vector<1x16xf32>,
      %get3A_1065 = vector.shape_cast %get3A_1064 : vector<1x16xf32> to vector<16xf32>
      %get3A_1066 = arith.constant 23 : i32
      %get3A_1067 = arith.index_cast %get3A_1066 : i32 to index
      %get3A_1068 = arith.constant 48 : index
      %get3A_1069 = tpu.vector_load %arg6[%get3A_1067, %get3A_1068] {strides = array<i32>} : memref<50x128xf32, #tpu.memory_space<vmem>>, vector<1x16xf32>,
      %get3A_1070 = vector.shape_cast %get3A_1069 : vector<1x16xf32> to vector<16xf32>
      %get3A_1071 = arith.constant 24 : i32
      %get3A_1072 = arith.index_cast %get3A_1071 : i32 to index
      %get3A_1073 = arith.constant 48 : index
      %get3A_1074 = tpu.vector_load %arg6[%get3A_1072, %get3A_1073] {strides = array<i32>} : memref<50x128xf32, #tpu.memory_space<vmem>>, vector<1x16xf32>,
      %get3A_1075 = vector.shape_cast %get3A_1074 : vector<1x16xf32> to vector<16xf32>
      %get3A_1076 = arith.constant 25 : i32
      %get3A_1077 = arith.index_cast %get3A_1076 : i32 to index
      %get3A_1078 = arith.constant 48 : index
      %get3A_1079 = tpu.vector_load %arg6[%get3A_1077, %get3A_1078] {strides = array<i32>} : memref<50x128xf32, #tpu.memory_space<vmem>>, vector<1x16xf32>,
      %get3A_1080 = vector.shape_cast %get3A_1079 : vector<1x16xf32> to vector<16xf32>
      %get3A_1081 = arith.constant 26 : i32
      %get3A_1082 = arith.index_cast %get3A_1081 : i32 to index
      %get3A_1083 = arith.constant 48 : index
      %get3A_1084 = tpu.vector_load %arg6[%get3A_1082, %get3A_1083] {strides = array<i32>} : memref<50x128xf32, #tpu.memory_space<vmem>>, vector<1x16xf32>,
      %get3A_1085 = vector.shape_cast %get3A_1084 : vector<1x16xf32> to vector<16xf32>
      %get3A_1086 = arith.constant 27 : i32
      %get3A_1087 = arith.index_cast %get3A_1086 : i32 to index
      %get3A_1088 = arith.constant 48 : index
      %get3A_1089 = tpu.vector_load %arg6[%get3A_1087, %get3A_1088] {strides = array<i32>} : memref<50x128xf32, #tpu.memory_space<vmem>>, vector<1x16xf32>,
      %get3A_1090 = vector.shape_cast %get3A_1089 : vector<1x16xf32> to vector<16xf32>
      %get3A_1091 = arith.constant 28 : i32
      %get3A_1092 = arith.index_cast %get3A_1091 : i32 to index
      %get3A_1093 = arith.constant 48 : index
      %get3A_1094 = tpu.vector_load %arg6[%get3A_1092, %get3A_1093] {strides = array<i32>} : memref<50x128xf32, #tpu.memory_space<vmem>>, vector<1x16xf32>,
      %get3A_1095 = vector.shape_cast %get3A_1094 : vector<1x16xf32> to vector<16xf32>
      %get3A_1096 = arith.constant 29 : i32
      %get3A_1097 = arith.index_cast %get3A_1096 : i32 to index
      %get3A_1098 = arith.constant 48 : index
      %get3A_1099 = tpu.vector_load %arg6[%get3A_1097, %get3A_1098] {strides = array<i32>} : memref<50x128xf32, #tpu.memory_space<vmem>>, vector<1x16xf32>,
      %get3A_1100 = vector.shape_cast %get3A_1099 : vector<1x16xf32> to vector<16xf32>
      %get3A_1101 = arith.constant 30 : i32
      %get3A_1102 = arith.index_cast %get3A_1101 : i32 to index
      %get3A_1103 = arith.constant 48 : index
      %get3A_1104 = tpu.vector_load %arg6[%get3A_1102, %get3A_1103] {strides = array<i32>} : memref<50x128xf32, #tpu.memory_space<vmem>>, vector<1x16xf32>,
      %get3A_1105 = vector.shape_cast %get3A_1104 : vector<1x16xf32> to vector<16xf32>
      %get3A_1106 = arith.constant 31 : i32
      %get3A_1107 = arith.index_cast %get3A_1106 : i32 to index
      %get3A_1108 = arith.constant 48 : index
      %get3A_1109 = tpu.vector_load %arg6[%get3A_1107, %get3A_1108] {strides = array<i32>} : memref<50x128xf32, #tpu.memory_space<vmem>>, vector<1x16xf32>,
      %get3A_1110 = vector.shape_cast %get3A_1109 : vector<1x16xf32> to vector<16xf32>
      %get3A_1111 = arith.constant 32 : i32
      %get3A_1112 = arith.index_cast %get3A_1111 : i32 to index
      %get3A_1113 = arith.constant 48 : index
      %get3A_1114 = tpu.vector_load %arg6[%get3A_1112, %get3A_1113] {strides = array<i32>} : memref<50x128xf32, #tpu.memory_space<vmem>>, vector<1x16xf32>,
      %get3A_1115 = vector.shape_cast %get3A_1114 : vector<1x16xf32> to vector<16xf32>
      %get3A_1116 = arith.constant 33 : i32
      %get3A_1117 = arith.index_cast %get3A_1116 : i32 to index
      %get3A_1118 = arith.constant 48 : index
      %get3A_1119 = tpu.vector_load %arg6[%get3A_1117, %get3A_1118] {strides = array<i32>} : memref<50x128xf32, #tpu.memory_space<vmem>>, vector<1x16xf32>,
      %get3A_1120 = vector.shape_cast %get3A_1119 : vector<1x16xf32> to vector<16xf32>
      %get3A_1121 = arith.constant 34 : i32
      %get3A_1122 = arith.index_cast %get3A_1121 : i32 to index
      %get3A_1123 = arith.constant 48 : index
      %get3A_1124 = tpu.vector_load %arg6[%get3A_1122, %get3A_1123] {strides = array<i32>} : memref<50x128xf32, #tpu.memory_space<vmem>>, vector<1x16xf32>,
      %get3A_1125 = vector.shape_cast %get3A_1124 : vector<1x16xf32> to vector<16xf32>
      %get3A_1126 = arith.constant 35 : i32
      %get3A_1127 = arith.index_cast %get3A_1126 : i32 to index
      %get3A_1128 = arith.constant 48 : index
      %get3A_1129 = tpu.vector_load %arg6[%get3A_1127, %get3A_1128] {strides = array<i32>} : memref<50x128xf32, #tpu.memory_space<vmem>>, vector<1x16xf32>,
      %get3A_1130 = vector.shape_cast %get3A_1129 : vector<1x16xf32> to vector<16xf32>
      %get3A_1131 = arith.constant 36 : i32
      %get3A_1132 = arith.index_cast %get3A_1131 : i32 to index
      %get3A_1133 = arith.constant 48 : index
      %get3A_1134 = tpu.vector_load %arg6[%get3A_1132, %get3A_1133] {strides = array<i32>} : memref<50x128xf32, #tpu.memory_space<vmem>>, vector<1x16xf32>,
      %get3A_1135 = vector.shape_cast %get3A_1134 : vector<1x16xf32> to vector<16xf32>
      %get3A_1136 = arith.constant 37 : i32
      %get3A_1137 = arith.index_cast %get3A_1136 : i32 to index
      %get3A_1138 = arith.constant 48 : index
      %get3A_1139 = tpu.vector_load %arg6[%get3A_1137, %get3A_1138] {strides = array<i32>} : memref<50x128xf32, #tpu.memory_space<vmem>>, vector<1x16xf32>,
      %get3A_1140 = vector.shape_cast %get3A_1139 : vector<1x16xf32> to vector<16xf32>
      %get3A_1141 = arith.constant 38 : i32
      %get3A_1142 = arith.index_cast %get3A_1141 : i32 to index
      %get3A_1143 = arith.constant 48 : index
      %get3A_1144 = tpu.vector_load %arg6[%get3A_1142, %get3A_1143] {strides = array<i32>} : memref<50x128xf32, #tpu.memory_space<vmem>>, vector<1x16xf32>,
      %get3A_1145 = vector.shape_cast %get3A_1144 : vector<1x16xf32> to vector<16xf32>
      %get3A_1146 = arith.constant 39 : i32
      %get3A_1147 = arith.index_cast %get3A_1146 : i32 to index
      %get3A_1148 = arith.constant 48 : index
      %get3A_1149 = tpu.vector_load %arg6[%get3A_1147, %get3A_1148] {strides = array<i32>} : memref<50x128xf32, #tpu.memory_space<vmem>>, vector<1x16xf32>,
      %get3A_1150 = vector.shape_cast %get3A_1149 : vector<1x16xf32> to vector<16xf32>
      %get3A_1151 = arith.constant 40 : i32
      %get3A_1152 = arith.index_cast %get3A_1151 : i32 to index
      %get3A_1153 = arith.constant 48 : index
      %get3A_1154 = tpu.vector_load %arg6[%get3A_1152, %get3A_1153] {strides = array<i32>} : memref<50x128xf32, #tpu.memory_space<vmem>>, vector<1x16xf32>,
      %get3A_1155 = vector.shape_cast %get3A_1154 : vector<1x16xf32> to vector<16xf32>
      %get3A_1156 = arith.constant 41 : i32
      %get3A_1157 = arith.index_cast %get3A_1156 : i32 to index
      %get3A_1158 = arith.constant 48 : index
      %get3A_1159 = tpu.vector_load %arg6[%get3A_1157, %get3A_1158] {strides = array<i32>} : memref<50x128xf32, #tpu.memory_space<vmem>>, vector<1x16xf32>,
      %get3A_1160 = vector.shape_cast %get3A_1159 : vector<1x16xf32> to vector<16xf32>
      %get3A_1161 = arith.constant 42 : i32
      %get3A_1162 = arith.index_cast %get3A_1161 : i32 to index
      %get3A_1163 = arith.constant 48 : index
      %get3A_1164 = tpu.vector_load %arg6[%get3A_1162, %get3A_1163] {strides = array<i32>} : memref<50x128xf32, #tpu.memory_space<vmem>>, vector<1x16xf32>,
      %get3A_1165 = vector.shape_cast %get3A_1164 : vector<1x16xf32> to vector<16xf32>
      %get3A_1166 = arith.constant 43 : i32
      %get3A_1167 = arith.index_cast %get3A_1166 : i32 to index
      %get3A_1168 = arith.constant 48 : index
      %get3A_1169 = tpu.vector_load %arg6[%get3A_1167, %get3A_1168] {strides = array<i32>} : memref<50x128xf32, #tpu.memory_space<vmem>>, vector<1x16xf32>,
      %get3A_1170 = vector.shape_cast %get3A_1169 : vector<1x16xf32> to vector<16xf32>
      %get3A_1171 = arith.constant 44 : i32
      %get3A_1172 = arith.index_cast %get3A_1171 : i32 to index
      %get3A_1173 = arith.constant 48 : index
      %get3A_1174 = tpu.vector_load %arg6[%get3A_1172, %get3A_1173] {strides = array<i32>} : memref<50x128xf32, #tpu.memory_space<vmem>>, vector<1x16xf32>,
      %get3A_1175 = vector.shape_cast %get3A_1174 : vector<1x16xf32> to vector<16xf32>
      %get3A_1176 = arith.constant 45 : i32
      %get3A_1177 = arith.index_cast %get3A_1176 : i32 to index
      %get3A_1178 = arith.constant 48 : index
      %get3A_1179 = tpu.vector_load %arg6[%get3A_1177, %get3A_1178] {strides = array<i32>} : memref<50x128xf32, #tpu.memory_space<vmem>>, vector<1x16xf32>,
      %get3A_1180 = vector.shape_cast %get3A_1179 : vector<1x16xf32> to vector<16xf32>
      %get3A_1181 = arith.constant 46 : i32
      %get3A_1182 = arith.index_cast %get3A_1181 : i32 to index
      %get3A_1183 = arith.constant 48 : index
      %get3A_1184 = tpu.vector_load %arg6[%get3A_1182, %get3A_1183] {strides = array<i32>} : memref<50x128xf32, #tpu.memory_space<vmem>>, vector<1x16xf32>,
      %get3A_1185 = vector.shape_cast %get3A_1184 : vector<1x16xf32> to vector<16xf32>
      %get3A_1186 = arith.constant 47 : i32
      %get3A_1187 = arith.index_cast %get3A_1186 : i32 to index
      %get3A_1188 = arith.constant 48 : index
      %get3A_1189 = tpu.vector_load %arg6[%get3A_1187, %get3A_1188] {strides = array<i32>} : memref<50x128xf32, #tpu.memory_space<vmem>>, vector<1x16xf32>,
      %get3A_1190 = vector.shape_cast %get3A_1189 : vector<1x16xf32> to vector<16xf32>
      %get3A_1191 = arith.constant 48 : i32
      %get3A_1192 = arith.index_cast %get3A_1191 : i32 to index
      %get3A_1193 = arith.constant 48 : index
      %get3A_1194 = tpu.vector_load %arg6[%get3A_1192, %get3A_1193] {strides = array<i32>} : memref<50x128xf32, #tpu.memory_space<vmem>>, vector<1x16xf32>,
      %get3A_1195 = vector.shape_cast %get3A_1194 : vector<1x16xf32> to vector<16xf32>
      %get3A_1196 = arith.constant 49 : i32
      %get3A_1197 = arith.index_cast %get3A_1196 : i32 to index
      %get3A_1198 = arith.constant 48 : index
      %get3A_1199 = tpu.vector_load %arg6[%get3A_1197, %get3A_1198] {strides = array<i32>} : memref<50x128xf32, #tpu.memory_space<vmem>>, vector<1x16xf32>,
      %get3A_1200 = vector.shape_cast %get3A_1199 : vector<1x16xf32> to vector<16xf32>
      %add3A_1201 = arith.addf %get3A_955, %get3A_960 : vector<16xf32>
      %add3A_1202 = arith.addf %get3A_965, %get3A_970 : vector<16xf32>
      %add3A_1203 = arith.addf %get3A_975, %get3A_980 : vector<16xf32>
      %add3A_1204 = arith.addf %get3A_985, %get3A_990 : vector<16xf32>
      %add3A_1205 = arith.addf %get3A_995, %get3A_1000 : vector<16xf32>
      %add3A_1206 = arith.addf %get3A_1005, %get3A_1010 : vector<16xf32>
      %add3A_1207 = arith.addf %get3A_1015, %get3A_1020 : vector<16xf32>
      %add3A_1208 = arith.addf %get3A_1025, %get3A_1030 : vector<16xf32>
      %add3A_1209 = arith.addf %get3A_1035, %get3A_1040 : vector<16xf32>
      %add3A_1210 = arith.addf %get3A_1045, %get3A_1050 : vector<16xf32>
      %add3A_1211 = arith.addf %get3A_1055, %get3A_1060 : vector<16xf32>
      %add3A_1212 = arith.addf %get3A_1065, %get3A_1070 : vector<16xf32>
      %add3A_1213 = arith.addf %get3A_1075, %get3A_1080 : vector<16xf32>
      %add3A_1214 = arith.addf %get3A_1085, %get3A_1090 : vector<16xf32>
      %add3A_1215 = arith.addf %get3A_1095, %get3A_1100 : vector<16xf32>
      %add3A_1216 = arith.addf %get3A_1105, %get3A_1110 : vector<16xf32>
      %add3A_1217 = arith.addf %get3A_1115, %get3A_1120 : vector<16xf32>
      %add3A_1218 = arith.addf %get3A_1125, %get3A_1130 : vector<16xf32>
      %add3A_1219 = arith.addf %get3A_1135, %get3A_1140 : vector<16xf32>
      %add3A_1220 = arith.addf %get3A_1145, %get3A_1150 : vector<16xf32>
      %add3A_1221 = arith.addf %get3A_1155, %get3A_1160 : vector<16xf32>
      %add3A_1222 = arith.addf %get3A_1165, %get3A_1170 : vector<16xf32>
      %add3A_1223 = arith.addf %get3A_1175, %get3A_1180 : vector<16xf32>
      %add3A_1224 = arith.addf %get3A_1185, %get3A_1190 : vector<16xf32>
      %add3A_1225 = arith.addf %get3A_1195, %get3A_1200 : vector<16xf32>
      %add3A_1226 = arith.addf %add3A_1201, %add3A_1202 : vector<16xf32>
      %add3A_1227 = arith.addf %add3A_1203, %add3A_1204 : vector<16xf32>
      %add3A_1228 = arith.addf %add3A_1205, %add3A_1206 : vector<16xf32>
      %add3A_1229 = arith.addf %add3A_1207, %add3A_1208 : vector<16xf32>
      %add3A_1230 = arith.addf %add3A_1209, %add3A_1210 : vector<16xf32>
      %add3A_1231 = arith.addf %add3A_1211, %add3A_1212 : vector<16xf32>
      %add3A_1232 = arith.addf %add3A_1213, %add3A_1214 : vector<16xf32>
      %add3A_1233 = arith.addf %add3A_1215, %add3A_1216 : vector<16xf32>
      %add3A_1234 = arith.addf %add3A_1217, %add3A_1218 : vector<16xf32>
      %add3A_1235 = arith.addf %add3A_1219, %add3A_1220 : vector<16xf32>
      %add3A_1236 = arith.addf %add3A_1221, %add3A_1222 : vector<16xf32>
      %add3A_1237 = arith.addf %add3A_1223, %add3A_1224 : vector<16xf32>
      %add3A_1238 = arith.addf %add3A_1226, %add3A_1227 : vector<16xf32>
      %add3A_1239 = arith.addf %add3A_1228, %add3A_1229 : vector<16xf32>
      %add3A_1240 = arith.addf %add3A_1230, %add3A_1231 : vector<16xf32>
      %add3A_1241 = arith.addf %add3A_1232, %add3A_1233 : vector<16xf32>
      %add3A_1242 = arith.addf %add3A_1234, %add3A_1235 : vector<16xf32>
      %add3A_1243 = arith.addf %add3A_1236, %add3A_1237 : vector<16xf32>
      %add3A_1244 = arith.addf %add3A_1238, %add3A_1239 : vector<16xf32>
      %add3A_1245 = arith.addf %add3A_1240, %add3A_1241 : vector<16xf32>
      %add3A_1246 = arith.addf %add3A_1242, %add3A_1243 : vector<16xf32>
      %add3A_1247 = arith.addf %add3A_1244, %add3A_1245 : vector<16xf32>
      %add3A_1248 = arith.addf %add3A_1246, %add3A_1225 : vector<16xf32>
      %add3A_1249 = arith.addf %add3A_1247, %add3A_1248 : vector<16xf32>
      %mul3A_1250 = arith.constant 2.000000e-02 : f32
      %mul3A_1251 = vector.broadcast %mul3A_1250 : f32 to vector<16xf32>
      %mul3A_1252 = arith.mulf %add3A_1249, %mul3A_1251 : vector<16xf32>
      %swap3A_1253 = arith.index_cast %mul3A_18 : i32 to index
      %swap3A_1254 = arith.constant 48 : index
      %swap3A_1255 = tpu.vector_load %arg8[%swap3A_1253, %swap3A_1254] {strides = array<i32>} : memref<32x128xf32, #tpu.memory_space<vmem>>, vector<1x16xf32>,
      %swap3A_1256 = vector.shape_cast %swap3A_1255 : vector<1x16xf32> to vector<16xf32>
      %swap3A_1257 = vector.shape_cast %mul3A_1252 : vector<16xf32> to vector<1x16xf32>
      tpu.vector_store %arg8[%swap3A_1253, %swap3A_1254], %swap3A_1257 {strides = array<i32>} : memref<32x128xf32, #tpu.memory_space<vmem>>, vector<1x16xf32>,
      %get3A_1258 = arith.constant 0 : i32
      %get3A_1259 = arith.index_cast %get3A_1258 : i32 to index
      %get3A_1260 = arith.constant 64 : index
      %get3A_1261 = tpu.vector_load %arg6[%get3A_1259, %get3A_1260] {strides = array<i32>} : memref<50x128xf32, #tpu.memory_space<vmem>>, vector<1x16xf32>,
      %get3A_1262 = vector.shape_cast %get3A_1261 : vector<1x16xf32> to vector<16xf32>
      %get3A_1263 = arith.constant 1 : i32
      %get3A_1264 = arith.index_cast %get3A_1263 : i32 to index
      %get3A_1265 = arith.constant 64 : index
      %get3A_1266 = tpu.vector_load %arg6[%get3A_1264, %get3A_1265] {strides = array<i32>} : memref<50x128xf32, #tpu.memory_space<vmem>>, vector<1x16xf32>,
      %get3A_1267 = vector.shape_cast %get3A_1266 : vector<1x16xf32> to vector<16xf32>
      %get3A_1268 = arith.constant 2 : i32
      %get3A_1269 = arith.index_cast %get3A_1268 : i32 to index
      %get3A_1270 = arith.constant 64 : index
      %get3A_1271 = tpu.vector_load %arg6[%get3A_1269, %get3A_1270] {strides = array<i32>} : memref<50x128xf32, #tpu.memory_space<vmem>>, vector<1x16xf32>,
      %get3A_1272 = vector.shape_cast %get3A_1271 : vector<1x16xf32> to vector<16xf32>
      %get3A_1273 = arith.constant 3 : i32
      %get3A_1274 = arith.index_cast %get3A_1273 : i32 to index
      %get3A_1275 = arith.constant 64 : index
      %get3A_1276 = tpu.vector_load %arg6[%get3A_1274, %get3A_1275] {strides = array<i32>} : memref<50x128xf32, #tpu.memory_space<vmem>>, vector<1x16xf32>,
      %get3A_1277 = vector.shape_cast %get3A_1276 : vector<1x16xf32> to vector<16xf32>
      %get3A_1278 = arith.constant 4 : i32
      %get3A_1279 = arith.index_cast %get3A_1278 : i32 to index
      %get3A_1280 = arith.constant 64 : index
      %get3A_1281 = tpu.vector_load %arg6[%get3A_1279, %get3A_1280] {strides = array<i32>} : memref<50x128xf32, #tpu.memory_space<vmem>>, vector<1x16xf32>,
      %get3A_1282 = vector.shape_cast %get3A_1281 : vector<1x16xf32> to vector<16xf32>
      %get3A_1283 = arith.constant 5 : i32
      %get3A_1284 = arith.index_cast %get3A_1283 : i32 to index
      %get3A_1285 = arith.constant 64 : index
      %get3A_1286 = tpu.vector_load %arg6[%get3A_1284, %get3A_1285] {strides = array<i32>} : memref<50x128xf32, #tpu.memory_space<vmem>>, vector<1x16xf32>,
      %get3A_1287 = vector.shape_cast %get3A_1286 : vector<1x16xf32> to vector<16xf32>
      %get3A_1288 = arith.constant 6 : i32
      %get3A_1289 = arith.index_cast %get3A_1288 : i32 to index
      %get3A_1290 = arith.constant 64 : index
      %get3A_1291 = tpu.vector_load %arg6[%get3A_1289, %get3A_1290] {strides = array<i32>} : memref<50x128xf32, #tpu.memory_space<vmem>>, vector<1x16xf32>,
      %get3A_1292 = vector.shape_cast %get3A_1291 : vector<1x16xf32> to vector<16xf32>
      %get3A_1293 = arith.constant 7 : i32
      %get3A_1294 = arith.index_cast %get3A_1293 : i32 to index
      %get3A_1295 = arith.constant 64 : index
      %get3A_1296 = tpu.vector_load %arg6[%get3A_1294, %get3A_1295] {strides = array<i32>} : memref<50x128xf32, #tpu.memory_space<vmem>>, vector<1x16xf32>,
      %get3A_1297 = vector.shape_cast %get3A_1296 : vector<1x16xf32> to vector<16xf32>
      %get3A_1298 = arith.constant 8 : i32
      %get3A_1299 = arith.index_cast %get3A_1298 : i32 to index
      %get3A_1300 = arith.constant 64 : index
      %get3A_1301 = tpu.vector_load %arg6[%get3A_1299, %get3A_1300] {strides = array<i32>} : memref<50x128xf32, #tpu.memory_space<vmem>>, vector<1x16xf32>,
      %get3A_1302 = vector.shape_cast %get3A_1301 : vector<1x16xf32> to vector<16xf32>
      %get3A_1303 = arith.constant 9 : i32
      %get3A_1304 = arith.index_cast %get3A_1303 : i32 to index
      %get3A_1305 = arith.constant 64 : index
      %get3A_1306 = tpu.vector_load %arg6[%get3A_1304, %get3A_1305] {strides = array<i32>} : memref<50x128xf32, #tpu.memory_space<vmem>>, vector<1x16xf32>,
      %get3A_1307 = vector.shape_cast %get3A_1306 : vector<1x16xf32> to vector<16xf32>
      %get3A_1308 = arith.constant 10 : i32
      %get3A_1309 = arith.index_cast %get3A_1308 : i32 to index
      %get3A_1310 = arith.constant 64 : index
      %get3A_1311 = tpu.vector_load %arg6[%get3A_1309, %get3A_1310] {strides = array<i32>} : memref<50x128xf32, #tpu.memory_space<vmem>>, vector<1x16xf32>,
      %get3A_1312 = vector.shape_cast %get3A_1311 : vector<1x16xf32> to vector<16xf32>
      %get3A_1313 = arith.constant 11 : i32
      %get3A_1314 = arith.index_cast %get3A_1313 : i32 to index
      %get3A_1315 = arith.constant 64 : index
      %get3A_1316 = tpu.vector_load %arg6[%get3A_1314, %get3A_1315] {strides = array<i32>} : memref<50x128xf32, #tpu.memory_space<vmem>>, vector<1x16xf32>,
      %get3A_1317 = vector.shape_cast %get3A_1316 : vector<1x16xf32> to vector<16xf32>
      %get3A_1318 = arith.constant 12 : i32
      %get3A_1319 = arith.index_cast %get3A_1318 : i32 to index
      %get3A_1320 = arith.constant 64 : index
      %get3A_1321 = tpu.vector_load %arg6[%get3A_1319, %get3A_1320] {strides = array<i32>} : memref<50x128xf32, #tpu.memory_space<vmem>>, vector<1x16xf32>,
      %get3A_1322 = vector.shape_cast %get3A_1321 : vector<1x16xf32> to vector<16xf32>
      %get3A_1323 = arith.constant 13 : i32
      %get3A_1324 = arith.index_cast %get3A_1323 : i32 to index
      %get3A_1325 = arith.constant 64 : index
      %get3A_1326 = tpu.vector_load %arg6[%get3A_1324, %get3A_1325] {strides = array<i32>} : memref<50x128xf32, #tpu.memory_space<vmem>>, vector<1x16xf32>,
      %get3A_1327 = vector.shape_cast %get3A_1326 : vector<1x16xf32> to vector<16xf32>
      %get3A_1328 = arith.constant 14 : i32
      %get3A_1329 = arith.index_cast %get3A_1328 : i32 to index
      %get3A_1330 = arith.constant 64 : index
      %get3A_1331 = tpu.vector_load %arg6[%get3A_1329, %get3A_1330] {strides = array<i32>} : memref<50x128xf32, #tpu.memory_space<vmem>>, vector<1x16xf32>,
      %get3A_1332 = vector.shape_cast %get3A_1331 : vector<1x16xf32> to vector<16xf32>
      %get3A_1333 = arith.constant 15 : i32
      %get3A_1334 = arith.index_cast %get3A_1333 : i32 to index
      %get3A_1335 = arith.constant 64 : index
      %get3A_1336 = tpu.vector_load %arg6[%get3A_1334, %get3A_1335] {strides = array<i32>} : memref<50x128xf32, #tpu.memory_space<vmem>>, vector<1x16xf32>,
      %get3A_1337 = vector.shape_cast %get3A_1336 : vector<1x16xf32> to vector<16xf32>
      %get3A_1338 = arith.constant 16 : i32
      %get3A_1339 = arith.index_cast %get3A_1338 : i32 to index
      %get3A_1340 = arith.constant 64 : index
      %get3A_1341 = tpu.vector_load %arg6[%get3A_1339, %get3A_1340] {strides = array<i32>} : memref<50x128xf32, #tpu.memory_space<vmem>>, vector<1x16xf32>,
      %get3A_1342 = vector.shape_cast %get3A_1341 : vector<1x16xf32> to vector<16xf32>
      %get3A_1343 = arith.constant 17 : i32
      %get3A_1344 = arith.index_cast %get3A_1343 : i32 to index
      %get3A_1345 = arith.constant 64 : index
      %get3A_1346 = tpu.vector_load %arg6[%get3A_1344, %get3A_1345] {strides = array<i32>} : memref<50x128xf32, #tpu.memory_space<vmem>>, vector<1x16xf32>,
      %get3A_1347 = vector.shape_cast %get3A_1346 : vector<1x16xf32> to vector<16xf32>
      %get3A_1348 = arith.constant 18 : i32
      %get3A_1349 = arith.index_cast %get3A_1348 : i32 to index
      %get3A_1350 = arith.constant 64 : index
      %get3A_1351 = tpu.vector_load %arg6[%get3A_1349, %get3A_1350] {strides = array<i32>} : memref<50x128xf32, #tpu.memory_space<vmem>>, vector<1x16xf32>,
      %get3A_1352 = vector.shape_cast %get3A_1351 : vector<1x16xf32> to vector<16xf32>
      %get3A_1353 = arith.constant 19 : i32
      %get3A_1354 = arith.index_cast %get3A_1353 : i32 to index
      %get3A_1355 = arith.constant 64 : index
      %get3A_1356 = tpu.vector_load %arg6[%get3A_1354, %get3A_1355] {strides = array<i32>} : memref<50x128xf32, #tpu.memory_space<vmem>>, vector<1x16xf32>,
      %get3A_1357 = vector.shape_cast %get3A_1356 : vector<1x16xf32> to vector<16xf32>
      %get3A_1358 = arith.constant 20 : i32
      %get3A_1359 = arith.index_cast %get3A_1358 : i32 to index
      %get3A_1360 = arith.constant 64 : index
      %get3A_1361 = tpu.vector_load %arg6[%get3A_1359, %get3A_1360] {strides = array<i32>} : memref<50x128xf32, #tpu.memory_space<vmem>>, vector<1x16xf32>,
      %get3A_1362 = vector.shape_cast %get3A_1361 : vector<1x16xf32> to vector<16xf32>
      %get3A_1363 = arith.constant 21 : i32
      %get3A_1364 = arith.index_cast %get3A_1363 : i32 to index
      %get3A_1365 = arith.constant 64 : index
      %get3A_1366 = tpu.vector_load %arg6[%get3A_1364, %get3A_1365] {strides = array<i32>} : memref<50x128xf32, #tpu.memory_space<vmem>>, vector<1x16xf32>,
      %get3A_1367 = vector.shape_cast %get3A_1366 : vector<1x16xf32> to vector<16xf32>
      %get3A_1368 = arith.constant 22 : i32
      %get3A_1369 = arith.index_cast %get3A_1368 : i32 to index
      %get3A_1370 = arith.constant 64 : index
      %get3A_1371 = tpu.vector_load %arg6[%get3A_1369, %get3A_1370] {strides = array<i32>} : memref<50x128xf32, #tpu.memory_space<vmem>>, vector<1x16xf32>,
      %get3A_1372 = vector.shape_cast %get3A_1371 : vector<1x16xf32> to vector<16xf32>
      %get3A_1373 = arith.constant 23 : i32
      %get3A_1374 = arith.index_cast %get3A_1373 : i32 to index
      %get3A_1375 = arith.constant 64 : index
      %get3A_1376 = tpu.vector_load %arg6[%get3A_1374, %get3A_1375] {strides = array<i32>} : memref<50x128xf32, #tpu.memory_space<vmem>>, vector<1x16xf32>,
      %get3A_1377 = vector.shape_cast %get3A_1376 : vector<1x16xf32> to vector<16xf32>
      %get3A_1378 = arith.constant 24 : i32
      %get3A_1379 = arith.index_cast %get3A_1378 : i32 to index
      %get3A_1380 = arith.constant 64 : index
      %get3A_1381 = tpu.vector_load %arg6[%get3A_1379, %get3A_1380] {strides = array<i32>} : memref<50x128xf32, #tpu.memory_space<vmem>>, vector<1x16xf32>,
      %get3A_1382 = vector.shape_cast %get3A_1381 : vector<1x16xf32> to vector<16xf32>
      %get3A_1383 = arith.constant 25 : i32
      %get3A_1384 = arith.index_cast %get3A_1383 : i32 to index
      %get3A_1385 = arith.constant 64 : index
      %get3A_1386 = tpu.vector_load %arg6[%get3A_1384, %get3A_1385] {strides = array<i32>} : memref<50x128xf32, #tpu.memory_space<vmem>>, vector<1x16xf32>,
      %get3A_1387 = vector.shape_cast %get3A_1386 : vector<1x16xf32> to vector<16xf32>
      %get3A_1388 = arith.constant 26 : i32
      %get3A_1389 = arith.index_cast %get3A_1388 : i32 to index
      %get3A_1390 = arith.constant 64 : index
      %get3A_1391 = tpu.vector_load %arg6[%get3A_1389, %get3A_1390] {strides = array<i32>} : memref<50x128xf32, #tpu.memory_space<vmem>>, vector<1x16xf32>,
      %get3A_1392 = vector.shape_cast %get3A_1391 : vector<1x16xf32> to vector<16xf32>
      %get3A_1393 = arith.constant 27 : i32
      %get3A_1394 = arith.index_cast %get3A_1393 : i32 to index
      %get3A_1395 = arith.constant 64 : index
      %get3A_1396 = tpu.vector_load %arg6[%get3A_1394, %get3A_1395] {strides = array<i32>} : memref<50x128xf32, #tpu.memory_space<vmem>>, vector<1x16xf32>,
      %get3A_1397 = vector.shape_cast %get3A_1396 : vector<1x16xf32> to vector<16xf32>
      %get3A_1398 = arith.constant 28 : i32
      %get3A_1399 = arith.index_cast %get3A_1398 : i32 to index
      %get3A_1400 = arith.constant 64 : index
      %get3A_1401 = tpu.vector_load %arg6[%get3A_1399, %get3A_1400] {strides = array<i32>} : memref<50x128xf32, #tpu.memory_space<vmem>>, vector<1x16xf32>,
      %get3A_1402 = vector.shape_cast %get3A_1401 : vector<1x16xf32> to vector<16xf32>
      %get3A_1403 = arith.constant 29 : i32
      %get3A_1404 = arith.index_cast %get3A_1403 : i32 to index
      %get3A_1405 = arith.constant 64 : index
      %get3A_1406 = tpu.vector_load %arg6[%get3A_1404, %get3A_1405] {strides = array<i32>} : memref<50x128xf32, #tpu.memory_space<vmem>>, vector<1x16xf32>,
      %get3A_1407 = vector.shape_cast %get3A_1406 : vector<1x16xf32> to vector<16xf32>
      %get3A_1408 = arith.constant 30 : i32
      %get3A_1409 = arith.index_cast %get3A_1408 : i32 to index
      %get3A_1410 = arith.constant 64 : index
      %get3A_1411 = tpu.vector_load %arg6[%get3A_1409, %get3A_1410] {strides = array<i32>} : memref<50x128xf32, #tpu.memory_space<vmem>>, vector<1x16xf32>,
      %get3A_1412 = vector.shape_cast %get3A_1411 : vector<1x16xf32> to vector<16xf32>
      %get3A_1413 = arith.constant 31 : i32
      %get3A_1414 = arith.index_cast %get3A_1413 : i32 to index
      %get3A_1415 = arith.constant 64 : index
      %get3A_1416 = tpu.vector_load %arg6[%get3A_1414, %get3A_1415] {strides = array<i32>} : memref<50x128xf32, #tpu.memory_space<vmem>>, vector<1x16xf32>,
      %get3A_1417 = vector.shape_cast %get3A_1416 : vector<1x16xf32> to vector<16xf32>
      %get3A_1418 = arith.constant 32 : i32
      %get3A_1419 = arith.index_cast %get3A_1418 : i32 to index
      %get3A_1420 = arith.constant 64 : index
      %get3A_1421 = tpu.vector_load %arg6[%get3A_1419, %get3A_1420] {strides = array<i32>} : memref<50x128xf32, #tpu.memory_space<vmem>>, vector<1x16xf32>,
      %get3A_1422 = vector.shape_cast %get3A_1421 : vector<1x16xf32> to vector<16xf32>
      %get3A_1423 = arith.constant 33 : i32
      %get3A_1424 = arith.index_cast %get3A_1423 : i32 to index
      %get3A_1425 = arith.constant 64 : index
      %get3A_1426 = tpu.vector_load %arg6[%get3A_1424, %get3A_1425] {strides = array<i32>} : memref<50x128xf32, #tpu.memory_space<vmem>>, vector<1x16xf32>,
      %get3A_1427 = vector.shape_cast %get3A_1426 : vector<1x16xf32> to vector<16xf32>
      %get3A_1428 = arith.constant 34 : i32
      %get3A_1429 = arith.index_cast %get3A_1428 : i32 to index
      %get3A_1430 = arith.constant 64 : index
      %get3A_1431 = tpu.vector_load %arg6[%get3A_1429, %get3A_1430] {strides = array<i32>} : memref<50x128xf32, #tpu.memory_space<vmem>>, vector<1x16xf32>,
      %get3A_1432 = vector.shape_cast %get3A_1431 : vector<1x16xf32> to vector<16xf32>
      %get3A_1433 = arith.constant 35 : i32
      %get3A_1434 = arith.index_cast %get3A_1433 : i32 to index
      %get3A_1435 = arith.constant 64 : index
      %get3A_1436 = tpu.vector_load %arg6[%get3A_1434, %get3A_1435] {strides = array<i32>} : memref<50x128xf32, #tpu.memory_space<vmem>>, vector<1x16xf32>,
      %get3A_1437 = vector.shape_cast %get3A_1436 : vector<1x16xf32> to vector<16xf32>
      %get3A_1438 = arith.constant 36 : i32
      %get3A_1439 = arith.index_cast %get3A_1438 : i32 to index
      %get3A_1440 = arith.constant 64 : index
      %get3A_1441 = tpu.vector_load %arg6[%get3A_1439, %get3A_1440] {strides = array<i32>} : memref<50x128xf32, #tpu.memory_space<vmem>>, vector<1x16xf32>,
      %get3A_1442 = vector.shape_cast %get3A_1441 : vector<1x16xf32> to vector<16xf32>
      %get3A_1443 = arith.constant 37 : i32
      %get3A_1444 = arith.index_cast %get3A_1443 : i32 to index
      %get3A_1445 = arith.constant 64 : index
      %get3A_1446 = tpu.vector_load %arg6[%get3A_1444, %get3A_1445] {strides = array<i32>} : memref<50x128xf32, #tpu.memory_space<vmem>>, vector<1x16xf32>,
      %get3A_1447 = vector.shape_cast %get3A_1446 : vector<1x16xf32> to vector<16xf32>
      %get3A_1448 = arith.constant 38 : i32
      %get3A_1449 = arith.index_cast %get3A_1448 : i32 to index
      %get3A_1450 = arith.constant 64 : index
      %get3A_1451 = tpu.vector_load %arg6[%get3A_1449, %get3A_1450] {strides = array<i32>} : memref<50x128xf32, #tpu.memory_space<vmem>>, vector<1x16xf32>,
      %get3A_1452 = vector.shape_cast %get3A_1451 : vector<1x16xf32> to vector<16xf32>
      %get3A_1453 = arith.constant 39 : i32
      %get3A_1454 = arith.index_cast %get3A_1453 : i32 to index
      %get3A_1455 = arith.constant 64 : index
      %get3A_1456 = tpu.vector_load %arg6[%get3A_1454, %get3A_1455] {strides = array<i32>} : memref<50x128xf32, #tpu.memory_space<vmem>>, vector<1x16xf32>,
      %get3A_1457 = vector.shape_cast %get3A_1456 : vector<1x16xf32> to vector<16xf32>
      %get3A_1458 = arith.constant 40 : i32
      %get3A_1459 = arith.index_cast %get3A_1458 : i32 to index
      %get3A_1460 = arith.constant 64 : index
      %get3A_1461 = tpu.vector_load %arg6[%get3A_1459, %get3A_1460] {strides = array<i32>} : memref<50x128xf32, #tpu.memory_space<vmem>>, vector<1x16xf32>,
      %get3A_1462 = vector.shape_cast %get3A_1461 : vector<1x16xf32> to vector<16xf32>
      %get3A_1463 = arith.constant 41 : i32
      %get3A_1464 = arith.index_cast %get3A_1463 : i32 to index
      %get3A_1465 = arith.constant 64 : index
      %get3A_1466 = tpu.vector_load %arg6[%get3A_1464, %get3A_1465] {strides = array<i32>} : memref<50x128xf32, #tpu.memory_space<vmem>>, vector<1x16xf32>,
      %get3A_1467 = vector.shape_cast %get3A_1466 : vector<1x16xf32> to vector<16xf32>
      %get3A_1468 = arith.constant 42 : i32
      %get3A_1469 = arith.index_cast %get3A_1468 : i32 to index
      %get3A_1470 = arith.constant 64 : index
      %get3A_1471 = tpu.vector_load %arg6[%get3A_1469, %get3A_1470] {strides = array<i32>} : memref<50x128xf32, #tpu.memory_space<vmem>>, vector<1x16xf32>,
      %get3A_1472 = vector.shape_cast %get3A_1471 : vector<1x16xf32> to vector<16xf32>
      %get3A_1473 = arith.constant 43 : i32
      %get3A_1474 = arith.index_cast %get3A_1473 : i32 to index
      %get3A_1475 = arith.constant 64 : index
      %get3A_1476 = tpu.vector_load %arg6[%get3A_1474, %get3A_1475] {strides = array<i32>} : memref<50x128xf32, #tpu.memory_space<vmem>>, vector<1x16xf32>,
      %get3A_1477 = vector.shape_cast %get3A_1476 : vector<1x16xf32> to vector<16xf32>
      %get3A_1478 = arith.constant 44 : i32
      %get3A_1479 = arith.index_cast %get3A_1478 : i32 to index
      %get3A_1480 = arith.constant 64 : index
      %get3A_1481 = tpu.vector_load %arg6[%get3A_1479, %get3A_1480] {strides = array<i32>} : memref<50x128xf32, #tpu.memory_space<vmem>>, vector<1x16xf32>,
      %get3A_1482 = vector.shape_cast %get3A_1481 : vector<1x16xf32> to vector<16xf32>
      %get3A_1483 = arith.constant 45 : i32
      %get3A_1484 = arith.index_cast %get3A_1483 : i32 to index
      %get3A_1485 = arith.constant 64 : index
      %get3A_1486 = tpu.vector_load %arg6[%get3A_1484, %get3A_1485] {strides = array<i32>} : memref<50x128xf32, #tpu.memory_space<vmem>>, vector<1x16xf32>,
      %get3A_1487 = vector.shape_cast %get3A_1486 : vector<1x16xf32> to vector<16xf32>
      %get3A_1488 = arith.constant 46 : i32
      %get3A_1489 = arith.index_cast %get3A_1488 : i32 to index
      %get3A_1490 = arith.constant 64 : index
      %get3A_1491 = tpu.vector_load %arg6[%get3A_1489, %get3A_1490] {strides = array<i32>} : memref<50x128xf32, #tpu.memory_space<vmem>>, vector<1x16xf32>,
      %get3A_1492 = vector.shape_cast %get3A_1491 : vector<1x16xf32> to vector<16xf32>
      %get3A_1493 = arith.constant 47 : i32
      %get3A_1494 = arith.index_cast %get3A_1493 : i32 to index
      %get3A_1495 = arith.constant 64 : index
      %get3A_1496 = tpu.vector_load %arg6[%get3A_1494, %get3A_1495] {strides = array<i32>} : memref<50x128xf32, #tpu.memory_space<vmem>>, vector<1x16xf32>,
      %get3A_1497 = vector.shape_cast %get3A_1496 : vector<1x16xf32> to vector<16xf32>
      %get3A_1498 = arith.constant 48 : i32
      %get3A_1499 = arith.index_cast %get3A_1498 : i32 to index
      %get3A_1500 = arith.constant 64 : index
      %get3A_1501 = tpu.vector_load %arg6[%get3A_1499, %get3A_1500] {strides = array<i32>} : memref<50x128xf32, #tpu.memory_space<vmem>>, vector<1x16xf32>,
      %get3A_1502 = vector.shape_cast %get3A_1501 : vector<1x16xf32> to vector<16xf32>
      %get3A_1503 = arith.constant 49 : i32
      %get3A_1504 = arith.index_cast %get3A_1503 : i32 to index
      %get3A_1505 = arith.constant 64 : index
      %get3A_1506 = tpu.vector_load %arg6[%get3A_1504, %get3A_1505] {strides = array<i32>} : memref<50x128xf32, #tpu.memory_space<vmem>>, vector<1x16xf32>,
      %get3A_1507 = vector.shape_cast %get3A_1506 : vector<1x16xf32> to vector<16xf32>
      %add3A_1508 = arith.addf %get3A_1262, %get3A_1267 : vector<16xf32>
      %add3A_1509 = arith.addf %get3A_1272, %get3A_1277 : vector<16xf32>
      %add3A_1510 = arith.addf %get3A_1282, %get3A_1287 : vector<16xf32>
      %add3A_1511 = arith.addf %get3A_1292, %get3A_1297 : vector<16xf32>
      %add3A_1512 = arith.addf %get3A_1302, %get3A_1307 : vector<16xf32>
      %add3A_1513 = arith.addf %get3A_1312, %get3A_1317 : vector<16xf32>
      %add3A_1514 = arith.addf %get3A_1322, %get3A_1327 : vector<16xf32>
      %add3A_1515 = arith.addf %get3A_1332, %get3A_1337 : vector<16xf32>
      %add3A_1516 = arith.addf %get3A_1342, %get3A_1347 : vector<16xf32>
      %add3A_1517 = arith.addf %get3A_1352, %get3A_1357 : vector<16xf32>
      %add3A_1518 = arith.addf %get3A_1362, %get3A_1367 : vector<16xf32>
      %add3A_1519 = arith.addf %get3A_1372, %get3A_1377 : vector<16xf32>
      %add3A_1520 = arith.addf %get3A_1382, %get3A_1387 : vector<16xf32>
      %add3A_1521 = arith.addf %get3A_1392, %get3A_1397 : vector<16xf32>
      %add3A_1522 = arith.addf %get3A_1402, %get3A_1407 : vector<16xf32>
      %add3A_1523 = arith.addf %get3A_1412, %get3A_1417 : vector<16xf32>
      %add3A_1524 = arith.addf %get3A_1422, %get3A_1427 : vector<16xf32>
      %add3A_1525 = arith.addf %get3A_1432, %get3A_1437 : vector<16xf32>
      %add3A_1526 = arith.addf %get3A_1442, %get3A_1447 : vector<16xf32>
      %add3A_1527 = arith.addf %get3A_1452, %get3A_1457 : vector<16xf32>
      %add3A_1528 = arith.addf %get3A_1462, %get3A_1467 : vector<16xf32>
      %add3A_1529 = arith.addf %get3A_1472, %get3A_1477 : vector<16xf32>
      %add3A_1530 = arith.addf %get3A_1482, %get3A_1487 : vector<16xf32>
      %add3A_1531 = arith.addf %get3A_1492, %get3A_1497 : vector<16xf32>
      %add3A_1532 = arith.addf %get3A_1502, %get3A_1507 : vector<16xf32>
      %add3A_1533 = arith.addf %add3A_1508, %add3A_1509 : vector<16xf32>
      %add3A_1534 = arith.addf %add3A_1510, %add3A_1511 : vector<16xf32>
      %add3A_1535 = arith.addf %add3A_1512, %add3A_1513 : vector<16xf32>
      %add3A_1536 = arith.addf %add3A_1514, %add3A_1515 : vector<16xf32>
      %add3A_1537 = arith.addf %add3A_1516, %add3A_1517 : vector<16xf32>
      %add3A_1538 = arith.addf %add3A_1518, %add3A_1519 : vector<16xf32>
      %add3A_1539 = arith.addf %add3A_1520, %add3A_1521 : vector<16xf32>
      %add3A_1540 = arith.addf %add3A_1522, %add3A_1523 : vector<16xf32>
      %add3A_1541 = arith.addf %add3A_1524, %add3A_1525 : vector<16xf32>
      %add3A_1542 = arith.addf %add3A_1526, %add3A_1527 : vector<16xf32>
      %add3A_1543 = arith.addf %add3A_1528, %add3A_1529 : vector<16xf32>
      %add3A_1544 = arith.addf %add3A_1530, %add3A_1531 : vector<16xf32>
      %add3A_1545 = arith.addf %add3A_1533, %add3A_1534 : vector<16xf32>
      %add3A_1546 = arith.addf %add3A_1535, %add3A_1536 : vector<16xf32>
      %add3A_1547 = arith.addf %add3A_1537, %add3A_1538 : vector<16xf32>
      %add3A_1548 = arith.addf %add3A_1539, %add3A_1540 : vector<16xf32>
      %add3A_1549 = arith.addf %add3A_1541, %add3A_1542 : vector<16xf32>
      %add3A_1550 = arith.addf %add3A_1543, %add3A_1544 : vector<16xf32>
      %add3A_1551 = arith.addf %add3A_1545, %add3A_1546 : vector<16xf32>
      %add3A_1552 = arith.addf %add3A_1547, %add3A_1548 : vector<16xf32>
      %add3A_1553 = arith.addf %add3A_1549, %add3A_1550 : vector<16xf32>
      %add3A_1554 = arith.addf %add3A_1551, %add3A_1552 : vector<16xf32>
      %add3A_1555 = arith.addf %add3A_1553, %add3A_1532 : vector<16xf32>
      %add3A_1556 = arith.addf %add3A_1554, %add3A_1555 : vector<16xf32>
      %mul3A_1557 = arith.constant 2.000000e-02 : f32
      %mul3A_1558 = vector.broadcast %mul3A_1557 : f32 to vector<16xf32>
      %mul3A_1559 = arith.mulf %add3A_1556, %mul3A_1558 : vector<16xf32>
      %swap3A_1560 = arith.index_cast %mul3A_18 : i32 to index
      %swap3A_1561 = arith.constant 64 : index
      %swap3A_1562 = tpu.vector_load %arg8[%swap3A_1560, %swap3A_1561] {strides = array<i32>} : memref<32x128xf32, #tpu.memory_space<vmem>>, vector<1x16xf32>,
      %swap3A_1563 = vector.shape_cast %swap3A_1562 : vector<1x16xf32> to vector<16xf32>
      %swap3A_1564 = vector.shape_cast %mul3A_1559 : vector<16xf32> to vector<1x16xf32>
      tpu.vector_store %arg8[%swap3A_1560, %swap3A_1561], %swap3A_1564 {strides = array<i32>} : memref<32x128xf32, #tpu.memory_space<vmem>>, vector<1x16xf32>,
      %get3A_1565 = arith.constant 0 : i32
      %get3A_1566 = arith.index_cast %get3A_1565 : i32 to index
      %get3A_1567 = arith.constant 80 : index
      %get3A_1568 = tpu.vector_load %arg6[%get3A_1566, %get3A_1567] {strides = array<i32>} : memref<50x128xf32, #tpu.memory_space<vmem>>, vector<1x16xf32>,
      %get3A_1569 = vector.shape_cast %get3A_1568 : vector<1x16xf32> to vector<16xf32>
      %get3A_1570 = arith.constant 1 : i32
      %get3A_1571 = arith.index_cast %get3A_1570 : i32 to index
      %get3A_1572 = arith.constant 80 : index
      %get3A_1573 = tpu.vector_load %arg6[%get3A_1571, %get3A_1572] {strides = array<i32>} : memref<50x128xf32, #tpu.memory_space<vmem>>, vector<1x16xf32>,
      %get3A_1574 = vector.shape_cast %get3A_1573 : vector<1x16xf32> to vector<16xf32>
      %get3A_1575 = arith.constant 2 : i32
      %get3A_1576 = arith.index_cast %get3A_1575 : i32 to index
      %get3A_1577 = arith.constant 80 : index
      %get3A_1578 = tpu.vector_load %arg6[%get3A_1576, %get3A_1577] {strides = array<i32>} : memref<50x128xf32, #tpu.memory_space<vmem>>, vector<1x16xf32>,
      %get3A_1579 = vector.shape_cast %get3A_1578 : vector<1x16xf32> to vector<16xf32>
      %get3A_1580 = arith.constant 3 : i32
      %get3A_1581 = arith.index_cast %get3A_1580 : i32 to index
      %get3A_1582 = arith.constant 80 : index
      %get3A_1583 = tpu.vector_load %arg6[%get3A_1581, %get3A_1582] {strides = array<i32>} : memref<50x128xf32, #tpu.memory_space<vmem>>, vector<1x16xf32>,
      %get3A_1584 = vector.shape_cast %get3A_1583 : vector<1x16xf32> to vector<16xf32>
      %get3A_1585 = arith.constant 4 : i32
      %get3A_1586 = arith.index_cast %get3A_1585 : i32 to index
      %get3A_1587 = arith.constant 80 : index
      %get3A_1588 = tpu.vector_load %arg6[%get3A_1586, %get3A_1587] {strides = array<i32>} : memref<50x128xf32, #tpu.memory_space<vmem>>, vector<1x16xf32>,
      %get3A_1589 = vector.shape_cast %get3A_1588 : vector<1x16xf32> to vector<16xf32>
      %get3A_1590 = arith.constant 5 : i32
      %get3A_1591 = arith.index_cast %get3A_1590 : i32 to index
      %get3A_1592 = arith.constant 80 : index
      %get3A_1593 = tpu.vector_load %arg6[%get3A_1591, %get3A_1592] {strides = array<i32>} : memref<50x128xf32, #tpu.memory_space<vmem>>, vector<1x16xf32>,
      %get3A_1594 = vector.shape_cast %get3A_1593 : vector<1x16xf32> to vector<16xf32>
      %get3A_1595 = arith.constant 6 : i32
      %get3A_1596 = arith.index_cast %get3A_1595 : i32 to index
      %get3A_1597 = arith.constant 80 : index
      %get3A_1598 = tpu.vector_load %arg6[%get3A_1596, %get3A_1597] {strides = array<i32>} : memref<50x128xf32, #tpu.memory_space<vmem>>, vector<1x16xf32>,
      %get3A_1599 = vector.shape_cast %get3A_1598 : vector<1x16xf32> to vector<16xf32>
      %get3A_1600 = arith.constant 7 : i32
      %get3A_1601 = arith.index_cast %get3A_1600 : i32 to index
      %get3A_1602 = arith.constant 80 : index
      %get3A_1603 = tpu.vector_load %arg6[%get3A_1601, %get3A_1602] {strides = array<i32>} : memref<50x128xf32, #tpu.memory_space<vmem>>, vector<1x16xf32>,
      %get3A_1604 = vector.shape_cast %get3A_1603 : vector<1x16xf32> to vector<16xf32>
      %get3A_1605 = arith.constant 8 : i32
      %get3A_1606 = arith.index_cast %get3A_1605 : i32 to index
      %get3A_1607 = arith.constant 80 : index
      %get3A_1608 = tpu.vector_load %arg6[%get3A_1606, %get3A_1607] {strides = array<i32>} : memref<50x128xf32, #tpu.memory_space<vmem>>, vector<1x16xf32>,
      %get3A_1609 = vector.shape_cast %get3A_1608 : vector<1x16xf32> to vector<16xf32>
      %get3A_1610 = arith.constant 9 : i32
      %get3A_1611 = arith.index_cast %get3A_1610 : i32 to index
      %get3A_1612 = arith.constant 80 : index
      %get3A_1613 = tpu.vector_load %arg6[%get3A_1611, %get3A_1612] {strides = array<i32>} : memref<50x128xf32, #tpu.memory_space<vmem>>, vector<1x16xf32>,
      %get3A_1614 = vector.shape_cast %get3A_1613 : vector<1x16xf32> to vector<16xf32>
      %get3A_1615 = arith.constant 10 : i32
      %get3A_1616 = arith.index_cast %get3A_1615 : i32 to index
      %get3A_1617 = arith.constant 80 : index
      %get3A_1618 = tpu.vector_load %arg6[%get3A_1616, %get3A_1617] {strides = array<i32>} : memref<50x128xf32, #tpu.memory_space<vmem>>, vector<1x16xf32>,
      %get3A_1619 = vector.shape_cast %get3A_1618 : vector<1x16xf32> to vector<16xf32>
      %get3A_1620 = arith.constant 11 : i32
      %get3A_1621 = arith.index_cast %get3A_1620 : i32 to index
      %get3A_1622 = arith.constant 80 : index
      %get3A_1623 = tpu.vector_load %arg6[%get3A_1621, %get3A_1622] {strides = array<i32>} : memref<50x128xf32, #tpu.memory_space<vmem>>, vector<1x16xf32>,
      %get3A_1624 = vector.shape_cast %get3A_1623 : vector<1x16xf32> to vector<16xf32>
      %get3A_1625 = arith.constant 12 : i32
      %get3A_1626 = arith.index_cast %get3A_1625 : i32 to index
      %get3A_1627 = arith.constant 80 : index
      %get3A_1628 = tpu.vector_load %arg6[%get3A_1626, %get3A_1627] {strides = array<i32>} : memref<50x128xf32, #tpu.memory_space<vmem>>, vector<1x16xf32>,
      %get3A_1629 = vector.shape_cast %get3A_1628 : vector<1x16xf32> to vector<16xf32>
      %get3A_1630 = arith.constant 13 : i32
      %get3A_1631 = arith.index_cast %get3A_1630 : i32 to index
      %get3A_1632 = arith.constant 80 : index
      %get3A_1633 = tpu.vector_load %arg6[%get3A_1631, %get3A_1632] {strides = array<i32>} : memref<50x128xf32, #tpu.memory_space<vmem>>, vector<1x16xf32>,
      %get3A_1634 = vector.shape_cast %get3A_1633 : vector<1x16xf32> to vector<16xf32>
      %get3A_1635 = arith.constant 14 : i32
      %get3A_1636 = arith.index_cast %get3A_1635 : i32 to index
      %get3A_1637 = arith.constant 80 : index
      %get3A_1638 = tpu.vector_load %arg6[%get3A_1636, %get3A_1637] {strides = array<i32>} : memref<50x128xf32, #tpu.memory_space<vmem>>, vector<1x16xf32>,
      %get3A_1639 = vector.shape_cast %get3A_1638 : vector<1x16xf32> to vector<16xf32>
      %get3A_1640 = arith.constant 15 : i32
      %get3A_1641 = arith.index_cast %get3A_1640 : i32 to index
      %get3A_1642 = arith.constant 80 : index
      %get3A_1643 = tpu.vector_load %arg6[%get3A_1641, %get3A_1642] {strides = array<i32>} : memref<50x128xf32, #tpu.memory_space<vmem>>, vector<1x16xf32>,
      %get3A_1644 = vector.shape_cast %get3A_1643 : vector<1x16xf32> to vector<16xf32>
      %get3A_1645 = arith.constant 16 : i32
      %get3A_1646 = arith.index_cast %get3A_1645 : i32 to index
      %get3A_1647 = arith.constant 80 : index
      %get3A_1648 = tpu.vector_load %arg6[%get3A_1646, %get3A_1647] {strides = array<i32>} : memref<50x128xf32, #tpu.memory_space<vmem>>, vector<1x16xf32>,
      %get3A_1649 = vector.shape_cast %get3A_1648 : vector<1x16xf32> to vector<16xf32>
      %get3A_1650 = arith.constant 17 : i32
      %get3A_1651 = arith.index_cast %get3A_1650 : i32 to index
      %get3A_1652 = arith.constant 80 : index
      %get3A_1653 = tpu.vector_load %arg6[%get3A_1651, %get3A_1652] {strides = array<i32>} : memref<50x128xf32, #tpu.memory_space<vmem>>, vector<1x16xf32>,
      %get3A_1654 = vector.shape_cast %get3A_1653 : vector<1x16xf32> to vector<16xf32>
      %get3A_1655 = arith.constant 18 : i32
      %get3A_1656 = arith.index_cast %get3A_1655 : i32 to index
      %get3A_1657 = arith.constant 80 : index
      %get3A_1658 = tpu.vector_load %arg6[%get3A_1656, %get3A_1657] {strides = array<i32>} : memref<50x128xf32, #tpu.memory_space<vmem>>, vector<1x16xf32>,
      %get3A_1659 = vector.shape_cast %get3A_1658 : vector<1x16xf32> to vector<16xf32>
      %get3A_1660 = arith.constant 19 : i32
      %get3A_1661 = arith.index_cast %get3A_1660 : i32 to index
      %get3A_1662 = arith.constant 80 : index
      %get3A_1663 = tpu.vector_load %arg6[%get3A_1661, %get3A_1662] {strides = array<i32>} : memref<50x128xf32, #tpu.memory_space<vmem>>, vector<1x16xf32>,
      %get3A_1664 = vector.shape_cast %get3A_1663 : vector<1x16xf32> to vector<16xf32>
      %get3A_1665 = arith.constant 20 : i32
      %get3A_1666 = arith.index_cast %get3A_1665 : i32 to index
      %get3A_1667 = arith.constant 80 : index
      %get3A_1668 = tpu.vector_load %arg6[%get3A_1666, %get3A_1667] {strides = array<i32>} : memref<50x128xf32, #tpu.memory_space<vmem>>, vector<1x16xf32>,
      %get3A_1669 = vector.shape_cast %get3A_1668 : vector<1x16xf32> to vector<16xf32>
      %get3A_1670 = arith.constant 21 : i32
      %get3A_1671 = arith.index_cast %get3A_1670 : i32 to index
      %get3A_1672 = arith.constant 80 : index
      %get3A_1673 = tpu.vector_load %arg6[%get3A_1671, %get3A_1672] {strides = array<i32>} : memref<50x128xf32, #tpu.memory_space<vmem>>, vector<1x16xf32>,
      %get3A_1674 = vector.shape_cast %get3A_1673 : vector<1x16xf32> to vector<16xf32>
      %get3A_1675 = arith.constant 22 : i32
      %get3A_1676 = arith.index_cast %get3A_1675 : i32 to index
      %get3A_1677 = arith.constant 80 : index
      %get3A_1678 = tpu.vector_load %arg6[%get3A_1676, %get3A_1677] {strides = array<i32>} : memref<50x128xf32, #tpu.memory_space<vmem>>, vector<1x16xf32>,
      %get3A_1679 = vector.shape_cast %get3A_1678 : vector<1x16xf32> to vector<16xf32>
      %get3A_1680 = arith.constant 23 : i32
      %get3A_1681 = arith.index_cast %get3A_1680 : i32 to index
      %get3A_1682 = arith.constant 80 : index
      %get3A_1683 = tpu.vector_load %arg6[%get3A_1681, %get3A_1682] {strides = array<i32>} : memref<50x128xf32, #tpu.memory_space<vmem>>, vector<1x16xf32>,
      %get3A_1684 = vector.shape_cast %get3A_1683 : vector<1x16xf32> to vector<16xf32>
      %get3A_1685 = arith.constant 24 : i32
      %get3A_1686 = arith.index_cast %get3A_1685 : i32 to index
      %get3A_1687 = arith.constant 80 : index
      %get3A_1688 = tpu.vector_load %arg6[%get3A_1686, %get3A_1687] {strides = array<i32>} : memref<50x128xf32, #tpu.memory_space<vmem>>, vector<1x16xf32>,
      %get3A_1689 = vector.shape_cast %get3A_1688 : vector<1x16xf32> to vector<16xf32>
      %get3A_1690 = arith.constant 25 : i32
      %get3A_1691 = arith.index_cast %get3A_1690 : i32 to index
      %get3A_1692 = arith.constant 80 : index
      %get3A_1693 = tpu.vector_load %arg6[%get3A_1691, %get3A_1692] {strides = array<i32>} : memref<50x128xf32, #tpu.memory_space<vmem>>, vector<1x16xf32>,
      %get3A_1694 = vector.shape_cast %get3A_1693 : vector<1x16xf32> to vector<16xf32>
      %get3A_1695 = arith.constant 26 : i32
      %get3A_1696 = arith.index_cast %get3A_1695 : i32 to index
      %get3A_1697 = arith.constant 80 : index
      %get3A_1698 = tpu.vector_load %arg6[%get3A_1696, %get3A_1697] {strides = array<i32>} : memref<50x128xf32, #tpu.memory_space<vmem>>, vector<1x16xf32>,
      %get3A_1699 = vector.shape_cast %get3A_1698 : vector<1x16xf32> to vector<16xf32>
      %get3A_1700 = arith.constant 27 : i32
      %get3A_1701 = arith.index_cast %get3A_1700 : i32 to index
      %get3A_1702 = arith.constant 80 : index
      %get3A_1703 = tpu.vector_load %arg6[%get3A_1701, %get3A_1702] {strides = array<i32>} : memref<50x128xf32, #tpu.memory_space<vmem>>, vector<1x16xf32>,
      %get3A_1704 = vector.shape_cast %get3A_1703 : vector<1x16xf32> to vector<16xf32>
      %get3A_1705 = arith.constant 28 : i32
      %get3A_1706 = arith.index_cast %get3A_1705 : i32 to index
      %get3A_1707 = arith.constant 80 : index
      %get3A_1708 = tpu.vector_load %arg6[%get3A_1706, %get3A_1707] {strides = array<i32>} : memref<50x128xf32, #tpu.memory_space<vmem>>, vector<1x16xf32>,
      %get3A_1709 = vector.shape_cast %get3A_1708 : vector<1x16xf32> to vector<16xf32>
      %get3A_1710 = arith.constant 29 : i32
      %get3A_1711 = arith.index_cast %get3A_1710 : i32 to index
      %get3A_1712 = arith.constant 80 : index
      %get3A_1713 = tpu.vector_load %arg6[%get3A_1711, %get3A_1712] {strides = array<i32>} : memref<50x128xf32, #tpu.memory_space<vmem>>, vector<1x16xf32>,
      %get3A_1714 = vector.shape_cast %get3A_1713 : vector<1x16xf32> to vector<16xf32>
      %get3A_1715 = arith.constant 30 : i32
      %get3A_1716 = arith.index_cast %get3A_1715 : i32 to index
      %get3A_1717 = arith.constant 80 : index
      %get3A_1718 = tpu.vector_load %arg6[%get3A_1716, %get3A_1717] {strides = array<i32>} : memref<50x128xf32, #tpu.memory_space<vmem>>, vector<1x16xf32>,
      %get3A_1719 = vector.shape_cast %get3A_1718 : vector<1x16xf32> to vector<16xf32>
      %get3A_1720 = arith.constant 31 : i32
      %get3A_1721 = arith.index_cast %get3A_1720 : i32 to index
      %get3A_1722 = arith.constant 80 : index
      %get3A_1723 = tpu.vector_load %arg6[%get3A_1721, %get3A_1722] {strides = array<i32>} : memref<50x128xf32, #tpu.memory_space<vmem>>, vector<1x16xf32>,
      %get3A_1724 = vector.shape_cast %get3A_1723 : vector<1x16xf32> to vector<16xf32>
      %get3A_1725 = arith.constant 32 : i32
      %get3A_1726 = arith.index_cast %get3A_1725 : i32 to index
      %get3A_1727 = arith.constant 80 : index
      %get3A_1728 = tpu.vector_load %arg6[%get3A_1726, %get3A_1727] {strides = array<i32>} : memref<50x128xf32, #tpu.memory_space<vmem>>, vector<1x16xf32>,
      %get3A_1729 = vector.shape_cast %get3A_1728 : vector<1x16xf32> to vector<16xf32>
      %get3A_1730 = arith.constant 33 : i32
      %get3A_1731 = arith.index_cast %get3A_1730 : i32 to index
      %get3A_1732 = arith.constant 80 : index
      %get3A_1733 = tpu.vector_load %arg6[%get3A_1731, %get3A_1732] {strides = array<i32>} : memref<50x128xf32, #tpu.memory_space<vmem>>, vector<1x16xf32>,
      %get3A_1734 = vector.shape_cast %get3A_1733 : vector<1x16xf32> to vector<16xf32>
      %get3A_1735 = arith.constant 34 : i32
      %get3A_1736 = arith.index_cast %get3A_1735 : i32 to index
      %get3A_1737 = arith.constant 80 : index
      %get3A_1738 = tpu.vector_load %arg6[%get3A_1736, %get3A_1737] {strides = array<i32>} : memref<50x128xf32, #tpu.memory_space<vmem>>, vector<1x16xf32>,
      %get3A_1739 = vector.shape_cast %get3A_1738 : vector<1x16xf32> to vector<16xf32>
      %get3A_1740 = arith.constant 35 : i32
      %get3A_1741 = arith.index_cast %get3A_1740 : i32 to index
      %get3A_1742 = arith.constant 80 : index
      %get3A_1743 = tpu.vector_load %arg6[%get3A_1741, %get3A_1742] {strides = array<i32>} : memref<50x128xf32, #tpu.memory_space<vmem>>, vector<1x16xf32>,
      %get3A_1744 = vector.shape_cast %get3A_1743 : vector<1x16xf32> to vector<16xf32>
      %get3A_1745 = arith.constant 36 : i32
      %get3A_1746 = arith.index_cast %get3A_1745 : i32 to index
      %get3A_1747 = arith.constant 80 : index
      %get3A_1748 = tpu.vector_load %arg6[%get3A_1746, %get3A_1747] {strides = array<i32>} : memref<50x128xf32, #tpu.memory_space<vmem>>, vector<1x16xf32>,
      %get3A_1749 = vector.shape_cast %get3A_1748 : vector<1x16xf32> to vector<16xf32>
      %get3A_1750 = arith.constant 37 : i32
      %get3A_1751 = arith.index_cast %get3A_1750 : i32 to index
      %get3A_1752 = arith.constant 80 : index
      %get3A_1753 = tpu.vector_load %arg6[%get3A_1751, %get3A_1752] {strides = array<i32>} : memref<50x128xf32, #tpu.memory_space<vmem>>, vector<1x16xf32>,
      %get3A_1754 = vector.shape_cast %get3A_1753 : vector<1x16xf32> to vector<16xf32>
      %get3A_1755 = arith.constant 38 : i32
      %get3A_1756 = arith.index_cast %get3A_1755 : i32 to index
      %get3A_1757 = arith.constant 80 : index
      %get3A_1758 = tpu.vector_load %arg6[%get3A_1756, %get3A_1757] {strides = array<i32>} : memref<50x128xf32, #tpu.memory_space<vmem>>, vector<1x16xf32>,
      %get3A_1759 = vector.shape_cast %get3A_1758 : vector<1x16xf32> to vector<16xf32>
      %get3A_1760 = arith.constant 39 : i32
      %get3A_1761 = arith.index_cast %get3A_1760 : i32 to index
      %get3A_1762 = arith.constant 80 : index
      %get3A_1763 = tpu.vector_load %arg6[%get3A_1761, %get3A_1762] {strides = array<i32>} : memref<50x128xf32, #tpu.memory_space<vmem>>, vector<1x16xf32>,
      %get3A_1764 = vector.shape_cast %get3A_1763 : vector<1x16xf32> to vector<16xf32>
      %get3A_1765 = arith.constant 40 : i32
      %get3A_1766 = arith.index_cast %get3A_1765 : i32 to index
      %get3A_1767 = arith.constant 80 : index
      %get3A_1768 = tpu.vector_load %arg6[%get3A_1766, %get3A_1767] {strides = array<i32>} : memref<50x128xf32, #tpu.memory_space<vmem>>, vector<1x16xf32>,
      %get3A_1769 = vector.shape_cast %get3A_1768 : vector<1x16xf32> to vector<16xf32>
      %get3A_1770 = arith.constant 41 : i32
      %get3A_1771 = arith.index_cast %get3A_1770 : i32 to index
      %get3A_1772 = arith.constant 80 : index
      %get3A_1773 = tpu.vector_load %arg6[%get3A_1771, %get3A_1772] {strides = array<i32>} : memref<50x128xf32, #tpu.memory_space<vmem>>, vector<1x16xf32>,
      %get3A_1774 = vector.shape_cast %get3A_1773 : vector<1x16xf32> to vector<16xf32>
      %get3A_1775 = arith.constant 42 : i32
      %get3A_1776 = arith.index_cast %get3A_1775 : i32 to index
      %get3A_1777 = arith.constant 80 : index
      %get3A_1778 = tpu.vector_load %arg6[%get3A_1776, %get3A_1777] {strides = array<i32>} : memref<50x128xf32, #tpu.memory_space<vmem>>, vector<1x16xf32>,
      %get3A_1779 = vector.shape_cast %get3A_1778 : vector<1x16xf32> to vector<16xf32>
      %get3A_1780 = arith.constant 43 : i32
      %get3A_1781 = arith.index_cast %get3A_1780 : i32 to index
      %get3A_1782 = arith.constant 80 : index
      %get3A_1783 = tpu.vector_load %arg6[%get3A_1781, %get3A_1782] {strides = array<i32>} : memref<50x128xf32, #tpu.memory_space<vmem>>, vector<1x16xf32>,
      %get3A_1784 = vector.shape_cast %get3A_1783 : vector<1x16xf32> to vector<16xf32>
      %get3A_1785 = arith.constant 44 : i32
      %get3A_1786 = arith.index_cast %get3A_1785 : i32 to index
      %get3A_1787 = arith.constant 80 : index
      %get3A_1788 = tpu.vector_load %arg6[%get3A_1786, %get3A_1787] {strides = array<i32>} : memref<50x128xf32, #tpu.memory_space<vmem>>, vector<1x16xf32>,
      %get3A_1789 = vector.shape_cast %get3A_1788 : vector<1x16xf32> to vector<16xf32>
      %get3A_1790 = arith.constant 45 : i32
      %get3A_1791 = arith.index_cast %get3A_1790 : i32 to index
      %get3A_1792 = arith.constant 80 : index
      %get3A_1793 = tpu.vector_load %arg6[%get3A_1791, %get3A_1792] {strides = array<i32>} : memref<50x128xf32, #tpu.memory_space<vmem>>, vector<1x16xf32>,
      %get3A_1794 = vector.shape_cast %get3A_1793 : vector<1x16xf32> to vector<16xf32>
      %get3A_1795 = arith.constant 46 : i32
      %get3A_1796 = arith.index_cast %get3A_1795 : i32 to index
      %get3A_1797 = arith.constant 80 : index
      %get3A_1798 = tpu.vector_load %arg6[%get3A_1796, %get3A_1797] {strides = array<i32>} : memref<50x128xf32, #tpu.memory_space<vmem>>, vector<1x16xf32>,
      %get3A_1799 = vector.shape_cast %get3A_1798 : vector<1x16xf32> to vector<16xf32>
      %get3A_1800 = arith.constant 47 : i32
      %get3A_1801 = arith.index_cast %get3A_1800 : i32 to index
      %get3A_1802 = arith.constant 80 : index
      %get3A_1803 = tpu.vector_load %arg6[%get3A_1801, %get3A_1802] {strides = array<i32>} : memref<50x128xf32, #tpu.memory_space<vmem>>, vector<1x16xf32>,
      %get3A_1804 = vector.shape_cast %get3A_1803 : vector<1x16xf32> to vector<16xf32>
      %get3A_1805 = arith.constant 48 : i32
      %get3A_1806 = arith.index_cast %get3A_1805 : i32 to index
      %get3A_1807 = arith.constant 80 : index
      %get3A_1808 = tpu.vector_load %arg6[%get3A_1806, %get3A_1807] {strides = array<i32>} : memref<50x128xf32, #tpu.memory_space<vmem>>, vector<1x16xf32>,
      %get3A_1809 = vector.shape_cast %get3A_1808 : vector<1x16xf32> to vector<16xf32>
      %get3A_1810 = arith.constant 49 : i32
      %get3A_1811 = arith.index_cast %get3A_1810 : i32 to index
      %get3A_1812 = arith.constant 80 : index
      %get3A_1813 = tpu.vector_load %arg6[%get3A_1811, %get3A_1812] {strides = array<i32>} : memref<50x128xf32, #tpu.memory_space<vmem>>, vector<1x16xf32>,
      %get3A_1814 = vector.shape_cast %get3A_1813 : vector<1x16xf32> to vector<16xf32>
      %add3A_1815 = arith.addf %get3A_1569, %get3A_1574 : vector<16xf32>
      %add3A_1816 = arith.addf %get3A_1579, %get3A_1584 : vector<16xf32>
      %add3A_1817 = arith.addf %get3A_1589, %get3A_1594 : vector<16xf32>
      %add3A_1818 = arith.addf %get3A_1599, %get3A_1604 : vector<16xf32>
      %add3A_1819 = arith.addf %get3A_1609, %get3A_1614 : vector<16xf32>
      %add3A_1820 = arith.addf %get3A_1619, %get3A_1624 : vector<16xf32>
      %add3A_1821 = arith.addf %get3A_1629, %get3A_1634 : vector<16xf32>
      %add3A_1822 = arith.addf %get3A_1639, %get3A_1644 : vector<16xf32>
      %add3A_1823 = arith.addf %get3A_1649, %get3A_1654 : vector<16xf32>
      %add3A_1824 = arith.addf %get3A_1659, %get3A_1664 : vector<16xf32>
      %add3A_1825 = arith.addf %get3A_1669, %get3A_1674 : vector<16xf32>
      %add3A_1826 = arith.addf %get3A_1679, %get3A_1684 : vector<16xf32>
      %add3A_1827 = arith.addf %get3A_1689, %get3A_1694 : vector<16xf32>
      %add3A_1828 = arith.addf %get3A_1699, %get3A_1704 : vector<16xf32>
      %add3A_1829 = arith.addf %get3A_1709, %get3A_1714 : vector<16xf32>
      %add3A_1830 = arith.addf %get3A_1719, %get3A_1724 : vector<16xf32>
      %add3A_1831 = arith.addf %get3A_1729, %get3A_1734 : vector<16xf32>
      %add3A_1832 = arith.addf %get3A_1739, %get3A_1744 : vector<16xf32>
      %add3A_1833 = arith.addf %get3A_1749, %get3A_1754 : vector<16xf32>
      %add3A_1834 = arith.addf %get3A_1759, %get3A_1764 : vector<16xf32>
      %add3A_1835 = arith.addf %get3A_1769, %get3A_1774 : vector<16xf32>
      %add3A_1836 = arith.addf %get3A_1779, %get3A_1784 : vector<16xf32>
      %add3A_1837 = arith.addf %get3A_1789, %get3A_1794 : vector<16xf32>
      %add3A_1838 = arith.addf %get3A_1799, %get3A_1804 : vector<16xf32>
      %add3A_1839 = arith.addf %get3A_1809, %get3A_1814 : vector<16xf32>
      %add3A_1840 = arith.addf %add3A_1815, %add3A_1816 : vector<16xf32>
      %add3A_1841 = arith.addf %add3A_1817, %add3A_1818 : vector<16xf32>
      %add3A_1842 = arith.addf %add3A_1819, %add3A_1820 : vector<16xf32>
      %add3A_1843 = arith.addf %add3A_1821, %add3A_1822 : vector<16xf32>
      %add3A_1844 = arith.addf %add3A_1823, %add3A_1824 : vector<16xf32>
      %add3A_1845 = arith.addf %add3A_1825, %add3A_1826 : vector<16xf32>
      %add3A_1846 = arith.addf %add3A_1827, %add3A_1828 : vector<16xf32>
      %add3A_1847 = arith.addf %add3A_1829, %add3A_1830 : vector<16xf32>
      %add3A_1848 = arith.addf %add3A_1831, %add3A_1832 : vector<16xf32>
      %add3A_1849 = arith.addf %add3A_1833, %add3A_1834 : vector<16xf32>
      %add3A_1850 = arith.addf %add3A_1835, %add3A_1836 : vector<16xf32>
      %add3A_1851 = arith.addf %add3A_1837, %add3A_1838 : vector<16xf32>
      %add3A_1852 = arith.addf %add3A_1840, %add3A_1841 : vector<16xf32>
      %add3A_1853 = arith.addf %add3A_1842, %add3A_1843 : vector<16xf32>
      %add3A_1854 = arith.addf %add3A_1844, %add3A_1845 : vector<16xf32>
      %add3A_1855 = arith.addf %add3A_1846, %add3A_1847 : vector<16xf32>
      %add3A_1856 = arith.addf %add3A_1848, %add3A_1849 : vector<16xf32>
      %add3A_1857 = arith.addf %add3A_1850, %add3A_1851 : vector<16xf32>
      %add3A_1858 = arith.addf %add3A_1852, %add3A_1853 : vector<16xf32>
      %add3A_1859 = arith.addf %add3A_1854, %add3A_1855 : vector<16xf32>
      %add3A_1860 = arith.addf %add3A_1856, %add3A_1857 : vector<16xf32>
      %add3A_1861 = arith.addf %add3A_1858, %add3A_1859 : vector<16xf32>
      %add3A_1862 = arith.addf %add3A_1860, %add3A_1839 : vector<16xf32>
      %add3A_1863 = arith.addf %add3A_1861, %add3A_1862 : vector<16xf32>
      %mul3A_1864 = arith.constant 2.000000e-02 : f32
      %mul3A_1865 = vector.broadcast %mul3A_1864 : f32 to vector<16xf32>
      %mul3A_1866 = arith.mulf %add3A_1863, %mul3A_1865 : vector<16xf32>
      %swap3A_1867 = arith.index_cast %mul3A_18 : i32 to index
      %swap3A_1868 = arith.constant 80 : index
      %swap3A_1869 = tpu.vector_load %arg8[%swap3A_1867, %swap3A_1868] {strides = array<i32>} : memref<32x128xf32, #tpu.memory_space<vmem>>, vector<1x16xf32>,
      %swap3A_1870 = vector.shape_cast %swap3A_1869 : vector<1x16xf32> to vector<16xf32>
      %swap3A_1871 = vector.shape_cast %mul3A_1866 : vector<16xf32> to vector<1x16xf32>
      tpu.vector_store %arg8[%swap3A_1867, %swap3A_1868], %swap3A_1871 {strides = array<i32>} : memref<32x128xf32, #tpu.memory_space<vmem>>, vector<1x16xf32>,
      %get3A_1872 = arith.constant 0 : i32
      %get3A_1873 = arith.index_cast %get3A_1872 : i32 to index
      %get3A_1874 = arith.constant 96 : index
      %get3A_1875 = tpu.vector_load %arg6[%get3A_1873, %get3A_1874] {strides = array<i32>} : memref<50x128xf32, #tpu.memory_space<vmem>>, vector<1x16xf32>,
      %get3A_1876 = vector.shape_cast %get3A_1875 : vector<1x16xf32> to vector<16xf32>
      %get3A_1877 = arith.constant 1 : i32
      %get3A_1878 = arith.index_cast %get3A_1877 : i32 to index
      %get3A_1879 = arith.constant 96 : index
      %get3A_1880 = tpu.vector_load %arg6[%get3A_1878, %get3A_1879] {strides = array<i32>} : memref<50x128xf32, #tpu.memory_space<vmem>>, vector<1x16xf32>,
      %get3A_1881 = vector.shape_cast %get3A_1880 : vector<1x16xf32> to vector<16xf32>
      %get3A_1882 = arith.constant 2 : i32
      %get3A_1883 = arith.index_cast %get3A_1882 : i32 to index
      %get3A_1884 = arith.constant 96 : index
      %get3A_1885 = tpu.vector_load %arg6[%get3A_1883, %get3A_1884] {strides = array<i32>} : memref<50x128xf32, #tpu.memory_space<vmem>>, vector<1x16xf32>,
      %get3A_1886 = vector.shape_cast %get3A_1885 : vector<1x16xf32> to vector<16xf32>
      %get3A_1887 = arith.constant 3 : i32
      %get3A_1888 = arith.index_cast %get3A_1887 : i32 to index
      %get3A_1889 = arith.constant 96 : index
      %get3A_1890 = tpu.vector_load %arg6[%get3A_1888, %get3A_1889] {strides = array<i32>} : memref<50x128xf32, #tpu.memory_space<vmem>>, vector<1x16xf32>,
      %get3A_1891 = vector.shape_cast %get3A_1890 : vector<1x16xf32> to vector<16xf32>
      %get3A_1892 = arith.constant 4 : i32
      %get3A_1893 = arith.index_cast %get3A_1892 : i32 to index
      %get3A_1894 = arith.constant 96 : index
      %get3A_1895 = tpu.vector_load %arg6[%get3A_1893, %get3A_1894] {strides = array<i32>} : memref<50x128xf32, #tpu.memory_space<vmem>>, vector<1x16xf32>,
      %get3A_1896 = vector.shape_cast %get3A_1895 : vector<1x16xf32> to vector<16xf32>
      %get3A_1897 = arith.constant 5 : i32
      %get3A_1898 = arith.index_cast %get3A_1897 : i32 to index
      %get3A_1899 = arith.constant 96 : index
      %get3A_1900 = tpu.vector_load %arg6[%get3A_1898, %get3A_1899] {strides = array<i32>} : memref<50x128xf32, #tpu.memory_space<vmem>>, vector<1x16xf32>,
      %get3A_1901 = vector.shape_cast %get3A_1900 : vector<1x16xf32> to vector<16xf32>
      %get3A_1902 = arith.constant 6 : i32
      %get3A_1903 = arith.index_cast %get3A_1902 : i32 to index
      %get3A_1904 = arith.constant 96 : index
      %get3A_1905 = tpu.vector_load %arg6[%get3A_1903, %get3A_1904] {strides = array<i32>} : memref<50x128xf32, #tpu.memory_space<vmem>>, vector<1x16xf32>,
      %get3A_1906 = vector.shape_cast %get3A_1905 : vector<1x16xf32> to vector<16xf32>
      %get3A_1907 = arith.constant 7 : i32
      %get3A_1908 = arith.index_cast %get3A_1907 : i32 to index
      %get3A_1909 = arith.constant 96 : index
      %get3A_1910 = tpu.vector_load %arg6[%get3A_1908, %get3A_1909] {strides = array<i32>} : memref<50x128xf32, #tpu.memory_space<vmem>>, vector<1x16xf32>,
      %get3A_1911 = vector.shape_cast %get3A_1910 : vector<1x16xf32> to vector<16xf32>
      %get3A_1912 = arith.constant 8 : i32
      %get3A_1913 = arith.index_cast %get3A_1912 : i32 to index
      %get3A_1914 = arith.constant 96 : index
      %get3A_1915 = tpu.vector_load %arg6[%get3A_1913, %get3A_1914] {strides = array<i32>} : memref<50x128xf32, #tpu.memory_space<vmem>>, vector<1x16xf32>,
      %get3A_1916 = vector.shape_cast %get3A_1915 : vector<1x16xf32> to vector<16xf32>
      %get3A_1917 = arith.constant 9 : i32
      %get3A_1918 = arith.index_cast %get3A_1917 : i32 to index
      %get3A_1919 = arith.constant 96 : index
      %get3A_1920 = tpu.vector_load %arg6[%get3A_1918, %get3A_1919] {strides = array<i32>} : memref<50x128xf32, #tpu.memory_space<vmem>>, vector<1x16xf32>,
      %get3A_1921 = vector.shape_cast %get3A_1920 : vector<1x16xf32> to vector<16xf32>
      %get3A_1922 = arith.constant 10 : i32
      %get3A_1923 = arith.index_cast %get3A_1922 : i32 to index
      %get3A_1924 = arith.constant 96 : index
      %get3A_1925 = tpu.vector_load %arg6[%get3A_1923, %get3A_1924] {strides = array<i32>} : memref<50x128xf32, #tpu.memory_space<vmem>>, vector<1x16xf32>,
      %get3A_1926 = vector.shape_cast %get3A_1925 : vector<1x16xf32> to vector<16xf32>
      %get3A_1927 = arith.constant 11 : i32
      %get3A_1928 = arith.index_cast %get3A_1927 : i32 to index
      %get3A_1929 = arith.constant 96 : index
      %get3A_1930 = tpu.vector_load %arg6[%get3A_1928, %get3A_1929] {strides = array<i32>} : memref<50x128xf32, #tpu.memory_space<vmem>>, vector<1x16xf32>,
      %get3A_1931 = vector.shape_cast %get3A_1930 : vector<1x16xf32> to vector<16xf32>
      %get3A_1932 = arith.constant 12 : i32
      %get3A_1933 = arith.index_cast %get3A_1932 : i32 to index
      %get3A_1934 = arith.constant 96 : index
      %get3A_1935 = tpu.vector_load %arg6[%get3A_1933, %get3A_1934] {strides = array<i32>} : memref<50x128xf32, #tpu.memory_space<vmem>>, vector<1x16xf32>,
      %get3A_1936 = vector.shape_cast %get3A_1935 : vector<1x16xf32> to vector<16xf32>
      %get3A_1937 = arith.constant 13 : i32
      %get3A_1938 = arith.index_cast %get3A_1937 : i32 to index
      %get3A_1939 = arith.constant 96 : index
      %get3A_1940 = tpu.vector_load %arg6[%get3A_1938, %get3A_1939] {strides = array<i32>} : memref<50x128xf32, #tpu.memory_space<vmem>>, vector<1x16xf32>,
      %get3A_1941 = vector.shape_cast %get3A_1940 : vector<1x16xf32> to vector<16xf32>
      %get3A_1942 = arith.constant 14 : i32
      %get3A_1943 = arith.index_cast %get3A_1942 : i32 to index
      %get3A_1944 = arith.constant 96 : index
      %get3A_1945 = tpu.vector_load %arg6[%get3A_1943, %get3A_1944] {strides = array<i32>} : memref<50x128xf32, #tpu.memory_space<vmem>>, vector<1x16xf32>,
      %get3A_1946 = vector.shape_cast %get3A_1945 : vector<1x16xf32> to vector<16xf32>
      %get3A_1947 = arith.constant 15 : i32
      %get3A_1948 = arith.index_cast %get3A_1947 : i32 to index
      %get3A_1949 = arith.constant 96 : index
      %get3A_1950 = tpu.vector_load %arg6[%get3A_1948, %get3A_1949] {strides = array<i32>} : memref<50x128xf32, #tpu.memory_space<vmem>>, vector<1x16xf32>,
      %get3A_1951 = vector.shape_cast %get3A_1950 : vector<1x16xf32> to vector<16xf32>
      %get3A_1952 = arith.constant 16 : i32
      %get3A_1953 = arith.index_cast %get3A_1952 : i32 to index
      %get3A_1954 = arith.constant 96 : index
      %get3A_1955 = tpu.vector_load %arg6[%get3A_1953, %get3A_1954] {strides = array<i32>} : memref<50x128xf32, #tpu.memory_space<vmem>>, vector<1x16xf32>,
      %get3A_1956 = vector.shape_cast %get3A_1955 : vector<1x16xf32> to vector<16xf32>
      %get3A_1957 = arith.constant 17 : i32
      %get3A_1958 = arith.index_cast %get3A_1957 : i32 to index
      %get3A_1959 = arith.constant 96 : index
      %get3A_1960 = tpu.vector_load %arg6[%get3A_1958, %get3A_1959] {strides = array<i32>} : memref<50x128xf32, #tpu.memory_space<vmem>>, vector<1x16xf32>,
      %get3A_1961 = vector.shape_cast %get3A_1960 : vector<1x16xf32> to vector<16xf32>
      %get3A_1962 = arith.constant 18 : i32
      %get3A_1963 = arith.index_cast %get3A_1962 : i32 to index
      %get3A_1964 = arith.constant 96 : index
      %get3A_1965 = tpu.vector_load %arg6[%get3A_1963, %get3A_1964] {strides = array<i32>} : memref<50x128xf32, #tpu.memory_space<vmem>>, vector<1x16xf32>,
      %get3A_1966 = vector.shape_cast %get3A_1965 : vector<1x16xf32> to vector<16xf32>
      %get3A_1967 = arith.constant 19 : i32
      %get3A_1968 = arith.index_cast %get3A_1967 : i32 to index
      %get3A_1969 = arith.constant 96 : index
      %get3A_1970 = tpu.vector_load %arg6[%get3A_1968, %get3A_1969] {strides = array<i32>} : memref<50x128xf32, #tpu.memory_space<vmem>>, vector<1x16xf32>,
      %get3A_1971 = vector.shape_cast %get3A_1970 : vector<1x16xf32> to vector<16xf32>
      %get3A_1972 = arith.constant 20 : i32
      %get3A_1973 = arith.index_cast %get3A_1972 : i32 to index
      %get3A_1974 = arith.constant 96 : index
      %get3A_1975 = tpu.vector_load %arg6[%get3A_1973, %get3A_1974] {strides = array<i32>} : memref<50x128xf32, #tpu.memory_space<vmem>>, vector<1x16xf32>,
      %get3A_1976 = vector.shape_cast %get3A_1975 : vector<1x16xf32> to vector<16xf32>
      %get3A_1977 = arith.constant 21 : i32
      %get3A_1978 = arith.index_cast %get3A_1977 : i32 to index
      %get3A_1979 = arith.constant 96 : index
      %get3A_1980 = tpu.vector_load %arg6[%get3A_1978, %get3A_1979] {strides = array<i32>} : memref<50x128xf32, #tpu.memory_space<vmem>>, vector<1x16xf32>,
      %get3A_1981 = vector.shape_cast %get3A_1980 : vector<1x16xf32> to vector<16xf32>
      %get3A_1982 = arith.constant 22 : i32
      %get3A_1983 = arith.index_cast %get3A_1982 : i32 to index
      %get3A_1984 = arith.constant 96 : index
      %get3A_1985 = tpu.vector_load %arg6[%get3A_1983, %get3A_1984] {strides = array<i32>} : memref<50x128xf32, #tpu.memory_space<vmem>>, vector<1x16xf32>,
      %get3A_1986 = vector.shape_cast %get3A_1985 : vector<1x16xf32> to vector<16xf32>
      %get3A_1987 = arith.constant 23 : i32
      %get3A_1988 = arith.index_cast %get3A_1987 : i32 to index
      %get3A_1989 = arith.constant 96 : index
      %get3A_1990 = tpu.vector_load %arg6[%get3A_1988, %get3A_1989] {strides = array<i32>} : memref<50x128xf32, #tpu.memory_space<vmem>>, vector<1x16xf32>,
      %get3A_1991 = vector.shape_cast %get3A_1990 : vector<1x16xf32> to vector<16xf32>
      %get3A_1992 = arith.constant 24 : i32
      %get3A_1993 = arith.index_cast %get3A_1992 : i32 to index
      %get3A_1994 = arith.constant 96 : index
      %get3A_1995 = tpu.vector_load %arg6[%get3A_1993, %get3A_1994] {strides = array<i32>} : memref<50x128xf32, #tpu.memory_space<vmem>>, vector<1x16xf32>,
      %get3A_1996 = vector.shape_cast %get3A_1995 : vector<1x16xf32> to vector<16xf32>
      %get3A_1997 = arith.constant 25 : i32
      %get3A_1998 = arith.index_cast %get3A_1997 : i32 to index
      %get3A_1999 = arith.constant 96 : index
      %get3A_2000 = tpu.vector_load %arg6[%get3A_1998, %get3A_1999] {strides = array<i32>} : memref<50x128xf32, #tpu.memory_space<vmem>>, vector<1x16xf32>,
      %get3A_2001 = vector.shape_cast %get3A_2000 : vector<1x16xf32> to vector<16xf32>
      %get3A_2002 = arith.constant 26 : i32
      %get3A_2003 = arith.index_cast %get3A_2002 : i32 to index
      %get3A_2004 = arith.constant 96 : index
      %get3A_2005 = tpu.vector_load %arg6[%get3A_2003, %get3A_2004] {strides = array<i32>} : memref<50x128xf32, #tpu.memory_space<vmem>>, vector<1x16xf32>,
      %get3A_2006 = vector.shape_cast %get3A_2005 : vector<1x16xf32> to vector<16xf32>
      %get3A_2007 = arith.constant 27 : i32
      %get3A_2008 = arith.index_cast %get3A_2007 : i32 to index
      %get3A_2009 = arith.constant 96 : index
      %get3A_2010 = tpu.vector_load %arg6[%get3A_2008, %get3A_2009] {strides = array<i32>} : memref<50x128xf32, #tpu.memory_space<vmem>>, vector<1x16xf32>,
      %get3A_2011 = vector.shape_cast %get3A_2010 : vector<1x16xf32> to vector<16xf32>
      %get3A_2012 = arith.constant 28 : i32
      %get3A_2013 = arith.index_cast %get3A_2012 : i32 to index
      %get3A_2014 = arith.constant 96 : index
      %get3A_2015 = tpu.vector_load %arg6[%get3A_2013, %get3A_2014] {strides = array<i32>} : memref<50x128xf32, #tpu.memory_space<vmem>>, vector<1x16xf32>,
      %get3A_2016 = vector.shape_cast %get3A_2015 : vector<1x16xf32> to vector<16xf32>
      %get3A_2017 = arith.constant 29 : i32
      %get3A_2018 = arith.index_cast %get3A_2017 : i32 to index
      %get3A_2019 = arith.constant 96 : index
      %get3A_2020 = tpu.vector_load %arg6[%get3A_2018, %get3A_2019] {strides = array<i32>} : memref<50x128xf32, #tpu.memory_space<vmem>>, vector<1x16xf32>,
      %get3A_2021 = vector.shape_cast %get3A_2020 : vector<1x16xf32> to vector<16xf32>
      %get3A_2022 = arith.constant 30 : i32
      %get3A_2023 = arith.index_cast %get3A_2022 : i32 to index
      %get3A_2024 = arith.constant 96 : index
      %get3A_2025 = tpu.vector_load %arg6[%get3A_2023, %get3A_2024] {strides = array<i32>} : memref<50x128xf32, #tpu.memory_space<vmem>>, vector<1x16xf32>,
      %get3A_2026 = vector.shape_cast %get3A_2025 : vector<1x16xf32> to vector<16xf32>
      %get3A_2027 = arith.constant 31 : i32
      %get3A_2028 = arith.index_cast %get3A_2027 : i32 to index
      %get3A_2029 = arith.constant 96 : index
      %get3A_2030 = tpu.vector_load %arg6[%get3A_2028, %get3A_2029] {strides = array<i32>} : memref<50x128xf32, #tpu.memory_space<vmem>>, vector<1x16xf32>,
      %get3A_2031 = vector.shape_cast %get3A_2030 : vector<1x16xf32> to vector<16xf32>
      %get3A_2032 = arith.constant 32 : i32
      %get3A_2033 = arith.index_cast %get3A_2032 : i32 to index
      %get3A_2034 = arith.constant 96 : index
      %get3A_2035 = tpu.vector_load %arg6[%get3A_2033, %get3A_2034] {strides = array<i32>} : memref<50x128xf32, #tpu.memory_space<vmem>>, vector<1x16xf32>,
      %get3A_2036 = vector.shape_cast %get3A_2035 : vector<1x16xf32> to vector<16xf32>
      %get3A_2037 = arith.constant 33 : i32
      %get3A_2038 = arith.index_cast %get3A_2037 : i32 to index
      %get3A_2039 = arith.constant 96 : index
      %get3A_2040 = tpu.vector_load %arg6[%get3A_2038, %get3A_2039] {strides = array<i32>} : memref<50x128xf32, #tpu.memory_space<vmem>>, vector<1x16xf32>,
      %get3A_2041 = vector.shape_cast %get3A_2040 : vector<1x16xf32> to vector<16xf32>
      %get3A_2042 = arith.constant 34 : i32
      %get3A_2043 = arith.index_cast %get3A_2042 : i32 to index
      %get3A_2044 = arith.constant 96 : index
      %get3A_2045 = tpu.vector_load %arg6[%get3A_2043, %get3A_2044] {strides = array<i32>} : memref<50x128xf32, #tpu.memory_space<vmem>>, vector<1x16xf32>,
      %get3A_2046 = vector.shape_cast %get3A_2045 : vector<1x16xf32> to vector<16xf32>
      %get3A_2047 = arith.constant 35 : i32
      %get3A_2048 = arith.index_cast %get3A_2047 : i32 to index
      %get3A_2049 = arith.constant 96 : index
      %get3A_2050 = tpu.vector_load %arg6[%get3A_2048, %get3A_2049] {strides = array<i32>} : memref<50x128xf32, #tpu.memory_space<vmem>>, vector<1x16xf32>,
      %get3A_2051 = vector.shape_cast %get3A_2050 : vector<1x16xf32> to vector<16xf32>
      %get3A_2052 = arith.constant 36 : i32
      %get3A_2053 = arith.index_cast %get3A_2052 : i32 to index
      %get3A_2054 = arith.constant 96 : index
      %get3A_2055 = tpu.vector_load %arg6[%get3A_2053, %get3A_2054] {strides = array<i32>} : memref<50x128xf32, #tpu.memory_space<vmem>>, vector<1x16xf32>,
      %get3A_2056 = vector.shape_cast %get3A_2055 : vector<1x16xf32> to vector<16xf32>
      %get3A_2057 = arith.constant 37 : i32
      %get3A_2058 = arith.index_cast %get3A_2057 : i32 to index
      %get3A_2059 = arith.constant 96 : index
      %get3A_2060 = tpu.vector_load %arg6[%get3A_2058, %get3A_2059] {strides = array<i32>} : memref<50x128xf32, #tpu.memory_space<vmem>>, vector<1x16xf32>,
      %get3A_2061 = vector.shape_cast %get3A_2060 : vector<1x16xf32> to vector<16xf32>
      %get3A_2062 = arith.constant 38 : i32
      %get3A_2063 = arith.index_cast %get3A_2062 : i32 to index
      %get3A_2064 = arith.constant 96 : index
      %get3A_2065 = tpu.vector_load %arg6[%get3A_2063, %get3A_2064] {strides = array<i32>} : memref<50x128xf32, #tpu.memory_space<vmem>>, vector<1x16xf32>,
      %get3A_2066 = vector.shape_cast %get3A_2065 : vector<1x16xf32> to vector<16xf32>
      %get3A_2067 = arith.constant 39 : i32
      %get3A_2068 = arith.index_cast %get3A_2067 : i32 to index
      %get3A_2069 = arith.constant 96 : index
      %get3A_2070 = tpu.vector_load %arg6[%get3A_2068, %get3A_2069] {strides = array<i32>} : memref<50x128xf32, #tpu.memory_space<vmem>>, vector<1x16xf32>,
      %get3A_2071 = vector.shape_cast %get3A_2070 : vector<1x16xf32> to vector<16xf32>
      %get3A_2072 = arith.constant 40 : i32
      %get3A_2073 = arith.index_cast %get3A_2072 : i32 to index
      %get3A_2074 = arith.constant 96 : index
      %get3A_2075 = tpu.vector_load %arg6[%get3A_2073, %get3A_2074] {strides = array<i32>} : memref<50x128xf32, #tpu.memory_space<vmem>>, vector<1x16xf32>,
      %get3A_2076 = vector.shape_cast %get3A_2075 : vector<1x16xf32> to vector<16xf32>
      %get3A_2077 = arith.constant 41 : i32
      %get3A_2078 = arith.index_cast %get3A_2077 : i32 to index
      %get3A_2079 = arith.constant 96 : index
      %get3A_2080 = tpu.vector_load %arg6[%get3A_2078, %get3A_2079] {strides = array<i32>} : memref<50x128xf32, #tpu.memory_space<vmem>>, vector<1x16xf32>,
      %get3A_2081 = vector.shape_cast %get3A_2080 : vector<1x16xf32> to vector<16xf32>
      %get3A_2082 = arith.constant 42 : i32
      %get3A_2083 = arith.index_cast %get3A_2082 : i32 to index
      %get3A_2084 = arith.constant 96 : index
      %get3A_2085 = tpu.vector_load %arg6[%get3A_2083, %get3A_2084] {strides = array<i32>} : memref<50x128xf32, #tpu.memory_space<vmem>>, vector<1x16xf32>,
      %get3A_2086 = vector.shape_cast %get3A_2085 : vector<1x16xf32> to vector<16xf32>
      %get3A_2087 = arith.constant 43 : i32
      %get3A_2088 = arith.index_cast %get3A_2087 : i32 to index
      %get3A_2089 = arith.constant 96 : index
      %get3A_2090 = tpu.vector_load %arg6[%get3A_2088, %get3A_2089] {strides = array<i32>} : memref<50x128xf32, #tpu.memory_space<vmem>>, vector<1x16xf32>,
      %get3A_2091 = vector.shape_cast %get3A_2090 : vector<1x16xf32> to vector<16xf32>
      %get3A_2092 = arith.constant 44 : i32
      %get3A_2093 = arith.index_cast %get3A_2092 : i32 to index
      %get3A_2094 = arith.constant 96 : index
      %get3A_2095 = tpu.vector_load %arg6[%get3A_2093, %get3A_2094] {strides = array<i32>} : memref<50x128xf32, #tpu.memory_space<vmem>>, vector<1x16xf32>,
      %get3A_2096 = vector.shape_cast %get3A_2095 : vector<1x16xf32> to vector<16xf32>
      %get3A_2097 = arith.constant 45 : i32
      %get3A_2098 = arith.index_cast %get3A_2097 : i32 to index
      %get3A_2099 = arith.constant 96 : index
      %get3A_2100 = tpu.vector_load %arg6[%get3A_2098, %get3A_2099] {strides = array<i32>} : memref<50x128xf32, #tpu.memory_space<vmem>>, vector<1x16xf32>,
      %get3A_2101 = vector.shape_cast %get3A_2100 : vector<1x16xf32> to vector<16xf32>
      %get3A_2102 = arith.constant 46 : i32
      %get3A_2103 = arith.index_cast %get3A_2102 : i32 to index
      %get3A_2104 = arith.constant 96 : index
      %get3A_2105 = tpu.vector_load %arg6[%get3A_2103, %get3A_2104] {strides = array<i32>} : memref<50x128xf32, #tpu.memory_space<vmem>>, vector<1x16xf32>,
      %get3A_2106 = vector.shape_cast %get3A_2105 : vector<1x16xf32> to vector<16xf32>
      %get3A_2107 = arith.constant 47 : i32
      %get3A_2108 = arith.index_cast %get3A_2107 : i32 to index
      %get3A_2109 = arith.constant 96 : index
      %get3A_2110 = tpu.vector_load %arg6[%get3A_2108, %get3A_2109] {strides = array<i32>} : memref<50x128xf32, #tpu.memory_space<vmem>>, vector<1x16xf32>,
      %get3A_2111 = vector.shape_cast %get3A_2110 : vector<1x16xf32> to vector<16xf32>
      %get3A_2112 = arith.constant 48 : i32
      %get3A_2113 = arith.index_cast %get3A_2112 : i32 to index
      %get3A_2114 = arith.constant 96 : index
      %get3A_2115 = tpu.vector_load %arg6[%get3A_2113, %get3A_2114] {strides = array<i32>} : memref<50x128xf32, #tpu.memory_space<vmem>>, vector<1x16xf32>,
      %get3A_2116 = vector.shape_cast %get3A_2115 : vector<1x16xf32> to vector<16xf32>
      %get3A_2117 = arith.constant 49 : i32
      %get3A_2118 = arith.index_cast %get3A_2117 : i32 to index
      %get3A_2119 = arith.constant 96 : index
      %get3A_2120 = tpu.vector_load %arg6[%get3A_2118, %get3A_2119] {strides = array<i32>} : memref<50x128xf32, #tpu.memory_space<vmem>>, vector<1x16xf32>,
      %get3A_2121 = vector.shape_cast %get3A_2120 : vector<1x16xf32> to vector<16xf32>
      %add3A_2122 = arith.addf %get3A_1876, %get3A_1881 : vector<16xf32>
      %add3A_2123 = arith.addf %get3A_1886, %get3A_1891 : vector<16xf32>
      %add3A_2124 = arith.addf %get3A_1896, %get3A_1901 : vector<16xf32>
      %add3A_2125 = arith.addf %get3A_1906, %get3A_1911 : vector<16xf32>
      %add3A_2126 = arith.addf %get3A_1916, %get3A_1921 : vector<16xf32>
      %add3A_2127 = arith.addf %get3A_1926, %get3A_1931 : vector<16xf32>
      %add3A_2128 = arith.addf %get3A_1936, %get3A_1941 : vector<16xf32>
      %add3A_2129 = arith.addf %get3A_1946, %get3A_1951 : vector<16xf32>
      %add3A_2130 = arith.addf %get3A_1956, %get3A_1961 : vector<16xf32>
      %add3A_2131 = arith.addf %get3A_1966, %get3A_1971 : vector<16xf32>
      %add3A_2132 = arith.addf %get3A_1976, %get3A_1981 : vector<16xf32>
      %add3A_2133 = arith.addf %get3A_1986, %get3A_1991 : vector<16xf32>
      %add3A_2134 = arith.addf %get3A_1996, %get3A_2001 : vector<16xf32>
      %add3A_2135 = arith.addf %get3A_2006, %get3A_2011 : vector<16xf32>
      %add3A_2136 = arith.addf %get3A_2016, %get3A_2021 : vector<16xf32>
      %add3A_2137 = arith.addf %get3A_2026, %get3A_2031 : vector<16xf32>
      %add3A_2138 = arith.addf %get3A_2036, %get3A_2041 : vector<16xf32>
      %add3A_2139 = arith.addf %get3A_2046, %get3A_2051 : vector<16xf32>
      %add3A_2140 = arith.addf %get3A_2056, %get3A_2061 : vector<16xf32>
      %add3A_2141 = arith.addf %get3A_2066, %get3A_2071 : vector<16xf32>
      %add3A_2142 = arith.addf %get3A_2076, %get3A_2081 : vector<16xf32>
      %add3A_2143 = arith.addf %get3A_2086, %get3A_2091 : vector<16xf32>
      %add3A_2144 = arith.addf %get3A_2096, %get3A_2101 : vector<16xf32>
      %add3A_2145 = arith.addf %get3A_2106, %get3A_2111 : vector<16xf32>
      %add3A_2146 = arith.addf %get3A_2116, %get3A_2121 : vector<16xf32>
      %add3A_2147 = arith.addf %add3A_2122, %add3A_2123 : vector<16xf32>
      %add3A_2148 = arith.addf %add3A_2124, %add3A_2125 : vector<16xf32>
      %add3A_2149 = arith.addf %add3A_2126, %add3A_2127 : vector<16xf32>
      %add3A_2150 = arith.addf %add3A_2128, %add3A_2129 : vector<16xf32>
      %add3A_2151 = arith.addf %add3A_2130, %add3A_2131 : vector<16xf32>
      %add3A_2152 = arith.addf %add3A_2132, %add3A_2133 : vector<16xf32>
      %add3A_2153 = arith.addf %add3A_2134, %add3A_2135 : vector<16xf32>
      %add3A_2154 = arith.addf %add3A_2136, %add3A_2137 : vector<16xf32>
      %add3A_2155 = arith.addf %add3A_2138, %add3A_2139 : vector<16xf32>
      %add3A_2156 = arith.addf %add3A_2140, %add3A_2141 : vector<16xf32>
      %add3A_2157 = arith.addf %add3A_2142, %add3A_2143 : vector<16xf32>
      %add3A_2158 = arith.addf %add3A_2144, %add3A_2145 : vector<16xf32>
      %add3A_2159 = arith.addf %add3A_2147, %add3A_2148 : vector<16xf32>
      %add3A_2160 = arith.addf %add3A_2149, %add3A_2150 : vector<16xf32>
      %add3A_2161 = arith.addf %add3A_2151, %add3A_2152 : vector<16xf32>
      %add3A_2162 = arith.addf %add3A_2153, %add3A_2154 : vector<16xf32>
      %add3A_2163 = arith.addf %add3A_2155, %add3A_2156 : vector<16xf32>
      %add3A_2164 = arith.addf %add3A_2157, %add3A_2158 : vector<16xf32>
      %add3A_2165 = arith.addf %add3A_2159, %add3A_2160 : vector<16xf32>
      %add3A_2166 = arith.addf %add3A_2161, %add3A_2162 : vector<16xf32>
      %add3A_2167 = arith.addf %add3A_2163, %add3A_2164 : vector<16xf32>
      %add3A_2168 = arith.addf %add3A_2165, %add3A_2166 : vector<16xf32>
      %add3A_2169 = arith.addf %add3A_2167, %add3A_2146 : vector<16xf32>
      %add3A_2170 = arith.addf %add3A_2168, %add3A_2169 : vector<16xf32>
      %mul3A_2171 = arith.constant 2.000000e-02 : f32
      %mul3A_2172 = vector.broadcast %mul3A_2171 : f32 to vector<16xf32>
      %mul3A_2173 = arith.mulf %add3A_2170, %mul3A_2172 : vector<16xf32>
      %swap3A_2174 = arith.index_cast %mul3A_18 : i32 to index
      %swap3A_2175 = arith.constant 96 : index
      %swap3A_2176 = tpu.vector_load %arg8[%swap3A_2174, %swap3A_2175] {strides = array<i32>} : memref<32x128xf32, #tpu.memory_space<vmem>>, vector<1x16xf32>,
      %swap3A_2177 = vector.shape_cast %swap3A_2176 : vector<1x16xf32> to vector<16xf32>
      %swap3A_2178 = vector.shape_cast %mul3A_2173 : vector<16xf32> to vector<1x16xf32>
      tpu.vector_store %arg8[%swap3A_2174, %swap3A_2175], %swap3A_2178 {strides = array<i32>} : memref<32x128xf32, #tpu.memory_space<vmem>>, vector<1x16xf32>,
      %get3A_2179 = arith.constant 0 : i32
      %get3A_2180 = arith.index_cast %get3A_2179 : i32 to index
      %get3A_2181 = arith.constant 112 : index
      %get3A_2182 = tpu.vector_load %arg6[%get3A_2180, %get3A_2181] {strides = array<i32>} : memref<50x128xf32, #tpu.memory_space<vmem>>, vector<1x16xf32>,
      %get3A_2183 = vector.shape_cast %get3A_2182 : vector<1x16xf32> to vector<16xf32>
      %get3A_2184 = arith.constant 1 : i32
      %get3A_2185 = arith.index_cast %get3A_2184 : i32 to index
      %get3A_2186 = arith.constant 112 : index
      %get3A_2187 = tpu.vector_load %arg6[%get3A_2185, %get3A_2186] {strides = array<i32>} : memref<50x128xf32, #tpu.memory_space<vmem>>, vector<1x16xf32>,
      %get3A_2188 = vector.shape_cast %get3A_2187 : vector<1x16xf32> to vector<16xf32>
      %get3A_2189 = arith.constant 2 : i32
      %get3A_2190 = arith.index_cast %get3A_2189 : i32 to index
      %get3A_2191 = arith.constant 112 : index
      %get3A_2192 = tpu.vector_load %arg6[%get3A_2190, %get3A_2191] {strides = array<i32>} : memref<50x128xf32, #tpu.memory_space<vmem>>, vector<1x16xf32>,
      %get3A_2193 = vector.shape_cast %get3A_2192 : vector<1x16xf32> to vector<16xf32>
      %get3A_2194 = arith.constant 3 : i32
      %get3A_2195 = arith.index_cast %get3A_2194 : i32 to index
      %get3A_2196 = arith.constant 112 : index
      %get3A_2197 = tpu.vector_load %arg6[%get3A_2195, %get3A_2196] {strides = array<i32>} : memref<50x128xf32, #tpu.memory_space<vmem>>, vector<1x16xf32>,
      %get3A_2198 = vector.shape_cast %get3A_2197 : vector<1x16xf32> to vector<16xf32>
      %get3A_2199 = arith.constant 4 : i32
      %get3A_2200 = arith.index_cast %get3A_2199 : i32 to index
      %get3A_2201 = arith.constant 112 : index
      %get3A_2202 = tpu.vector_load %arg6[%get3A_2200, %get3A_2201] {strides = array<i32>} : memref<50x128xf32, #tpu.memory_space<vmem>>, vector<1x16xf32>,
      %get3A_2203 = vector.shape_cast %get3A_2202 : vector<1x16xf32> to vector<16xf32>
      %get3A_2204 = arith.constant 5 : i32
      %get3A_2205 = arith.index_cast %get3A_2204 : i32 to index
      %get3A_2206 = arith.constant 112 : index
      %get3A_2207 = tpu.vector_load %arg6[%get3A_2205, %get3A_2206] {strides = array<i32>} : memref<50x128xf32, #tpu.memory_space<vmem>>, vector<1x16xf32>,
      %get3A_2208 = vector.shape_cast %get3A_2207 : vector<1x16xf32> to vector<16xf32>
      %get3A_2209 = arith.constant 6 : i32
      %get3A_2210 = arith.index_cast %get3A_2209 : i32 to index
      %get3A_2211 = arith.constant 112 : index
      %get3A_2212 = tpu.vector_load %arg6[%get3A_2210, %get3A_2211] {strides = array<i32>} : memref<50x128xf32, #tpu.memory_space<vmem>>, vector<1x16xf32>,
      %get3A_2213 = vector.shape_cast %get3A_2212 : vector<1x16xf32> to vector<16xf32>
      %get3A_2214 = arith.constant 7 : i32
      %get3A_2215 = arith.index_cast %get3A_2214 : i32 to index
      %get3A_2216 = arith.constant 112 : index
      %get3A_2217 = tpu.vector_load %arg6[%get3A_2215, %get3A_2216] {strides = array<i32>} : memref<50x128xf32, #tpu.memory_space<vmem>>, vector<1x16xf32>,
      %get3A_2218 = vector.shape_cast %get3A_2217 : vector<1x16xf32> to vector<16xf32>
      %get3A_2219 = arith.constant 8 : i32
      %get3A_2220 = arith.index_cast %get3A_2219 : i32 to index
      %get3A_2221 = arith.constant 112 : index
      %get3A_2222 = tpu.vector_load %arg6[%get3A_2220, %get3A_2221] {strides = array<i32>} : memref<50x128xf32, #tpu.memory_space<vmem>>, vector<1x16xf32>,
      %get3A_2223 = vector.shape_cast %get3A_2222 : vector<1x16xf32> to vector<16xf32>
      %get3A_2224 = arith.constant 9 : i32
      %get3A_2225 = arith.index_cast %get3A_2224 : i32 to index
      %get3A_2226 = arith.constant 112 : index
      %get3A_2227 = tpu.vector_load %arg6[%get3A_2225, %get3A_2226] {strides = array<i32>} : memref<50x128xf32, #tpu.memory_space<vmem>>, vector<1x16xf32>,
      %get3A_2228 = vector.shape_cast %get3A_2227 : vector<1x16xf32> to vector<16xf32>
      %get3A_2229 = arith.constant 10 : i32
      %get3A_2230 = arith.index_cast %get3A_2229 : i32 to index
      %get3A_2231 = arith.constant 112 : index
      %get3A_2232 = tpu.vector_load %arg6[%get3A_2230, %get3A_2231] {strides = array<i32>} : memref<50x128xf32, #tpu.memory_space<vmem>>, vector<1x16xf32>,
      %get3A_2233 = vector.shape_cast %get3A_2232 : vector<1x16xf32> to vector<16xf32>
      %get3A_2234 = arith.constant 11 : i32
      %get3A_2235 = arith.index_cast %get3A_2234 : i32 to index
      %get3A_2236 = arith.constant 112 : index
      %get3A_2237 = tpu.vector_load %arg6[%get3A_2235, %get3A_2236] {strides = array<i32>} : memref<50x128xf32, #tpu.memory_space<vmem>>, vector<1x16xf32>,
      %get3A_2238 = vector.shape_cast %get3A_2237 : vector<1x16xf32> to vector<16xf32>
      %get3A_2239 = arith.constant 12 : i32
      %get3A_2240 = arith.index_cast %get3A_2239 : i32 to index
      %get3A_2241 = arith.constant 112 : index
      %get3A_2242 = tpu.vector_load %arg6[%get3A_2240, %get3A_2241] {strides = array<i32>} : memref<50x128xf32, #tpu.memory_space<vmem>>, vector<1x16xf32>,
      %get3A_2243 = vector.shape_cast %get3A_2242 : vector<1x16xf32> to vector<16xf32>
      %get3A_2244 = arith.constant 13 : i32
      %get3A_2245 = arith.index_cast %get3A_2244 : i32 to index
      %get3A_2246 = arith.constant 112 : index
      %get3A_2247 = tpu.vector_load %arg6[%get3A_2245, %get3A_2246] {strides = array<i32>} : memref<50x128xf32, #tpu.memory_space<vmem>>, vector<1x16xf32>,
      %get3A_2248 = vector.shape_cast %get3A_2247 : vector<1x16xf32> to vector<16xf32>
      %get3A_2249 = arith.constant 14 : i32
      %get3A_2250 = arith.index_cast %get3A_2249 : i32 to index
      %get3A_2251 = arith.constant 112 : index
      %get3A_2252 = tpu.vector_load %arg6[%get3A_2250, %get3A_2251] {strides = array<i32>} : memref<50x128xf32, #tpu.memory_space<vmem>>, vector<1x16xf32>,
      %get3A_2253 = vector.shape_cast %get3A_2252 : vector<1x16xf32> to vector<16xf32>
      %get3A_2254 = arith.constant 15 : i32
      %get3A_2255 = arith.index_cast %get3A_2254 : i32 to index
      %get3A_2256 = arith.constant 112 : index
      %get3A_2257 = tpu.vector_load %arg6[%get3A_2255, %get3A_2256] {strides = array<i32>} : memref<50x128xf32, #tpu.memory_space<vmem>>, vector<1x16xf32>,
      %get3A_2258 = vector.shape_cast %get3A_2257 : vector<1x16xf32> to vector<16xf32>
      %get3A_2259 = arith.constant 16 : i32
      %get3A_2260 = arith.index_cast %get3A_2259 : i32 to index
      %get3A_2261 = arith.constant 112 : index
      %get3A_2262 = tpu.vector_load %arg6[%get3A_2260, %get3A_2261] {strides = array<i32>} : memref<50x128xf32, #tpu.memory_space<vmem>>, vector<1x16xf32>,
      %get3A_2263 = vector.shape_cast %get3A_2262 : vector<1x16xf32> to vector<16xf32>
      %get3A_2264 = arith.constant 17 : i32
      %get3A_2265 = arith.index_cast %get3A_2264 : i32 to index
      %get3A_2266 = arith.constant 112 : index
      %get3A_2267 = tpu.vector_load %arg6[%get3A_2265, %get3A_2266] {strides = array<i32>} : memref<50x128xf32, #tpu.memory_space<vmem>>, vector<1x16xf32>,
      %get3A_2268 = vector.shape_cast %get3A_2267 : vector<1x16xf32> to vector<16xf32>
      %get3A_2269 = arith.constant 18 : i32
      %get3A_2270 = arith.index_cast %get3A_2269 : i32 to index
      %get3A_2271 = arith.constant 112 : index
      %get3A_2272 = tpu.vector_load %arg6[%get3A_2270, %get3A_2271] {strides = array<i32>} : memref<50x128xf32, #tpu.memory_space<vmem>>, vector<1x16xf32>,
      %get3A_2273 = vector.shape_cast %get3A_2272 : vector<1x16xf32> to vector<16xf32>
      %get3A_2274 = arith.constant 19 : i32
      %get3A_2275 = arith.index_cast %get3A_2274 : i32 to index
      %get3A_2276 = arith.constant 112 : index
      %get3A_2277 = tpu.vector_load %arg6[%get3A_2275, %get3A_2276] {strides = array<i32>} : memref<50x128xf32, #tpu.memory_space<vmem>>, vector<1x16xf32>,
      %get3A_2278 = vector.shape_cast %get3A_2277 : vector<1x16xf32> to vector<16xf32>
      %get3A_2279 = arith.constant 20 : i32
      %get3A_2280 = arith.index_cast %get3A_2279 : i32 to index
      %get3A_2281 = arith.constant 112 : index
      %get3A_2282 = tpu.vector_load %arg6[%get3A_2280, %get3A_2281] {strides = array<i32>} : memref<50x128xf32, #tpu.memory_space<vmem>>, vector<1x16xf32>,
      %get3A_2283 = vector.shape_cast %get3A_2282 : vector<1x16xf32> to vector<16xf32>
      %get3A_2284 = arith.constant 21 : i32
      %get3A_2285 = arith.index_cast %get3A_2284 : i32 to index
      %get3A_2286 = arith.constant 112 : index
      %get3A_2287 = tpu.vector_load %arg6[%get3A_2285, %get3A_2286] {strides = array<i32>} : memref<50x128xf32, #tpu.memory_space<vmem>>, vector<1x16xf32>,
      %get3A_2288 = vector.shape_cast %get3A_2287 : vector<1x16xf32> to vector<16xf32>
      %get3A_2289 = arith.constant 22 : i32
      %get3A_2290 = arith.index_cast %get3A_2289 : i32 to index
      %get3A_2291 = arith.constant 112 : index
      %get3A_2292 = tpu.vector_load %arg6[%get3A_2290, %get3A_2291] {strides = array<i32>} : memref<50x128xf32, #tpu.memory_space<vmem>>, vector<1x16xf32>,
      %get3A_2293 = vector.shape_cast %get3A_2292 : vector<1x16xf32> to vector<16xf32>
      %get3A_2294 = arith.constant 23 : i32
      %get3A_2295 = arith.index_cast %get3A_2294 : i32 to index
      %get3A_2296 = arith.constant 112 : index
      %get3A_2297 = tpu.vector_load %arg6[%get3A_2295, %get3A_2296] {strides = array<i32>} : memref<50x128xf32, #tpu.memory_space<vmem>>, vector<1x16xf32>,
      %get3A_2298 = vector.shape_cast %get3A_2297 : vector<1x16xf32> to vector<16xf32>
      %get3A_2299 = arith.constant 24 : i32
      %get3A_2300 = arith.index_cast %get3A_2299 : i32 to index
      %get3A_2301 = arith.constant 112 : index
      %get3A_2302 = tpu.vector_load %arg6[%get3A_2300, %get3A_2301] {strides = array<i32>} : memref<50x128xf32, #tpu.memory_space<vmem>>, vector<1x16xf32>,
      %get3A_2303 = vector.shape_cast %get3A_2302 : vector<1x16xf32> to vector<16xf32>
      %get3A_2304 = arith.constant 25 : i32
      %get3A_2305 = arith.index_cast %get3A_2304 : i32 to index
      %get3A_2306 = arith.constant 112 : index
      %get3A_2307 = tpu.vector_load %arg6[%get3A_2305, %get3A_2306] {strides = array<i32>} : memref<50x128xf32, #tpu.memory_space<vmem>>, vector<1x16xf32>,
      %get3A_2308 = vector.shape_cast %get3A_2307 : vector<1x16xf32> to vector<16xf32>
      %get3A_2309 = arith.constant 26 : i32
      %get3A_2310 = arith.index_cast %get3A_2309 : i32 to index
      %get3A_2311 = arith.constant 112 : index
      %get3A_2312 = tpu.vector_load %arg6[%get3A_2310, %get3A_2311] {strides = array<i32>} : memref<50x128xf32, #tpu.memory_space<vmem>>, vector<1x16xf32>,
      %get3A_2313 = vector.shape_cast %get3A_2312 : vector<1x16xf32> to vector<16xf32>
      %get3A_2314 = arith.constant 27 : i32
      %get3A_2315 = arith.index_cast %get3A_2314 : i32 to index
      %get3A_2316 = arith.constant 112 : index
      %get3A_2317 = tpu.vector_load %arg6[%get3A_2315, %get3A_2316] {strides = array<i32>} : memref<50x128xf32, #tpu.memory_space<vmem>>, vector<1x16xf32>,
      %get3A_2318 = vector.shape_cast %get3A_2317 : vector<1x16xf32> to vector<16xf32>
      %get3A_2319 = arith.constant 28 : i32
      %get3A_2320 = arith.index_cast %get3A_2319 : i32 to index
      %get3A_2321 = arith.constant 112 : index
      %get3A_2322 = tpu.vector_load %arg6[%get3A_2320, %get3A_2321] {strides = array<i32>} : memref<50x128xf32, #tpu.memory_space<vmem>>, vector<1x16xf32>,
      %get3A_2323 = vector.shape_cast %get3A_2322 : vector<1x16xf32> to vector<16xf32>
      %get3A_2324 = arith.constant 29 : i32
      %get3A_2325 = arith.index_cast %get3A_2324 : i32 to index
      %get3A_2326 = arith.constant 112 : index
      %get3A_2327 = tpu.vector_load %arg6[%get3A_2325, %get3A_2326] {strides = array<i32>} : memref<50x128xf32, #tpu.memory_space<vmem>>, vector<1x16xf32>,
      %get3A_2328 = vector.shape_cast %get3A_2327 : vector<1x16xf32> to vector<16xf32>
      %get3A_2329 = arith.constant 30 : i32
      %get3A_2330 = arith.index_cast %get3A_2329 : i32 to index
      %get3A_2331 = arith.constant 112 : index
      %get3A_2332 = tpu.vector_load %arg6[%get3A_2330, %get3A_2331] {strides = array<i32>} : memref<50x128xf32, #tpu.memory_space<vmem>>, vector<1x16xf32>,
      %get3A_2333 = vector.shape_cast %get3A_2332 : vector<1x16xf32> to vector<16xf32>
      %get3A_2334 = arith.constant 31 : i32
      %get3A_2335 = arith.index_cast %get3A_2334 : i32 to index
      %get3A_2336 = arith.constant 112 : index
      %get3A_2337 = tpu.vector_load %arg6[%get3A_2335, %get3A_2336] {strides = array<i32>} : memref<50x128xf32, #tpu.memory_space<vmem>>, vector<1x16xf32>,
      %get3A_2338 = vector.shape_cast %get3A_2337 : vector<1x16xf32> to vector<16xf32>
      %get3A_2339 = arith.constant 32 : i32
      %get3A_2340 = arith.index_cast %get3A_2339 : i32 to index
      %get3A_2341 = arith.constant 112 : index
      %get3A_2342 = tpu.vector_load %arg6[%get3A_2340, %get3A_2341] {strides = array<i32>} : memref<50x128xf32, #tpu.memory_space<vmem>>, vector<1x16xf32>,
      %get3A_2343 = vector.shape_cast %get3A_2342 : vector<1x16xf32> to vector<16xf32>
      %get3A_2344 = arith.constant 33 : i32
      %get3A_2345 = arith.index_cast %get3A_2344 : i32 to index
      %get3A_2346 = arith.constant 112 : index
      %get3A_2347 = tpu.vector_load %arg6[%get3A_2345, %get3A_2346] {strides = array<i32>} : memref<50x128xf32, #tpu.memory_space<vmem>>, vector<1x16xf32>,
      %get3A_2348 = vector.shape_cast %get3A_2347 : vector<1x16xf32> to vector<16xf32>
      %get3A_2349 = arith.constant 34 : i32
      %get3A_2350 = arith.index_cast %get3A_2349 : i32 to index
      %get3A_2351 = arith.constant 112 : index
      %get3A_2352 = tpu.vector_load %arg6[%get3A_2350, %get3A_2351] {strides = array<i32>} : memref<50x128xf32, #tpu.memory_space<vmem>>, vector<1x16xf32>,
      %get3A_2353 = vector.shape_cast %get3A_2352 : vector<1x16xf32> to vector<16xf32>
      %get3A_2354 = arith.constant 35 : i32
      %get3A_2355 = arith.index_cast %get3A_2354 : i32 to index
      %get3A_2356 = arith.constant 112 : index
      %get3A_2357 = tpu.vector_load %arg6[%get3A_2355, %get3A_2356] {strides = array<i32>} : memref<50x128xf32, #tpu.memory_space<vmem>>, vector<1x16xf32>,
      %get3A_2358 = vector.shape_cast %get3A_2357 : vector<1x16xf32> to vector<16xf32>
      %get3A_2359 = arith.constant 36 : i32
      %get3A_2360 = arith.index_cast %get3A_2359 : i32 to index
      %get3A_2361 = arith.constant 112 : index
      %get3A_2362 = tpu.vector_load %arg6[%get3A_2360, %get3A_2361] {strides = array<i32>} : memref<50x128xf32, #tpu.memory_space<vmem>>, vector<1x16xf32>,
      %get3A_2363 = vector.shape_cast %get3A_2362 : vector<1x16xf32> to vector<16xf32>
      %get3A_2364 = arith.constant 37 : i32
      %get3A_2365 = arith.index_cast %get3A_2364 : i32 to index
      %get3A_2366 = arith.constant 112 : index
      %get3A_2367 = tpu.vector_load %arg6[%get3A_2365, %get3A_2366] {strides = array<i32>} : memref<50x128xf32, #tpu.memory_space<vmem>>, vector<1x16xf32>,
      %get3A_2368 = vector.shape_cast %get3A_2367 : vector<1x16xf32> to vector<16xf32>
      %get3A_2369 = arith.constant 38 : i32
      %get3A_2370 = arith.index_cast %get3A_2369 : i32 to index
      %get3A_2371 = arith.constant 112 : index
      %get3A_2372 = tpu.vector_load %arg6[%get3A_2370, %get3A_2371] {strides = array<i32>} : memref<50x128xf32, #tpu.memory_space<vmem>>, vector<1x16xf32>,
      %get3A_2373 = vector.shape_cast %get3A_2372 : vector<1x16xf32> to vector<16xf32>
      %get3A_2374 = arith.constant 39 : i32
      %get3A_2375 = arith.index_cast %get3A_2374 : i32 to index
      %get3A_2376 = arith.constant 112 : index
      %get3A_2377 = tpu.vector_load %arg6[%get3A_2375, %get3A_2376] {strides = array<i32>} : memref<50x128xf32, #tpu.memory_space<vmem>>, vector<1x16xf32>,
      %get3A_2378 = vector.shape_cast %get3A_2377 : vector<1x16xf32> to vector<16xf32>
      %get3A_2379 = arith.constant 40 : i32
      %get3A_2380 = arith.index_cast %get3A_2379 : i32 to index
      %get3A_2381 = arith.constant 112 : index
      %get3A_2382 = tpu.vector_load %arg6[%get3A_2380, %get3A_2381] {strides = array<i32>} : memref<50x128xf32, #tpu.memory_space<vmem>>, vector<1x16xf32>,
      %get3A_2383 = vector.shape_cast %get3A_2382 : vector<1x16xf32> to vector<16xf32>
      %get3A_2384 = arith.constant 41 : i32
      %get3A_2385 = arith.index_cast %get3A_2384 : i32 to index
      %get3A_2386 = arith.constant 112 : index
      %get3A_2387 = tpu.vector_load %arg6[%get3A_2385, %get3A_2386] {strides = array<i32>} : memref<50x128xf32, #tpu.memory_space<vmem>>, vector<1x16xf32>,
      %get3A_2388 = vector.shape_cast %get3A_2387 : vector<1x16xf32> to vector<16xf32>
      %get3A_2389 = arith.constant 42 : i32
      %get3A_2390 = arith.index_cast %get3A_2389 : i32 to index
      %get3A_2391 = arith.constant 112 : index
      %get3A_2392 = tpu.vector_load %arg6[%get3A_2390, %get3A_2391] {strides = array<i32>} : memref<50x128xf32, #tpu.memory_space<vmem>>, vector<1x16xf32>,
      %get3A_2393 = vector.shape_cast %get3A_2392 : vector<1x16xf32> to vector<16xf32>
      %get3A_2394 = arith.constant 43 : i32
      %get3A_2395 = arith.index_cast %get3A_2394 : i32 to index
      %get3A_2396 = arith.constant 112 : index
      %get3A_2397 = tpu.vector_load %arg6[%get3A_2395, %get3A_2396] {strides = array<i32>} : memref<50x128xf32, #tpu.memory_space<vmem>>, vector<1x16xf32>,
      %get3A_2398 = vector.shape_cast %get3A_2397 : vector<1x16xf32> to vector<16xf32>
      %get3A_2399 = arith.constant 44 : i32
      %get3A_2400 = arith.index_cast %get3A_2399 : i32 to index
      %get3A_2401 = arith.constant 112 : index
      %get3A_2402 = tpu.vector_load %arg6[%get3A_2400, %get3A_2401] {strides = array<i32>} : memref<50x128xf32, #tpu.memory_space<vmem>>, vector<1x16xf32>,
      %get3A_2403 = vector.shape_cast %get3A_2402 : vector<1x16xf32> to vector<16xf32>
      %get3A_2404 = arith.constant 45 : i32
      %get3A_2405 = arith.index_cast %get3A_2404 : i32 to index
      %get3A_2406 = arith.constant 112 : index
      %get3A_2407 = tpu.vector_load %arg6[%get3A_2405, %get3A_2406] {strides = array<i32>} : memref<50x128xf32, #tpu.memory_space<vmem>>, vector<1x16xf32>,
      %get3A_2408 = vector.shape_cast %get3A_2407 : vector<1x16xf32> to vector<16xf32>
      %get3A_2409 = arith.constant 46 : i32
      %get3A_2410 = arith.index_cast %get3A_2409 : i32 to index
      %get3A_2411 = arith.constant 112 : index
      %get3A_2412 = tpu.vector_load %arg6[%get3A_2410, %get3A_2411] {strides = array<i32>} : memref<50x128xf32, #tpu.memory_space<vmem>>, vector<1x16xf32>,
      %get3A_2413 = vector.shape_cast %get3A_2412 : vector<1x16xf32> to vector<16xf32>
      %get3A_2414 = arith.constant 47 : i32
      %get3A_2415 = arith.index_cast %get3A_2414 : i32 to index
      %get3A_2416 = arith.constant 112 : index
      %get3A_2417 = tpu.vector_load %arg6[%get3A_2415, %get3A_2416] {strides = array<i32>} : memref<50x128xf32, #tpu.memory_space<vmem>>, vector<1x16xf32>,
      %get3A_2418 = vector.shape_cast %get3A_2417 : vector<1x16xf32> to vector<16xf32>
      %get3A_2419 = arith.constant 48 : i32
      %get3A_2420 = arith.index_cast %get3A_2419 : i32 to index
      %get3A_2421 = arith.constant 112 : index
      %get3A_2422 = tpu.vector_load %arg6[%get3A_2420, %get3A_2421] {strides = array<i32>} : memref<50x128xf32, #tpu.memory_space<vmem>>, vector<1x16xf32>,
      %get3A_2423 = vector.shape_cast %get3A_2422 : vector<1x16xf32> to vector<16xf32>
      %get3A_2424 = arith.constant 49 : i32
      %get3A_2425 = arith.index_cast %get3A_2424 : i32 to index
      %get3A_2426 = arith.constant 112 : index
      %get3A_2427 = tpu.vector_load %arg6[%get3A_2425, %get3A_2426] {strides = array<i32>} : memref<50x128xf32, #tpu.memory_space<vmem>>, vector<1x16xf32>,
      %get3A_2428 = vector.shape_cast %get3A_2427 : vector<1x16xf32> to vector<16xf32>
      %add3A_2429 = arith.addf %get3A_2183, %get3A_2188 : vector<16xf32>
      %add3A_2430 = arith.addf %get3A_2193, %get3A_2198 : vector<16xf32>
      %add3A_2431 = arith.addf %get3A_2203, %get3A_2208 : vector<16xf32>
      %add3A_2432 = arith.addf %get3A_2213, %get3A_2218 : vector<16xf32>
      %add3A_2433 = arith.addf %get3A_2223, %get3A_2228 : vector<16xf32>
      %add3A_2434 = arith.addf %get3A_2233, %get3A_2238 : vector<16xf32>
      %add3A_2435 = arith.addf %get3A_2243, %get3A_2248 : vector<16xf32>
      %add3A_2436 = arith.addf %get3A_2253, %get3A_2258 : vector<16xf32>
      %add3A_2437 = arith.addf %get3A_2263, %get3A_2268 : vector<16xf32>
      %add3A_2438 = arith.addf %get3A_2273, %get3A_2278 : vector<16xf32>
      %add3A_2439 = arith.addf %get3A_2283, %get3A_2288 : vector<16xf32>
      %add3A_2440 = arith.addf %get3A_2293, %get3A_2298 : vector<16xf32>
      %add3A_2441 = arith.addf %get3A_2303, %get3A_2308 : vector<16xf32>
      %add3A_2442 = arith.addf %get3A_2313, %get3A_2318 : vector<16xf32>
      %add3A_2443 = arith.addf %get3A_2323, %get3A_2328 : vector<16xf32>
      %add3A_2444 = arith.addf %get3A_2333, %get3A_2338 : vector<16xf32>
      %add3A_2445 = arith.addf %get3A_2343, %get3A_2348 : vector<16xf32>
      %add3A_2446 = arith.addf %get3A_2353, %get3A_2358 : vector<16xf32>
      %add3A_2447 = arith.addf %get3A_2363, %get3A_2368 : vector<16xf32>
      %add3A_2448 = arith.addf %get3A_2373, %get3A_2378 : vector<16xf32>
      %add3A_2449 = arith.addf %get3A_2383, %get3A_2388 : vector<16xf32>
      %add3A_2450 = arith.addf %get3A_2393, %get3A_2398 : vector<16xf32>
      %add3A_2451 = arith.addf %get3A_2403, %get3A_2408 : vector<16xf32>
      %add3A_2452 = arith.addf %get3A_2413, %get3A_2418 : vector<16xf32>
      %add3A_2453 = arith.addf %get3A_2423, %get3A_2428 : vector<16xf32>
      %add3A_2454 = arith.addf %add3A_2429, %add3A_2430 : vector<16xf32>
      %add3A_2455 = arith.addf %add3A_2431, %add3A_2432 : vector<16xf32>
      %add3A_2456 = arith.addf %add3A_2433, %add3A_2434 : vector<16xf32>
      %add3A_2457 = arith.addf %add3A_2435, %add3A_2436 : vector<16xf32>
      %add3A_2458 = arith.addf %add3A_2437, %add3A_2438 : vector<16xf32>
      %add3A_2459 = arith.addf %add3A_2439, %add3A_2440 : vector<16xf32>
      %add3A_2460 = arith.addf %add3A_2441, %add3A_2442 : vector<16xf32>
      %add3A_2461 = arith.addf %add3A_2443, %add3A_2444 : vector<16xf32>
      %add3A_2462 = arith.addf %add3A_2445, %add3A_2446 : vector<16xf32>
      %add3A_2463 = arith.addf %add3A_2447, %add3A_2448 : vector<16xf32>
      %add3A_2464 = arith.addf %add3A_2449, %add3A_2450 : vector<16xf32>
      %add3A_2465 = arith.addf %add3A_2451, %add3A_2452 : vector<16xf32>
      %add3A_2466 = arith.addf %add3A_2454, %add3A_2455 : vector<16xf32>
      %add3A_2467 = arith.addf %add3A_2456, %add3A_2457 : vector<16xf32>
      %add3A_2468 = arith.addf %add3A_2458, %add3A_2459 : vector<16xf32>
      %add3A_2469 = arith.addf %add3A_2460, %add3A_2461 : vector<16xf32>
      %add3A_2470 = arith.addf %add3A_2462, %add3A_2463 : vector<16xf32>
      %add3A_2471 = arith.addf %add3A_2464, %add3A_2465 : vector<16xf32>
      %add3A_2472 = arith.addf %add3A_2466, %add3A_2467 : vector<16xf32>
      %add3A_2473 = arith.addf %add3A_2468, %add3A_2469 : vector<16xf32>
      %add3A_2474 = arith.addf %add3A_2470, %add3A_2471 : vector<16xf32>
      %add3A_2475 = arith.addf %add3A_2472, %add3A_2473 : vector<16xf32>
      %add3A_2476 = arith.addf %add3A_2474, %add3A_2453 : vector<16xf32>
      %add3A_2477 = arith.addf %add3A_2475, %add3A_2476 : vector<16xf32>
      %mul3A_2478 = arith.constant 2.000000e-02 : f32
      %mul3A_2479 = vector.broadcast %mul3A_2478 : f32 to vector<16xf32>
      %mul3A_2480 = arith.mulf %add3A_2477, %mul3A_2479 : vector<16xf32>
      %swap3A_2481 = arith.index_cast %mul3A_18 : i32 to index
      %swap3A_2482 = arith.constant 112 : index
      %swap3A_2483 = tpu.vector_load %arg8[%swap3A_2481, %swap3A_2482] {strides = array<i32>} : memref<32x128xf32, #tpu.memory_space<vmem>>, vector<1x16xf32>,
      %swap3A_2484 = vector.shape_cast %swap3A_2483 : vector<1x16xf32> to vector<16xf32>
      %swap3A_2485 = vector.shape_cast %mul3A_2480 : vector<16xf32> to vector<1x16xf32>
      tpu.vector_store %arg8[%swap3A_2481, %swap3A_2482], %swap3A_2485 {strides = array<i32>} : memref<32x128xf32, #tpu.memory_space<vmem>>, vector<1x16xf32>,
      %add3A_2486 = arith.constant 2 : i32
      %add3A_2487 = arith.addi %mul3A_18, %add3A_2486 : i32
      %lt3A = arith.constant 32 : i32
      %lt3A_2488 = arith.cmpi slt, %add3A_2487, %lt3A : i32
      %convert_element_type3A = arith.extui %lt3A_2488 : i1 to i32
      %cond3A = arith.constant 0 : i32
      %cond3A_2489 = arith.cmpi ne, %convert_element_type3A, %cond3A : i32
      scf.if %cond3A_2489 {
        %add3A_4955 = arith.constant 2 : i32
        %add3A_4956 = arith.addi %mul3A_18, %add3A_4955 : i32
        %dma_start3A_4957 = arith.constant 0 : i32
        %dma_start3A_4958 = tpu.memref_slice %arg5[%add3A_4956, %dma_start3A_4957] : memref<32x50xi32, #tpu.memory_space<vmem>> -> memref<1x50xi32, #tpu.memory_space<vmem>>
        %dma_start3A_4959 = tpu.memref_squeeze %dma_start3A_4958 : memref<1x50xi32, #tpu.memory_space<vmem>> -> memref<50xi32, #tpu.memory_space<vmem>>
        %dma_start3A_4960 = arith.constant 0 : i32
        %dma_start3A_4961 = arith.constant 0 : i32
        %dma_start3A_4962 = tpu.memref_slice %arg3[%dma_start3A_4960, %dma_start3A_4961] : memref<100000x128xf32, #tpu.memory_space<hbm>> -> memref<100000x128xf32, #tpu.memory_space<hbm>>
        tpu.enqueue_indirect_dma source(%dma_start3A_4962 : memref<100000x128xf32, #tpu.memory_space<hbm>>) target(%arg6 : memref<50x128xf32, #tpu.memory_space<vmem>>) offsets(%dma_start3A_4959 : memref<50xi32, #tpu.memory_space<vmem>>) semaphore(%arg9 : memref<!tpu.dma_semaphore, #tpu.memory_space<semaphore_mem>>)
      } else {
      }
      %add3A_2490 = arith.constant 1 : i32
      %add3A_2491 = arith.addi %mul3A_18, %add3A_2490 : i32
      %dma_wait3A_2492 = arith.constant 0 : i32
      %dma_wait3A_2493 = tpu.memref_slice %arg5[%add3A_2491, %dma_wait3A_2492] : memref<32x50xi32, #tpu.memory_space<vmem>> -> memref<1x50xi32, #tpu.memory_space<vmem>>
      %dma_wait3A_2494 = tpu.memref_squeeze %dma_wait3A_2493 : memref<1x50xi32, #tpu.memory_space<vmem>> -> memref<50xi32, #tpu.memory_space<vmem>>
      %dma_wait3A_2495 = arith.constant 0 : i32
      %dma_wait3A_2496 = arith.constant 0 : i32
      %dma_wait3A_2497 = tpu.memref_slice %arg3[%dma_wait3A_2495, %dma_wait3A_2496] : memref<100000x128xf32, #tpu.memory_space<hbm>> -> memref<100000x128xf32, #tpu.memory_space<hbm>>
      tpu.wait_indirect_dma semaphore(%arg10 : memref<!tpu.dma_semaphore, #tpu.memory_space<semaphore_mem>>) src(%dma_wait3A_2497 : memref<100000x128xf32, #tpu.memory_space<hbm>>) dst(%arg7 : memref<50x128xf32, #tpu.memory_space<vmem>>)
      %get3A_2498 = arith.constant 0 : i32
      %get3A_2499 = arith.index_cast %get3A_2498 : i32 to index
      %get3A_2500 = arith.constant 0 : index
      %get3A_2501 = tpu.vector_load %arg7[%get3A_2499, %get3A_2500] {strides = array<i32>} : memref<50x128xf32, #tpu.memory_space<vmem>>, vector<1x16xf32>,
      %get3A_2502 = vector.shape_cast %get3A_2501 : vector<1x16xf32> to vector<16xf32>
      %get3A_2503 = arith.constant 1 : i32
      %get3A_2504 = arith.index_cast %get3A_2503 : i32 to index
      %get3A_2505 = arith.constant 0 : index
      %get3A_2506 = tpu.vector_load %arg7[%get3A_2504, %get3A_2505] {strides = array<i32>} : memref<50x128xf32, #tpu.memory_space<vmem>>, vector<1x16xf32>,
      %get3A_2507 = vector.shape_cast %get3A_2506 : vector<1x16xf32> to vector<16xf32>
      %get3A_2508 = arith.constant 2 : i32
      %get3A_2509 = arith.index_cast %get3A_2508 : i32 to index
      %get3A_2510 = arith.constant 0 : index
      %get3A_2511 = tpu.vector_load %arg7[%get3A_2509, %get3A_2510] {strides = array<i32>} : memref<50x128xf32, #tpu.memory_space<vmem>>, vector<1x16xf32>,
      %get3A_2512 = vector.shape_cast %get3A_2511 : vector<1x16xf32> to vector<16xf32>
      %get3A_2513 = arith.constant 3 : i32
      %get3A_2514 = arith.index_cast %get3A_2513 : i32 to index
      %get3A_2515 = arith.constant 0 : index
      %get3A_2516 = tpu.vector_load %arg7[%get3A_2514, %get3A_2515] {strides = array<i32>} : memref<50x128xf32, #tpu.memory_space<vmem>>, vector<1x16xf32>,
      %get3A_2517 = vector.shape_cast %get3A_2516 : vector<1x16xf32> to vector<16xf32>
      %get3A_2518 = arith.constant 4 : i32
      %get3A_2519 = arith.index_cast %get3A_2518 : i32 to index
      %get3A_2520 = arith.constant 0 : index
      %get3A_2521 = tpu.vector_load %arg7[%get3A_2519, %get3A_2520] {strides = array<i32>} : memref<50x128xf32, #tpu.memory_space<vmem>>, vector<1x16xf32>,
      %get3A_2522 = vector.shape_cast %get3A_2521 : vector<1x16xf32> to vector<16xf32>
      %get3A_2523 = arith.constant 5 : i32
      %get3A_2524 = arith.index_cast %get3A_2523 : i32 to index
      %get3A_2525 = arith.constant 0 : index
      %get3A_2526 = tpu.vector_load %arg7[%get3A_2524, %get3A_2525] {strides = array<i32>} : memref<50x128xf32, #tpu.memory_space<vmem>>, vector<1x16xf32>,
      %get3A_2527 = vector.shape_cast %get3A_2526 : vector<1x16xf32> to vector<16xf32>
      %get3A_2528 = arith.constant 6 : i32
      %get3A_2529 = arith.index_cast %get3A_2528 : i32 to index
      %get3A_2530 = arith.constant 0 : index
      %get3A_2531 = tpu.vector_load %arg7[%get3A_2529, %get3A_2530] {strides = array<i32>} : memref<50x128xf32, #tpu.memory_space<vmem>>, vector<1x16xf32>,
      %get3A_2532 = vector.shape_cast %get3A_2531 : vector<1x16xf32> to vector<16xf32>
      %get3A_2533 = arith.constant 7 : i32
      %get3A_2534 = arith.index_cast %get3A_2533 : i32 to index
      %get3A_2535 = arith.constant 0 : index
      %get3A_2536 = tpu.vector_load %arg7[%get3A_2534, %get3A_2535] {strides = array<i32>} : memref<50x128xf32, #tpu.memory_space<vmem>>, vector<1x16xf32>,
      %get3A_2537 = vector.shape_cast %get3A_2536 : vector<1x16xf32> to vector<16xf32>
      %get3A_2538 = arith.constant 8 : i32
      %get3A_2539 = arith.index_cast %get3A_2538 : i32 to index
      %get3A_2540 = arith.constant 0 : index
      %get3A_2541 = tpu.vector_load %arg7[%get3A_2539, %get3A_2540] {strides = array<i32>} : memref<50x128xf32, #tpu.memory_space<vmem>>, vector<1x16xf32>,
      %get3A_2542 = vector.shape_cast %get3A_2541 : vector<1x16xf32> to vector<16xf32>
      %get3A_2543 = arith.constant 9 : i32
      %get3A_2544 = arith.index_cast %get3A_2543 : i32 to index
      %get3A_2545 = arith.constant 0 : index
      %get3A_2546 = tpu.vector_load %arg7[%get3A_2544, %get3A_2545] {strides = array<i32>} : memref<50x128xf32, #tpu.memory_space<vmem>>, vector<1x16xf32>,
      %get3A_2547 = vector.shape_cast %get3A_2546 : vector<1x16xf32> to vector<16xf32>
      %get3A_2548 = arith.constant 10 : i32
      %get3A_2549 = arith.index_cast %get3A_2548 : i32 to index
      %get3A_2550 = arith.constant 0 : index
      %get3A_2551 = tpu.vector_load %arg7[%get3A_2549, %get3A_2550] {strides = array<i32>} : memref<50x128xf32, #tpu.memory_space<vmem>>, vector<1x16xf32>,
      %get3A_2552 = vector.shape_cast %get3A_2551 : vector<1x16xf32> to vector<16xf32>
      %get3A_2553 = arith.constant 11 : i32
      %get3A_2554 = arith.index_cast %get3A_2553 : i32 to index
      %get3A_2555 = arith.constant 0 : index
      %get3A_2556 = tpu.vector_load %arg7[%get3A_2554, %get3A_2555] {strides = array<i32>} : memref<50x128xf32, #tpu.memory_space<vmem>>, vector<1x16xf32>,
      %get3A_2557 = vector.shape_cast %get3A_2556 : vector<1x16xf32> to vector<16xf32>
      %get3A_2558 = arith.constant 12 : i32
      %get3A_2559 = arith.index_cast %get3A_2558 : i32 to index
      %get3A_2560 = arith.constant 0 : index
      %get3A_2561 = tpu.vector_load %arg7[%get3A_2559, %get3A_2560] {strides = array<i32>} : memref<50x128xf32, #tpu.memory_space<vmem>>, vector<1x16xf32>,
      %get3A_2562 = vector.shape_cast %get3A_2561 : vector<1x16xf32> to vector<16xf32>
      %get3A_2563 = arith.constant 13 : i32
      %get3A_2564 = arith.index_cast %get3A_2563 : i32 to index
      %get3A_2565 = arith.constant 0 : index
      %get3A_2566 = tpu.vector_load %arg7[%get3A_2564, %get3A_2565] {strides = array<i32>} : memref<50x128xf32, #tpu.memory_space<vmem>>, vector<1x16xf32>,
      %get3A_2567 = vector.shape_cast %get3A_2566 : vector<1x16xf32> to vector<16xf32>
      %get3A_2568 = arith.constant 14 : i32
      %get3A_2569 = arith.index_cast %get3A_2568 : i32 to index
      %get3A_2570 = arith.constant 0 : index
      %get3A_2571 = tpu.vector_load %arg7[%get3A_2569, %get3A_2570] {strides = array<i32>} : memref<50x128xf32, #tpu.memory_space<vmem>>, vector<1x16xf32>,
      %get3A_2572 = vector.shape_cast %get3A_2571 : vector<1x16xf32> to vector<16xf32>
      %get3A_2573 = arith.constant 15 : i32
      %get3A_2574 = arith.index_cast %get3A_2573 : i32 to index
      %get3A_2575 = arith.constant 0 : index
      %get3A_2576 = tpu.vector_load %arg7[%get3A_2574, %get3A_2575] {strides = array<i32>} : memref<50x128xf32, #tpu.memory_space<vmem>>, vector<1x16xf32>,
      %get3A_2577 = vector.shape_cast %get3A_2576 : vector<1x16xf32> to vector<16xf32>
      %get3A_2578 = arith.constant 16 : i32
      %get3A_2579 = arith.index_cast %get3A_2578 : i32 to index
      %get3A_2580 = arith.constant 0 : index
      %get3A_2581 = tpu.vector_load %arg7[%get3A_2579, %get3A_2580] {strides = array<i32>} : memref<50x128xf32, #tpu.memory_space<vmem>>, vector<1x16xf32>,
      %get3A_2582 = vector.shape_cast %get3A_2581 : vector<1x16xf32> to vector<16xf32>
      %get3A_2583 = arith.constant 17 : i32
      %get3A_2584 = arith.index_cast %get3A_2583 : i32 to index
      %get3A_2585 = arith.constant 0 : index
      %get3A_2586 = tpu.vector_load %arg7[%get3A_2584, %get3A_2585] {strides = array<i32>} : memref<50x128xf32, #tpu.memory_space<vmem>>, vector<1x16xf32>,
      %get3A_2587 = vector.shape_cast %get3A_2586 : vector<1x16xf32> to vector<16xf32>
      %get3A_2588 = arith.constant 18 : i32
      %get3A_2589 = arith.index_cast %get3A_2588 : i32 to index
      %get3A_2590 = arith.constant 0 : index
      %get3A_2591 = tpu.vector_load %arg7[%get3A_2589, %get3A_2590] {strides = array<i32>} : memref<50x128xf32, #tpu.memory_space<vmem>>, vector<1x16xf32>,
      %get3A_2592 = vector.shape_cast %get3A_2591 : vector<1x16xf32> to vector<16xf32>
      %get3A_2593 = arith.constant 19 : i32
      %get3A_2594 = arith.index_cast %get3A_2593 : i32 to index
      %get3A_2595 = arith.constant 0 : index
      %get3A_2596 = tpu.vector_load %arg7[%get3A_2594, %get3A_2595] {strides = array<i32>} : memref<50x128xf32, #tpu.memory_space<vmem>>, vector<1x16xf32>,
      %get3A_2597 = vector.shape_cast %get3A_2596 : vector<1x16xf32> to vector<16xf32>
      %get3A_2598 = arith.constant 20 : i32
      %get3A_2599 = arith.index_cast %get3A_2598 : i32 to index
      %get3A_2600 = arith.constant 0 : index
      %get3A_2601 = tpu.vector_load %arg7[%get3A_2599, %get3A_2600] {strides = array<i32>} : memref<50x128xf32, #tpu.memory_space<vmem>>, vector<1x16xf32>,
      %get3A_2602 = vector.shape_cast %get3A_2601 : vector<1x16xf32> to vector<16xf32>
      %get3A_2603 = arith.constant 21 : i32
      %get3A_2604 = arith.index_cast %get3A_2603 : i32 to index
      %get3A_2605 = arith.constant 0 : index
      %get3A_2606 = tpu.vector_load %arg7[%get3A_2604, %get3A_2605] {strides = array<i32>} : memref<50x128xf32, #tpu.memory_space<vmem>>, vector<1x16xf32>,
      %get3A_2607 = vector.shape_cast %get3A_2606 : vector<1x16xf32> to vector<16xf32>
      %get3A_2608 = arith.constant 22 : i32
      %get3A_2609 = arith.index_cast %get3A_2608 : i32 to index
      %get3A_2610 = arith.constant 0 : index
      %get3A_2611 = tpu.vector_load %arg7[%get3A_2609, %get3A_2610] {strides = array<i32>} : memref<50x128xf32, #tpu.memory_space<vmem>>, vector<1x16xf32>,
      %get3A_2612 = vector.shape_cast %get3A_2611 : vector<1x16xf32> to vector<16xf32>
      %get3A_2613 = arith.constant 23 : i32
      %get3A_2614 = arith.index_cast %get3A_2613 : i32 to index
      %get3A_2615 = arith.constant 0 : index
      %get3A_2616 = tpu.vector_load %arg7[%get3A_2614, %get3A_2615] {strides = array<i32>} : memref<50x128xf32, #tpu.memory_space<vmem>>, vector<1x16xf32>,
      %get3A_2617 = vector.shape_cast %get3A_2616 : vector<1x16xf32> to vector<16xf32>
      %get3A_2618 = arith.constant 24 : i32
      %get3A_2619 = arith.index_cast %get3A_2618 : i32 to index
      %get3A_2620 = arith.constant 0 : index
      %get3A_2621 = tpu.vector_load %arg7[%get3A_2619, %get3A_2620] {strides = array<i32>} : memref<50x128xf32, #tpu.memory_space<vmem>>, vector<1x16xf32>,
      %get3A_2622 = vector.shape_cast %get3A_2621 : vector<1x16xf32> to vector<16xf32>
      %get3A_2623 = arith.constant 25 : i32
      %get3A_2624 = arith.index_cast %get3A_2623 : i32 to index
      %get3A_2625 = arith.constant 0 : index
      %get3A_2626 = tpu.vector_load %arg7[%get3A_2624, %get3A_2625] {strides = array<i32>} : memref<50x128xf32, #tpu.memory_space<vmem>>, vector<1x16xf32>,
      %get3A_2627 = vector.shape_cast %get3A_2626 : vector<1x16xf32> to vector<16xf32>
      %get3A_2628 = arith.constant 26 : i32
      %get3A_2629 = arith.index_cast %get3A_2628 : i32 to index
      %get3A_2630 = arith.constant 0 : index
      %get3A_2631 = tpu.vector_load %arg7[%get3A_2629, %get3A_2630] {strides = array<i32>} : memref<50x128xf32, #tpu.memory_space<vmem>>, vector<1x16xf32>,
      %get3A_2632 = vector.shape_cast %get3A_2631 : vector<1x16xf32> to vector<16xf32>
      %get3A_2633 = arith.constant 27 : i32
      %get3A_2634 = arith.index_cast %get3A_2633 : i32 to index
      %get3A_2635 = arith.constant 0 : index
      %get3A_2636 = tpu.vector_load %arg7[%get3A_2634, %get3A_2635] {strides = array<i32>} : memref<50x128xf32, #tpu.memory_space<vmem>>, vector<1x16xf32>,
      %get3A_2637 = vector.shape_cast %get3A_2636 : vector<1x16xf32> to vector<16xf32>
      %get3A_2638 = arith.constant 28 : i32
      %get3A_2639 = arith.index_cast %get3A_2638 : i32 to index
      %get3A_2640 = arith.constant 0 : index
      %get3A_2641 = tpu.vector_load %arg7[%get3A_2639, %get3A_2640] {strides = array<i32>} : memref<50x128xf32, #tpu.memory_space<vmem>>, vector<1x16xf32>,
      %get3A_2642 = vector.shape_cast %get3A_2641 : vector<1x16xf32> to vector<16xf32>
      %get3A_2643 = arith.constant 29 : i32
      %get3A_2644 = arith.index_cast %get3A_2643 : i32 to index
      %get3A_2645 = arith.constant 0 : index
      %get3A_2646 = tpu.vector_load %arg7[%get3A_2644, %get3A_2645] {strides = array<i32>} : memref<50x128xf32, #tpu.memory_space<vmem>>, vector<1x16xf32>,
      %get3A_2647 = vector.shape_cast %get3A_2646 : vector<1x16xf32> to vector<16xf32>
      %get3A_2648 = arith.constant 30 : i32
      %get3A_2649 = arith.index_cast %get3A_2648 : i32 to index
      %get3A_2650 = arith.constant 0 : index
      %get3A_2651 = tpu.vector_load %arg7[%get3A_2649, %get3A_2650] {strides = array<i32>} : memref<50x128xf32, #tpu.memory_space<vmem>>, vector<1x16xf32>,
      %get3A_2652 = vector.shape_cast %get3A_2651 : vector<1x16xf32> to vector<16xf32>
      %get3A_2653 = arith.constant 31 : i32
      %get3A_2654 = arith.index_cast %get3A_2653 : i32 to index
      %get3A_2655 = arith.constant 0 : index
      %get3A_2656 = tpu.vector_load %arg7[%get3A_2654, %get3A_2655] {strides = array<i32>} : memref<50x128xf32, #tpu.memory_space<vmem>>, vector<1x16xf32>,
      %get3A_2657 = vector.shape_cast %get3A_2656 : vector<1x16xf32> to vector<16xf32>
      %get3A_2658 = arith.constant 32 : i32
      %get3A_2659 = arith.index_cast %get3A_2658 : i32 to index
      %get3A_2660 = arith.constant 0 : index
      %get3A_2661 = tpu.vector_load %arg7[%get3A_2659, %get3A_2660] {strides = array<i32>} : memref<50x128xf32, #tpu.memory_space<vmem>>, vector<1x16xf32>,
      %get3A_2662 = vector.shape_cast %get3A_2661 : vector<1x16xf32> to vector<16xf32>
      %get3A_2663 = arith.constant 33 : i32
      %get3A_2664 = arith.index_cast %get3A_2663 : i32 to index
      %get3A_2665 = arith.constant 0 : index
      %get3A_2666 = tpu.vector_load %arg7[%get3A_2664, %get3A_2665] {strides = array<i32>} : memref<50x128xf32, #tpu.memory_space<vmem>>, vector<1x16xf32>,
      %get3A_2667 = vector.shape_cast %get3A_2666 : vector<1x16xf32> to vector<16xf32>
      %get3A_2668 = arith.constant 34 : i32
      %get3A_2669 = arith.index_cast %get3A_2668 : i32 to index
      %get3A_2670 = arith.constant 0 : index
      %get3A_2671 = tpu.vector_load %arg7[%get3A_2669, %get3A_2670] {strides = array<i32>} : memref<50x128xf32, #tpu.memory_space<vmem>>, vector<1x16xf32>,
      %get3A_2672 = vector.shape_cast %get3A_2671 : vector<1x16xf32> to vector<16xf32>
      %get3A_2673 = arith.constant 35 : i32
      %get3A_2674 = arith.index_cast %get3A_2673 : i32 to index
      %get3A_2675 = arith.constant 0 : index
      %get3A_2676 = tpu.vector_load %arg7[%get3A_2674, %get3A_2675] {strides = array<i32>} : memref<50x128xf32, #tpu.memory_space<vmem>>, vector<1x16xf32>,
      %get3A_2677 = vector.shape_cast %get3A_2676 : vector<1x16xf32> to vector<16xf32>
      %get3A_2678 = arith.constant 36 : i32
      %get3A_2679 = arith.index_cast %get3A_2678 : i32 to index
      %get3A_2680 = arith.constant 0 : index
      %get3A_2681 = tpu.vector_load %arg7[%get3A_2679, %get3A_2680] {strides = array<i32>} : memref<50x128xf32, #tpu.memory_space<vmem>>, vector<1x16xf32>,
      %get3A_2682 = vector.shape_cast %get3A_2681 : vector<1x16xf32> to vector<16xf32>
      %get3A_2683 = arith.constant 37 : i32
      %get3A_2684 = arith.index_cast %get3A_2683 : i32 to index
      %get3A_2685 = arith.constant 0 : index
      %get3A_2686 = tpu.vector_load %arg7[%get3A_2684, %get3A_2685] {strides = array<i32>} : memref<50x128xf32, #tpu.memory_space<vmem>>, vector<1x16xf32>,
      %get3A_2687 = vector.shape_cast %get3A_2686 : vector<1x16xf32> to vector<16xf32>
      %get3A_2688 = arith.constant 38 : i32
      %get3A_2689 = arith.index_cast %get3A_2688 : i32 to index
      %get3A_2690 = arith.constant 0 : index
      %get3A_2691 = tpu.vector_load %arg7[%get3A_2689, %get3A_2690] {strides = array<i32>} : memref<50x128xf32, #tpu.memory_space<vmem>>, vector<1x16xf32>,
      %get3A_2692 = vector.shape_cast %get3A_2691 : vector<1x16xf32> to vector<16xf32>
      %get3A_2693 = arith.constant 39 : i32
      %get3A_2694 = arith.index_cast %get3A_2693 : i32 to index
      %get3A_2695 = arith.constant 0 : index
      %get3A_2696 = tpu.vector_load %arg7[%get3A_2694, %get3A_2695] {strides = array<i32>} : memref<50x128xf32, #tpu.memory_space<vmem>>, vector<1x16xf32>,
      %get3A_2697 = vector.shape_cast %get3A_2696 : vector<1x16xf32> to vector<16xf32>
      %get3A_2698 = arith.constant 40 : i32
      %get3A_2699 = arith.index_cast %get3A_2698 : i32 to index
      %get3A_2700 = arith.constant 0 : index
      %get3A_2701 = tpu.vector_load %arg7[%get3A_2699, %get3A_2700] {strides = array<i32>} : memref<50x128xf32, #tpu.memory_space<vmem>>, vector<1x16xf32>,
      %get3A_2702 = vector.shape_cast %get3A_2701 : vector<1x16xf32> to vector<16xf32>
      %get3A_2703 = arith.constant 41 : i32
      %get3A_2704 = arith.index_cast %get3A_2703 : i32 to index
      %get3A_2705 = arith.constant 0 : index
      %get3A_2706 = tpu.vector_load %arg7[%get3A_2704, %get3A_2705] {strides = array<i32>} : memref<50x128xf32, #tpu.memory_space<vmem>>, vector<1x16xf32>,
      %get3A_2707 = vector.shape_cast %get3A_2706 : vector<1x16xf32> to vector<16xf32>
      %get3A_2708 = arith.constant 42 : i32
      %get3A_2709 = arith.index_cast %get3A_2708 : i32 to index
      %get3A_2710 = arith.constant 0 : index
      %get3A_2711 = tpu.vector_load %arg7[%get3A_2709, %get3A_2710] {strides = array<i32>} : memref<50x128xf32, #tpu.memory_space<vmem>>, vector<1x16xf32>,
      %get3A_2712 = vector.shape_cast %get3A_2711 : vector<1x16xf32> to vector<16xf32>
      %get3A_2713 = arith.constant 43 : i32
      %get3A_2714 = arith.index_cast %get3A_2713 : i32 to index
      %get3A_2715 = arith.constant 0 : index
      %get3A_2716 = tpu.vector_load %arg7[%get3A_2714, %get3A_2715] {strides = array<i32>} : memref<50x128xf32, #tpu.memory_space<vmem>>, vector<1x16xf32>,
      %get3A_2717 = vector.shape_cast %get3A_2716 : vector<1x16xf32> to vector<16xf32>
      %get3A_2718 = arith.constant 44 : i32
      %get3A_2719 = arith.index_cast %get3A_2718 : i32 to index
      %get3A_2720 = arith.constant 0 : index
      %get3A_2721 = tpu.vector_load %arg7[%get3A_2719, %get3A_2720] {strides = array<i32>} : memref<50x128xf32, #tpu.memory_space<vmem>>, vector<1x16xf32>,
      %get3A_2722 = vector.shape_cast %get3A_2721 : vector<1x16xf32> to vector<16xf32>
      %get3A_2723 = arith.constant 45 : i32
      %get3A_2724 = arith.index_cast %get3A_2723 : i32 to index
      %get3A_2725 = arith.constant 0 : index
      %get3A_2726 = tpu.vector_load %arg7[%get3A_2724, %get3A_2725] {strides = array<i32>} : memref<50x128xf32, #tpu.memory_space<vmem>>, vector<1x16xf32>,
      %get3A_2727 = vector.shape_cast %get3A_2726 : vector<1x16xf32> to vector<16xf32>
      %get3A_2728 = arith.constant 46 : i32
      %get3A_2729 = arith.index_cast %get3A_2728 : i32 to index
      %get3A_2730 = arith.constant 0 : index
      %get3A_2731 = tpu.vector_load %arg7[%get3A_2729, %get3A_2730] {strides = array<i32>} : memref<50x128xf32, #tpu.memory_space<vmem>>, vector<1x16xf32>,
      %get3A_2732 = vector.shape_cast %get3A_2731 : vector<1x16xf32> to vector<16xf32>
      %get3A_2733 = arith.constant 47 : i32
      %get3A_2734 = arith.index_cast %get3A_2733 : i32 to index
      %get3A_2735 = arith.constant 0 : index
      %get3A_2736 = tpu.vector_load %arg7[%get3A_2734, %get3A_2735] {strides = array<i32>} : memref<50x128xf32, #tpu.memory_space<vmem>>, vector<1x16xf32>,
      %get3A_2737 = vector.shape_cast %get3A_2736 : vector<1x16xf32> to vector<16xf32>
      %get3A_2738 = arith.constant 48 : i32
      %get3A_2739 = arith.index_cast %get3A_2738 : i32 to index
      %get3A_2740 = arith.constant 0 : index
      %get3A_2741 = tpu.vector_load %arg7[%get3A_2739, %get3A_2740] {strides = array<i32>} : memref<50x128xf32, #tpu.memory_space<vmem>>, vector<1x16xf32>,
      %get3A_2742 = vector.shape_cast %get3A_2741 : vector<1x16xf32> to vector<16xf32>
      %get3A_2743 = arith.constant 49 : i32
      %get3A_2744 = arith.index_cast %get3A_2743 : i32 to index
      %get3A_2745 = arith.constant 0 : index
      %get3A_2746 = tpu.vector_load %arg7[%get3A_2744, %get3A_2745] {strides = array<i32>} : memref<50x128xf32, #tpu.memory_space<vmem>>, vector<1x16xf32>,
      %get3A_2747 = vector.shape_cast %get3A_2746 : vector<1x16xf32> to vector<16xf32>
      %add3A_2748 = arith.addf %get3A_2502, %get3A_2507 : vector<16xf32>
      %add3A_2749 = arith.addf %get3A_2512, %get3A_2517 : vector<16xf32>
      %add3A_2750 = arith.addf %get3A_2522, %get3A_2527 : vector<16xf32>
      %add3A_2751 = arith.addf %get3A_2532, %get3A_2537 : vector<16xf32>
      %add3A_2752 = arith.addf %get3A_2542, %get3A_2547 : vector<16xf32>
      %add3A_2753 = arith.addf %get3A_2552, %get3A_2557 : vector<16xf32>
      %add3A_2754 = arith.addf %get3A_2562, %get3A_2567 : vector<16xf32>
      %add3A_2755 = arith.addf %get3A_2572, %get3A_2577 : vector<16xf32>
      %add3A_2756 = arith.addf %get3A_2582, %get3A_2587 : vector<16xf32>
      %add3A_2757 = arith.addf %get3A_2592, %get3A_2597 : vector<16xf32>
      %add3A_2758 = arith.addf %get3A_2602, %get3A_2607 : vector<16xf32>
      %add3A_2759 = arith.addf %get3A_2612, %get3A_2617 : vector<16xf32>
      %add3A_2760 = arith.addf %get3A_2622, %get3A_2627 : vector<16xf32>
      %add3A_2761 = arith.addf %get3A_2632, %get3A_2637 : vector<16xf32>
      %add3A_2762 = arith.addf %get3A_2642, %get3A_2647 : vector<16xf32>
      %add3A_2763 = arith.addf %get3A_2652, %get3A_2657 : vector<16xf32>
      %add3A_2764 = arith.addf %get3A_2662, %get3A_2667 : vector<16xf32>
      %add3A_2765 = arith.addf %get3A_2672, %get3A_2677 : vector<16xf32>
      %add3A_2766 = arith.addf %get3A_2682, %get3A_2687 : vector<16xf32>
      %add3A_2767 = arith.addf %get3A_2692, %get3A_2697 : vector<16xf32>
      %add3A_2768 = arith.addf %get3A_2702, %get3A_2707 : vector<16xf32>
      %add3A_2769 = arith.addf %get3A_2712, %get3A_2717 : vector<16xf32>
      %add3A_2770 = arith.addf %get3A_2722, %get3A_2727 : vector<16xf32>
      %add3A_2771 = arith.addf %get3A_2732, %get3A_2737 : vector<16xf32>
      %add3A_2772 = arith.addf %get3A_2742, %get3A_2747 : vector<16xf32>
      %add3A_2773 = arith.addf %add3A_2748, %add3A_2749 : vector<16xf32>
      %add3A_2774 = arith.addf %add3A_2750, %add3A_2751 : vector<16xf32>
      %add3A_2775 = arith.addf %add3A_2752, %add3A_2753 : vector<16xf32>
      %add3A_2776 = arith.addf %add3A_2754, %add3A_2755 : vector<16xf32>
      %add3A_2777 = arith.addf %add3A_2756, %add3A_2757 : vector<16xf32>
      %add3A_2778 = arith.addf %add3A_2758, %add3A_2759 : vector<16xf32>
      %add3A_2779 = arith.addf %add3A_2760, %add3A_2761 : vector<16xf32>
      %add3A_2780 = arith.addf %add3A_2762, %add3A_2763 : vector<16xf32>
      %add3A_2781 = arith.addf %add3A_2764, %add3A_2765 : vector<16xf32>
      %add3A_2782 = arith.addf %add3A_2766, %add3A_2767 : vector<16xf32>
      %add3A_2783 = arith.addf %add3A_2768, %add3A_2769 : vector<16xf32>
      %add3A_2784 = arith.addf %add3A_2770, %add3A_2771 : vector<16xf32>
      %add3A_2785 = arith.addf %add3A_2773, %add3A_2774 : vector<16xf32>
      %add3A_2786 = arith.addf %add3A_2775, %add3A_2776 : vector<16xf32>
      %add3A_2787 = arith.addf %add3A_2777, %add3A_2778 : vector<16xf32>
      %add3A_2788 = arith.addf %add3A_2779, %add3A_2780 : vector<16xf32>
      %add3A_2789 = arith.addf %add3A_2781, %add3A_2782 : vector<16xf32>
      %add3A_2790 = arith.addf %add3A_2783, %add3A_2784 : vector<16xf32>
      %add3A_2791 = arith.addf %add3A_2785, %add3A_2786 : vector<16xf32>
      %add3A_2792 = arith.addf %add3A_2787, %add3A_2788 : vector<16xf32>
      %add3A_2793 = arith.addf %add3A_2789, %add3A_2790 : vector<16xf32>
      %add3A_2794 = arith.addf %add3A_2791, %add3A_2792 : vector<16xf32>
      %add3A_2795 = arith.addf %add3A_2793, %add3A_2772 : vector<16xf32>
      %add3A_2796 = arith.addf %add3A_2794, %add3A_2795 : vector<16xf32>
      %mul3A_2797 = arith.constant 2.000000e-02 : f32
      %mul3A_2798 = vector.broadcast %mul3A_2797 : f32 to vector<16xf32>
      %mul3A_2799 = arith.mulf %add3A_2796, %mul3A_2798 : vector<16xf32>
      %swap3A_2800 = arith.index_cast %add3A_2491 : i32 to index
      %swap3A_2801 = arith.constant 0 : index
      %swap3A_2802 = tpu.vector_load %arg8[%swap3A_2800, %swap3A_2801] {strides = array<i32>} : memref<32x128xf32, #tpu.memory_space<vmem>>, vector<1x16xf32>,
      %swap3A_2803 = vector.shape_cast %swap3A_2802 : vector<1x16xf32> to vector<16xf32>
      %swap3A_2804 = vector.shape_cast %mul3A_2799 : vector<16xf32> to vector<1x16xf32>
      tpu.vector_store %arg8[%swap3A_2800, %swap3A_2801], %swap3A_2804 {strides = array<i32>} : memref<32x128xf32, #tpu.memory_space<vmem>>, vector<1x16xf32>,
      %get3A_2805 = arith.constant 0 : i32
      %get3A_2806 = arith.index_cast %get3A_2805 : i32 to index
      %get3A_2807 = arith.constant 16 : index
      %get3A_2808 = tpu.vector_load %arg7[%get3A_2806, %get3A_2807] {strides = array<i32>} : memref<50x128xf32, #tpu.memory_space<vmem>>, vector<1x16xf32>,
      %get3A_2809 = vector.shape_cast %get3A_2808 : vector<1x16xf32> to vector<16xf32>
      %get3A_2810 = arith.constant 1 : i32
      %get3A_2811 = arith.index_cast %get3A_2810 : i32 to index
      %get3A_2812 = arith.constant 16 : index
      %get3A_2813 = tpu.vector_load %arg7[%get3A_2811, %get3A_2812] {strides = array<i32>} : memref<50x128xf32, #tpu.memory_space<vmem>>, vector<1x16xf32>,
      %get3A_2814 = vector.shape_cast %get3A_2813 : vector<1x16xf32> to vector<16xf32>
      %get3A_2815 = arith.constant 2 : i32
      %get3A_2816 = arith.index_cast %get3A_2815 : i32 to index
      %get3A_2817 = arith.constant 16 : index
      %get3A_2818 = tpu.vector_load %arg7[%get3A_2816, %get3A_2817] {strides = array<i32>} : memref<50x128xf32, #tpu.memory_space<vmem>>, vector<1x16xf32>,
      %get3A_2819 = vector.shape_cast %get3A_2818 : vector<1x16xf32> to vector<16xf32>
      %get3A_2820 = arith.constant 3 : i32
      %get3A_2821 = arith.index_cast %get3A_2820 : i32 to index
      %get3A_2822 = arith.constant 16 : index
      %get3A_2823 = tpu.vector_load %arg7[%get3A_2821, %get3A_2822] {strides = array<i32>} : memref<50x128xf32, #tpu.memory_space<vmem>>, vector<1x16xf32>,
      %get3A_2824 = vector.shape_cast %get3A_2823 : vector<1x16xf32> to vector<16xf32>
      %get3A_2825 = arith.constant 4 : i32
      %get3A_2826 = arith.index_cast %get3A_2825 : i32 to index
      %get3A_2827 = arith.constant 16 : index
      %get3A_2828 = tpu.vector_load %arg7[%get3A_2826, %get3A_2827] {strides = array<i32>} : memref<50x128xf32, #tpu.memory_space<vmem>>, vector<1x16xf32>,
      %get3A_2829 = vector.shape_cast %get3A_2828 : vector<1x16xf32> to vector<16xf32>
      %get3A_2830 = arith.constant 5 : i32
      %get3A_2831 = arith.index_cast %get3A_2830 : i32 to index
      %get3A_2832 = arith.constant 16 : index
      %get3A_2833 = tpu.vector_load %arg7[%get3A_2831, %get3A_2832] {strides = array<i32>} : memref<50x128xf32, #tpu.memory_space<vmem>>, vector<1x16xf32>,
      %get3A_2834 = vector.shape_cast %get3A_2833 : vector<1x16xf32> to vector<16xf32>
      %get3A_2835 = arith.constant 6 : i32
      %get3A_2836 = arith.index_cast %get3A_2835 : i32 to index
      %get3A_2837 = arith.constant 16 : index
      %get3A_2838 = tpu.vector_load %arg7[%get3A_2836, %get3A_2837] {strides = array<i32>} : memref<50x128xf32, #tpu.memory_space<vmem>>, vector<1x16xf32>,
      %get3A_2839 = vector.shape_cast %get3A_2838 : vector<1x16xf32> to vector<16xf32>
      %get3A_2840 = arith.constant 7 : i32
      %get3A_2841 = arith.index_cast %get3A_2840 : i32 to index
      %get3A_2842 = arith.constant 16 : index
      %get3A_2843 = tpu.vector_load %arg7[%get3A_2841, %get3A_2842] {strides = array<i32>} : memref<50x128xf32, #tpu.memory_space<vmem>>, vector<1x16xf32>,
      %get3A_2844 = vector.shape_cast %get3A_2843 : vector<1x16xf32> to vector<16xf32>
      %get3A_2845 = arith.constant 8 : i32
      %get3A_2846 = arith.index_cast %get3A_2845 : i32 to index
      %get3A_2847 = arith.constant 16 : index
      %get3A_2848 = tpu.vector_load %arg7[%get3A_2846, %get3A_2847] {strides = array<i32>} : memref<50x128xf32, #tpu.memory_space<vmem>>, vector<1x16xf32>,
      %get3A_2849 = vector.shape_cast %get3A_2848 : vector<1x16xf32> to vector<16xf32>
      %get3A_2850 = arith.constant 9 : i32
      %get3A_2851 = arith.index_cast %get3A_2850 : i32 to index
      %get3A_2852 = arith.constant 16 : index
      %get3A_2853 = tpu.vector_load %arg7[%get3A_2851, %get3A_2852] {strides = array<i32>} : memref<50x128xf32, #tpu.memory_space<vmem>>, vector<1x16xf32>,
      %get3A_2854 = vector.shape_cast %get3A_2853 : vector<1x16xf32> to vector<16xf32>
      %get3A_2855 = arith.constant 10 : i32
      %get3A_2856 = arith.index_cast %get3A_2855 : i32 to index
      %get3A_2857 = arith.constant 16 : index
      %get3A_2858 = tpu.vector_load %arg7[%get3A_2856, %get3A_2857] {strides = array<i32>} : memref<50x128xf32, #tpu.memory_space<vmem>>, vector<1x16xf32>,
      %get3A_2859 = vector.shape_cast %get3A_2858 : vector<1x16xf32> to vector<16xf32>
      %get3A_2860 = arith.constant 11 : i32
      %get3A_2861 = arith.index_cast %get3A_2860 : i32 to index
      %get3A_2862 = arith.constant 16 : index
      %get3A_2863 = tpu.vector_load %arg7[%get3A_2861, %get3A_2862] {strides = array<i32>} : memref<50x128xf32, #tpu.memory_space<vmem>>, vector<1x16xf32>,
      %get3A_2864 = vector.shape_cast %get3A_2863 : vector<1x16xf32> to vector<16xf32>
      %get3A_2865 = arith.constant 12 : i32
      %get3A_2866 = arith.index_cast %get3A_2865 : i32 to index
      %get3A_2867 = arith.constant 16 : index
      %get3A_2868 = tpu.vector_load %arg7[%get3A_2866, %get3A_2867] {strides = array<i32>} : memref<50x128xf32, #tpu.memory_space<vmem>>, vector<1x16xf32>,
      %get3A_2869 = vector.shape_cast %get3A_2868 : vector<1x16xf32> to vector<16xf32>
      %get3A_2870 = arith.constant 13 : i32
      %get3A_2871 = arith.index_cast %get3A_2870 : i32 to index
      %get3A_2872 = arith.constant 16 : index
      %get3A_2873 = tpu.vector_load %arg7[%get3A_2871, %get3A_2872] {strides = array<i32>} : memref<50x128xf32, #tpu.memory_space<vmem>>, vector<1x16xf32>,
      %get3A_2874 = vector.shape_cast %get3A_2873 : vector<1x16xf32> to vector<16xf32>
      %get3A_2875 = arith.constant 14 : i32
      %get3A_2876 = arith.index_cast %get3A_2875 : i32 to index
      %get3A_2877 = arith.constant 16 : index
      %get3A_2878 = tpu.vector_load %arg7[%get3A_2876, %get3A_2877] {strides = array<i32>} : memref<50x128xf32, #tpu.memory_space<vmem>>, vector<1x16xf32>,
      %get3A_2879 = vector.shape_cast %get3A_2878 : vector<1x16xf32> to vector<16xf32>
      %get3A_2880 = arith.constant 15 : i32
      %get3A_2881 = arith.index_cast %get3A_2880 : i32 to index
      %get3A_2882 = arith.constant 16 : index
      %get3A_2883 = tpu.vector_load %arg7[%get3A_2881, %get3A_2882] {strides = array<i32>} : memref<50x128xf32, #tpu.memory_space<vmem>>, vector<1x16xf32>,
      %get3A_2884 = vector.shape_cast %get3A_2883 : vector<1x16xf32> to vector<16xf32>
      %get3A_2885 = arith.constant 16 : i32
      %get3A_2886 = arith.index_cast %get3A_2885 : i32 to index
      %get3A_2887 = arith.constant 16 : index
      %get3A_2888 = tpu.vector_load %arg7[%get3A_2886, %get3A_2887] {strides = array<i32>} : memref<50x128xf32, #tpu.memory_space<vmem>>, vector<1x16xf32>,
      %get3A_2889 = vector.shape_cast %get3A_2888 : vector<1x16xf32> to vector<16xf32>
      %get3A_2890 = arith.constant 17 : i32
      %get3A_2891 = arith.index_cast %get3A_2890 : i32 to index
      %get3A_2892 = arith.constant 16 : index
      %get3A_2893 = tpu.vector_load %arg7[%get3A_2891, %get3A_2892] {strides = array<i32>} : memref<50x128xf32, #tpu.memory_space<vmem>>, vector<1x16xf32>,
      %get3A_2894 = vector.shape_cast %get3A_2893 : vector<1x16xf32> to vector<16xf32>
      %get3A_2895 = arith.constant 18 : i32
      %get3A_2896 = arith.index_cast %get3A_2895 : i32 to index
      %get3A_2897 = arith.constant 16 : index
      %get3A_2898 = tpu.vector_load %arg7[%get3A_2896, %get3A_2897] {strides = array<i32>} : memref<50x128xf32, #tpu.memory_space<vmem>>, vector<1x16xf32>,
      %get3A_2899 = vector.shape_cast %get3A_2898 : vector<1x16xf32> to vector<16xf32>
      %get3A_2900 = arith.constant 19 : i32
      %get3A_2901 = arith.index_cast %get3A_2900 : i32 to index
      %get3A_2902 = arith.constant 16 : index
      %get3A_2903 = tpu.vector_load %arg7[%get3A_2901, %get3A_2902] {strides = array<i32>} : memref<50x128xf32, #tpu.memory_space<vmem>>, vector<1x16xf32>,
      %get3A_2904 = vector.shape_cast %get3A_2903 : vector<1x16xf32> to vector<16xf32>
      %get3A_2905 = arith.constant 20 : i32
      %get3A_2906 = arith.index_cast %get3A_2905 : i32 to index
      %get3A_2907 = arith.constant 16 : index
      %get3A_2908 = tpu.vector_load %arg7[%get3A_2906, %get3A_2907] {strides = array<i32>} : memref<50x128xf32, #tpu.memory_space<vmem>>, vector<1x16xf32>,
      %get3A_2909 = vector.shape_cast %get3A_2908 : vector<1x16xf32> to vector<16xf32>
      %get3A_2910 = arith.constant 21 : i32
      %get3A_2911 = arith.index_cast %get3A_2910 : i32 to index
      %get3A_2912 = arith.constant 16 : index
      %get3A_2913 = tpu.vector_load %arg7[%get3A_2911, %get3A_2912] {strides = array<i32>} : memref<50x128xf32, #tpu.memory_space<vmem>>, vector<1x16xf32>,
      %get3A_2914 = vector.shape_cast %get3A_2913 : vector<1x16xf32> to vector<16xf32>
      %get3A_2915 = arith.constant 22 : i32
      %get3A_2916 = arith.index_cast %get3A_2915 : i32 to index
      %get3A_2917 = arith.constant 16 : index
      %get3A_2918 = tpu.vector_load %arg7[%get3A_2916, %get3A_2917] {strides = array<i32>} : memref<50x128xf32, #tpu.memory_space<vmem>>, vector<1x16xf32>,
      %get3A_2919 = vector.shape_cast %get3A_2918 : vector<1x16xf32> to vector<16xf32>
      %get3A_2920 = arith.constant 23 : i32
      %get3A_2921 = arith.index_cast %get3A_2920 : i32 to index
      %get3A_2922 = arith.constant 16 : index
      %get3A_2923 = tpu.vector_load %arg7[%get3A_2921, %get3A_2922] {strides = array<i32>} : memref<50x128xf32, #tpu.memory_space<vmem>>, vector<1x16xf32>,
      %get3A_2924 = vector.shape_cast %get3A_2923 : vector<1x16xf32> to vector<16xf32>
      %get3A_2925 = arith.constant 24 : i32
      %get3A_2926 = arith.index_cast %get3A_2925 : i32 to index
      %get3A_2927 = arith.constant 16 : index
      %get3A_2928 = tpu.vector_load %arg7[%get3A_2926, %get3A_2927] {strides = array<i32>} : memref<50x128xf32, #tpu.memory_space<vmem>>, vector<1x16xf32>,
      %get3A_2929 = vector.shape_cast %get3A_2928 : vector<1x16xf32> to vector<16xf32>
      %get3A_2930 = arith.constant 25 : i32
      %get3A_2931 = arith.index_cast %get3A_2930 : i32 to index
      %get3A_2932 = arith.constant 16 : index
      %get3A_2933 = tpu.vector_load %arg7[%get3A_2931, %get3A_2932] {strides = array<i32>} : memref<50x128xf32, #tpu.memory_space<vmem>>, vector<1x16xf32>,
      %get3A_2934 = vector.shape_cast %get3A_2933 : vector<1x16xf32> to vector<16xf32>
      %get3A_2935 = arith.constant 26 : i32
      %get3A_2936 = arith.index_cast %get3A_2935 : i32 to index
      %get3A_2937 = arith.constant 16 : index
      %get3A_2938 = tpu.vector_load %arg7[%get3A_2936, %get3A_2937] {strides = array<i32>} : memref<50x128xf32, #tpu.memory_space<vmem>>, vector<1x16xf32>,
      %get3A_2939 = vector.shape_cast %get3A_2938 : vector<1x16xf32> to vector<16xf32>
      %get3A_2940 = arith.constant 27 : i32
      %get3A_2941 = arith.index_cast %get3A_2940 : i32 to index
      %get3A_2942 = arith.constant 16 : index
      %get3A_2943 = tpu.vector_load %arg7[%get3A_2941, %get3A_2942] {strides = array<i32>} : memref<50x128xf32, #tpu.memory_space<vmem>>, vector<1x16xf32>,
      %get3A_2944 = vector.shape_cast %get3A_2943 : vector<1x16xf32> to vector<16xf32>
      %get3A_2945 = arith.constant 28 : i32
      %get3A_2946 = arith.index_cast %get3A_2945 : i32 to index
      %get3A_2947 = arith.constant 16 : index
      %get3A_2948 = tpu.vector_load %arg7[%get3A_2946, %get3A_2947] {strides = array<i32>} : memref<50x128xf32, #tpu.memory_space<vmem>>, vector<1x16xf32>,
      %get3A_2949 = vector.shape_cast %get3A_2948 : vector<1x16xf32> to vector<16xf32>
      %get3A_2950 = arith.constant 29 : i32
      %get3A_2951 = arith.index_cast %get3A_2950 : i32 to index
      %get3A_2952 = arith.constant 16 : index
      %get3A_2953 = tpu.vector_load %arg7[%get3A_2951, %get3A_2952] {strides = array<i32>} : memref<50x128xf32, #tpu.memory_space<vmem>>, vector<1x16xf32>,
      %get3A_2954 = vector.shape_cast %get3A_2953 : vector<1x16xf32> to vector<16xf32>
      %get3A_2955 = arith.constant 30 : i32
      %get3A_2956 = arith.index_cast %get3A_2955 : i32 to index
      %get3A_2957 = arith.constant 16 : index
      %get3A_2958 = tpu.vector_load %arg7[%get3A_2956, %get3A_2957] {strides = array<i32>} : memref<50x128xf32, #tpu.memory_space<vmem>>, vector<1x16xf32>,
      %get3A_2959 = vector.shape_cast %get3A_2958 : vector<1x16xf32> to vector<16xf32>
      %get3A_2960 = arith.constant 31 : i32
      %get3A_2961 = arith.index_cast %get3A_2960 : i32 to index
      %get3A_2962 = arith.constant 16 : index
      %get3A_2963 = tpu.vector_load %arg7[%get3A_2961, %get3A_2962] {strides = array<i32>} : memref<50x128xf32, #tpu.memory_space<vmem>>, vector<1x16xf32>,
      %get3A_2964 = vector.shape_cast %get3A_2963 : vector<1x16xf32> to vector<16xf32>
      %get3A_2965 = arith.constant 32 : i32
      %get3A_2966 = arith.index_cast %get3A_2965 : i32 to index
      %get3A_2967 = arith.constant 16 : index
      %get3A_2968 = tpu.vector_load %arg7[%get3A_2966, %get3A_2967] {strides = array<i32>} : memref<50x128xf32, #tpu.memory_space<vmem>>, vector<1x16xf32>,
      %get3A_2969 = vector.shape_cast %get3A_2968 : vector<1x16xf32> to vector<16xf32>
      %get3A_2970 = arith.constant 33 : i32
      %get3A_2971 = arith.index_cast %get3A_2970 : i32 to index
      %get3A_2972 = arith.constant 16 : index
      %get3A_2973 = tpu.vector_load %arg7[%get3A_2971, %get3A_2972] {strides = array<i32>} : memref<50x128xf32, #tpu.memory_space<vmem>>, vector<1x16xf32>,
      %get3A_2974 = vector.shape_cast %get3A_2973 : vector<1x16xf32> to vector<16xf32>
      %get3A_2975 = arith.constant 34 : i32
      %get3A_2976 = arith.index_cast %get3A_2975 : i32 to index
      %get3A_2977 = arith.constant 16 : index
      %get3A_2978 = tpu.vector_load %arg7[%get3A_2976, %get3A_2977] {strides = array<i32>} : memref<50x128xf32, #tpu.memory_space<vmem>>, vector<1x16xf32>,
      %get3A_2979 = vector.shape_cast %get3A_2978 : vector<1x16xf32> to vector<16xf32>
      %get3A_2980 = arith.constant 35 : i32
      %get3A_2981 = arith.index_cast %get3A_2980 : i32 to index
      %get3A_2982 = arith.constant 16 : index
      %get3A_2983 = tpu.vector_load %arg7[%get3A_2981, %get3A_2982] {strides = array<i32>} : memref<50x128xf32, #tpu.memory_space<vmem>>, vector<1x16xf32>,
      %get3A_2984 = vector.shape_cast %get3A_2983 : vector<1x16xf32> to vector<16xf32>
      %get3A_2985 = arith.constant 36 : i32
      %get3A_2986 = arith.index_cast %get3A_2985 : i32 to index
      %get3A_2987 = arith.constant 16 : index
      %get3A_2988 = tpu.vector_load %arg7[%get3A_2986, %get3A_2987] {strides = array<i32>} : memref<50x128xf32, #tpu.memory_space<vmem>>, vector<1x16xf32>,
      %get3A_2989 = vector.shape_cast %get3A_2988 : vector<1x16xf32> to vector<16xf32>
      %get3A_2990 = arith.constant 37 : i32
      %get3A_2991 = arith.index_cast %get3A_2990 : i32 to index
      %get3A_2992 = arith.constant 16 : index
      %get3A_2993 = tpu.vector_load %arg7[%get3A_2991, %get3A_2992] {strides = array<i32>} : memref<50x128xf32, #tpu.memory_space<vmem>>, vector<1x16xf32>,
      %get3A_2994 = vector.shape_cast %get3A_2993 : vector<1x16xf32> to vector<16xf32>
      %get3A_2995 = arith.constant 38 : i32
      %get3A_2996 = arith.index_cast %get3A_2995 : i32 to index
      %get3A_2997 = arith.constant 16 : index
      %get3A_2998 = tpu.vector_load %arg7[%get3A_2996, %get3A_2997] {strides = array<i32>} : memref<50x128xf32, #tpu.memory_space<vmem>>, vector<1x16xf32>,
      %get3A_2999 = vector.shape_cast %get3A_2998 : vector<1x16xf32> to vector<16xf32>
      %get3A_3000 = arith.constant 39 : i32
      %get3A_3001 = arith.index_cast %get3A_3000 : i32 to index
      %get3A_3002 = arith.constant 16 : index
      %get3A_3003 = tpu.vector_load %arg7[%get3A_3001, %get3A_3002] {strides = array<i32>} : memref<50x128xf32, #tpu.memory_space<vmem>>, vector<1x16xf32>,
      %get3A_3004 = vector.shape_cast %get3A_3003 : vector<1x16xf32> to vector<16xf32>
      %get3A_3005 = arith.constant 40 : i32
      %get3A_3006 = arith.index_cast %get3A_3005 : i32 to index
      %get3A_3007 = arith.constant 16 : index
      %get3A_3008 = tpu.vector_load %arg7[%get3A_3006, %get3A_3007] {strides = array<i32>} : memref<50x128xf32, #tpu.memory_space<vmem>>, vector<1x16xf32>,
      %get3A_3009 = vector.shape_cast %get3A_3008 : vector<1x16xf32> to vector<16xf32>
      %get3A_3010 = arith.constant 41 : i32
      %get3A_3011 = arith.index_cast %get3A_3010 : i32 to index
      %get3A_3012 = arith.constant 16 : index
      %get3A_3013 = tpu.vector_load %arg7[%get3A_3011, %get3A_3012] {strides = array<i32>} : memref<50x128xf32, #tpu.memory_space<vmem>>, vector<1x16xf32>,
      %get3A_3014 = vector.shape_cast %get3A_3013 : vector<1x16xf32> to vector<16xf32>
      %get3A_3015 = arith.constant 42 : i32
      %get3A_3016 = arith.index_cast %get3A_3015 : i32 to index
      %get3A_3017 = arith.constant 16 : index
      %get3A_3018 = tpu.vector_load %arg7[%get3A_3016, %get3A_3017] {strides = array<i32>} : memref<50x128xf32, #tpu.memory_space<vmem>>, vector<1x16xf32>,
      %get3A_3019 = vector.shape_cast %get3A_3018 : vector<1x16xf32> to vector<16xf32>
      %get3A_3020 = arith.constant 43 : i32
      %get3A_3021 = arith.index_cast %get3A_3020 : i32 to index
      %get3A_3022 = arith.constant 16 : index
      %get3A_3023 = tpu.vector_load %arg7[%get3A_3021, %get3A_3022] {strides = array<i32>} : memref<50x128xf32, #tpu.memory_space<vmem>>, vector<1x16xf32>,
      %get3A_3024 = vector.shape_cast %get3A_3023 : vector<1x16xf32> to vector<16xf32>
      %get3A_3025 = arith.constant 44 : i32
      %get3A_3026 = arith.index_cast %get3A_3025 : i32 to index
      %get3A_3027 = arith.constant 16 : index
      %get3A_3028 = tpu.vector_load %arg7[%get3A_3026, %get3A_3027] {strides = array<i32>} : memref<50x128xf32, #tpu.memory_space<vmem>>, vector<1x16xf32>,
      %get3A_3029 = vector.shape_cast %get3A_3028 : vector<1x16xf32> to vector<16xf32>
      %get3A_3030 = arith.constant 45 : i32
      %get3A_3031 = arith.index_cast %get3A_3030 : i32 to index
      %get3A_3032 = arith.constant 16 : index
      %get3A_3033 = tpu.vector_load %arg7[%get3A_3031, %get3A_3032] {strides = array<i32>} : memref<50x128xf32, #tpu.memory_space<vmem>>, vector<1x16xf32>,
      %get3A_3034 = vector.shape_cast %get3A_3033 : vector<1x16xf32> to vector<16xf32>
      %get3A_3035 = arith.constant 46 : i32
      %get3A_3036 = arith.index_cast %get3A_3035 : i32 to index
      %get3A_3037 = arith.constant 16 : index
      %get3A_3038 = tpu.vector_load %arg7[%get3A_3036, %get3A_3037] {strides = array<i32>} : memref<50x128xf32, #tpu.memory_space<vmem>>, vector<1x16xf32>,
      %get3A_3039 = vector.shape_cast %get3A_3038 : vector<1x16xf32> to vector<16xf32>
      %get3A_3040 = arith.constant 47 : i32
      %get3A_3041 = arith.index_cast %get3A_3040 : i32 to index
      %get3A_3042 = arith.constant 16 : index
      %get3A_3043 = tpu.vector_load %arg7[%get3A_3041, %get3A_3042] {strides = array<i32>} : memref<50x128xf32, #tpu.memory_space<vmem>>, vector<1x16xf32>,
      %get3A_3044 = vector.shape_cast %get3A_3043 : vector<1x16xf32> to vector<16xf32>
      %get3A_3045 = arith.constant 48 : i32
      %get3A_3046 = arith.index_cast %get3A_3045 : i32 to index
      %get3A_3047 = arith.constant 16 : index
      %get3A_3048 = tpu.vector_load %arg7[%get3A_3046, %get3A_3047] {strides = array<i32>} : memref<50x128xf32, #tpu.memory_space<vmem>>, vector<1x16xf32>,
      %get3A_3049 = vector.shape_cast %get3A_3048 : vector<1x16xf32> to vector<16xf32>
      %get3A_3050 = arith.constant 49 : i32
      %get3A_3051 = arith.index_cast %get3A_3050 : i32 to index
      %get3A_3052 = arith.constant 16 : index
      %get3A_3053 = tpu.vector_load %arg7[%get3A_3051, %get3A_3052] {strides = array<i32>} : memref<50x128xf32, #tpu.memory_space<vmem>>, vector<1x16xf32>,
      %get3A_3054 = vector.shape_cast %get3A_3053 : vector<1x16xf32> to vector<16xf32>
      %add3A_3055 = arith.addf %get3A_2809, %get3A_2814 : vector<16xf32>
      %add3A_3056 = arith.addf %get3A_2819, %get3A_2824 : vector<16xf32>
      %add3A_3057 = arith.addf %get3A_2829, %get3A_2834 : vector<16xf32>
      %add3A_3058 = arith.addf %get3A_2839, %get3A_2844 : vector<16xf32>
      %add3A_3059 = arith.addf %get3A_2849, %get3A_2854 : vector<16xf32>
      %add3A_3060 = arith.addf %get3A_2859, %get3A_2864 : vector<16xf32>
      %add3A_3061 = arith.addf %get3A_2869, %get3A_2874 : vector<16xf32>
      %add3A_3062 = arith.addf %get3A_2879, %get3A_2884 : vector<16xf32>
      %add3A_3063 = arith.addf %get3A_2889, %get3A_2894 : vector<16xf32>
      %add3A_3064 = arith.addf %get3A_2899, %get3A_2904 : vector<16xf32>
      %add3A_3065 = arith.addf %get3A_2909, %get3A_2914 : vector<16xf32>
      %add3A_3066 = arith.addf %get3A_2919, %get3A_2924 : vector<16xf32>
      %add3A_3067 = arith.addf %get3A_2929, %get3A_2934 : vector<16xf32>
      %add3A_3068 = arith.addf %get3A_2939, %get3A_2944 : vector<16xf32>
      %add3A_3069 = arith.addf %get3A_2949, %get3A_2954 : vector<16xf32>
      %add3A_3070 = arith.addf %get3A_2959, %get3A_2964 : vector<16xf32>
      %add3A_3071 = arith.addf %get3A_2969, %get3A_2974 : vector<16xf32>
      %add3A_3072 = arith.addf %get3A_2979, %get3A_2984 : vector<16xf32>
      %add3A_3073 = arith.addf %get3A_2989, %get3A_2994 : vector<16xf32>
      %add3A_3074 = arith.addf %get3A_2999, %get3A_3004 : vector<16xf32>
      %add3A_3075 = arith.addf %get3A_3009, %get3A_3014 : vector<16xf32>
      %add3A_3076 = arith.addf %get3A_3019, %get3A_3024 : vector<16xf32>
      %add3A_3077 = arith.addf %get3A_3029, %get3A_3034 : vector<16xf32>
      %add3A_3078 = arith.addf %get3A_3039, %get3A_3044 : vector<16xf32>
      %add3A_3079 = arith.addf %get3A_3049, %get3A_3054 : vector<16xf32>
      %add3A_3080 = arith.addf %add3A_3055, %add3A_3056 : vector<16xf32>
      %add3A_3081 = arith.addf %add3A_3057, %add3A_3058 : vector<16xf32>
      %add3A_3082 = arith.addf %add3A_3059, %add3A_3060 : vector<16xf32>
      %add3A_3083 = arith.addf %add3A_3061, %add3A_3062 : vector<16xf32>
      %add3A_3084 = arith.addf %add3A_3063, %add3A_3064 : vector<16xf32>
      %add3A_3085 = arith.addf %add3A_3065, %add3A_3066 : vector<16xf32>
      %add3A_3086 = arith.addf %add3A_3067, %add3A_3068 : vector<16xf32>
      %add3A_3087 = arith.addf %add3A_3069, %add3A_3070 : vector<16xf32>
      %add3A_3088 = arith.addf %add3A_3071, %add3A_3072 : vector<16xf32>
      %add3A_3089 = arith.addf %add3A_3073, %add3A_3074 : vector<16xf32>
      %add3A_3090 = arith.addf %add3A_3075, %add3A_3076 : vector<16xf32>
      %add3A_3091 = arith.addf %add3A_3077, %add3A_3078 : vector<16xf32>
      %add3A_3092 = arith.addf %add3A_3080, %add3A_3081 : vector<16xf32>
      %add3A_3093 = arith.addf %add3A_3082, %add3A_3083 : vector<16xf32>
      %add3A_3094 = arith.addf %add3A_3084, %add3A_3085 : vector<16xf32>
      %add3A_3095 = arith.addf %add3A_3086, %add3A_3087 : vector<16xf32>
      %add3A_3096 = arith.addf %add3A_3088, %add3A_3089 : vector<16xf32>
      %add3A_3097 = arith.addf %add3A_3090, %add3A_3091 : vector<16xf32>
      %add3A_3098 = arith.addf %add3A_3092, %add3A_3093 : vector<16xf32>
      %add3A_3099 = arith.addf %add3A_3094, %add3A_3095 : vector<16xf32>
      %add3A_3100 = arith.addf %add3A_3096, %add3A_3097 : vector<16xf32>
      %add3A_3101 = arith.addf %add3A_3098, %add3A_3099 : vector<16xf32>
      %add3A_3102 = arith.addf %add3A_3100, %add3A_3079 : vector<16xf32>
      %add3A_3103 = arith.addf %add3A_3101, %add3A_3102 : vector<16xf32>
      %mul3A_3104 = arith.constant 2.000000e-02 : f32
      %mul3A_3105 = vector.broadcast %mul3A_3104 : f32 to vector<16xf32>
      %mul3A_3106 = arith.mulf %add3A_3103, %mul3A_3105 : vector<16xf32>
      %swap3A_3107 = arith.index_cast %add3A_2491 : i32 to index
      %swap3A_3108 = arith.constant 16 : index
      %swap3A_3109 = tpu.vector_load %arg8[%swap3A_3107, %swap3A_3108] {strides = array<i32>} : memref<32x128xf32, #tpu.memory_space<vmem>>, vector<1x16xf32>,
      %swap3A_3110 = vector.shape_cast %swap3A_3109 : vector<1x16xf32> to vector<16xf32>
      %swap3A_3111 = vector.shape_cast %mul3A_3106 : vector<16xf32> to vector<1x16xf32>
      tpu.vector_store %arg8[%swap3A_3107, %swap3A_3108], %swap3A_3111 {strides = array<i32>} : memref<32x128xf32, #tpu.memory_space<vmem>>, vector<1x16xf32>,
      %get3A_3112 = arith.constant 0 : i32
      %get3A_3113 = arith.index_cast %get3A_3112 : i32 to index
      %get3A_3114 = arith.constant 32 : index
      %get3A_3115 = tpu.vector_load %arg7[%get3A_3113, %get3A_3114] {strides = array<i32>} : memref<50x128xf32, #tpu.memory_space<vmem>>, vector<1x16xf32>,
      %get3A_3116 = vector.shape_cast %get3A_3115 : vector<1x16xf32> to vector<16xf32>
      %get3A_3117 = arith.constant 1 : i32
      %get3A_3118 = arith.index_cast %get3A_3117 : i32 to index
      %get3A_3119 = arith.constant 32 : index
      %get3A_3120 = tpu.vector_load %arg7[%get3A_3118, %get3A_3119] {strides = array<i32>} : memref<50x128xf32, #tpu.memory_space<vmem>>, vector<1x16xf32>,
      %get3A_3121 = vector.shape_cast %get3A_3120 : vector<1x16xf32> to vector<16xf32>
      %get3A_3122 = arith.constant 2 : i32
      %get3A_3123 = arith.index_cast %get3A_3122 : i32 to index
      %get3A_3124 = arith.constant 32 : index
      %get3A_3125 = tpu.vector_load %arg7[%get3A_3123, %get3A_3124] {strides = array<i32>} : memref<50x128xf32, #tpu.memory_space<vmem>>, vector<1x16xf32>,
      %get3A_3126 = vector.shape_cast %get3A_3125 : vector<1x16xf32> to vector<16xf32>
      %get3A_3127 = arith.constant 3 : i32
      %get3A_3128 = arith.index_cast %get3A_3127 : i32 to index
      %get3A_3129 = arith.constant 32 : index
      %get3A_3130 = tpu.vector_load %arg7[%get3A_3128, %get3A_3129] {strides = array<i32>} : memref<50x128xf32, #tpu.memory_space<vmem>>, vector<1x16xf32>,
      %get3A_3131 = vector.shape_cast %get3A_3130 : vector<1x16xf32> to vector<16xf32>
      %get3A_3132 = arith.constant 4 : i32
      %get3A_3133 = arith.index_cast %get3A_3132 : i32 to index
      %get3A_3134 = arith.constant 32 : index
      %get3A_3135 = tpu.vector_load %arg7[%get3A_3133, %get3A_3134] {strides = array<i32>} : memref<50x128xf32, #tpu.memory_space<vmem>>, vector<1x16xf32>,
      %get3A_3136 = vector.shape_cast %get3A_3135 : vector<1x16xf32> to vector<16xf32>
      %get3A_3137 = arith.constant 5 : i32
      %get3A_3138 = arith.index_cast %get3A_3137 : i32 to index
      %get3A_3139 = arith.constant 32 : index
      %get3A_3140 = tpu.vector_load %arg7[%get3A_3138, %get3A_3139] {strides = array<i32>} : memref<50x128xf32, #tpu.memory_space<vmem>>, vector<1x16xf32>,
      %get3A_3141 = vector.shape_cast %get3A_3140 : vector<1x16xf32> to vector<16xf32>
      %get3A_3142 = arith.constant 6 : i32
      %get3A_3143 = arith.index_cast %get3A_3142 : i32 to index
      %get3A_3144 = arith.constant 32 : index
      %get3A_3145 = tpu.vector_load %arg7[%get3A_3143, %get3A_3144] {strides = array<i32>} : memref<50x128xf32, #tpu.memory_space<vmem>>, vector<1x16xf32>,
      %get3A_3146 = vector.shape_cast %get3A_3145 : vector<1x16xf32> to vector<16xf32>
      %get3A_3147 = arith.constant 7 : i32
      %get3A_3148 = arith.index_cast %get3A_3147 : i32 to index
      %get3A_3149 = arith.constant 32 : index
      %get3A_3150 = tpu.vector_load %arg7[%get3A_3148, %get3A_3149] {strides = array<i32>} : memref<50x128xf32, #tpu.memory_space<vmem>>, vector<1x16xf32>,
      %get3A_3151 = vector.shape_cast %get3A_3150 : vector<1x16xf32> to vector<16xf32>
      %get3A_3152 = arith.constant 8 : i32
      %get3A_3153 = arith.index_cast %get3A_3152 : i32 to index
      %get3A_3154 = arith.constant 32 : index
      %get3A_3155 = tpu.vector_load %arg7[%get3A_3153, %get3A_3154] {strides = array<i32>} : memref<50x128xf32, #tpu.memory_space<vmem>>, vector<1x16xf32>,
      %get3A_3156 = vector.shape_cast %get3A_3155 : vector<1x16xf32> to vector<16xf32>
      %get3A_3157 = arith.constant 9 : i32
      %get3A_3158 = arith.index_cast %get3A_3157 : i32 to index
      %get3A_3159 = arith.constant 32 : index
      %get3A_3160 = tpu.vector_load %arg7[%get3A_3158, %get3A_3159] {strides = array<i32>} : memref<50x128xf32, #tpu.memory_space<vmem>>, vector<1x16xf32>,
      %get3A_3161 = vector.shape_cast %get3A_3160 : vector<1x16xf32> to vector<16xf32>
      %get3A_3162 = arith.constant 10 : i32
      %get3A_3163 = arith.index_cast %get3A_3162 : i32 to index
      %get3A_3164 = arith.constant 32 : index
      %get3A_3165 = tpu.vector_load %arg7[%get3A_3163, %get3A_3164] {strides = array<i32>} : memref<50x128xf32, #tpu.memory_space<vmem>>, vector<1x16xf32>,
      %get3A_3166 = vector.shape_cast %get3A_3165 : vector<1x16xf32> to vector<16xf32>
      %get3A_3167 = arith.constant 11 : i32
      %get3A_3168 = arith.index_cast %get3A_3167 : i32 to index
      %get3A_3169 = arith.constant 32 : index
      %get3A_3170 = tpu.vector_load %arg7[%get3A_3168, %get3A_3169] {strides = array<i32>} : memref<50x128xf32, #tpu.memory_space<vmem>>, vector<1x16xf32>,
      %get3A_3171 = vector.shape_cast %get3A_3170 : vector<1x16xf32> to vector<16xf32>
      %get3A_3172 = arith.constant 12 : i32
      %get3A_3173 = arith.index_cast %get3A_3172 : i32 to index
      %get3A_3174 = arith.constant 32 : index
      %get3A_3175 = tpu.vector_load %arg7[%get3A_3173, %get3A_3174] {strides = array<i32>} : memref<50x128xf32, #tpu.memory_space<vmem>>, vector<1x16xf32>,
      %get3A_3176 = vector.shape_cast %get3A_3175 : vector<1x16xf32> to vector<16xf32>
      %get3A_3177 = arith.constant 13 : i32
      %get3A_3178 = arith.index_cast %get3A_3177 : i32 to index
      %get3A_3179 = arith.constant 32 : index
      %get3A_3180 = tpu.vector_load %arg7[%get3A_3178, %get3A_3179] {strides = array<i32>} : memref<50x128xf32, #tpu.memory_space<vmem>>, vector<1x16xf32>,
      %get3A_3181 = vector.shape_cast %get3A_3180 : vector<1x16xf32> to vector<16xf32>
      %get3A_3182 = arith.constant 14 : i32
      %get3A_3183 = arith.index_cast %get3A_3182 : i32 to index
      %get3A_3184 = arith.constant 32 : index
      %get3A_3185 = tpu.vector_load %arg7[%get3A_3183, %get3A_3184] {strides = array<i32>} : memref<50x128xf32, #tpu.memory_space<vmem>>, vector<1x16xf32>,
      %get3A_3186 = vector.shape_cast %get3A_3185 : vector<1x16xf32> to vector<16xf32>
      %get3A_3187 = arith.constant 15 : i32
      %get3A_3188 = arith.index_cast %get3A_3187 : i32 to index
      %get3A_3189 = arith.constant 32 : index
      %get3A_3190 = tpu.vector_load %arg7[%get3A_3188, %get3A_3189] {strides = array<i32>} : memref<50x128xf32, #tpu.memory_space<vmem>>, vector<1x16xf32>,
      %get3A_3191 = vector.shape_cast %get3A_3190 : vector<1x16xf32> to vector<16xf32>
      %get3A_3192 = arith.constant 16 : i32
      %get3A_3193 = arith.index_cast %get3A_3192 : i32 to index
      %get3A_3194 = arith.constant 32 : index
      %get3A_3195 = tpu.vector_load %arg7[%get3A_3193, %get3A_3194] {strides = array<i32>} : memref<50x128xf32, #tpu.memory_space<vmem>>, vector<1x16xf32>,
      %get3A_3196 = vector.shape_cast %get3A_3195 : vector<1x16xf32> to vector<16xf32>
      %get3A_3197 = arith.constant 17 : i32
      %get3A_3198 = arith.index_cast %get3A_3197 : i32 to index
      %get3A_3199 = arith.constant 32 : index
      %get3A_3200 = tpu.vector_load %arg7[%get3A_3198, %get3A_3199] {strides = array<i32>} : memref<50x128xf32, #tpu.memory_space<vmem>>, vector<1x16xf32>,
      %get3A_3201 = vector.shape_cast %get3A_3200 : vector<1x16xf32> to vector<16xf32>
      %get3A_3202 = arith.constant 18 : i32
      %get3A_3203 = arith.index_cast %get3A_3202 : i32 to index
      %get3A_3204 = arith.constant 32 : index
      %get3A_3205 = tpu.vector_load %arg7[%get3A_3203, %get3A_3204] {strides = array<i32>} : memref<50x128xf32, #tpu.memory_space<vmem>>, vector<1x16xf32>,
      %get3A_3206 = vector.shape_cast %get3A_3205 : vector<1x16xf32> to vector<16xf32>
      %get3A_3207 = arith.constant 19 : i32
      %get3A_3208 = arith.index_cast %get3A_3207 : i32 to index
      %get3A_3209 = arith.constant 32 : index
      %get3A_3210 = tpu.vector_load %arg7[%get3A_3208, %get3A_3209] {strides = array<i32>} : memref<50x128xf32, #tpu.memory_space<vmem>>, vector<1x16xf32>,
      %get3A_3211 = vector.shape_cast %get3A_3210 : vector<1x16xf32> to vector<16xf32>
      %get3A_3212 = arith.constant 20 : i32
      %get3A_3213 = arith.index_cast %get3A_3212 : i32 to index
      %get3A_3214 = arith.constant 32 : index
      %get3A_3215 = tpu.vector_load %arg7[%get3A_3213, %get3A_3214] {strides = array<i32>} : memref<50x128xf32, #tpu.memory_space<vmem>>, vector<1x16xf32>,
      %get3A_3216 = vector.shape_cast %get3A_3215 : vector<1x16xf32> to vector<16xf32>
      %get3A_3217 = arith.constant 21 : i32
      %get3A_3218 = arith.index_cast %get3A_3217 : i32 to index
      %get3A_3219 = arith.constant 32 : index
      %get3A_3220 = tpu.vector_load %arg7[%get3A_3218, %get3A_3219] {strides = array<i32>} : memref<50x128xf32, #tpu.memory_space<vmem>>, vector<1x16xf32>,
      %get3A_3221 = vector.shape_cast %get3A_3220 : vector<1x16xf32> to vector<16xf32>
      %get3A_3222 = arith.constant 22 : i32
      %get3A_3223 = arith.index_cast %get3A_3222 : i32 to index
      %get3A_3224 = arith.constant 32 : index
      %get3A_3225 = tpu.vector_load %arg7[%get3A_3223, %get3A_3224] {strides = array<i32>} : memref<50x128xf32, #tpu.memory_space<vmem>>, vector<1x16xf32>,
      %get3A_3226 = vector.shape_cast %get3A_3225 : vector<1x16xf32> to vector<16xf32>
      %get3A_3227 = arith.constant 23 : i32
      %get3A_3228 = arith.index_cast %get3A_3227 : i32 to index
      %get3A_3229 = arith.constant 32 : index
      %get3A_3230 = tpu.vector_load %arg7[%get3A_3228, %get3A_3229] {strides = array<i32>} : memref<50x128xf32, #tpu.memory_space<vmem>>, vector<1x16xf32>,
      %get3A_3231 = vector.shape_cast %get3A_3230 : vector<1x16xf32> to vector<16xf32>
      %get3A_3232 = arith.constant 24 : i32
      %get3A_3233 = arith.index_cast %get3A_3232 : i32 to index
      %get3A_3234 = arith.constant 32 : index
      %get3A_3235 = tpu.vector_load %arg7[%get3A_3233, %get3A_3234] {strides = array<i32>} : memref<50x128xf32, #tpu.memory_space<vmem>>, vector<1x16xf32>,
      %get3A_3236 = vector.shape_cast %get3A_3235 : vector<1x16xf32> to vector<16xf32>
      %get3A_3237 = arith.constant 25 : i32
      %get3A_3238 = arith.index_cast %get3A_3237 : i32 to index
      %get3A_3239 = arith.constant 32 : index
      %get3A_3240 = tpu.vector_load %arg7[%get3A_3238, %get3A_3239] {strides = array<i32>} : memref<50x128xf32, #tpu.memory_space<vmem>>, vector<1x16xf32>,
      %get3A_3241 = vector.shape_cast %get3A_3240 : vector<1x16xf32> to vector<16xf32>
      %get3A_3242 = arith.constant 26 : i32
      %get3A_3243 = arith.index_cast %get3A_3242 : i32 to index
      %get3A_3244 = arith.constant 32 : index
      %get3A_3245 = tpu.vector_load %arg7[%get3A_3243, %get3A_3244] {strides = array<i32>} : memref<50x128xf32, #tpu.memory_space<vmem>>, vector<1x16xf32>,
      %get3A_3246 = vector.shape_cast %get3A_3245 : vector<1x16xf32> to vector<16xf32>
      %get3A_3247 = arith.constant 27 : i32
      %get3A_3248 = arith.index_cast %get3A_3247 : i32 to index
      %get3A_3249 = arith.constant 32 : index
      %get3A_3250 = tpu.vector_load %arg7[%get3A_3248, %get3A_3249] {strides = array<i32>} : memref<50x128xf32, #tpu.memory_space<vmem>>, vector<1x16xf32>,
      %get3A_3251 = vector.shape_cast %get3A_3250 : vector<1x16xf32> to vector<16xf32>
      %get3A_3252 = arith.constant 28 : i32
      %get3A_3253 = arith.index_cast %get3A_3252 : i32 to index
      %get3A_3254 = arith.constant 32 : index
      %get3A_3255 = tpu.vector_load %arg7[%get3A_3253, %get3A_3254] {strides = array<i32>} : memref<50x128xf32, #tpu.memory_space<vmem>>, vector<1x16xf32>,
      %get3A_3256 = vector.shape_cast %get3A_3255 : vector<1x16xf32> to vector<16xf32>
      %get3A_3257 = arith.constant 29 : i32
      %get3A_3258 = arith.index_cast %get3A_3257 : i32 to index
      %get3A_3259 = arith.constant 32 : index
      %get3A_3260 = tpu.vector_load %arg7[%get3A_3258, %get3A_3259] {strides = array<i32>} : memref<50x128xf32, #tpu.memory_space<vmem>>, vector<1x16xf32>,
      %get3A_3261 = vector.shape_cast %get3A_3260 : vector<1x16xf32> to vector<16xf32>
      %get3A_3262 = arith.constant 30 : i32
      %get3A_3263 = arith.index_cast %get3A_3262 : i32 to index
      %get3A_3264 = arith.constant 32 : index
      %get3A_3265 = tpu.vector_load %arg7[%get3A_3263, %get3A_3264] {strides = array<i32>} : memref<50x128xf32, #tpu.memory_space<vmem>>, vector<1x16xf32>,
      %get3A_3266 = vector.shape_cast %get3A_3265 : vector<1x16xf32> to vector<16xf32>
      %get3A_3267 = arith.constant 31 : i32
      %get3A_3268 = arith.index_cast %get3A_3267 : i32 to index
      %get3A_3269 = arith.constant 32 : index
      %get3A_3270 = tpu.vector_load %arg7[%get3A_3268, %get3A_3269] {strides = array<i32>} : memref<50x128xf32, #tpu.memory_space<vmem>>, vector<1x16xf32>,
      %get3A_3271 = vector.shape_cast %get3A_3270 : vector<1x16xf32> to vector<16xf32>
      %get3A_3272 = arith.constant 32 : i32
      %get3A_3273 = arith.index_cast %get3A_3272 : i32 to index
      %get3A_3274 = arith.constant 32 : index
      %get3A_3275 = tpu.vector_load %arg7[%get3A_3273, %get3A_3274] {strides = array<i32>} : memref<50x128xf32, #tpu.memory_space<vmem>>, vector<1x16xf32>,
      %get3A_3276 = vector.shape_cast %get3A_3275 : vector<1x16xf32> to vector<16xf32>
      %get3A_3277 = arith.constant 33 : i32
      %get3A_3278 = arith.index_cast %get3A_3277 : i32 to index
      %get3A_3279 = arith.constant 32 : index
      %get3A_3280 = tpu.vector_load %arg7[%get3A_3278, %get3A_3279] {strides = array<i32>} : memref<50x128xf32, #tpu.memory_space<vmem>>, vector<1x16xf32>,
      %get3A_3281 = vector.shape_cast %get3A_3280 : vector<1x16xf32> to vector<16xf32>
      %get3A_3282 = arith.constant 34 : i32
      %get3A_3283 = arith.index_cast %get3A_3282 : i32 to index
      %get3A_3284 = arith.constant 32 : index
      %get3A_3285 = tpu.vector_load %arg7[%get3A_3283, %get3A_3284] {strides = array<i32>} : memref<50x128xf32, #tpu.memory_space<vmem>>, vector<1x16xf32>,
      %get3A_3286 = vector.shape_cast %get3A_3285 : vector<1x16xf32> to vector<16xf32>
      %get3A_3287 = arith.constant 35 : i32
      %get3A_3288 = arith.index_cast %get3A_3287 : i32 to index
      %get3A_3289 = arith.constant 32 : index
      %get3A_3290 = tpu.vector_load %arg7[%get3A_3288, %get3A_3289] {strides = array<i32>} : memref<50x128xf32, #tpu.memory_space<vmem>>, vector<1x16xf32>,
      %get3A_3291 = vector.shape_cast %get3A_3290 : vector<1x16xf32> to vector<16xf32>
      %get3A_3292 = arith.constant 36 : i32
      %get3A_3293 = arith.index_cast %get3A_3292 : i32 to index
      %get3A_3294 = arith.constant 32 : index
      %get3A_3295 = tpu.vector_load %arg7[%get3A_3293, %get3A_3294] {strides = array<i32>} : memref<50x128xf32, #tpu.memory_space<vmem>>, vector<1x16xf32>,
      %get3A_3296 = vector.shape_cast %get3A_3295 : vector<1x16xf32> to vector<16xf32>
      %get3A_3297 = arith.constant 37 : i32
      %get3A_3298 = arith.index_cast %get3A_3297 : i32 to index
      %get3A_3299 = arith.constant 32 : index
      %get3A_3300 = tpu.vector_load %arg7[%get3A_3298, %get3A_3299] {strides = array<i32>} : memref<50x128xf32, #tpu.memory_space<vmem>>, vector<1x16xf32>,
      %get3A_3301 = vector.shape_cast %get3A_3300 : vector<1x16xf32> to vector<16xf32>
      %get3A_3302 = arith.constant 38 : i32
      %get3A_3303 = arith.index_cast %get3A_3302 : i32 to index
      %get3A_3304 = arith.constant 32 : index
      %get3A_3305 = tpu.vector_load %arg7[%get3A_3303, %get3A_3304] {strides = array<i32>} : memref<50x128xf32, #tpu.memory_space<vmem>>, vector<1x16xf32>,
      %get3A_3306 = vector.shape_cast %get3A_3305 : vector<1x16xf32> to vector<16xf32>
      %get3A_3307 = arith.constant 39 : i32
      %get3A_3308 = arith.index_cast %get3A_3307 : i32 to index
      %get3A_3309 = arith.constant 32 : index
      %get3A_3310 = tpu.vector_load %arg7[%get3A_3308, %get3A_3309] {strides = array<i32>} : memref<50x128xf32, #tpu.memory_space<vmem>>, vector<1x16xf32>,
      %get3A_3311 = vector.shape_cast %get3A_3310 : vector<1x16xf32> to vector<16xf32>
      %get3A_3312 = arith.constant 40 : i32
      %get3A_3313 = arith.index_cast %get3A_3312 : i32 to index
      %get3A_3314 = arith.constant 32 : index
      %get3A_3315 = tpu.vector_load %arg7[%get3A_3313, %get3A_3314] {strides = array<i32>} : memref<50x128xf32, #tpu.memory_space<vmem>>, vector<1x16xf32>,
      %get3A_3316 = vector.shape_cast %get3A_3315 : vector<1x16xf32> to vector<16xf32>
      %get3A_3317 = arith.constant 41 : i32
      %get3A_3318 = arith.index_cast %get3A_3317 : i32 to index
      %get3A_3319 = arith.constant 32 : index
      %get3A_3320 = tpu.vector_load %arg7[%get3A_3318, %get3A_3319] {strides = array<i32>} : memref<50x128xf32, #tpu.memory_space<vmem>>, vector<1x16xf32>,
      %get3A_3321 = vector.shape_cast %get3A_3320 : vector<1x16xf32> to vector<16xf32>
      %get3A_3322 = arith.constant 42 : i32
      %get3A_3323 = arith.index_cast %get3A_3322 : i32 to index
      %get3A_3324 = arith.constant 32 : index
      %get3A_3325 = tpu.vector_load %arg7[%get3A_3323, %get3A_3324] {strides = array<i32>} : memref<50x128xf32, #tpu.memory_space<vmem>>, vector<1x16xf32>,
      %get3A_3326 = vector.shape_cast %get3A_3325 : vector<1x16xf32> to vector<16xf32>
      %get3A_3327 = arith.constant 43 : i32
      %get3A_3328 = arith.index_cast %get3A_3327 : i32 to index
      %get3A_3329 = arith.constant 32 : index
      %get3A_3330 = tpu.vector_load %arg7[%get3A_3328, %get3A_3329] {strides = array<i32>} : memref<50x128xf32, #tpu.memory_space<vmem>>, vector<1x16xf32>,
      %get3A_3331 = vector.shape_cast %get3A_3330 : vector<1x16xf32> to vector<16xf32>
      %get3A_3332 = arith.constant 44 : i32
      %get3A_3333 = arith.index_cast %get3A_3332 : i32 to index
      %get3A_3334 = arith.constant 32 : index
      %get3A_3335 = tpu.vector_load %arg7[%get3A_3333, %get3A_3334] {strides = array<i32>} : memref<50x128xf32, #tpu.memory_space<vmem>>, vector<1x16xf32>,
      %get3A_3336 = vector.shape_cast %get3A_3335 : vector<1x16xf32> to vector<16xf32>
      %get3A_3337 = arith.constant 45 : i32
      %get3A_3338 = arith.index_cast %get3A_3337 : i32 to index
      %get3A_3339 = arith.constant 32 : index
      %get3A_3340 = tpu.vector_load %arg7[%get3A_3338, %get3A_3339] {strides = array<i32>} : memref<50x128xf32, #tpu.memory_space<vmem>>, vector<1x16xf32>,
      %get3A_3341 = vector.shape_cast %get3A_3340 : vector<1x16xf32> to vector<16xf32>
      %get3A_3342 = arith.constant 46 : i32
      %get3A_3343 = arith.index_cast %get3A_3342 : i32 to index
      %get3A_3344 = arith.constant 32 : index
      %get3A_3345 = tpu.vector_load %arg7[%get3A_3343, %get3A_3344] {strides = array<i32>} : memref<50x128xf32, #tpu.memory_space<vmem>>, vector<1x16xf32>,
      %get3A_3346 = vector.shape_cast %get3A_3345 : vector<1x16xf32> to vector<16xf32>
      %get3A_3347 = arith.constant 47 : i32
      %get3A_3348 = arith.index_cast %get3A_3347 : i32 to index
      %get3A_3349 = arith.constant 32 : index
      %get3A_3350 = tpu.vector_load %arg7[%get3A_3348, %get3A_3349] {strides = array<i32>} : memref<50x128xf32, #tpu.memory_space<vmem>>, vector<1x16xf32>,
      %get3A_3351 = vector.shape_cast %get3A_3350 : vector<1x16xf32> to vector<16xf32>
      %get3A_3352 = arith.constant 48 : i32
      %get3A_3353 = arith.index_cast %get3A_3352 : i32 to index
      %get3A_3354 = arith.constant 32 : index
      %get3A_3355 = tpu.vector_load %arg7[%get3A_3353, %get3A_3354] {strides = array<i32>} : memref<50x128xf32, #tpu.memory_space<vmem>>, vector<1x16xf32>,
      %get3A_3356 = vector.shape_cast %get3A_3355 : vector<1x16xf32> to vector<16xf32>
      %get3A_3357 = arith.constant 49 : i32
      %get3A_3358 = arith.index_cast %get3A_3357 : i32 to index
      %get3A_3359 = arith.constant 32 : index
      %get3A_3360 = tpu.vector_load %arg7[%get3A_3358, %get3A_3359] {strides = array<i32>} : memref<50x128xf32, #tpu.memory_space<vmem>>, vector<1x16xf32>,
      %get3A_3361 = vector.shape_cast %get3A_3360 : vector<1x16xf32> to vector<16xf32>
      %add3A_3362 = arith.addf %get3A_3116, %get3A_3121 : vector<16xf32>
      %add3A_3363 = arith.addf %get3A_3126, %get3A_3131 : vector<16xf32>
      %add3A_3364 = arith.addf %get3A_3136, %get3A_3141 : vector<16xf32>
      %add3A_3365 = arith.addf %get3A_3146, %get3A_3151 : vector<16xf32>
      %add3A_3366 = arith.addf %get3A_3156, %get3A_3161 : vector<16xf32>
      %add3A_3367 = arith.addf %get3A_3166, %get3A_3171 : vector<16xf32>
      %add3A_3368 = arith.addf %get3A_3176, %get3A_3181 : vector<16xf32>
      %add3A_3369 = arith.addf %get3A_3186, %get3A_3191 : vector<16xf32>
      %add3A_3370 = arith.addf %get3A_3196, %get3A_3201 : vector<16xf32>
      %add3A_3371 = arith.addf %get3A_3206, %get3A_3211 : vector<16xf32>
      %add3A_3372 = arith.addf %get3A_3216, %get3A_3221 : vector<16xf32>
      %add3A_3373 = arith.addf %get3A_3226, %get3A_3231 : vector<16xf32>
      %add3A_3374 = arith.addf %get3A_3236, %get3A_3241 : vector<16xf32>
      %add3A_3375 = arith.addf %get3A_3246, %get3A_3251 : vector<16xf32>
      %add3A_3376 = arith.addf %get3A_3256, %get3A_3261 : vector<16xf32>
      %add3A_3377 = arith.addf %get3A_3266, %get3A_3271 : vector<16xf32>
      %add3A_3378 = arith.addf %get3A_3276, %get3A_3281 : vector<16xf32>
      %add3A_3379 = arith.addf %get3A_3286, %get3A_3291 : vector<16xf32>
      %add3A_3380 = arith.addf %get3A_3296, %get3A_3301 : vector<16xf32>
      %add3A_3381 = arith.addf %get3A_3306, %get3A_3311 : vector<16xf32>
      %add3A_3382 = arith.addf %get3A_3316, %get3A_3321 : vector<16xf32>
      %add3A_3383 = arith.addf %get3A_3326, %get3A_3331 : vector<16xf32>
      %add3A_3384 = arith.addf %get3A_3336, %get3A_3341 : vector<16xf32>
      %add3A_3385 = arith.addf %get3A_3346, %get3A_3351 : vector<16xf32>
      %add3A_3386 = arith.addf %get3A_3356, %get3A_3361 : vector<16xf32>
      %add3A_3387 = arith.addf %add3A_3362, %add3A_3363 : vector<16xf32>
      %add3A_3388 = arith.addf %add3A_3364, %add3A_3365 : vector<16xf32>
      %add3A_3389 = arith.addf %add3A_3366, %add3A_3367 : vector<16xf32>
      %add3A_3390 = arith.addf %add3A_3368, %add3A_3369 : vector<16xf32>
      %add3A_3391 = arith.addf %add3A_3370, %add3A_3371 : vector<16xf32>
      %add3A_3392 = arith.addf %add3A_3372, %add3A_3373 : vector<16xf32>
      %add3A_3393 = arith.addf %add3A_3374, %add3A_3375 : vector<16xf32>
      %add3A_3394 = arith.addf %add3A_3376, %add3A_3377 : vector<16xf32>
      %add3A_3395 = arith.addf %add3A_3378, %add3A_3379 : vector<16xf32>
      %add3A_3396 = arith.addf %add3A_3380, %add3A_3381 : vector<16xf32>
      %add3A_3397 = arith.addf %add3A_3382, %add3A_3383 : vector<16xf32>
      %add3A_3398 = arith.addf %add3A_3384, %add3A_3385 : vector<16xf32>
      %add3A_3399 = arith.addf %add3A_3387, %add3A_3388 : vector<16xf32>
      %add3A_3400 = arith.addf %add3A_3389, %add3A_3390 : vector<16xf32>
      %add3A_3401 = arith.addf %add3A_3391, %add3A_3392 : vector<16xf32>
      %add3A_3402 = arith.addf %add3A_3393, %add3A_3394 : vector<16xf32>
      %add3A_3403 = arith.addf %add3A_3395, %add3A_3396 : vector<16xf32>
      %add3A_3404 = arith.addf %add3A_3397, %add3A_3398 : vector<16xf32>
      %add3A_3405 = arith.addf %add3A_3399, %add3A_3400 : vector<16xf32>
      %add3A_3406 = arith.addf %add3A_3401, %add3A_3402 : vector<16xf32>
      %add3A_3407 = arith.addf %add3A_3403, %add3A_3404 : vector<16xf32>
      %add3A_3408 = arith.addf %add3A_3405, %add3A_3406 : vector<16xf32>
      %add3A_3409 = arith.addf %add3A_3407, %add3A_3386 : vector<16xf32>
      %add3A_3410 = arith.addf %add3A_3408, %add3A_3409 : vector<16xf32>
      %mul3A_3411 = arith.constant 2.000000e-02 : f32
      %mul3A_3412 = vector.broadcast %mul3A_3411 : f32 to vector<16xf32>
      %mul3A_3413 = arith.mulf %add3A_3410, %mul3A_3412 : vector<16xf32>
      %swap3A_3414 = arith.index_cast %add3A_2491 : i32 to index
      %swap3A_3415 = arith.constant 32 : index
      %swap3A_3416 = tpu.vector_load %arg8[%swap3A_3414, %swap3A_3415] {strides = array<i32>} : memref<32x128xf32, #tpu.memory_space<vmem>>, vector<1x16xf32>,
      %swap3A_3417 = vector.shape_cast %swap3A_3416 : vector<1x16xf32> to vector<16xf32>
      %swap3A_3418 = vector.shape_cast %mul3A_3413 : vector<16xf32> to vector<1x16xf32>
      tpu.vector_store %arg8[%swap3A_3414, %swap3A_3415], %swap3A_3418 {strides = array<i32>} : memref<32x128xf32, #tpu.memory_space<vmem>>, vector<1x16xf32>,
      %get3A_3419 = arith.constant 0 : i32
      %get3A_3420 = arith.index_cast %get3A_3419 : i32 to index
      %get3A_3421 = arith.constant 48 : index
      %get3A_3422 = tpu.vector_load %arg7[%get3A_3420, %get3A_3421] {strides = array<i32>} : memref<50x128xf32, #tpu.memory_space<vmem>>, vector<1x16xf32>,
      %get3A_3423 = vector.shape_cast %get3A_3422 : vector<1x16xf32> to vector<16xf32>
      %get3A_3424 = arith.constant 1 : i32
      %get3A_3425 = arith.index_cast %get3A_3424 : i32 to index
      %get3A_3426 = arith.constant 48 : index
      %get3A_3427 = tpu.vector_load %arg7[%get3A_3425, %get3A_3426] {strides = array<i32>} : memref<50x128xf32, #tpu.memory_space<vmem>>, vector<1x16xf32>,
      %get3A_3428 = vector.shape_cast %get3A_3427 : vector<1x16xf32> to vector<16xf32>
      %get3A_3429 = arith.constant 2 : i32
      %get3A_3430 = arith.index_cast %get3A_3429 : i32 to index
      %get3A_3431 = arith.constant 48 : index
      %get3A_3432 = tpu.vector_load %arg7[%get3A_3430, %get3A_3431] {strides = array<i32>} : memref<50x128xf32, #tpu.memory_space<vmem>>, vector<1x16xf32>,
      %get3A_3433 = vector.shape_cast %get3A_3432 : vector<1x16xf32> to vector<16xf32>
      %get3A_3434 = arith.constant 3 : i32
      %get3A_3435 = arith.index_cast %get3A_3434 : i32 to index
      %get3A_3436 = arith.constant 48 : index
      %get3A_3437 = tpu.vector_load %arg7[%get3A_3435, %get3A_3436] {strides = array<i32>} : memref<50x128xf32, #tpu.memory_space<vmem>>, vector<1x16xf32>,
      %get3A_3438 = vector.shape_cast %get3A_3437 : vector<1x16xf32> to vector<16xf32>
      %get3A_3439 = arith.constant 4 : i32
      %get3A_3440 = arith.index_cast %get3A_3439 : i32 to index
      %get3A_3441 = arith.constant 48 : index
      %get3A_3442 = tpu.vector_load %arg7[%get3A_3440, %get3A_3441] {strides = array<i32>} : memref<50x128xf32, #tpu.memory_space<vmem>>, vector<1x16xf32>,
      %get3A_3443 = vector.shape_cast %get3A_3442 : vector<1x16xf32> to vector<16xf32>
      %get3A_3444 = arith.constant 5 : i32
      %get3A_3445 = arith.index_cast %get3A_3444 : i32 to index
      %get3A_3446 = arith.constant 48 : index
      %get3A_3447 = tpu.vector_load %arg7[%get3A_3445, %get3A_3446] {strides = array<i32>} : memref<50x128xf32, #tpu.memory_space<vmem>>, vector<1x16xf32>,
      %get3A_3448 = vector.shape_cast %get3A_3447 : vector<1x16xf32> to vector<16xf32>
      %get3A_3449 = arith.constant 6 : i32
      %get3A_3450 = arith.index_cast %get3A_3449 : i32 to index
      %get3A_3451 = arith.constant 48 : index
      %get3A_3452 = tpu.vector_load %arg7[%get3A_3450, %get3A_3451] {strides = array<i32>} : memref<50x128xf32, #tpu.memory_space<vmem>>, vector<1x16xf32>,
      %get3A_3453 = vector.shape_cast %get3A_3452 : vector<1x16xf32> to vector<16xf32>
      %get3A_3454 = arith.constant 7 : i32
      %get3A_3455 = arith.index_cast %get3A_3454 : i32 to index
      %get3A_3456 = arith.constant 48 : index
      %get3A_3457 = tpu.vector_load %arg7[%get3A_3455, %get3A_3456] {strides = array<i32>} : memref<50x128xf32, #tpu.memory_space<vmem>>, vector<1x16xf32>,
      %get3A_3458 = vector.shape_cast %get3A_3457 : vector<1x16xf32> to vector<16xf32>
      %get3A_3459 = arith.constant 8 : i32
      %get3A_3460 = arith.index_cast %get3A_3459 : i32 to index
      %get3A_3461 = arith.constant 48 : index
      %get3A_3462 = tpu.vector_load %arg7[%get3A_3460, %get3A_3461] {strides = array<i32>} : memref<50x128xf32, #tpu.memory_space<vmem>>, vector<1x16xf32>,
      %get3A_3463 = vector.shape_cast %get3A_3462 : vector<1x16xf32> to vector<16xf32>
      %get3A_3464 = arith.constant 9 : i32
      %get3A_3465 = arith.index_cast %get3A_3464 : i32 to index
      %get3A_3466 = arith.constant 48 : index
      %get3A_3467 = tpu.vector_load %arg7[%get3A_3465, %get3A_3466] {strides = array<i32>} : memref<50x128xf32, #tpu.memory_space<vmem>>, vector<1x16xf32>,
      %get3A_3468 = vector.shape_cast %get3A_3467 : vector<1x16xf32> to vector<16xf32>
      %get3A_3469 = arith.constant 10 : i32
      %get3A_3470 = arith.index_cast %get3A_3469 : i32 to index
      %get3A_3471 = arith.constant 48 : index
      %get3A_3472 = tpu.vector_load %arg7[%get3A_3470, %get3A_3471] {strides = array<i32>} : memref<50x128xf32, #tpu.memory_space<vmem>>, vector<1x16xf32>,
      %get3A_3473 = vector.shape_cast %get3A_3472 : vector<1x16xf32> to vector<16xf32>
      %get3A_3474 = arith.constant 11 : i32
      %get3A_3475 = arith.index_cast %get3A_3474 : i32 to index
      %get3A_3476 = arith.constant 48 : index
      %get3A_3477 = tpu.vector_load %arg7[%get3A_3475, %get3A_3476] {strides = array<i32>} : memref<50x128xf32, #tpu.memory_space<vmem>>, vector<1x16xf32>,
      %get3A_3478 = vector.shape_cast %get3A_3477 : vector<1x16xf32> to vector<16xf32>
      %get3A_3479 = arith.constant 12 : i32
      %get3A_3480 = arith.index_cast %get3A_3479 : i32 to index
      %get3A_3481 = arith.constant 48 : index
      %get3A_3482 = tpu.vector_load %arg7[%get3A_3480, %get3A_3481] {strides = array<i32>} : memref<50x128xf32, #tpu.memory_space<vmem>>, vector<1x16xf32>,
      %get3A_3483 = vector.shape_cast %get3A_3482 : vector<1x16xf32> to vector<16xf32>
      %get3A_3484 = arith.constant 13 : i32
      %get3A_3485 = arith.index_cast %get3A_3484 : i32 to index
      %get3A_3486 = arith.constant 48 : index
      %get3A_3487 = tpu.vector_load %arg7[%get3A_3485, %get3A_3486] {strides = array<i32>} : memref<50x128xf32, #tpu.memory_space<vmem>>, vector<1x16xf32>,
      %get3A_3488 = vector.shape_cast %get3A_3487 : vector<1x16xf32> to vector<16xf32>
      %get3A_3489 = arith.constant 14 : i32
      %get3A_3490 = arith.index_cast %get3A_3489 : i32 to index
      %get3A_3491 = arith.constant 48 : index
      %get3A_3492 = tpu.vector_load %arg7[%get3A_3490, %get3A_3491] {strides = array<i32>} : memref<50x128xf32, #tpu.memory_space<vmem>>, vector<1x16xf32>,
      %get3A_3493 = vector.shape_cast %get3A_3492 : vector<1x16xf32> to vector<16xf32>
      %get3A_3494 = arith.constant 15 : i32
      %get3A_3495 = arith.index_cast %get3A_3494 : i32 to index
      %get3A_3496 = arith.constant 48 : index
      %get3A_3497 = tpu.vector_load %arg7[%get3A_3495, %get3A_3496] {strides = array<i32>} : memref<50x128xf32, #tpu.memory_space<vmem>>, vector<1x16xf32>,
      %get3A_3498 = vector.shape_cast %get3A_3497 : vector<1x16xf32> to vector<16xf32>
      %get3A_3499 = arith.constant 16 : i32
      %get3A_3500 = arith.index_cast %get3A_3499 : i32 to index
      %get3A_3501 = arith.constant 48 : index
      %get3A_3502 = tpu.vector_load %arg7[%get3A_3500, %get3A_3501] {strides = array<i32>} : memref<50x128xf32, #tpu.memory_space<vmem>>, vector<1x16xf32>,
      %get3A_3503 = vector.shape_cast %get3A_3502 : vector<1x16xf32> to vector<16xf32>
      %get3A_3504 = arith.constant 17 : i32
      %get3A_3505 = arith.index_cast %get3A_3504 : i32 to index
      %get3A_3506 = arith.constant 48 : index
      %get3A_3507 = tpu.vector_load %arg7[%get3A_3505, %get3A_3506] {strides = array<i32>} : memref<50x128xf32, #tpu.memory_space<vmem>>, vector<1x16xf32>,
      %get3A_3508 = vector.shape_cast %get3A_3507 : vector<1x16xf32> to vector<16xf32>
      %get3A_3509 = arith.constant 18 : i32
      %get3A_3510 = arith.index_cast %get3A_3509 : i32 to index
      %get3A_3511 = arith.constant 48 : index
      %get3A_3512 = tpu.vector_load %arg7[%get3A_3510, %get3A_3511] {strides = array<i32>} : memref<50x128xf32, #tpu.memory_space<vmem>>, vector<1x16xf32>,
      %get3A_3513 = vector.shape_cast %get3A_3512 : vector<1x16xf32> to vector<16xf32>
      %get3A_3514 = arith.constant 19 : i32
      %get3A_3515 = arith.index_cast %get3A_3514 : i32 to index
      %get3A_3516 = arith.constant 48 : index
      %get3A_3517 = tpu.vector_load %arg7[%get3A_3515, %get3A_3516] {strides = array<i32>} : memref<50x128xf32, #tpu.memory_space<vmem>>, vector<1x16xf32>,
      %get3A_3518 = vector.shape_cast %get3A_3517 : vector<1x16xf32> to vector<16xf32>
      %get3A_3519 = arith.constant 20 : i32
      %get3A_3520 = arith.index_cast %get3A_3519 : i32 to index
      %get3A_3521 = arith.constant 48 : index
      %get3A_3522 = tpu.vector_load %arg7[%get3A_3520, %get3A_3521] {strides = array<i32>} : memref<50x128xf32, #tpu.memory_space<vmem>>, vector<1x16xf32>,
      %get3A_3523 = vector.shape_cast %get3A_3522 : vector<1x16xf32> to vector<16xf32>
      %get3A_3524 = arith.constant 21 : i32
      %get3A_3525 = arith.index_cast %get3A_3524 : i32 to index
      %get3A_3526 = arith.constant 48 : index
      %get3A_3527 = tpu.vector_load %arg7[%get3A_3525, %get3A_3526] {strides = array<i32>} : memref<50x128xf32, #tpu.memory_space<vmem>>, vector<1x16xf32>,
      %get3A_3528 = vector.shape_cast %get3A_3527 : vector<1x16xf32> to vector<16xf32>
      %get3A_3529 = arith.constant 22 : i32
      %get3A_3530 = arith.index_cast %get3A_3529 : i32 to index
      %get3A_3531 = arith.constant 48 : index
      %get3A_3532 = tpu.vector_load %arg7[%get3A_3530, %get3A_3531] {strides = array<i32>} : memref<50x128xf32, #tpu.memory_space<vmem>>, vector<1x16xf32>,
      %get3A_3533 = vector.shape_cast %get3A_3532 : vector<1x16xf32> to vector<16xf32>
      %get3A_3534 = arith.constant 23 : i32
      %get3A_3535 = arith.index_cast %get3A_3534 : i32 to index
      %get3A_3536 = arith.constant 48 : index
      %get3A_3537 = tpu.vector_load %arg7[%get3A_3535, %get3A_3536] {strides = array<i32>} : memref<50x128xf32, #tpu.memory_space<vmem>>, vector<1x16xf32>,
      %get3A_3538 = vector.shape_cast %get3A_3537 : vector<1x16xf32> to vector<16xf32>
      %get3A_3539 = arith.constant 24 : i32
      %get3A_3540 = arith.index_cast %get3A_3539 : i32 to index
      %get3A_3541 = arith.constant 48 : index
      %get3A_3542 = tpu.vector_load %arg7[%get3A_3540, %get3A_3541] {strides = array<i32>} : memref<50x128xf32, #tpu.memory_space<vmem>>, vector<1x16xf32>,
      %get3A_3543 = vector.shape_cast %get3A_3542 : vector<1x16xf32> to vector<16xf32>
      %get3A_3544 = arith.constant 25 : i32
      %get3A_3545 = arith.index_cast %get3A_3544 : i32 to index
      %get3A_3546 = arith.constant 48 : index
      %get3A_3547 = tpu.vector_load %arg7[%get3A_3545, %get3A_3546] {strides = array<i32>} : memref<50x128xf32, #tpu.memory_space<vmem>>, vector<1x16xf32>,
      %get3A_3548 = vector.shape_cast %get3A_3547 : vector<1x16xf32> to vector<16xf32>
      %get3A_3549 = arith.constant 26 : i32
      %get3A_3550 = arith.index_cast %get3A_3549 : i32 to index
      %get3A_3551 = arith.constant 48 : index
      %get3A_3552 = tpu.vector_load %arg7[%get3A_3550, %get3A_3551] {strides = array<i32>} : memref<50x128xf32, #tpu.memory_space<vmem>>, vector<1x16xf32>,
      %get3A_3553 = vector.shape_cast %get3A_3552 : vector<1x16xf32> to vector<16xf32>
      %get3A_3554 = arith.constant 27 : i32
      %get3A_3555 = arith.index_cast %get3A_3554 : i32 to index
      %get3A_3556 = arith.constant 48 : index
      %get3A_3557 = tpu.vector_load %arg7[%get3A_3555, %get3A_3556] {strides = array<i32>} : memref<50x128xf32, #tpu.memory_space<vmem>>, vector<1x16xf32>,
      %get3A_3558 = vector.shape_cast %get3A_3557 : vector<1x16xf32> to vector<16xf32>
      %get3A_3559 = arith.constant 28 : i32
      %get3A_3560 = arith.index_cast %get3A_3559 : i32 to index
      %get3A_3561 = arith.constant 48 : index
      %get3A_3562 = tpu.vector_load %arg7[%get3A_3560, %get3A_3561] {strides = array<i32>} : memref<50x128xf32, #tpu.memory_space<vmem>>, vector<1x16xf32>,
      %get3A_3563 = vector.shape_cast %get3A_3562 : vector<1x16xf32> to vector<16xf32>
      %get3A_3564 = arith.constant 29 : i32
      %get3A_3565 = arith.index_cast %get3A_3564 : i32 to index
      %get3A_3566 = arith.constant 48 : index
      %get3A_3567 = tpu.vector_load %arg7[%get3A_3565, %get3A_3566] {strides = array<i32>} : memref<50x128xf32, #tpu.memory_space<vmem>>, vector<1x16xf32>,
      %get3A_3568 = vector.shape_cast %get3A_3567 : vector<1x16xf32> to vector<16xf32>
      %get3A_3569 = arith.constant 30 : i32
      %get3A_3570 = arith.index_cast %get3A_3569 : i32 to index
      %get3A_3571 = arith.constant 48 : index
      %get3A_3572 = tpu.vector_load %arg7[%get3A_3570, %get3A_3571] {strides = array<i32>} : memref<50x128xf32, #tpu.memory_space<vmem>>, vector<1x16xf32>,
      %get3A_3573 = vector.shape_cast %get3A_3572 : vector<1x16xf32> to vector<16xf32>
      %get3A_3574 = arith.constant 31 : i32
      %get3A_3575 = arith.index_cast %get3A_3574 : i32 to index
      %get3A_3576 = arith.constant 48 : index
      %get3A_3577 = tpu.vector_load %arg7[%get3A_3575, %get3A_3576] {strides = array<i32>} : memref<50x128xf32, #tpu.memory_space<vmem>>, vector<1x16xf32>,
      %get3A_3578 = vector.shape_cast %get3A_3577 : vector<1x16xf32> to vector<16xf32>
      %get3A_3579 = arith.constant 32 : i32
      %get3A_3580 = arith.index_cast %get3A_3579 : i32 to index
      %get3A_3581 = arith.constant 48 : index
      %get3A_3582 = tpu.vector_load %arg7[%get3A_3580, %get3A_3581] {strides = array<i32>} : memref<50x128xf32, #tpu.memory_space<vmem>>, vector<1x16xf32>,
      %get3A_3583 = vector.shape_cast %get3A_3582 : vector<1x16xf32> to vector<16xf32>
      %get3A_3584 = arith.constant 33 : i32
      %get3A_3585 = arith.index_cast %get3A_3584 : i32 to index
      %get3A_3586 = arith.constant 48 : index
      %get3A_3587 = tpu.vector_load %arg7[%get3A_3585, %get3A_3586] {strides = array<i32>} : memref<50x128xf32, #tpu.memory_space<vmem>>, vector<1x16xf32>,
      %get3A_3588 = vector.shape_cast %get3A_3587 : vector<1x16xf32> to vector<16xf32>
      %get3A_3589 = arith.constant 34 : i32
      %get3A_3590 = arith.index_cast %get3A_3589 : i32 to index
      %get3A_3591 = arith.constant 48 : index
      %get3A_3592 = tpu.vector_load %arg7[%get3A_3590, %get3A_3591] {strides = array<i32>} : memref<50x128xf32, #tpu.memory_space<vmem>>, vector<1x16xf32>,
      %get3A_3593 = vector.shape_cast %get3A_3592 : vector<1x16xf32> to vector<16xf32>
      %get3A_3594 = arith.constant 35 : i32
      %get3A_3595 = arith.index_cast %get3A_3594 : i32 to index
      %get3A_3596 = arith.constant 48 : index
      %get3A_3597 = tpu.vector_load %arg7[%get3A_3595, %get3A_3596] {strides = array<i32>} : memref<50x128xf32, #tpu.memory_space<vmem>>, vector<1x16xf32>,
      %get3A_3598 = vector.shape_cast %get3A_3597 : vector<1x16xf32> to vector<16xf32>
      %get3A_3599 = arith.constant 36 : i32
      %get3A_3600 = arith.index_cast %get3A_3599 : i32 to index
      %get3A_3601 = arith.constant 48 : index
      %get3A_3602 = tpu.vector_load %arg7[%get3A_3600, %get3A_3601] {strides = array<i32>} : memref<50x128xf32, #tpu.memory_space<vmem>>, vector<1x16xf32>,
      %get3A_3603 = vector.shape_cast %get3A_3602 : vector<1x16xf32> to vector<16xf32>
      %get3A_3604 = arith.constant 37 : i32
      %get3A_3605 = arith.index_cast %get3A_3604 : i32 to index
      %get3A_3606 = arith.constant 48 : index
      %get3A_3607 = tpu.vector_load %arg7[%get3A_3605, %get3A_3606] {strides = array<i32>} : memref<50x128xf32, #tpu.memory_space<vmem>>, vector<1x16xf32>,
      %get3A_3608 = vector.shape_cast %get3A_3607 : vector<1x16xf32> to vector<16xf32>
      %get3A_3609 = arith.constant 38 : i32
      %get3A_3610 = arith.index_cast %get3A_3609 : i32 to index
      %get3A_3611 = arith.constant 48 : index
      %get3A_3612 = tpu.vector_load %arg7[%get3A_3610, %get3A_3611] {strides = array<i32>} : memref<50x128xf32, #tpu.memory_space<vmem>>, vector<1x16xf32>,
      %get3A_3613 = vector.shape_cast %get3A_3612 : vector<1x16xf32> to vector<16xf32>
      %get3A_3614 = arith.constant 39 : i32
      %get3A_3615 = arith.index_cast %get3A_3614 : i32 to index
      %get3A_3616 = arith.constant 48 : index
      %get3A_3617 = tpu.vector_load %arg7[%get3A_3615, %get3A_3616] {strides = array<i32>} : memref<50x128xf32, #tpu.memory_space<vmem>>, vector<1x16xf32>,
      %get3A_3618 = vector.shape_cast %get3A_3617 : vector<1x16xf32> to vector<16xf32>
      %get3A_3619 = arith.constant 40 : i32
      %get3A_3620 = arith.index_cast %get3A_3619 : i32 to index
      %get3A_3621 = arith.constant 48 : index
      %get3A_3622 = tpu.vector_load %arg7[%get3A_3620, %get3A_3621] {strides = array<i32>} : memref<50x128xf32, #tpu.memory_space<vmem>>, vector<1x16xf32>,
      %get3A_3623 = vector.shape_cast %get3A_3622 : vector<1x16xf32> to vector<16xf32>
      %get3A_3624 = arith.constant 41 : i32
      %get3A_3625 = arith.index_cast %get3A_3624 : i32 to index
      %get3A_3626 = arith.constant 48 : index
      %get3A_3627 = tpu.vector_load %arg7[%get3A_3625, %get3A_3626] {strides = array<i32>} : memref<50x128xf32, #tpu.memory_space<vmem>>, vector<1x16xf32>,
      %get3A_3628 = vector.shape_cast %get3A_3627 : vector<1x16xf32> to vector<16xf32>
      %get3A_3629 = arith.constant 42 : i32
      %get3A_3630 = arith.index_cast %get3A_3629 : i32 to index
      %get3A_3631 = arith.constant 48 : index
      %get3A_3632 = tpu.vector_load %arg7[%get3A_3630, %get3A_3631] {strides = array<i32>} : memref<50x128xf32, #tpu.memory_space<vmem>>, vector<1x16xf32>,
      %get3A_3633 = vector.shape_cast %get3A_3632 : vector<1x16xf32> to vector<16xf32>
      %get3A_3634 = arith.constant 43 : i32
      %get3A_3635 = arith.index_cast %get3A_3634 : i32 to index
      %get3A_3636 = arith.constant 48 : index
      %get3A_3637 = tpu.vector_load %arg7[%get3A_3635, %get3A_3636] {strides = array<i32>} : memref<50x128xf32, #tpu.memory_space<vmem>>, vector<1x16xf32>,
      %get3A_3638 = vector.shape_cast %get3A_3637 : vector<1x16xf32> to vector<16xf32>
      %get3A_3639 = arith.constant 44 : i32
      %get3A_3640 = arith.index_cast %get3A_3639 : i32 to index
      %get3A_3641 = arith.constant 48 : index
      %get3A_3642 = tpu.vector_load %arg7[%get3A_3640, %get3A_3641] {strides = array<i32>} : memref<50x128xf32, #tpu.memory_space<vmem>>, vector<1x16xf32>,
      %get3A_3643 = vector.shape_cast %get3A_3642 : vector<1x16xf32> to vector<16xf32>
      %get3A_3644 = arith.constant 45 : i32
      %get3A_3645 = arith.index_cast %get3A_3644 : i32 to index
      %get3A_3646 = arith.constant 48 : index
      %get3A_3647 = tpu.vector_load %arg7[%get3A_3645, %get3A_3646] {strides = array<i32>} : memref<50x128xf32, #tpu.memory_space<vmem>>, vector<1x16xf32>,
      %get3A_3648 = vector.shape_cast %get3A_3647 : vector<1x16xf32> to vector<16xf32>
      %get3A_3649 = arith.constant 46 : i32
      %get3A_3650 = arith.index_cast %get3A_3649 : i32 to index
      %get3A_3651 = arith.constant 48 : index
      %get3A_3652 = tpu.vector_load %arg7[%get3A_3650, %get3A_3651] {strides = array<i32>} : memref<50x128xf32, #tpu.memory_space<vmem>>, vector<1x16xf32>,
      %get3A_3653 = vector.shape_cast %get3A_3652 : vector<1x16xf32> to vector<16xf32>
      %get3A_3654 = arith.constant 47 : i32
      %get3A_3655 = arith.index_cast %get3A_3654 : i32 to index
      %get3A_3656 = arith.constant 48 : index
      %get3A_3657 = tpu.vector_load %arg7[%get3A_3655, %get3A_3656] {strides = array<i32>} : memref<50x128xf32, #tpu.memory_space<vmem>>, vector<1x16xf32>,
      %get3A_3658 = vector.shape_cast %get3A_3657 : vector<1x16xf32> to vector<16xf32>
      %get3A_3659 = arith.constant 48 : i32
      %get3A_3660 = arith.index_cast %get3A_3659 : i32 to index
      %get3A_3661 = arith.constant 48 : index
      %get3A_3662 = tpu.vector_load %arg7[%get3A_3660, %get3A_3661] {strides = array<i32>} : memref<50x128xf32, #tpu.memory_space<vmem>>, vector<1x16xf32>,
      %get3A_3663 = vector.shape_cast %get3A_3662 : vector<1x16xf32> to vector<16xf32>
      %get3A_3664 = arith.constant 49 : i32
      %get3A_3665 = arith.index_cast %get3A_3664 : i32 to index
      %get3A_3666 = arith.constant 48 : index
      %get3A_3667 = tpu.vector_load %arg7[%get3A_3665, %get3A_3666] {strides = array<i32>} : memref<50x128xf32, #tpu.memory_space<vmem>>, vector<1x16xf32>,
      %get3A_3668 = vector.shape_cast %get3A_3667 : vector<1x16xf32> to vector<16xf32>
      %add3A_3669 = arith.addf %get3A_3423, %get3A_3428 : vector<16xf32>
      %add3A_3670 = arith.addf %get3A_3433, %get3A_3438 : vector<16xf32>
      %add3A_3671 = arith.addf %get3A_3443, %get3A_3448 : vector<16xf32>
      %add3A_3672 = arith.addf %get3A_3453, %get3A_3458 : vector<16xf32>
      %add3A_3673 = arith.addf %get3A_3463, %get3A_3468 : vector<16xf32>
      %add3A_3674 = arith.addf %get3A_3473, %get3A_3478 : vector<16xf32>
      %add3A_3675 = arith.addf %get3A_3483, %get3A_3488 : vector<16xf32>
      %add3A_3676 = arith.addf %get3A_3493, %get3A_3498 : vector<16xf32>
      %add3A_3677 = arith.addf %get3A_3503, %get3A_3508 : vector<16xf32>
      %add3A_3678 = arith.addf %get3A_3513, %get3A_3518 : vector<16xf32>
      %add3A_3679 = arith.addf %get3A_3523, %get3A_3528 : vector<16xf32>
      %add3A_3680 = arith.addf %get3A_3533, %get3A_3538 : vector<16xf32>
      %add3A_3681 = arith.addf %get3A_3543, %get3A_3548 : vector<16xf32>
      %add3A_3682 = arith.addf %get3A_3553, %get3A_3558 : vector<16xf32>
      %add3A_3683 = arith.addf %get3A_3563, %get3A_3568 : vector<16xf32>
      %add3A_3684 = arith.addf %get3A_3573, %get3A_3578 : vector<16xf32>
      %add3A_3685 = arith.addf %get3A_3583, %get3A_3588 : vector<16xf32>
      %add3A_3686 = arith.addf %get3A_3593, %get3A_3598 : vector<16xf32>
      %add3A_3687 = arith.addf %get3A_3603, %get3A_3608 : vector<16xf32>
      %add3A_3688 = arith.addf %get3A_3613, %get3A_3618 : vector<16xf32>
      %add3A_3689 = arith.addf %get3A_3623, %get3A_3628 : vector<16xf32>
      %add3A_3690 = arith.addf %get3A_3633, %get3A_3638 : vector<16xf32>
      %add3A_3691 = arith.addf %get3A_3643, %get3A_3648 : vector<16xf32>
      %add3A_3692 = arith.addf %get3A_3653, %get3A_3658 : vector<16xf32>
      %add3A_3693 = arith.addf %get3A_3663, %get3A_3668 : vector<16xf32>
      %add3A_3694 = arith.addf %add3A_3669, %add3A_3670 : vector<16xf32>
      %add3A_3695 = arith.addf %add3A_3671, %add3A_3672 : vector<16xf32>
      %add3A_3696 = arith.addf %add3A_3673, %add3A_3674 : vector<16xf32>
      %add3A_3697 = arith.addf %add3A_3675, %add3A_3676 : vector<16xf32>
      %add3A_3698 = arith.addf %add3A_3677, %add3A_3678 : vector<16xf32>
      %add3A_3699 = arith.addf %add3A_3679, %add3A_3680 : vector<16xf32>
      %add3A_3700 = arith.addf %add3A_3681, %add3A_3682 : vector<16xf32>
      %add3A_3701 = arith.addf %add3A_3683, %add3A_3684 : vector<16xf32>
      %add3A_3702 = arith.addf %add3A_3685, %add3A_3686 : vector<16xf32>
      %add3A_3703 = arith.addf %add3A_3687, %add3A_3688 : vector<16xf32>
      %add3A_3704 = arith.addf %add3A_3689, %add3A_3690 : vector<16xf32>
      %add3A_3705 = arith.addf %add3A_3691, %add3A_3692 : vector<16xf32>
      %add3A_3706 = arith.addf %add3A_3694, %add3A_3695 : vector<16xf32>
      %add3A_3707 = arith.addf %add3A_3696, %add3A_3697 : vector<16xf32>
      %add3A_3708 = arith.addf %add3A_3698, %add3A_3699 : vector<16xf32>
      %add3A_3709 = arith.addf %add3A_3700, %add3A_3701 : vector<16xf32>
      %add3A_3710 = arith.addf %add3A_3702, %add3A_3703 : vector<16xf32>
      %add3A_3711 = arith.addf %add3A_3704, %add3A_3705 : vector<16xf32>
      %add3A_3712 = arith.addf %add3A_3706, %add3A_3707 : vector<16xf32>
      %add3A_3713 = arith.addf %add3A_3708, %add3A_3709 : vector<16xf32>
      %add3A_3714 = arith.addf %add3A_3710, %add3A_3711 : vector<16xf32>
      %add3A_3715 = arith.addf %add3A_3712, %add3A_3713 : vector<16xf32>
      %add3A_3716 = arith.addf %add3A_3714, %add3A_3693 : vector<16xf32>
      %add3A_3717 = arith.addf %add3A_3715, %add3A_3716 : vector<16xf32>
      %mul3A_3718 = arith.constant 2.000000e-02 : f32
      %mul3A_3719 = vector.broadcast %mul3A_3718 : f32 to vector<16xf32>
      %mul3A_3720 = arith.mulf %add3A_3717, %mul3A_3719 : vector<16xf32>
      %swap3A_3721 = arith.index_cast %add3A_2491 : i32 to index
      %swap3A_3722 = arith.constant 48 : index
      %swap3A_3723 = tpu.vector_load %arg8[%swap3A_3721, %swap3A_3722] {strides = array<i32>} : memref<32x128xf32, #tpu.memory_space<vmem>>, vector<1x16xf32>,
      %swap3A_3724 = vector.shape_cast %swap3A_3723 : vector<1x16xf32> to vector<16xf32>
      %swap3A_3725 = vector.shape_cast %mul3A_3720 : vector<16xf32> to vector<1x16xf32>
      tpu.vector_store %arg8[%swap3A_3721, %swap3A_3722], %swap3A_3725 {strides = array<i32>} : memref<32x128xf32, #tpu.memory_space<vmem>>, vector<1x16xf32>,
      %get3A_3726 = arith.constant 0 : i32
      %get3A_3727 = arith.index_cast %get3A_3726 : i32 to index
      %get3A_3728 = arith.constant 64 : index
      %get3A_3729 = tpu.vector_load %arg7[%get3A_3727, %get3A_3728] {strides = array<i32>} : memref<50x128xf32, #tpu.memory_space<vmem>>, vector<1x16xf32>,
      %get3A_3730 = vector.shape_cast %get3A_3729 : vector<1x16xf32> to vector<16xf32>
      %get3A_3731 = arith.constant 1 : i32
      %get3A_3732 = arith.index_cast %get3A_3731 : i32 to index
      %get3A_3733 = arith.constant 64 : index
      %get3A_3734 = tpu.vector_load %arg7[%get3A_3732, %get3A_3733] {strides = array<i32>} : memref<50x128xf32, #tpu.memory_space<vmem>>, vector<1x16xf32>,
      %get3A_3735 = vector.shape_cast %get3A_3734 : vector<1x16xf32> to vector<16xf32>
      %get3A_3736 = arith.constant 2 : i32
      %get3A_3737 = arith.index_cast %get3A_3736 : i32 to index
      %get3A_3738 = arith.constant 64 : index
      %get3A_3739 = tpu.vector_load %arg7[%get3A_3737, %get3A_3738] {strides = array<i32>} : memref<50x128xf32, #tpu.memory_space<vmem>>, vector<1x16xf32>,
      %get3A_3740 = vector.shape_cast %get3A_3739 : vector<1x16xf32> to vector<16xf32>
      %get3A_3741 = arith.constant 3 : i32
      %get3A_3742 = arith.index_cast %get3A_3741 : i32 to index
      %get3A_3743 = arith.constant 64 : index
      %get3A_3744 = tpu.vector_load %arg7[%get3A_3742, %get3A_3743] {strides = array<i32>} : memref<50x128xf32, #tpu.memory_space<vmem>>, vector<1x16xf32>,
      %get3A_3745 = vector.shape_cast %get3A_3744 : vector<1x16xf32> to vector<16xf32>
      %get3A_3746 = arith.constant 4 : i32
      %get3A_3747 = arith.index_cast %get3A_3746 : i32 to index
      %get3A_3748 = arith.constant 64 : index
      %get3A_3749 = tpu.vector_load %arg7[%get3A_3747, %get3A_3748] {strides = array<i32>} : memref<50x128xf32, #tpu.memory_space<vmem>>, vector<1x16xf32>,
      %get3A_3750 = vector.shape_cast %get3A_3749 : vector<1x16xf32> to vector<16xf32>
      %get3A_3751 = arith.constant 5 : i32
      %get3A_3752 = arith.index_cast %get3A_3751 : i32 to index
      %get3A_3753 = arith.constant 64 : index
      %get3A_3754 = tpu.vector_load %arg7[%get3A_3752, %get3A_3753] {strides = array<i32>} : memref<50x128xf32, #tpu.memory_space<vmem>>, vector<1x16xf32>,
      %get3A_3755 = vector.shape_cast %get3A_3754 : vector<1x16xf32> to vector<16xf32>
      %get3A_3756 = arith.constant 6 : i32
      %get3A_3757 = arith.index_cast %get3A_3756 : i32 to index
      %get3A_3758 = arith.constant 64 : index
      %get3A_3759 = tpu.vector_load %arg7[%get3A_3757, %get3A_3758] {strides = array<i32>} : memref<50x128xf32, #tpu.memory_space<vmem>>, vector<1x16xf32>,
      %get3A_3760 = vector.shape_cast %get3A_3759 : vector<1x16xf32> to vector<16xf32>
      %get3A_3761 = arith.constant 7 : i32
      %get3A_3762 = arith.index_cast %get3A_3761 : i32 to index
      %get3A_3763 = arith.constant 64 : index
      %get3A_3764 = tpu.vector_load %arg7[%get3A_3762, %get3A_3763] {strides = array<i32>} : memref<50x128xf32, #tpu.memory_space<vmem>>, vector<1x16xf32>,
      %get3A_3765 = vector.shape_cast %get3A_3764 : vector<1x16xf32> to vector<16xf32>
      %get3A_3766 = arith.constant 8 : i32
      %get3A_3767 = arith.index_cast %get3A_3766 : i32 to index
      %get3A_3768 = arith.constant 64 : index
      %get3A_3769 = tpu.vector_load %arg7[%get3A_3767, %get3A_3768] {strides = array<i32>} : memref<50x128xf32, #tpu.memory_space<vmem>>, vector<1x16xf32>,
      %get3A_3770 = vector.shape_cast %get3A_3769 : vector<1x16xf32> to vector<16xf32>
      %get3A_3771 = arith.constant 9 : i32
      %get3A_3772 = arith.index_cast %get3A_3771 : i32 to index
      %get3A_3773 = arith.constant 64 : index
      %get3A_3774 = tpu.vector_load %arg7[%get3A_3772, %get3A_3773] {strides = array<i32>} : memref<50x128xf32, #tpu.memory_space<vmem>>, vector<1x16xf32>,
      %get3A_3775 = vector.shape_cast %get3A_3774 : vector<1x16xf32> to vector<16xf32>
      %get3A_3776 = arith.constant 10 : i32
      %get3A_3777 = arith.index_cast %get3A_3776 : i32 to index
      %get3A_3778 = arith.constant 64 : index
      %get3A_3779 = tpu.vector_load %arg7[%get3A_3777, %get3A_3778] {strides = array<i32>} : memref<50x128xf32, #tpu.memory_space<vmem>>, vector<1x16xf32>,
      %get3A_3780 = vector.shape_cast %get3A_3779 : vector<1x16xf32> to vector<16xf32>
      %get3A_3781 = arith.constant 11 : i32
      %get3A_3782 = arith.index_cast %get3A_3781 : i32 to index
      %get3A_3783 = arith.constant 64 : index
      %get3A_3784 = tpu.vector_load %arg7[%get3A_3782, %get3A_3783] {strides = array<i32>} : memref<50x128xf32, #tpu.memory_space<vmem>>, vector<1x16xf32>,
      %get3A_3785 = vector.shape_cast %get3A_3784 : vector<1x16xf32> to vector<16xf32>
      %get3A_3786 = arith.constant 12 : i32
      %get3A_3787 = arith.index_cast %get3A_3786 : i32 to index
      %get3A_3788 = arith.constant 64 : index
      %get3A_3789 = tpu.vector_load %arg7[%get3A_3787, %get3A_3788] {strides = array<i32>} : memref<50x128xf32, #tpu.memory_space<vmem>>, vector<1x16xf32>,
      %get3A_3790 = vector.shape_cast %get3A_3789 : vector<1x16xf32> to vector<16xf32>
      %get3A_3791 = arith.constant 13 : i32
      %get3A_3792 = arith.index_cast %get3A_3791 : i32 to index
      %get3A_3793 = arith.constant 64 : index
      %get3A_3794 = tpu.vector_load %arg7[%get3A_3792, %get3A_3793] {strides = array<i32>} : memref<50x128xf32, #tpu.memory_space<vmem>>, vector<1x16xf32>,
      %get3A_3795 = vector.shape_cast %get3A_3794 : vector<1x16xf32> to vector<16xf32>
      %get3A_3796 = arith.constant 14 : i32
      %get3A_3797 = arith.index_cast %get3A_3796 : i32 to index
      %get3A_3798 = arith.constant 64 : index
      %get3A_3799 = tpu.vector_load %arg7[%get3A_3797, %get3A_3798] {strides = array<i32>} : memref<50x128xf32, #tpu.memory_space<vmem>>, vector<1x16xf32>,
      %get3A_3800 = vector.shape_cast %get3A_3799 : vector<1x16xf32> to vector<16xf32>
      %get3A_3801 = arith.constant 15 : i32
      %get3A_3802 = arith.index_cast %get3A_3801 : i32 to index
      %get3A_3803 = arith.constant 64 : index
      %get3A_3804 = tpu.vector_load %arg7[%get3A_3802, %get3A_3803] {strides = array<i32>} : memref<50x128xf32, #tpu.memory_space<vmem>>, vector<1x16xf32>,
      %get3A_3805 = vector.shape_cast %get3A_3804 : vector<1x16xf32> to vector<16xf32>
      %get3A_3806 = arith.constant 16 : i32
      %get3A_3807 = arith.index_cast %get3A_3806 : i32 to index
      %get3A_3808 = arith.constant 64 : index
      %get3A_3809 = tpu.vector_load %arg7[%get3A_3807, %get3A_3808] {strides = array<i32>} : memref<50x128xf32, #tpu.memory_space<vmem>>, vector<1x16xf32>,
      %get3A_3810 = vector.shape_cast %get3A_3809 : vector<1x16xf32> to vector<16xf32>
      %get3A_3811 = arith.constant 17 : i32
      %get3A_3812 = arith.index_cast %get3A_3811 : i32 to index
      %get3A_3813 = arith.constant 64 : index
      %get3A_3814 = tpu.vector_load %arg7[%get3A_3812, %get3A_3813] {strides = array<i32>} : memref<50x128xf32, #tpu.memory_space<vmem>>, vector<1x16xf32>,
      %get3A_3815 = vector.shape_cast %get3A_3814 : vector<1x16xf32> to vector<16xf32>
      %get3A_3816 = arith.constant 18 : i32
      %get3A_3817 = arith.index_cast %get3A_3816 : i32 to index
      %get3A_3818 = arith.constant 64 : index
      %get3A_3819 = tpu.vector_load %arg7[%get3A_3817, %get3A_3818] {strides = array<i32>} : memref<50x128xf32, #tpu.memory_space<vmem>>, vector<1x16xf32>,
      %get3A_3820 = vector.shape_cast %get3A_3819 : vector<1x16xf32> to vector<16xf32>
      %get3A_3821 = arith.constant 19 : i32
      %get3A_3822 = arith.index_cast %get3A_3821 : i32 to index
      %get3A_3823 = arith.constant 64 : index
      %get3A_3824 = tpu.vector_load %arg7[%get3A_3822, %get3A_3823] {strides = array<i32>} : memref<50x128xf32, #tpu.memory_space<vmem>>, vector<1x16xf32>,
      %get3A_3825 = vector.shape_cast %get3A_3824 : vector<1x16xf32> to vector<16xf32>
      %get3A_3826 = arith.constant 20 : i32
      %get3A_3827 = arith.index_cast %get3A_3826 : i32 to index
      %get3A_3828 = arith.constant 64 : index
      %get3A_3829 = tpu.vector_load %arg7[%get3A_3827, %get3A_3828] {strides = array<i32>} : memref<50x128xf32, #tpu.memory_space<vmem>>, vector<1x16xf32>,
      %get3A_3830 = vector.shape_cast %get3A_3829 : vector<1x16xf32> to vector<16xf32>
      %get3A_3831 = arith.constant 21 : i32
      %get3A_3832 = arith.index_cast %get3A_3831 : i32 to index
      %get3A_3833 = arith.constant 64 : index
      %get3A_3834 = tpu.vector_load %arg7[%get3A_3832, %get3A_3833] {strides = array<i32>} : memref<50x128xf32, #tpu.memory_space<vmem>>, vector<1x16xf32>,
      %get3A_3835 = vector.shape_cast %get3A_3834 : vector<1x16xf32> to vector<16xf32>
      %get3A_3836 = arith.constant 22 : i32
      %get3A_3837 = arith.index_cast %get3A_3836 : i32 to index
      %get3A_3838 = arith.constant 64 : index
      %get3A_3839 = tpu.vector_load %arg7[%get3A_3837, %get3A_3838] {strides = array<i32>} : memref<50x128xf32, #tpu.memory_space<vmem>>, vector<1x16xf32>,
      %get3A_3840 = vector.shape_cast %get3A_3839 : vector<1x16xf32> to vector<16xf32>
      %get3A_3841 = arith.constant 23 : i32
      %get3A_3842 = arith.index_cast %get3A_3841 : i32 to index
      %get3A_3843 = arith.constant 64 : index
      %get3A_3844 = tpu.vector_load %arg7[%get3A_3842, %get3A_3843] {strides = array<i32>} : memref<50x128xf32, #tpu.memory_space<vmem>>, vector<1x16xf32>,
      %get3A_3845 = vector.shape_cast %get3A_3844 : vector<1x16xf32> to vector<16xf32>
      %get3A_3846 = arith.constant 24 : i32
      %get3A_3847 = arith.index_cast %get3A_3846 : i32 to index
      %get3A_3848 = arith.constant 64 : index
      %get3A_3849 = tpu.vector_load %arg7[%get3A_3847, %get3A_3848] {strides = array<i32>} : memref<50x128xf32, #tpu.memory_space<vmem>>, vector<1x16xf32>,
      %get3A_3850 = vector.shape_cast %get3A_3849 : vector<1x16xf32> to vector<16xf32>
      %get3A_3851 = arith.constant 25 : i32
      %get3A_3852 = arith.index_cast %get3A_3851 : i32 to index
      %get3A_3853 = arith.constant 64 : index
      %get3A_3854 = tpu.vector_load %arg7[%get3A_3852, %get3A_3853] {strides = array<i32>} : memref<50x128xf32, #tpu.memory_space<vmem>>, vector<1x16xf32>,
      %get3A_3855 = vector.shape_cast %get3A_3854 : vector<1x16xf32> to vector<16xf32>
      %get3A_3856 = arith.constant 26 : i32
      %get3A_3857 = arith.index_cast %get3A_3856 : i32 to index
      %get3A_3858 = arith.constant 64 : index
      %get3A_3859 = tpu.vector_load %arg7[%get3A_3857, %get3A_3858] {strides = array<i32>} : memref<50x128xf32, #tpu.memory_space<vmem>>, vector<1x16xf32>,
      %get3A_3860 = vector.shape_cast %get3A_3859 : vector<1x16xf32> to vector<16xf32>
      %get3A_3861 = arith.constant 27 : i32
      %get3A_3862 = arith.index_cast %get3A_3861 : i32 to index
      %get3A_3863 = arith.constant 64 : index
      %get3A_3864 = tpu.vector_load %arg7[%get3A_3862, %get3A_3863] {strides = array<i32>} : memref<50x128xf32, #tpu.memory_space<vmem>>, vector<1x16xf32>,
      %get3A_3865 = vector.shape_cast %get3A_3864 : vector<1x16xf32> to vector<16xf32>
      %get3A_3866 = arith.constant 28 : i32
      %get3A_3867 = arith.index_cast %get3A_3866 : i32 to index
      %get3A_3868 = arith.constant 64 : index
      %get3A_3869 = tpu.vector_load %arg7[%get3A_3867, %get3A_3868] {strides = array<i32>} : memref<50x128xf32, #tpu.memory_space<vmem>>, vector<1x16xf32>,
      %get3A_3870 = vector.shape_cast %get3A_3869 : vector<1x16xf32> to vector<16xf32>
      %get3A_3871 = arith.constant 29 : i32
      %get3A_3872 = arith.index_cast %get3A_3871 : i32 to index
      %get3A_3873 = arith.constant 64 : index
      %get3A_3874 = tpu.vector_load %arg7[%get3A_3872, %get3A_3873] {strides = array<i32>} : memref<50x128xf32, #tpu.memory_space<vmem>>, vector<1x16xf32>,
      %get3A_3875 = vector.shape_cast %get3A_3874 : vector<1x16xf32> to vector<16xf32>
      %get3A_3876 = arith.constant 30 : i32
      %get3A_3877 = arith.index_cast %get3A_3876 : i32 to index
      %get3A_3878 = arith.constant 64 : index
      %get3A_3879 = tpu.vector_load %arg7[%get3A_3877, %get3A_3878] {strides = array<i32>} : memref<50x128xf32, #tpu.memory_space<vmem>>, vector<1x16xf32>,
      %get3A_3880 = vector.shape_cast %get3A_3879 : vector<1x16xf32> to vector<16xf32>
      %get3A_3881 = arith.constant 31 : i32
      %get3A_3882 = arith.index_cast %get3A_3881 : i32 to index
      %get3A_3883 = arith.constant 64 : index
      %get3A_3884 = tpu.vector_load %arg7[%get3A_3882, %get3A_3883] {strides = array<i32>} : memref<50x128xf32, #tpu.memory_space<vmem>>, vector<1x16xf32>,
      %get3A_3885 = vector.shape_cast %get3A_3884 : vector<1x16xf32> to vector<16xf32>
      %get3A_3886 = arith.constant 32 : i32
      %get3A_3887 = arith.index_cast %get3A_3886 : i32 to index
      %get3A_3888 = arith.constant 64 : index
      %get3A_3889 = tpu.vector_load %arg7[%get3A_3887, %get3A_3888] {strides = array<i32>} : memref<50x128xf32, #tpu.memory_space<vmem>>, vector<1x16xf32>,
      %get3A_3890 = vector.shape_cast %get3A_3889 : vector<1x16xf32> to vector<16xf32>
      %get3A_3891 = arith.constant 33 : i32
      %get3A_3892 = arith.index_cast %get3A_3891 : i32 to index
      %get3A_3893 = arith.constant 64 : index
      %get3A_3894 = tpu.vector_load %arg7[%get3A_3892, %get3A_3893] {strides = array<i32>} : memref<50x128xf32, #tpu.memory_space<vmem>>, vector<1x16xf32>,
      %get3A_3895 = vector.shape_cast %get3A_3894 : vector<1x16xf32> to vector<16xf32>
      %get3A_3896 = arith.constant 34 : i32
      %get3A_3897 = arith.index_cast %get3A_3896 : i32 to index
      %get3A_3898 = arith.constant 64 : index
      %get3A_3899 = tpu.vector_load %arg7[%get3A_3897, %get3A_3898] {strides = array<i32>} : memref<50x128xf32, #tpu.memory_space<vmem>>, vector<1x16xf32>,
      %get3A_3900 = vector.shape_cast %get3A_3899 : vector<1x16xf32> to vector<16xf32>
      %get3A_3901 = arith.constant 35 : i32
      %get3A_3902 = arith.index_cast %get3A_3901 : i32 to index
      %get3A_3903 = arith.constant 64 : index
      %get3A_3904 = tpu.vector_load %arg7[%get3A_3902, %get3A_3903] {strides = array<i32>} : memref<50x128xf32, #tpu.memory_space<vmem>>, vector<1x16xf32>,
      %get3A_3905 = vector.shape_cast %get3A_3904 : vector<1x16xf32> to vector<16xf32>
      %get3A_3906 = arith.constant 36 : i32
      %get3A_3907 = arith.index_cast %get3A_3906 : i32 to index
      %get3A_3908 = arith.constant 64 : index
      %get3A_3909 = tpu.vector_load %arg7[%get3A_3907, %get3A_3908] {strides = array<i32>} : memref<50x128xf32, #tpu.memory_space<vmem>>, vector<1x16xf32>,
      %get3A_3910 = vector.shape_cast %get3A_3909 : vector<1x16xf32> to vector<16xf32>
      %get3A_3911 = arith.constant 37 : i32
      %get3A_3912 = arith.index_cast %get3A_3911 : i32 to index
      %get3A_3913 = arith.constant 64 : index
      %get3A_3914 = tpu.vector_load %arg7[%get3A_3912, %get3A_3913] {strides = array<i32>} : memref<50x128xf32, #tpu.memory_space<vmem>>, vector<1x16xf32>,
      %get3A_3915 = vector.shape_cast %get3A_3914 : vector<1x16xf32> to vector<16xf32>
      %get3A_3916 = arith.constant 38 : i32
      %get3A_3917 = arith.index_cast %get3A_3916 : i32 to index
      %get3A_3918 = arith.constant 64 : index
      %get3A_3919 = tpu.vector_load %arg7[%get3A_3917, %get3A_3918] {strides = array<i32>} : memref<50x128xf32, #tpu.memory_space<vmem>>, vector<1x16xf32>,
      %get3A_3920 = vector.shape_cast %get3A_3919 : vector<1x16xf32> to vector<16xf32>
      %get3A_3921 = arith.constant 39 : i32
      %get3A_3922 = arith.index_cast %get3A_3921 : i32 to index
      %get3A_3923 = arith.constant 64 : index
      %get3A_3924 = tpu.vector_load %arg7[%get3A_3922, %get3A_3923] {strides = array<i32>} : memref<50x128xf32, #tpu.memory_space<vmem>>, vector<1x16xf32>,
      %get3A_3925 = vector.shape_cast %get3A_3924 : vector<1x16xf32> to vector<16xf32>
      %get3A_3926 = arith.constant 40 : i32
      %get3A_3927 = arith.index_cast %get3A_3926 : i32 to index
      %get3A_3928 = arith.constant 64 : index
      %get3A_3929 = tpu.vector_load %arg7[%get3A_3927, %get3A_3928] {strides = array<i32>} : memref<50x128xf32, #tpu.memory_space<vmem>>, vector<1x16xf32>,
      %get3A_3930 = vector.shape_cast %get3A_3929 : vector<1x16xf32> to vector<16xf32>
      %get3A_3931 = arith.constant 41 : i32
      %get3A_3932 = arith.index_cast %get3A_3931 : i32 to index
      %get3A_3933 = arith.constant 64 : index
      %get3A_3934 = tpu.vector_load %arg7[%get3A_3932, %get3A_3933] {strides = array<i32>} : memref<50x128xf32, #tpu.memory_space<vmem>>, vector<1x16xf32>,
      %get3A_3935 = vector.shape_cast %get3A_3934 : vector<1x16xf32> to vector<16xf32>
      %get3A_3936 = arith.constant 42 : i32
      %get3A_3937 = arith.index_cast %get3A_3936 : i32 to index
      %get3A_3938 = arith.constant 64 : index
      %get3A_3939 = tpu.vector_load %arg7[%get3A_3937, %get3A_3938] {strides = array<i32>} : memref<50x128xf32, #tpu.memory_space<vmem>>, vector<1x16xf32>,
      %get3A_3940 = vector.shape_cast %get3A_3939 : vector<1x16xf32> to vector<16xf32>
      %get3A_3941 = arith.constant 43 : i32
      %get3A_3942 = arith.index_cast %get3A_3941 : i32 to index
      %get3A_3943 = arith.constant 64 : index
      %get3A_3944 = tpu.vector_load %arg7[%get3A_3942, %get3A_3943] {strides = array<i32>} : memref<50x128xf32, #tpu.memory_space<vmem>>, vector<1x16xf32>,
      %get3A_3945 = vector.shape_cast %get3A_3944 : vector<1x16xf32> to vector<16xf32>
      %get3A_3946 = arith.constant 44 : i32
      %get3A_3947 = arith.index_cast %get3A_3946 : i32 to index
      %get3A_3948 = arith.constant 64 : index
      %get3A_3949 = tpu.vector_load %arg7[%get3A_3947, %get3A_3948] {strides = array<i32>} : memref<50x128xf32, #tpu.memory_space<vmem>>, vector<1x16xf32>,
      %get3A_3950 = vector.shape_cast %get3A_3949 : vector<1x16xf32> to vector<16xf32>
      %get3A_3951 = arith.constant 45 : i32
      %get3A_3952 = arith.index_cast %get3A_3951 : i32 to index
      %get3A_3953 = arith.constant 64 : index
      %get3A_3954 = tpu.vector_load %arg7[%get3A_3952, %get3A_3953] {strides = array<i32>} : memref<50x128xf32, #tpu.memory_space<vmem>>, vector<1x16xf32>,
      %get3A_3955 = vector.shape_cast %get3A_3954 : vector<1x16xf32> to vector<16xf32>
      %get3A_3956 = arith.constant 46 : i32
      %get3A_3957 = arith.index_cast %get3A_3956 : i32 to index
      %get3A_3958 = arith.constant 64 : index
      %get3A_3959 = tpu.vector_load %arg7[%get3A_3957, %get3A_3958] {strides = array<i32>} : memref<50x128xf32, #tpu.memory_space<vmem>>, vector<1x16xf32>,
      %get3A_3960 = vector.shape_cast %get3A_3959 : vector<1x16xf32> to vector<16xf32>
      %get3A_3961 = arith.constant 47 : i32
      %get3A_3962 = arith.index_cast %get3A_3961 : i32 to index
      %get3A_3963 = arith.constant 64 : index
      %get3A_3964 = tpu.vector_load %arg7[%get3A_3962, %get3A_3963] {strides = array<i32>} : memref<50x128xf32, #tpu.memory_space<vmem>>, vector<1x16xf32>,
      %get3A_3965 = vector.shape_cast %get3A_3964 : vector<1x16xf32> to vector<16xf32>
      %get3A_3966 = arith.constant 48 : i32
      %get3A_3967 = arith.index_cast %get3A_3966 : i32 to index
      %get3A_3968 = arith.constant 64 : index
      %get3A_3969 = tpu.vector_load %arg7[%get3A_3967, %get3A_3968] {strides = array<i32>} : memref<50x128xf32, #tpu.memory_space<vmem>>, vector<1x16xf32>,
      %get3A_3970 = vector.shape_cast %get3A_3969 : vector<1x16xf32> to vector<16xf32>
      %get3A_3971 = arith.constant 49 : i32
      %get3A_3972 = arith.index_cast %get3A_3971 : i32 to index
      %get3A_3973 = arith.constant 64 : index
      %get3A_3974 = tpu.vector_load %arg7[%get3A_3972, %get3A_3973] {strides = array<i32>} : memref<50x128xf32, #tpu.memory_space<vmem>>, vector<1x16xf32>,
      %get3A_3975 = vector.shape_cast %get3A_3974 : vector<1x16xf32> to vector<16xf32>
      %add3A_3976 = arith.addf %get3A_3730, %get3A_3735 : vector<16xf32>
      %add3A_3977 = arith.addf %get3A_3740, %get3A_3745 : vector<16xf32>
      %add3A_3978 = arith.addf %get3A_3750, %get3A_3755 : vector<16xf32>
      %add3A_3979 = arith.addf %get3A_3760, %get3A_3765 : vector<16xf32>
      %add3A_3980 = arith.addf %get3A_3770, %get3A_3775 : vector<16xf32>
      %add3A_3981 = arith.addf %get3A_3780, %get3A_3785 : vector<16xf32>
      %add3A_3982 = arith.addf %get3A_3790, %get3A_3795 : vector<16xf32>
      %add3A_3983 = arith.addf %get3A_3800, %get3A_3805 : vector<16xf32>
      %add3A_3984 = arith.addf %get3A_3810, %get3A_3815 : vector<16xf32>
      %add3A_3985 = arith.addf %get3A_3820, %get3A_3825 : vector<16xf32>
      %add3A_3986 = arith.addf %get3A_3830, %get3A_3835 : vector<16xf32>
      %add3A_3987 = arith.addf %get3A_3840, %get3A_3845 : vector<16xf32>
      %add3A_3988 = arith.addf %get3A_3850, %get3A_3855 : vector<16xf32>
      %add3A_3989 = arith.addf %get3A_3860, %get3A_3865 : vector<16xf32>
      %add3A_3990 = arith.addf %get3A_3870, %get3A_3875 : vector<16xf32>
      %add3A_3991 = arith.addf %get3A_3880, %get3A_3885 : vector<16xf32>
      %add3A_3992 = arith.addf %get3A_3890, %get3A_3895 : vector<16xf32>
      %add3A_3993 = arith.addf %get3A_3900, %get3A_3905 : vector<16xf32>
      %add3A_3994 = arith.addf %get3A_3910, %get3A_3915 : vector<16xf32>
      %add3A_3995 = arith.addf %get3A_3920, %get3A_3925 : vector<16xf32>
      %add3A_3996 = arith.addf %get3A_3930, %get3A_3935 : vector<16xf32>
      %add3A_3997 = arith.addf %get3A_3940, %get3A_3945 : vector<16xf32>
      %add3A_3998 = arith.addf %get3A_3950, %get3A_3955 : vector<16xf32>
      %add3A_3999 = arith.addf %get3A_3960, %get3A_3965 : vector<16xf32>
      %add3A_4000 = arith.addf %get3A_3970, %get3A_3975 : vector<16xf32>
      %add3A_4001 = arith.addf %add3A_3976, %add3A_3977 : vector<16xf32>
      %add3A_4002 = arith.addf %add3A_3978, %add3A_3979 : vector<16xf32>
      %add3A_4003 = arith.addf %add3A_3980, %add3A_3981 : vector<16xf32>
      %add3A_4004 = arith.addf %add3A_3982, %add3A_3983 : vector<16xf32>
      %add3A_4005 = arith.addf %add3A_3984, %add3A_3985 : vector<16xf32>
      %add3A_4006 = arith.addf %add3A_3986, %add3A_3987 : vector<16xf32>
      %add3A_4007 = arith.addf %add3A_3988, %add3A_3989 : vector<16xf32>
      %add3A_4008 = arith.addf %add3A_3990, %add3A_3991 : vector<16xf32>
      %add3A_4009 = arith.addf %add3A_3992, %add3A_3993 : vector<16xf32>
      %add3A_4010 = arith.addf %add3A_3994, %add3A_3995 : vector<16xf32>
      %add3A_4011 = arith.addf %add3A_3996, %add3A_3997 : vector<16xf32>
      %add3A_4012 = arith.addf %add3A_3998, %add3A_3999 : vector<16xf32>
      %add3A_4013 = arith.addf %add3A_4001, %add3A_4002 : vector<16xf32>
      %add3A_4014 = arith.addf %add3A_4003, %add3A_4004 : vector<16xf32>
      %add3A_4015 = arith.addf %add3A_4005, %add3A_4006 : vector<16xf32>
      %add3A_4016 = arith.addf %add3A_4007, %add3A_4008 : vector<16xf32>
      %add3A_4017 = arith.addf %add3A_4009, %add3A_4010 : vector<16xf32>
      %add3A_4018 = arith.addf %add3A_4011, %add3A_4012 : vector<16xf32>
      %add3A_4019 = arith.addf %add3A_4013, %add3A_4014 : vector<16xf32>
      %add3A_4020 = arith.addf %add3A_4015, %add3A_4016 : vector<16xf32>
      %add3A_4021 = arith.addf %add3A_4017, %add3A_4018 : vector<16xf32>
      %add3A_4022 = arith.addf %add3A_4019, %add3A_4020 : vector<16xf32>
      %add3A_4023 = arith.addf %add3A_4021, %add3A_4000 : vector<16xf32>
      %add3A_4024 = arith.addf %add3A_4022, %add3A_4023 : vector<16xf32>
      %mul3A_4025 = arith.constant 2.000000e-02 : f32
      %mul3A_4026 = vector.broadcast %mul3A_4025 : f32 to vector<16xf32>
      %mul3A_4027 = arith.mulf %add3A_4024, %mul3A_4026 : vector<16xf32>
      %swap3A_4028 = arith.index_cast %add3A_2491 : i32 to index
      %swap3A_4029 = arith.constant 64 : index
      %swap3A_4030 = tpu.vector_load %arg8[%swap3A_4028, %swap3A_4029] {strides = array<i32>} : memref<32x128xf32, #tpu.memory_space<vmem>>, vector<1x16xf32>,
      %swap3A_4031 = vector.shape_cast %swap3A_4030 : vector<1x16xf32> to vector<16xf32>
      %swap3A_4032 = vector.shape_cast %mul3A_4027 : vector<16xf32> to vector<1x16xf32>
      tpu.vector_store %arg8[%swap3A_4028, %swap3A_4029], %swap3A_4032 {strides = array<i32>} : memref<32x128xf32, #tpu.memory_space<vmem>>, vector<1x16xf32>,
      %get3A_4033 = arith.constant 0 : i32
      %get3A_4034 = arith.index_cast %get3A_4033 : i32 to index
      %get3A_4035 = arith.constant 80 : index
      %get3A_4036 = tpu.vector_load %arg7[%get3A_4034, %get3A_4035] {strides = array<i32>} : memref<50x128xf32, #tpu.memory_space<vmem>>, vector<1x16xf32>,
      %get3A_4037 = vector.shape_cast %get3A_4036 : vector<1x16xf32> to vector<16xf32>
      %get3A_4038 = arith.constant 1 : i32
      %get3A_4039 = arith.index_cast %get3A_4038 : i32 to index
      %get3A_4040 = arith.constant 80 : index
      %get3A_4041 = tpu.vector_load %arg7[%get3A_4039, %get3A_4040] {strides = array<i32>} : memref<50x128xf32, #tpu.memory_space<vmem>>, vector<1x16xf32>,
      %get3A_4042 = vector.shape_cast %get3A_4041 : vector<1x16xf32> to vector<16xf32>
      %get3A_4043 = arith.constant 2 : i32
      %get3A_4044 = arith.index_cast %get3A_4043 : i32 to index
      %get3A_4045 = arith.constant 80 : index
      %get3A_4046 = tpu.vector_load %arg7[%get3A_4044, %get3A_4045] {strides = array<i32>} : memref<50x128xf32, #tpu.memory_space<vmem>>, vector<1x16xf32>,
      %get3A_4047 = vector.shape_cast %get3A_4046 : vector<1x16xf32> to vector<16xf32>
      %get3A_4048 = arith.constant 3 : i32
      %get3A_4049 = arith.index_cast %get3A_4048 : i32 to index
      %get3A_4050 = arith.constant 80 : index
      %get3A_4051 = tpu.vector_load %arg7[%get3A_4049, %get3A_4050] {strides = array<i32>} : memref<50x128xf32, #tpu.memory_space<vmem>>, vector<1x16xf32>,
      %get3A_4052 = vector.shape_cast %get3A_4051 : vector<1x16xf32> to vector<16xf32>
      %get3A_4053 = arith.constant 4 : i32
      %get3A_4054 = arith.index_cast %get3A_4053 : i32 to index
      %get3A_4055 = arith.constant 80 : index
      %get3A_4056 = tpu.vector_load %arg7[%get3A_4054, %get3A_4055] {strides = array<i32>} : memref<50x128xf32, #tpu.memory_space<vmem>>, vector<1x16xf32>,
      %get3A_4057 = vector.shape_cast %get3A_4056 : vector<1x16xf32> to vector<16xf32>
      %get3A_4058 = arith.constant 5 : i32
      %get3A_4059 = arith.index_cast %get3A_4058 : i32 to index
      %get3A_4060 = arith.constant 80 : index
      %get3A_4061 = tpu.vector_load %arg7[%get3A_4059, %get3A_4060] {strides = array<i32>} : memref<50x128xf32, #tpu.memory_space<vmem>>, vector<1x16xf32>,
      %get3A_4062 = vector.shape_cast %get3A_4061 : vector<1x16xf32> to vector<16xf32>
      %get3A_4063 = arith.constant 6 : i32
      %get3A_4064 = arith.index_cast %get3A_4063 : i32 to index
      %get3A_4065 = arith.constant 80 : index
      %get3A_4066 = tpu.vector_load %arg7[%get3A_4064, %get3A_4065] {strides = array<i32>} : memref<50x128xf32, #tpu.memory_space<vmem>>, vector<1x16xf32>,
      %get3A_4067 = vector.shape_cast %get3A_4066 : vector<1x16xf32> to vector<16xf32>
      %get3A_4068 = arith.constant 7 : i32
      %get3A_4069 = arith.index_cast %get3A_4068 : i32 to index
      %get3A_4070 = arith.constant 80 : index
      %get3A_4071 = tpu.vector_load %arg7[%get3A_4069, %get3A_4070] {strides = array<i32>} : memref<50x128xf32, #tpu.memory_space<vmem>>, vector<1x16xf32>,
      %get3A_4072 = vector.shape_cast %get3A_4071 : vector<1x16xf32> to vector<16xf32>
      %get3A_4073 = arith.constant 8 : i32
      %get3A_4074 = arith.index_cast %get3A_4073 : i32 to index
      %get3A_4075 = arith.constant 80 : index
      %get3A_4076 = tpu.vector_load %arg7[%get3A_4074, %get3A_4075] {strides = array<i32>} : memref<50x128xf32, #tpu.memory_space<vmem>>, vector<1x16xf32>,
      %get3A_4077 = vector.shape_cast %get3A_4076 : vector<1x16xf32> to vector<16xf32>
      %get3A_4078 = arith.constant 9 : i32
      %get3A_4079 = arith.index_cast %get3A_4078 : i32 to index
      %get3A_4080 = arith.constant 80 : index
      %get3A_4081 = tpu.vector_load %arg7[%get3A_4079, %get3A_4080] {strides = array<i32>} : memref<50x128xf32, #tpu.memory_space<vmem>>, vector<1x16xf32>,
      %get3A_4082 = vector.shape_cast %get3A_4081 : vector<1x16xf32> to vector<16xf32>
      %get3A_4083 = arith.constant 10 : i32
      %get3A_4084 = arith.index_cast %get3A_4083 : i32 to index
      %get3A_4085 = arith.constant 80 : index
      %get3A_4086 = tpu.vector_load %arg7[%get3A_4084, %get3A_4085] {strides = array<i32>} : memref<50x128xf32, #tpu.memory_space<vmem>>, vector<1x16xf32>,
      %get3A_4087 = vector.shape_cast %get3A_4086 : vector<1x16xf32> to vector<16xf32>
      %get3A_4088 = arith.constant 11 : i32
      %get3A_4089 = arith.index_cast %get3A_4088 : i32 to index
      %get3A_4090 = arith.constant 80 : index
      %get3A_4091 = tpu.vector_load %arg7[%get3A_4089, %get3A_4090] {strides = array<i32>} : memref<50x128xf32, #tpu.memory_space<vmem>>, vector<1x16xf32>,
      %get3A_4092 = vector.shape_cast %get3A_4091 : vector<1x16xf32> to vector<16xf32>
      %get3A_4093 = arith.constant 12 : i32
      %get3A_4094 = arith.index_cast %get3A_4093 : i32 to index
      %get3A_4095 = arith.constant 80 : index
      %get3A_4096 = tpu.vector_load %arg7[%get3A_4094, %get3A_4095] {strides = array<i32>} : memref<50x128xf32, #tpu.memory_space<vmem>>, vector<1x16xf32>,
      %get3A_4097 = vector.shape_cast %get3A_4096 : vector<1x16xf32> to vector<16xf32>
      %get3A_4098 = arith.constant 13 : i32
      %get3A_4099 = arith.index_cast %get3A_4098 : i32 to index
      %get3A_4100 = arith.constant 80 : index
      %get3A_4101 = tpu.vector_load %arg7[%get3A_4099, %get3A_4100] {strides = array<i32>} : memref<50x128xf32, #tpu.memory_space<vmem>>, vector<1x16xf32>,
      %get3A_4102 = vector.shape_cast %get3A_4101 : vector<1x16xf32> to vector<16xf32>
      %get3A_4103 = arith.constant 14 : i32
      %get3A_4104 = arith.index_cast %get3A_4103 : i32 to index
      %get3A_4105 = arith.constant 80 : index
      %get3A_4106 = tpu.vector_load %arg7[%get3A_4104, %get3A_4105] {strides = array<i32>} : memref<50x128xf32, #tpu.memory_space<vmem>>, vector<1x16xf32>,
      %get3A_4107 = vector.shape_cast %get3A_4106 : vector<1x16xf32> to vector<16xf32>
      %get3A_4108 = arith.constant 15 : i32
      %get3A_4109 = arith.index_cast %get3A_4108 : i32 to index
      %get3A_4110 = arith.constant 80 : index
      %get3A_4111 = tpu.vector_load %arg7[%get3A_4109, %get3A_4110] {strides = array<i32>} : memref<50x128xf32, #tpu.memory_space<vmem>>, vector<1x16xf32>,
      %get3A_4112 = vector.shape_cast %get3A_4111 : vector<1x16xf32> to vector<16xf32>
      %get3A_4113 = arith.constant 16 : i32
      %get3A_4114 = arith.index_cast %get3A_4113 : i32 to index
      %get3A_4115 = arith.constant 80 : index
      %get3A_4116 = tpu.vector_load %arg7[%get3A_4114, %get3A_4115] {strides = array<i32>} : memref<50x128xf32, #tpu.memory_space<vmem>>, vector<1x16xf32>,
      %get3A_4117 = vector.shape_cast %get3A_4116 : vector<1x16xf32> to vector<16xf32>
      %get3A_4118 = arith.constant 17 : i32
      %get3A_4119 = arith.index_cast %get3A_4118 : i32 to index
      %get3A_4120 = arith.constant 80 : index
      %get3A_4121 = tpu.vector_load %arg7[%get3A_4119, %get3A_4120] {strides = array<i32>} : memref<50x128xf32, #tpu.memory_space<vmem>>, vector<1x16xf32>,
      %get3A_4122 = vector.shape_cast %get3A_4121 : vector<1x16xf32> to vector<16xf32>
      %get3A_4123 = arith.constant 18 : i32
      %get3A_4124 = arith.index_cast %get3A_4123 : i32 to index
      %get3A_4125 = arith.constant 80 : index
      %get3A_4126 = tpu.vector_load %arg7[%get3A_4124, %get3A_4125] {strides = array<i32>} : memref<50x128xf32, #tpu.memory_space<vmem>>, vector<1x16xf32>,
      %get3A_4127 = vector.shape_cast %get3A_4126 : vector<1x16xf32> to vector<16xf32>
      %get3A_4128 = arith.constant 19 : i32
      %get3A_4129 = arith.index_cast %get3A_4128 : i32 to index
      %get3A_4130 = arith.constant 80 : index
      %get3A_4131 = tpu.vector_load %arg7[%get3A_4129, %get3A_4130] {strides = array<i32>} : memref<50x128xf32, #tpu.memory_space<vmem>>, vector<1x16xf32>,
      %get3A_4132 = vector.shape_cast %get3A_4131 : vector<1x16xf32> to vector<16xf32>
      %get3A_4133 = arith.constant 20 : i32
      %get3A_4134 = arith.index_cast %get3A_4133 : i32 to index
      %get3A_4135 = arith.constant 80 : index
      %get3A_4136 = tpu.vector_load %arg7[%get3A_4134, %get3A_4135] {strides = array<i32>} : memref<50x128xf32, #tpu.memory_space<vmem>>, vector<1x16xf32>,
      %get3A_4137 = vector.shape_cast %get3A_4136 : vector<1x16xf32> to vector<16xf32>
      %get3A_4138 = arith.constant 21 : i32
      %get3A_4139 = arith.index_cast %get3A_4138 : i32 to index
      %get3A_4140 = arith.constant 80 : index
      %get3A_4141 = tpu.vector_load %arg7[%get3A_4139, %get3A_4140] {strides = array<i32>} : memref<50x128xf32, #tpu.memory_space<vmem>>, vector<1x16xf32>,
      %get3A_4142 = vector.shape_cast %get3A_4141 : vector<1x16xf32> to vector<16xf32>
      %get3A_4143 = arith.constant 22 : i32
      %get3A_4144 = arith.index_cast %get3A_4143 : i32 to index
      %get3A_4145 = arith.constant 80 : index
      %get3A_4146 = tpu.vector_load %arg7[%get3A_4144, %get3A_4145] {strides = array<i32>} : memref<50x128xf32, #tpu.memory_space<vmem>>, vector<1x16xf32>,
      %get3A_4147 = vector.shape_cast %get3A_4146 : vector<1x16xf32> to vector<16xf32>
      %get3A_4148 = arith.constant 23 : i32
      %get3A_4149 = arith.index_cast %get3A_4148 : i32 to index
      %get3A_4150 = arith.constant 80 : index
      %get3A_4151 = tpu.vector_load %arg7[%get3A_4149, %get3A_4150] {strides = array<i32>} : memref<50x128xf32, #tpu.memory_space<vmem>>, vector<1x16xf32>,
      %get3A_4152 = vector.shape_cast %get3A_4151 : vector<1x16xf32> to vector<16xf32>
      %get3A_4153 = arith.constant 24 : i32
      %get3A_4154 = arith.index_cast %get3A_4153 : i32 to index
      %get3A_4155 = arith.constant 80 : index
      %get3A_4156 = tpu.vector_load %arg7[%get3A_4154, %get3A_4155] {strides = array<i32>} : memref<50x128xf32, #tpu.memory_space<vmem>>, vector<1x16xf32>,
      %get3A_4157 = vector.shape_cast %get3A_4156 : vector<1x16xf32> to vector<16xf32>
      %get3A_4158 = arith.constant 25 : i32
      %get3A_4159 = arith.index_cast %get3A_4158 : i32 to index
      %get3A_4160 = arith.constant 80 : index
      %get3A_4161 = tpu.vector_load %arg7[%get3A_4159, %get3A_4160] {strides = array<i32>} : memref<50x128xf32, #tpu.memory_space<vmem>>, vector<1x16xf32>,
      %get3A_4162 = vector.shape_cast %get3A_4161 : vector<1x16xf32> to vector<16xf32>
      %get3A_4163 = arith.constant 26 : i32
      %get3A_4164 = arith.index_cast %get3A_4163 : i32 to index
      %get3A_4165 = arith.constant 80 : index
      %get3A_4166 = tpu.vector_load %arg7[%get3A_4164, %get3A_4165] {strides = array<i32>} : memref<50x128xf32, #tpu.memory_space<vmem>>, vector<1x16xf32>,
      %get3A_4167 = vector.shape_cast %get3A_4166 : vector<1x16xf32> to vector<16xf32>
      %get3A_4168 = arith.constant 27 : i32
      %get3A_4169 = arith.index_cast %get3A_4168 : i32 to index
      %get3A_4170 = arith.constant 80 : index
      %get3A_4171 = tpu.vector_load %arg7[%get3A_4169, %get3A_4170] {strides = array<i32>} : memref<50x128xf32, #tpu.memory_space<vmem>>, vector<1x16xf32>,
      %get3A_4172 = vector.shape_cast %get3A_4171 : vector<1x16xf32> to vector<16xf32>
      %get3A_4173 = arith.constant 28 : i32
      %get3A_4174 = arith.index_cast %get3A_4173 : i32 to index
      %get3A_4175 = arith.constant 80 : index
      %get3A_4176 = tpu.vector_load %arg7[%get3A_4174, %get3A_4175] {strides = array<i32>} : memref<50x128xf32, #tpu.memory_space<vmem>>, vector<1x16xf32>,
      %get3A_4177 = vector.shape_cast %get3A_4176 : vector<1x16xf32> to vector<16xf32>
      %get3A_4178 = arith.constant 29 : i32
      %get3A_4179 = arith.index_cast %get3A_4178 : i32 to index
      %get3A_4180 = arith.constant 80 : index
      %get3A_4181 = tpu.vector_load %arg7[%get3A_4179, %get3A_4180] {strides = array<i32>} : memref<50x128xf32, #tpu.memory_space<vmem>>, vector<1x16xf32>,
      %get3A_4182 = vector.shape_cast %get3A_4181 : vector<1x16xf32> to vector<16xf32>
      %get3A_4183 = arith.constant 30 : i32
      %get3A_4184 = arith.index_cast %get3A_4183 : i32 to index
      %get3A_4185 = arith.constant 80 : index
      %get3A_4186 = tpu.vector_load %arg7[%get3A_4184, %get3A_4185] {strides = array<i32>} : memref<50x128xf32, #tpu.memory_space<vmem>>, vector<1x16xf32>,
      %get3A_4187 = vector.shape_cast %get3A_4186 : vector<1x16xf32> to vector<16xf32>
      %get3A_4188 = arith.constant 31 : i32
      %get3A_4189 = arith.index_cast %get3A_4188 : i32 to index
      %get3A_4190 = arith.constant 80 : index
      %get3A_4191 = tpu.vector_load %arg7[%get3A_4189, %get3A_4190] {strides = array<i32>} : memref<50x128xf32, #tpu.memory_space<vmem>>, vector<1x16xf32>,
      %get3A_4192 = vector.shape_cast %get3A_4191 : vector<1x16xf32> to vector<16xf32>
      %get3A_4193 = arith.constant 32 : i32
      %get3A_4194 = arith.index_cast %get3A_4193 : i32 to index
      %get3A_4195 = arith.constant 80 : index
      %get3A_4196 = tpu.vector_load %arg7[%get3A_4194, %get3A_4195] {strides = array<i32>} : memref<50x128xf32, #tpu.memory_space<vmem>>, vector<1x16xf32>,
      %get3A_4197 = vector.shape_cast %get3A_4196 : vector<1x16xf32> to vector<16xf32>
      %get3A_4198 = arith.constant 33 : i32
      %get3A_4199 = arith.index_cast %get3A_4198 : i32 to index
      %get3A_4200 = arith.constant 80 : index
      %get3A_4201 = tpu.vector_load %arg7[%get3A_4199, %get3A_4200] {strides = array<i32>} : memref<50x128xf32, #tpu.memory_space<vmem>>, vector<1x16xf32>,
      %get3A_4202 = vector.shape_cast %get3A_4201 : vector<1x16xf32> to vector<16xf32>
      %get3A_4203 = arith.constant 34 : i32
      %get3A_4204 = arith.index_cast %get3A_4203 : i32 to index
      %get3A_4205 = arith.constant 80 : index
      %get3A_4206 = tpu.vector_load %arg7[%get3A_4204, %get3A_4205] {strides = array<i32>} : memref<50x128xf32, #tpu.memory_space<vmem>>, vector<1x16xf32>,
      %get3A_4207 = vector.shape_cast %get3A_4206 : vector<1x16xf32> to vector<16xf32>
      %get3A_4208 = arith.constant 35 : i32
      %get3A_4209 = arith.index_cast %get3A_4208 : i32 to index
      %get3A_4210 = arith.constant 80 : index
      %get3A_4211 = tpu.vector_load %arg7[%get3A_4209, %get3A_4210] {strides = array<i32>} : memref<50x128xf32, #tpu.memory_space<vmem>>, vector<1x16xf32>,
      %get3A_4212 = vector.shape_cast %get3A_4211 : vector<1x16xf32> to vector<16xf32>
      %get3A_4213 = arith.constant 36 : i32
      %get3A_4214 = arith.index_cast %get3A_4213 : i32 to index
      %get3A_4215 = arith.constant 80 : index
      %get3A_4216 = tpu.vector_load %arg7[%get3A_4214, %get3A_4215] {strides = array<i32>} : memref<50x128xf32, #tpu.memory_space<vmem>>, vector<1x16xf32>,
      %get3A_4217 = vector.shape_cast %get3A_4216 : vector<1x16xf32> to vector<16xf32>
      %get3A_4218 = arith.constant 37 : i32
      %get3A_4219 = arith.index_cast %get3A_4218 : i32 to index
      %get3A_4220 = arith.constant 80 : index
      %get3A_4221 = tpu.vector_load %arg7[%get3A_4219, %get3A_4220] {strides = array<i32>} : memref<50x128xf32, #tpu.memory_space<vmem>>, vector<1x16xf32>,
      %get3A_4222 = vector.shape_cast %get3A_4221 : vector<1x16xf32> to vector<16xf32>
      %get3A_4223 = arith.constant 38 : i32
      %get3A_4224 = arith.index_cast %get3A_4223 : i32 to index
      %get3A_4225 = arith.constant 80 : index
      %get3A_4226 = tpu.vector_load %arg7[%get3A_4224, %get3A_4225] {strides = array<i32>} : memref<50x128xf32, #tpu.memory_space<vmem>>, vector<1x16xf32>,
      %get3A_4227 = vector.shape_cast %get3A_4226 : vector<1x16xf32> to vector<16xf32>
      %get3A_4228 = arith.constant 39 : i32
      %get3A_4229 = arith.index_cast %get3A_4228 : i32 to index
      %get3A_4230 = arith.constant 80 : index
      %get3A_4231 = tpu.vector_load %arg7[%get3A_4229, %get3A_4230] {strides = array<i32>} : memref<50x128xf32, #tpu.memory_space<vmem>>, vector<1x16xf32>,
      %get3A_4232 = vector.shape_cast %get3A_4231 : vector<1x16xf32> to vector<16xf32>
      %get3A_4233 = arith.constant 40 : i32
      %get3A_4234 = arith.index_cast %get3A_4233 : i32 to index
      %get3A_4235 = arith.constant 80 : index
      %get3A_4236 = tpu.vector_load %arg7[%get3A_4234, %get3A_4235] {strides = array<i32>} : memref<50x128xf32, #tpu.memory_space<vmem>>, vector<1x16xf32>,
      %get3A_4237 = vector.shape_cast %get3A_4236 : vector<1x16xf32> to vector<16xf32>
      %get3A_4238 = arith.constant 41 : i32
      %get3A_4239 = arith.index_cast %get3A_4238 : i32 to index
      %get3A_4240 = arith.constant 80 : index
      %get3A_4241 = tpu.vector_load %arg7[%get3A_4239, %get3A_4240] {strides = array<i32>} : memref<50x128xf32, #tpu.memory_space<vmem>>, vector<1x16xf32>,
      %get3A_4242 = vector.shape_cast %get3A_4241 : vector<1x16xf32> to vector<16xf32>
      %get3A_4243 = arith.constant 42 : i32
      %get3A_4244 = arith.index_cast %get3A_4243 : i32 to index
      %get3A_4245 = arith.constant 80 : index
      %get3A_4246 = tpu.vector_load %arg7[%get3A_4244, %get3A_4245] {strides = array<i32>} : memref<50x128xf32, #tpu.memory_space<vmem>>, vector<1x16xf32>,
      %get3A_4247 = vector.shape_cast %get3A_4246 : vector<1x16xf32> to vector<16xf32>
      %get3A_4248 = arith.constant 43 : i32
      %get3A_4249 = arith.index_cast %get3A_4248 : i32 to index
      %get3A_4250 = arith.constant 80 : index
      %get3A_4251 = tpu.vector_load %arg7[%get3A_4249, %get3A_4250] {strides = array<i32>} : memref<50x128xf32, #tpu.memory_space<vmem>>, vector<1x16xf32>,
      %get3A_4252 = vector.shape_cast %get3A_4251 : vector<1x16xf32> to vector<16xf32>
      %get3A_4253 = arith.constant 44 : i32
      %get3A_4254 = arith.index_cast %get3A_4253 : i32 to index
      %get3A_4255 = arith.constant 80 : index
      %get3A_4256 = tpu.vector_load %arg7[%get3A_4254, %get3A_4255] {strides = array<i32>} : memref<50x128xf32, #tpu.memory_space<vmem>>, vector<1x16xf32>,
      %get3A_4257 = vector.shape_cast %get3A_4256 : vector<1x16xf32> to vector<16xf32>
      %get3A_4258 = arith.constant 45 : i32
      %get3A_4259 = arith.index_cast %get3A_4258 : i32 to index
      %get3A_4260 = arith.constant 80 : index
      %get3A_4261 = tpu.vector_load %arg7[%get3A_4259, %get3A_4260] {strides = array<i32>} : memref<50x128xf32, #tpu.memory_space<vmem>>, vector<1x16xf32>,
      %get3A_4262 = vector.shape_cast %get3A_4261 : vector<1x16xf32> to vector<16xf32>
      %get3A_4263 = arith.constant 46 : i32
      %get3A_4264 = arith.index_cast %get3A_4263 : i32 to index
      %get3A_4265 = arith.constant 80 : index
      %get3A_4266 = tpu.vector_load %arg7[%get3A_4264, %get3A_4265] {strides = array<i32>} : memref<50x128xf32, #tpu.memory_space<vmem>>, vector<1x16xf32>,
      %get3A_4267 = vector.shape_cast %get3A_4266 : vector<1x16xf32> to vector<16xf32>
      %get3A_4268 = arith.constant 47 : i32
      %get3A_4269 = arith.index_cast %get3A_4268 : i32 to index
      %get3A_4270 = arith.constant 80 : index
      %get3A_4271 = tpu.vector_load %arg7[%get3A_4269, %get3A_4270] {strides = array<i32>} : memref<50x128xf32, #tpu.memory_space<vmem>>, vector<1x16xf32>,
      %get3A_4272 = vector.shape_cast %get3A_4271 : vector<1x16xf32> to vector<16xf32>
      %get3A_4273 = arith.constant 48 : i32
      %get3A_4274 = arith.index_cast %get3A_4273 : i32 to index
      %get3A_4275 = arith.constant 80 : index
      %get3A_4276 = tpu.vector_load %arg7[%get3A_4274, %get3A_4275] {strides = array<i32>} : memref<50x128xf32, #tpu.memory_space<vmem>>, vector<1x16xf32>,
      %get3A_4277 = vector.shape_cast %get3A_4276 : vector<1x16xf32> to vector<16xf32>
      %get3A_4278 = arith.constant 49 : i32
      %get3A_4279 = arith.index_cast %get3A_4278 : i32 to index
      %get3A_4280 = arith.constant 80 : index
      %get3A_4281 = tpu.vector_load %arg7[%get3A_4279, %get3A_4280] {strides = array<i32>} : memref<50x128xf32, #tpu.memory_space<vmem>>, vector<1x16xf32>,
      %get3A_4282 = vector.shape_cast %get3A_4281 : vector<1x16xf32> to vector<16xf32>
      %add3A_4283 = arith.addf %get3A_4037, %get3A_4042 : vector<16xf32>
      %add3A_4284 = arith.addf %get3A_4047, %get3A_4052 : vector<16xf32>
      %add3A_4285 = arith.addf %get3A_4057, %get3A_4062 : vector<16xf32>
      %add3A_4286 = arith.addf %get3A_4067, %get3A_4072 : vector<16xf32>
      %add3A_4287 = arith.addf %get3A_4077, %get3A_4082 : vector<16xf32>
      %add3A_4288 = arith.addf %get3A_4087, %get3A_4092 : vector<16xf32>
      %add3A_4289 = arith.addf %get3A_4097, %get3A_4102 : vector<16xf32>
      %add3A_4290 = arith.addf %get3A_4107, %get3A_4112 : vector<16xf32>
      %add3A_4291 = arith.addf %get3A_4117, %get3A_4122 : vector<16xf32>
      %add3A_4292 = arith.addf %get3A_4127, %get3A_4132 : vector<16xf32>
      %add3A_4293 = arith.addf %get3A_4137, %get3A_4142 : vector<16xf32>
      %add3A_4294 = arith.addf %get3A_4147, %get3A_4152 : vector<16xf32>
      %add3A_4295 = arith.addf %get3A_4157, %get3A_4162 : vector<16xf32>
      %add3A_4296 = arith.addf %get3A_4167, %get3A_4172 : vector<16xf32>
      %add3A_4297 = arith.addf %get3A_4177, %get3A_4182 : vector<16xf32>
      %add3A_4298 = arith.addf %get3A_4187, %get3A_4192 : vector<16xf32>
      %add3A_4299 = arith.addf %get3A_4197, %get3A_4202 : vector<16xf32>
      %add3A_4300 = arith.addf %get3A_4207, %get3A_4212 : vector<16xf32>
      %add3A_4301 = arith.addf %get3A_4217, %get3A_4222 : vector<16xf32>
      %add3A_4302 = arith.addf %get3A_4227, %get3A_4232 : vector<16xf32>
      %add3A_4303 = arith.addf %get3A_4237, %get3A_4242 : vector<16xf32>
      %add3A_4304 = arith.addf %get3A_4247, %get3A_4252 : vector<16xf32>
      %add3A_4305 = arith.addf %get3A_4257, %get3A_4262 : vector<16xf32>
      %add3A_4306 = arith.addf %get3A_4267, %get3A_4272 : vector<16xf32>
      %add3A_4307 = arith.addf %get3A_4277, %get3A_4282 : vector<16xf32>
      %add3A_4308 = arith.addf %add3A_4283, %add3A_4284 : vector<16xf32>
      %add3A_4309 = arith.addf %add3A_4285, %add3A_4286 : vector<16xf32>
      %add3A_4310 = arith.addf %add3A_4287, %add3A_4288 : vector<16xf32>
      %add3A_4311 = arith.addf %add3A_4289, %add3A_4290 : vector<16xf32>
      %add3A_4312 = arith.addf %add3A_4291, %add3A_4292 : vector<16xf32>
      %add3A_4313 = arith.addf %add3A_4293, %add3A_4294 : vector<16xf32>
      %add3A_4314 = arith.addf %add3A_4295, %add3A_4296 : vector<16xf32>
      %add3A_4315 = arith.addf %add3A_4297, %add3A_4298 : vector<16xf32>
      %add3A_4316 = arith.addf %add3A_4299, %add3A_4300 : vector<16xf32>
      %add3A_4317 = arith.addf %add3A_4301, %add3A_4302 : vector<16xf32>
      %add3A_4318 = arith.addf %add3A_4303, %add3A_4304 : vector<16xf32>
      %add3A_4319 = arith.addf %add3A_4305, %add3A_4306 : vector<16xf32>
      %add3A_4320 = arith.addf %add3A_4308, %add3A_4309 : vector<16xf32>
      %add3A_4321 = arith.addf %add3A_4310, %add3A_4311 : vector<16xf32>
      %add3A_4322 = arith.addf %add3A_4312, %add3A_4313 : vector<16xf32>
      %add3A_4323 = arith.addf %add3A_4314, %add3A_4315 : vector<16xf32>
      %add3A_4324 = arith.addf %add3A_4316, %add3A_4317 : vector<16xf32>
      %add3A_4325 = arith.addf %add3A_4318, %add3A_4319 : vector<16xf32>
      %add3A_4326 = arith.addf %add3A_4320, %add3A_4321 : vector<16xf32>
      %add3A_4327 = arith.addf %add3A_4322, %add3A_4323 : vector<16xf32>
      %add3A_4328 = arith.addf %add3A_4324, %add3A_4325 : vector<16xf32>
      %add3A_4329 = arith.addf %add3A_4326, %add3A_4327 : vector<16xf32>
      %add3A_4330 = arith.addf %add3A_4328, %add3A_4307 : vector<16xf32>
      %add3A_4331 = arith.addf %add3A_4329, %add3A_4330 : vector<16xf32>
      %mul3A_4332 = arith.constant 2.000000e-02 : f32
      %mul3A_4333 = vector.broadcast %mul3A_4332 : f32 to vector<16xf32>
      %mul3A_4334 = arith.mulf %add3A_4331, %mul3A_4333 : vector<16xf32>
      %swap3A_4335 = arith.index_cast %add3A_2491 : i32 to index
      %swap3A_4336 = arith.constant 80 : index
      %swap3A_4337 = tpu.vector_load %arg8[%swap3A_4335, %swap3A_4336] {strides = array<i32>} : memref<32x128xf32, #tpu.memory_space<vmem>>, vector<1x16xf32>,
      %swap3A_4338 = vector.shape_cast %swap3A_4337 : vector<1x16xf32> to vector<16xf32>
      %swap3A_4339 = vector.shape_cast %mul3A_4334 : vector<16xf32> to vector<1x16xf32>
      tpu.vector_store %arg8[%swap3A_4335, %swap3A_4336], %swap3A_4339 {strides = array<i32>} : memref<32x128xf32, #tpu.memory_space<vmem>>, vector<1x16xf32>,
      %get3A_4340 = arith.constant 0 : i32
      %get3A_4341 = arith.index_cast %get3A_4340 : i32 to index
      %get3A_4342 = arith.constant 96 : index
      %get3A_4343 = tpu.vector_load %arg7[%get3A_4341, %get3A_4342] {strides = array<i32>} : memref<50x128xf32, #tpu.memory_space<vmem>>, vector<1x16xf32>,
      %get3A_4344 = vector.shape_cast %get3A_4343 : vector<1x16xf32> to vector<16xf32>
      %get3A_4345 = arith.constant 1 : i32
      %get3A_4346 = arith.index_cast %get3A_4345 : i32 to index
      %get3A_4347 = arith.constant 96 : index
      %get3A_4348 = tpu.vector_load %arg7[%get3A_4346, %get3A_4347] {strides = array<i32>} : memref<50x128xf32, #tpu.memory_space<vmem>>, vector<1x16xf32>,
      %get3A_4349 = vector.shape_cast %get3A_4348 : vector<1x16xf32> to vector<16xf32>
      %get3A_4350 = arith.constant 2 : i32
      %get3A_4351 = arith.index_cast %get3A_4350 : i32 to index
      %get3A_4352 = arith.constant 96 : index
      %get3A_4353 = tpu.vector_load %arg7[%get3A_4351, %get3A_4352] {strides = array<i32>} : memref<50x128xf32, #tpu.memory_space<vmem>>, vector<1x16xf32>,
      %get3A_4354 = vector.shape_cast %get3A_4353 : vector<1x16xf32> to vector<16xf32>
      %get3A_4355 = arith.constant 3 : i32
      %get3A_4356 = arith.index_cast %get3A_4355 : i32 to index
      %get3A_4357 = arith.constant 96 : index
      %get3A_4358 = tpu.vector_load %arg7[%get3A_4356, %get3A_4357] {strides = array<i32>} : memref<50x128xf32, #tpu.memory_space<vmem>>, vector<1x16xf32>,
      %get3A_4359 = vector.shape_cast %get3A_4358 : vector<1x16xf32> to vector<16xf32>
      %get3A_4360 = arith.constant 4 : i32
      %get3A_4361 = arith.index_cast %get3A_4360 : i32 to index
      %get3A_4362 = arith.constant 96 : index
      %get3A_4363 = tpu.vector_load %arg7[%get3A_4361, %get3A_4362] {strides = array<i32>} : memref<50x128xf32, #tpu.memory_space<vmem>>, vector<1x16xf32>,
      %get3A_4364 = vector.shape_cast %get3A_4363 : vector<1x16xf32> to vector<16xf32>
      %get3A_4365 = arith.constant 5 : i32
      %get3A_4366 = arith.index_cast %get3A_4365 : i32 to index
      %get3A_4367 = arith.constant 96 : index
      %get3A_4368 = tpu.vector_load %arg7[%get3A_4366, %get3A_4367] {strides = array<i32>} : memref<50x128xf32, #tpu.memory_space<vmem>>, vector<1x16xf32>,
      %get3A_4369 = vector.shape_cast %get3A_4368 : vector<1x16xf32> to vector<16xf32>
      %get3A_4370 = arith.constant 6 : i32
      %get3A_4371 = arith.index_cast %get3A_4370 : i32 to index
      %get3A_4372 = arith.constant 96 : index
      %get3A_4373 = tpu.vector_load %arg7[%get3A_4371, %get3A_4372] {strides = array<i32>} : memref<50x128xf32, #tpu.memory_space<vmem>>, vector<1x16xf32>,
      %get3A_4374 = vector.shape_cast %get3A_4373 : vector<1x16xf32> to vector<16xf32>
      %get3A_4375 = arith.constant 7 : i32
      %get3A_4376 = arith.index_cast %get3A_4375 : i32 to index
      %get3A_4377 = arith.constant 96 : index
      %get3A_4378 = tpu.vector_load %arg7[%get3A_4376, %get3A_4377] {strides = array<i32>} : memref<50x128xf32, #tpu.memory_space<vmem>>, vector<1x16xf32>,
      %get3A_4379 = vector.shape_cast %get3A_4378 : vector<1x16xf32> to vector<16xf32>
      %get3A_4380 = arith.constant 8 : i32
      %get3A_4381 = arith.index_cast %get3A_4380 : i32 to index
      %get3A_4382 = arith.constant 96 : index
      %get3A_4383 = tpu.vector_load %arg7[%get3A_4381, %get3A_4382] {strides = array<i32>} : memref<50x128xf32, #tpu.memory_space<vmem>>, vector<1x16xf32>,
      %get3A_4384 = vector.shape_cast %get3A_4383 : vector<1x16xf32> to vector<16xf32>
      %get3A_4385 = arith.constant 9 : i32
      %get3A_4386 = arith.index_cast %get3A_4385 : i32 to index
      %get3A_4387 = arith.constant 96 : index
      %get3A_4388 = tpu.vector_load %arg7[%get3A_4386, %get3A_4387] {strides = array<i32>} : memref<50x128xf32, #tpu.memory_space<vmem>>, vector<1x16xf32>,
      %get3A_4389 = vector.shape_cast %get3A_4388 : vector<1x16xf32> to vector<16xf32>
      %get3A_4390 = arith.constant 10 : i32
      %get3A_4391 = arith.index_cast %get3A_4390 : i32 to index
      %get3A_4392 = arith.constant 96 : index
      %get3A_4393 = tpu.vector_load %arg7[%get3A_4391, %get3A_4392] {strides = array<i32>} : memref<50x128xf32, #tpu.memory_space<vmem>>, vector<1x16xf32>,
      %get3A_4394 = vector.shape_cast %get3A_4393 : vector<1x16xf32> to vector<16xf32>
      %get3A_4395 = arith.constant 11 : i32
      %get3A_4396 = arith.index_cast %get3A_4395 : i32 to index
      %get3A_4397 = arith.constant 96 : index
      %get3A_4398 = tpu.vector_load %arg7[%get3A_4396, %get3A_4397] {strides = array<i32>} : memref<50x128xf32, #tpu.memory_space<vmem>>, vector<1x16xf32>,
      %get3A_4399 = vector.shape_cast %get3A_4398 : vector<1x16xf32> to vector<16xf32>
      %get3A_4400 = arith.constant 12 : i32
      %get3A_4401 = arith.index_cast %get3A_4400 : i32 to index
      %get3A_4402 = arith.constant 96 : index
      %get3A_4403 = tpu.vector_load %arg7[%get3A_4401, %get3A_4402] {strides = array<i32>} : memref<50x128xf32, #tpu.memory_space<vmem>>, vector<1x16xf32>,
      %get3A_4404 = vector.shape_cast %get3A_4403 : vector<1x16xf32> to vector<16xf32>
      %get3A_4405 = arith.constant 13 : i32
      %get3A_4406 = arith.index_cast %get3A_4405 : i32 to index
      %get3A_4407 = arith.constant 96 : index
      %get3A_4408 = tpu.vector_load %arg7[%get3A_4406, %get3A_4407] {strides = array<i32>} : memref<50x128xf32, #tpu.memory_space<vmem>>, vector<1x16xf32>,
      %get3A_4409 = vector.shape_cast %get3A_4408 : vector<1x16xf32> to vector<16xf32>
      %get3A_4410 = arith.constant 14 : i32
      %get3A_4411 = arith.index_cast %get3A_4410 : i32 to index
      %get3A_4412 = arith.constant 96 : index
      %get3A_4413 = tpu.vector_load %arg7[%get3A_4411, %get3A_4412] {strides = array<i32>} : memref<50x128xf32, #tpu.memory_space<vmem>>, vector<1x16xf32>,
      %get3A_4414 = vector.shape_cast %get3A_4413 : vector<1x16xf32> to vector<16xf32>
      %get3A_4415 = arith.constant 15 : i32
      %get3A_4416 = arith.index_cast %get3A_4415 : i32 to index
      %get3A_4417 = arith.constant 96 : index
      %get3A_4418 = tpu.vector_load %arg7[%get3A_4416, %get3A_4417] {strides = array<i32>} : memref<50x128xf32, #tpu.memory_space<vmem>>, vector<1x16xf32>,
      %get3A_4419 = vector.shape_cast %get3A_4418 : vector<1x16xf32> to vector<16xf32>
      %get3A_4420 = arith.constant 16 : i32
      %get3A_4421 = arith.index_cast %get3A_4420 : i32 to index
      %get3A_4422 = arith.constant 96 : index
      %get3A_4423 = tpu.vector_load %arg7[%get3A_4421, %get3A_4422] {strides = array<i32>} : memref<50x128xf32, #tpu.memory_space<vmem>>, vector<1x16xf32>,
      %get3A_4424 = vector.shape_cast %get3A_4423 : vector<1x16xf32> to vector<16xf32>
      %get3A_4425 = arith.constant 17 : i32
      %get3A_4426 = arith.index_cast %get3A_4425 : i32 to index
      %get3A_4427 = arith.constant 96 : index
      %get3A_4428 = tpu.vector_load %arg7[%get3A_4426, %get3A_4427] {strides = array<i32>} : memref<50x128xf32, #tpu.memory_space<vmem>>, vector<1x16xf32>,
      %get3A_4429 = vector.shape_cast %get3A_4428 : vector<1x16xf32> to vector<16xf32>
      %get3A_4430 = arith.constant 18 : i32
      %get3A_4431 = arith.index_cast %get3A_4430 : i32 to index
      %get3A_4432 = arith.constant 96 : index
      %get3A_4433 = tpu.vector_load %arg7[%get3A_4431, %get3A_4432] {strides = array<i32>} : memref<50x128xf32, #tpu.memory_space<vmem>>, vector<1x16xf32>,
      %get3A_4434 = vector.shape_cast %get3A_4433 : vector<1x16xf32> to vector<16xf32>
      %get3A_4435 = arith.constant 19 : i32
      %get3A_4436 = arith.index_cast %get3A_4435 : i32 to index
      %get3A_4437 = arith.constant 96 : index
      %get3A_4438 = tpu.vector_load %arg7[%get3A_4436, %get3A_4437] {strides = array<i32>} : memref<50x128xf32, #tpu.memory_space<vmem>>, vector<1x16xf32>,
      %get3A_4439 = vector.shape_cast %get3A_4438 : vector<1x16xf32> to vector<16xf32>
      %get3A_4440 = arith.constant 20 : i32
      %get3A_4441 = arith.index_cast %get3A_4440 : i32 to index
      %get3A_4442 = arith.constant 96 : index
      %get3A_4443 = tpu.vector_load %arg7[%get3A_4441, %get3A_4442] {strides = array<i32>} : memref<50x128xf32, #tpu.memory_space<vmem>>, vector<1x16xf32>,
      %get3A_4444 = vector.shape_cast %get3A_4443 : vector<1x16xf32> to vector<16xf32>
      %get3A_4445 = arith.constant 21 : i32
      %get3A_4446 = arith.index_cast %get3A_4445 : i32 to index
      %get3A_4447 = arith.constant 96 : index
      %get3A_4448 = tpu.vector_load %arg7[%get3A_4446, %get3A_4447] {strides = array<i32>} : memref<50x128xf32, #tpu.memory_space<vmem>>, vector<1x16xf32>,
      %get3A_4449 = vector.shape_cast %get3A_4448 : vector<1x16xf32> to vector<16xf32>
      %get3A_4450 = arith.constant 22 : i32
      %get3A_4451 = arith.index_cast %get3A_4450 : i32 to index
      %get3A_4452 = arith.constant 96 : index
      %get3A_4453 = tpu.vector_load %arg7[%get3A_4451, %get3A_4452] {strides = array<i32>} : memref<50x128xf32, #tpu.memory_space<vmem>>, vector<1x16xf32>,
      %get3A_4454 = vector.shape_cast %get3A_4453 : vector<1x16xf32> to vector<16xf32>
      %get3A_4455 = arith.constant 23 : i32
      %get3A_4456 = arith.index_cast %get3A_4455 : i32 to index
      %get3A_4457 = arith.constant 96 : index
      %get3A_4458 = tpu.vector_load %arg7[%get3A_4456, %get3A_4457] {strides = array<i32>} : memref<50x128xf32, #tpu.memory_space<vmem>>, vector<1x16xf32>,
      %get3A_4459 = vector.shape_cast %get3A_4458 : vector<1x16xf32> to vector<16xf32>
      %get3A_4460 = arith.constant 24 : i32
      %get3A_4461 = arith.index_cast %get3A_4460 : i32 to index
      %get3A_4462 = arith.constant 96 : index
      %get3A_4463 = tpu.vector_load %arg7[%get3A_4461, %get3A_4462] {strides = array<i32>} : memref<50x128xf32, #tpu.memory_space<vmem>>, vector<1x16xf32>,
      %get3A_4464 = vector.shape_cast %get3A_4463 : vector<1x16xf32> to vector<16xf32>
      %get3A_4465 = arith.constant 25 : i32
      %get3A_4466 = arith.index_cast %get3A_4465 : i32 to index
      %get3A_4467 = arith.constant 96 : index
      %get3A_4468 = tpu.vector_load %arg7[%get3A_4466, %get3A_4467] {strides = array<i32>} : memref<50x128xf32, #tpu.memory_space<vmem>>, vector<1x16xf32>,
      %get3A_4469 = vector.shape_cast %get3A_4468 : vector<1x16xf32> to vector<16xf32>
      %get3A_4470 = arith.constant 26 : i32
      %get3A_4471 = arith.index_cast %get3A_4470 : i32 to index
      %get3A_4472 = arith.constant 96 : index
      %get3A_4473 = tpu.vector_load %arg7[%get3A_4471, %get3A_4472] {strides = array<i32>} : memref<50x128xf32, #tpu.memory_space<vmem>>, vector<1x16xf32>,
      %get3A_4474 = vector.shape_cast %get3A_4473 : vector<1x16xf32> to vector<16xf32>
      %get3A_4475 = arith.constant 27 : i32
      %get3A_4476 = arith.index_cast %get3A_4475 : i32 to index
      %get3A_4477 = arith.constant 96 : index
      %get3A_4478 = tpu.vector_load %arg7[%get3A_4476, %get3A_4477] {strides = array<i32>} : memref<50x128xf32, #tpu.memory_space<vmem>>, vector<1x16xf32>,
      %get3A_4479 = vector.shape_cast %get3A_4478 : vector<1x16xf32> to vector<16xf32>
      %get3A_4480 = arith.constant 28 : i32
      %get3A_4481 = arith.index_cast %get3A_4480 : i32 to index
      %get3A_4482 = arith.constant 96 : index
      %get3A_4483 = tpu.vector_load %arg7[%get3A_4481, %get3A_4482] {strides = array<i32>} : memref<50x128xf32, #tpu.memory_space<vmem>>, vector<1x16xf32>,
      %get3A_4484 = vector.shape_cast %get3A_4483 : vector<1x16xf32> to vector<16xf32>
      %get3A_4485 = arith.constant 29 : i32
      %get3A_4486 = arith.index_cast %get3A_4485 : i32 to index
      %get3A_4487 = arith.constant 96 : index
      %get3A_4488 = tpu.vector_load %arg7[%get3A_4486, %get3A_4487] {strides = array<i32>} : memref<50x128xf32, #tpu.memory_space<vmem>>, vector<1x16xf32>,
      %get3A_4489 = vector.shape_cast %get3A_4488 : vector<1x16xf32> to vector<16xf32>
      %get3A_4490 = arith.constant 30 : i32
      %get3A_4491 = arith.index_cast %get3A_4490 : i32 to index
      %get3A_4492 = arith.constant 96 : index
      %get3A_4493 = tpu.vector_load %arg7[%get3A_4491, %get3A_4492] {strides = array<i32>} : memref<50x128xf32, #tpu.memory_space<vmem>>, vector<1x16xf32>,
      %get3A_4494 = vector.shape_cast %get3A_4493 : vector<1x16xf32> to vector<16xf32>
      %get3A_4495 = arith.constant 31 : i32
      %get3A_4496 = arith.index_cast %get3A_4495 : i32 to index
      %get3A_4497 = arith.constant 96 : index
      %get3A_4498 = tpu.vector_load %arg7[%get3A_4496, %get3A_4497] {strides = array<i32>} : memref<50x128xf32, #tpu.memory_space<vmem>>, vector<1x16xf32>,
      %get3A_4499 = vector.shape_cast %get3A_4498 : vector<1x16xf32> to vector<16xf32>
      %get3A_4500 = arith.constant 32 : i32
      %get3A_4501 = arith.index_cast %get3A_4500 : i32 to index
      %get3A_4502 = arith.constant 96 : index
      %get3A_4503 = tpu.vector_load %arg7[%get3A_4501, %get3A_4502] {strides = array<i32>} : memref<50x128xf32, #tpu.memory_space<vmem>>, vector<1x16xf32>,
      %get3A_4504 = vector.shape_cast %get3A_4503 : vector<1x16xf32> to vector<16xf32>
      %get3A_4505 = arith.constant 33 : i32
      %get3A_4506 = arith.index_cast %get3A_4505 : i32 to index
      %get3A_4507 = arith.constant 96 : index
      %get3A_4508 = tpu.vector_load %arg7[%get3A_4506, %get3A_4507] {strides = array<i32>} : memref<50x128xf32, #tpu.memory_space<vmem>>, vector<1x16xf32>,
      %get3A_4509 = vector.shape_cast %get3A_4508 : vector<1x16xf32> to vector<16xf32>
      %get3A_4510 = arith.constant 34 : i32
      %get3A_4511 = arith.index_cast %get3A_4510 : i32 to index
      %get3A_4512 = arith.constant 96 : index
      %get3A_4513 = tpu.vector_load %arg7[%get3A_4511, %get3A_4512] {strides = array<i32>} : memref<50x128xf32, #tpu.memory_space<vmem>>, vector<1x16xf32>,
      %get3A_4514 = vector.shape_cast %get3A_4513 : vector<1x16xf32> to vector<16xf32>
      %get3A_4515 = arith.constant 35 : i32
      %get3A_4516 = arith.index_cast %get3A_4515 : i32 to index
      %get3A_4517 = arith.constant 96 : index
      %get3A_4518 = tpu.vector_load %arg7[%get3A_4516, %get3A_4517] {strides = array<i32>} : memref<50x128xf32, #tpu.memory_space<vmem>>, vector<1x16xf32>,
      %get3A_4519 = vector.shape_cast %get3A_4518 : vector<1x16xf32> to vector<16xf32>
      %get3A_4520 = arith.constant 36 : i32
      %get3A_4521 = arith.index_cast %get3A_4520 : i32 to index
      %get3A_4522 = arith.constant 96 : index
      %get3A_4523 = tpu.vector_load %arg7[%get3A_4521, %get3A_4522] {strides = array<i32>} : memref<50x128xf32, #tpu.memory_space<vmem>>, vector<1x16xf32>,
      %get3A_4524 = vector.shape_cast %get3A_4523 : vector<1x16xf32> to vector<16xf32>
      %get3A_4525 = arith.constant 37 : i32
      %get3A_4526 = arith.index_cast %get3A_4525 : i32 to index
      %get3A_4527 = arith.constant 96 : index
      %get3A_4528 = tpu.vector_load %arg7[%get3A_4526, %get3A_4527] {strides = array<i32>} : memref<50x128xf32, #tpu.memory_space<vmem>>, vector<1x16xf32>,
      %get3A_4529 = vector.shape_cast %get3A_4528 : vector<1x16xf32> to vector<16xf32>
      %get3A_4530 = arith.constant 38 : i32
      %get3A_4531 = arith.index_cast %get3A_4530 : i32 to index
      %get3A_4532 = arith.constant 96 : index
      %get3A_4533 = tpu.vector_load %arg7[%get3A_4531, %get3A_4532] {strides = array<i32>} : memref<50x128xf32, #tpu.memory_space<vmem>>, vector<1x16xf32>,
      %get3A_4534 = vector.shape_cast %get3A_4533 : vector<1x16xf32> to vector<16xf32>
      %get3A_4535 = arith.constant 39 : i32
      %get3A_4536 = arith.index_cast %get3A_4535 : i32 to index
      %get3A_4537 = arith.constant 96 : index
      %get3A_4538 = tpu.vector_load %arg7[%get3A_4536, %get3A_4537] {strides = array<i32>} : memref<50x128xf32, #tpu.memory_space<vmem>>, vector<1x16xf32>,
      %get3A_4539 = vector.shape_cast %get3A_4538 : vector<1x16xf32> to vector<16xf32>
      %get3A_4540 = arith.constant 40 : i32
      %get3A_4541 = arith.index_cast %get3A_4540 : i32 to index
      %get3A_4542 = arith.constant 96 : index
      %get3A_4543 = tpu.vector_load %arg7[%get3A_4541, %get3A_4542] {strides = array<i32>} : memref<50x128xf32, #tpu.memory_space<vmem>>, vector<1x16xf32>,
      %get3A_4544 = vector.shape_cast %get3A_4543 : vector<1x16xf32> to vector<16xf32>
      %get3A_4545 = arith.constant 41 : i32
      %get3A_4546 = arith.index_cast %get3A_4545 : i32 to index
      %get3A_4547 = arith.constant 96 : index
      %get3A_4548 = tpu.vector_load %arg7[%get3A_4546, %get3A_4547] {strides = array<i32>} : memref<50x128xf32, #tpu.memory_space<vmem>>, vector<1x16xf32>,
      %get3A_4549 = vector.shape_cast %get3A_4548 : vector<1x16xf32> to vector<16xf32>
      %get3A_4550 = arith.constant 42 : i32
      %get3A_4551 = arith.index_cast %get3A_4550 : i32 to index
      %get3A_4552 = arith.constant 96 : index
      %get3A_4553 = tpu.vector_load %arg7[%get3A_4551, %get3A_4552] {strides = array<i32>} : memref<50x128xf32, #tpu.memory_space<vmem>>, vector<1x16xf32>,
      %get3A_4554 = vector.shape_cast %get3A_4553 : vector<1x16xf32> to vector<16xf32>
      %get3A_4555 = arith.constant 43 : i32
      %get3A_4556 = arith.index_cast %get3A_4555 : i32 to index
      %get3A_4557 = arith.constant 96 : index
      %get3A_4558 = tpu.vector_load %arg7[%get3A_4556, %get3A_4557] {strides = array<i32>} : memref<50x128xf32, #tpu.memory_space<vmem>>, vector<1x16xf32>,
      %get3A_4559 = vector.shape_cast %get3A_4558 : vector<1x16xf32> to vector<16xf32>
      %get3A_4560 = arith.constant 44 : i32
      %get3A_4561 = arith.index_cast %get3A_4560 : i32 to index
      %get3A_4562 = arith.constant 96 : index
      %get3A_4563 = tpu.vector_load %arg7[%get3A_4561, %get3A_4562] {strides = array<i32>} : memref<50x128xf32, #tpu.memory_space<vmem>>, vector<1x16xf32>,
      %get3A_4564 = vector.shape_cast %get3A_4563 : vector<1x16xf32> to vector<16xf32>
      %get3A_4565 = arith.constant 45 : i32
      %get3A_4566 = arith.index_cast %get3A_4565 : i32 to index
      %get3A_4567 = arith.constant 96 : index
      %get3A_4568 = tpu.vector_load %arg7[%get3A_4566, %get3A_4567] {strides = array<i32>} : memref<50x128xf32, #tpu.memory_space<vmem>>, vector<1x16xf32>,
      %get3A_4569 = vector.shape_cast %get3A_4568 : vector<1x16xf32> to vector<16xf32>
      %get3A_4570 = arith.constant 46 : i32
      %get3A_4571 = arith.index_cast %get3A_4570 : i32 to index
      %get3A_4572 = arith.constant 96 : index
      %get3A_4573 = tpu.vector_load %arg7[%get3A_4571, %get3A_4572] {strides = array<i32>} : memref<50x128xf32, #tpu.memory_space<vmem>>, vector<1x16xf32>,
      %get3A_4574 = vector.shape_cast %get3A_4573 : vector<1x16xf32> to vector<16xf32>
      %get3A_4575 = arith.constant 47 : i32
      %get3A_4576 = arith.index_cast %get3A_4575 : i32 to index
      %get3A_4577 = arith.constant 96 : index
      %get3A_4578 = tpu.vector_load %arg7[%get3A_4576, %get3A_4577] {strides = array<i32>} : memref<50x128xf32, #tpu.memory_space<vmem>>, vector<1x16xf32>,
      %get3A_4579 = vector.shape_cast %get3A_4578 : vector<1x16xf32> to vector<16xf32>
      %get3A_4580 = arith.constant 48 : i32
      %get3A_4581 = arith.index_cast %get3A_4580 : i32 to index
      %get3A_4582 = arith.constant 96 : index
      %get3A_4583 = tpu.vector_load %arg7[%get3A_4581, %get3A_4582] {strides = array<i32>} : memref<50x128xf32, #tpu.memory_space<vmem>>, vector<1x16xf32>,
      %get3A_4584 = vector.shape_cast %get3A_4583 : vector<1x16xf32> to vector<16xf32>
      %get3A_4585 = arith.constant 49 : i32
      %get3A_4586 = arith.index_cast %get3A_4585 : i32 to index
      %get3A_4587 = arith.constant 96 : index
      %get3A_4588 = tpu.vector_load %arg7[%get3A_4586, %get3A_4587] {strides = array<i32>} : memref<50x128xf32, #tpu.memory_space<vmem>>, vector<1x16xf32>,
      %get3A_4589 = vector.shape_cast %get3A_4588 : vector<1x16xf32> to vector<16xf32>
      %add3A_4590 = arith.addf %get3A_4344, %get3A_4349 : vector<16xf32>
      %add3A_4591 = arith.addf %get3A_4354, %get3A_4359 : vector<16xf32>
      %add3A_4592 = arith.addf %get3A_4364, %get3A_4369 : vector<16xf32>
      %add3A_4593 = arith.addf %get3A_4374, %get3A_4379 : vector<16xf32>
      %add3A_4594 = arith.addf %get3A_4384, %get3A_4389 : vector<16xf32>
      %add3A_4595 = arith.addf %get3A_4394, %get3A_4399 : vector<16xf32>
      %add3A_4596 = arith.addf %get3A_4404, %get3A_4409 : vector<16xf32>
      %add3A_4597 = arith.addf %get3A_4414, %get3A_4419 : vector<16xf32>
      %add3A_4598 = arith.addf %get3A_4424, %get3A_4429 : vector<16xf32>
      %add3A_4599 = arith.addf %get3A_4434, %get3A_4439 : vector<16xf32>
      %add3A_4600 = arith.addf %get3A_4444, %get3A_4449 : vector<16xf32>
      %add3A_4601 = arith.addf %get3A_4454, %get3A_4459 : vector<16xf32>
      %add3A_4602 = arith.addf %get3A_4464, %get3A_4469 : vector<16xf32>
      %add3A_4603 = arith.addf %get3A_4474, %get3A_4479 : vector<16xf32>
      %add3A_4604 = arith.addf %get3A_4484, %get3A_4489 : vector<16xf32>
      %add3A_4605 = arith.addf %get3A_4494, %get3A_4499 : vector<16xf32>
      %add3A_4606 = arith.addf %get3A_4504, %get3A_4509 : vector<16xf32>
      %add3A_4607 = arith.addf %get3A_4514, %get3A_4519 : vector<16xf32>
      %add3A_4608 = arith.addf %get3A_4524, %get3A_4529 : vector<16xf32>
      %add3A_4609 = arith.addf %get3A_4534, %get3A_4539 : vector<16xf32>
      %add3A_4610 = arith.addf %get3A_4544, %get3A_4549 : vector<16xf32>
      %add3A_4611 = arith.addf %get3A_4554, %get3A_4559 : vector<16xf32>
      %add3A_4612 = arith.addf %get3A_4564, %get3A_4569 : vector<16xf32>
      %add3A_4613 = arith.addf %get3A_4574, %get3A_4579 : vector<16xf32>
      %add3A_4614 = arith.addf %get3A_4584, %get3A_4589 : vector<16xf32>
      %add3A_4615 = arith.addf %add3A_4590, %add3A_4591 : vector<16xf32>
      %add3A_4616 = arith.addf %add3A_4592, %add3A_4593 : vector<16xf32>
      %add3A_4617 = arith.addf %add3A_4594, %add3A_4595 : vector<16xf32>
      %add3A_4618 = arith.addf %add3A_4596, %add3A_4597 : vector<16xf32>
      %add3A_4619 = arith.addf %add3A_4598, %add3A_4599 : vector<16xf32>
      %add3A_4620 = arith.addf %add3A_4600, %add3A_4601 : vector<16xf32>
      %add3A_4621 = arith.addf %add3A_4602, %add3A_4603 : vector<16xf32>
      %add3A_4622 = arith.addf %add3A_4604, %add3A_4605 : vector<16xf32>
      %add3A_4623 = arith.addf %add3A_4606, %add3A_4607 : vector<16xf32>
      %add3A_4624 = arith.addf %add3A_4608, %add3A_4609 : vector<16xf32>
      %add3A_4625 = arith.addf %add3A_4610, %add3A_4611 : vector<16xf32>
      %add3A_4626 = arith.addf %add3A_4612, %add3A_4613 : vector<16xf32>
      %add3A_4627 = arith.addf %add3A_4615, %add3A_4616 : vector<16xf32>
      %add3A_4628 = arith.addf %add3A_4617, %add3A_4618 : vector<16xf32>
      %add3A_4629 = arith.addf %add3A_4619, %add3A_4620 : vector<16xf32>
      %add3A_4630 = arith.addf %add3A_4621, %add3A_4622 : vector<16xf32>
      %add3A_4631 = arith.addf %add3A_4623, %add3A_4624 : vector<16xf32>
      %add3A_4632 = arith.addf %add3A_4625, %add3A_4626 : vector<16xf32>
      %add3A_4633 = arith.addf %add3A_4627, %add3A_4628 : vector<16xf32>
      %add3A_4634 = arith.addf %add3A_4629, %add3A_4630 : vector<16xf32>
      %add3A_4635 = arith.addf %add3A_4631, %add3A_4632 : vector<16xf32>
      %add3A_4636 = arith.addf %add3A_4633, %add3A_4634 : vector<16xf32>
      %add3A_4637 = arith.addf %add3A_4635, %add3A_4614 : vector<16xf32>
      %add3A_4638 = arith.addf %add3A_4636, %add3A_4637 : vector<16xf32>
      %mul3A_4639 = arith.constant 2.000000e-02 : f32
      %mul3A_4640 = vector.broadcast %mul3A_4639 : f32 to vector<16xf32>
      %mul3A_4641 = arith.mulf %add3A_4638, %mul3A_4640 : vector<16xf32>
      %swap3A_4642 = arith.index_cast %add3A_2491 : i32 to index
      %swap3A_4643 = arith.constant 96 : index
      %swap3A_4644 = tpu.vector_load %arg8[%swap3A_4642, %swap3A_4643] {strides = array<i32>} : memref<32x128xf32, #tpu.memory_space<vmem>>, vector<1x16xf32>,
      %swap3A_4645 = vector.shape_cast %swap3A_4644 : vector<1x16xf32> to vector<16xf32>
      %swap3A_4646 = vector.shape_cast %mul3A_4641 : vector<16xf32> to vector<1x16xf32>
      tpu.vector_store %arg8[%swap3A_4642, %swap3A_4643], %swap3A_4646 {strides = array<i32>} : memref<32x128xf32, #tpu.memory_space<vmem>>, vector<1x16xf32>,
      %get3A_4647 = arith.constant 0 : i32
      %get3A_4648 = arith.index_cast %get3A_4647 : i32 to index
      %get3A_4649 = arith.constant 112 : index
      %get3A_4650 = tpu.vector_load %arg7[%get3A_4648, %get3A_4649] {strides = array<i32>} : memref<50x128xf32, #tpu.memory_space<vmem>>, vector<1x16xf32>,
      %get3A_4651 = vector.shape_cast %get3A_4650 : vector<1x16xf32> to vector<16xf32>
      %get3A_4652 = arith.constant 1 : i32
      %get3A_4653 = arith.index_cast %get3A_4652 : i32 to index
      %get3A_4654 = arith.constant 112 : index
      %get3A_4655 = tpu.vector_load %arg7[%get3A_4653, %get3A_4654] {strides = array<i32>} : memref<50x128xf32, #tpu.memory_space<vmem>>, vector<1x16xf32>,
      %get3A_4656 = vector.shape_cast %get3A_4655 : vector<1x16xf32> to vector<16xf32>
      %get3A_4657 = arith.constant 2 : i32
      %get3A_4658 = arith.index_cast %get3A_4657 : i32 to index
      %get3A_4659 = arith.constant 112 : index
      %get3A_4660 = tpu.vector_load %arg7[%get3A_4658, %get3A_4659] {strides = array<i32>} : memref<50x128xf32, #tpu.memory_space<vmem>>, vector<1x16xf32>,
      %get3A_4661 = vector.shape_cast %get3A_4660 : vector<1x16xf32> to vector<16xf32>
      %get3A_4662 = arith.constant 3 : i32
      %get3A_4663 = arith.index_cast %get3A_4662 : i32 to index
      %get3A_4664 = arith.constant 112 : index
      %get3A_4665 = tpu.vector_load %arg7[%get3A_4663, %get3A_4664] {strides = array<i32>} : memref<50x128xf32, #tpu.memory_space<vmem>>, vector<1x16xf32>,
      %get3A_4666 = vector.shape_cast %get3A_4665 : vector<1x16xf32> to vector<16xf32>
      %get3A_4667 = arith.constant 4 : i32
      %get3A_4668 = arith.index_cast %get3A_4667 : i32 to index
      %get3A_4669 = arith.constant 112 : index
      %get3A_4670 = tpu.vector_load %arg7[%get3A_4668, %get3A_4669] {strides = array<i32>} : memref<50x128xf32, #tpu.memory_space<vmem>>, vector<1x16xf32>,
      %get3A_4671 = vector.shape_cast %get3A_4670 : vector<1x16xf32> to vector<16xf32>
      %get3A_4672 = arith.constant 5 : i32
      %get3A_4673 = arith.index_cast %get3A_4672 : i32 to index
      %get3A_4674 = arith.constant 112 : index
      %get3A_4675 = tpu.vector_load %arg7[%get3A_4673, %get3A_4674] {strides = array<i32>} : memref<50x128xf32, #tpu.memory_space<vmem>>, vector<1x16xf32>,
      %get3A_4676 = vector.shape_cast %get3A_4675 : vector<1x16xf32> to vector<16xf32>
      %get3A_4677 = arith.constant 6 : i32
      %get3A_4678 = arith.index_cast %get3A_4677 : i32 to index
      %get3A_4679 = arith.constant 112 : index
      %get3A_4680 = tpu.vector_load %arg7[%get3A_4678, %get3A_4679] {strides = array<i32>} : memref<50x128xf32, #tpu.memory_space<vmem>>, vector<1x16xf32>,
      %get3A_4681 = vector.shape_cast %get3A_4680 : vector<1x16xf32> to vector<16xf32>
      %get3A_4682 = arith.constant 7 : i32
      %get3A_4683 = arith.index_cast %get3A_4682 : i32 to index
      %get3A_4684 = arith.constant 112 : index
      %get3A_4685 = tpu.vector_load %arg7[%get3A_4683, %get3A_4684] {strides = array<i32>} : memref<50x128xf32, #tpu.memory_space<vmem>>, vector<1x16xf32>,
      %get3A_4686 = vector.shape_cast %get3A_4685 : vector<1x16xf32> to vector<16xf32>
      %get3A_4687 = arith.constant 8 : i32
      %get3A_4688 = arith.index_cast %get3A_4687 : i32 to index
      %get3A_4689 = arith.constant 112 : index
      %get3A_4690 = tpu.vector_load %arg7[%get3A_4688, %get3A_4689] {strides = array<i32>} : memref<50x128xf32, #tpu.memory_space<vmem>>, vector<1x16xf32>,
      %get3A_4691 = vector.shape_cast %get3A_4690 : vector<1x16xf32> to vector<16xf32>
      %get3A_4692 = arith.constant 9 : i32
      %get3A_4693 = arith.index_cast %get3A_4692 : i32 to index
      %get3A_4694 = arith.constant 112 : index
      %get3A_4695 = tpu.vector_load %arg7[%get3A_4693, %get3A_4694] {strides = array<i32>} : memref<50x128xf32, #tpu.memory_space<vmem>>, vector<1x16xf32>,
      %get3A_4696 = vector.shape_cast %get3A_4695 : vector<1x16xf32> to vector<16xf32>
      %get3A_4697 = arith.constant 10 : i32
      %get3A_4698 = arith.index_cast %get3A_4697 : i32 to index
      %get3A_4699 = arith.constant 112 : index
      %get3A_4700 = tpu.vector_load %arg7[%get3A_4698, %get3A_4699] {strides = array<i32>} : memref<50x128xf32, #tpu.memory_space<vmem>>, vector<1x16xf32>,
      %get3A_4701 = vector.shape_cast %get3A_4700 : vector<1x16xf32> to vector<16xf32>
      %get3A_4702 = arith.constant 11 : i32
      %get3A_4703 = arith.index_cast %get3A_4702 : i32 to index
      %get3A_4704 = arith.constant 112 : index
      %get3A_4705 = tpu.vector_load %arg7[%get3A_4703, %get3A_4704] {strides = array<i32>} : memref<50x128xf32, #tpu.memory_space<vmem>>, vector<1x16xf32>,
      %get3A_4706 = vector.shape_cast %get3A_4705 : vector<1x16xf32> to vector<16xf32>
      %get3A_4707 = arith.constant 12 : i32
      %get3A_4708 = arith.index_cast %get3A_4707 : i32 to index
      %get3A_4709 = arith.constant 112 : index
      %get3A_4710 = tpu.vector_load %arg7[%get3A_4708, %get3A_4709] {strides = array<i32>} : memref<50x128xf32, #tpu.memory_space<vmem>>, vector<1x16xf32>,
      %get3A_4711 = vector.shape_cast %get3A_4710 : vector<1x16xf32> to vector<16xf32>
      %get3A_4712 = arith.constant 13 : i32
      %get3A_4713 = arith.index_cast %get3A_4712 : i32 to index
      %get3A_4714 = arith.constant 112 : index
      %get3A_4715 = tpu.vector_load %arg7[%get3A_4713, %get3A_4714] {strides = array<i32>} : memref<50x128xf32, #tpu.memory_space<vmem>>, vector<1x16xf32>,
      %get3A_4716 = vector.shape_cast %get3A_4715 : vector<1x16xf32> to vector<16xf32>
      %get3A_4717 = arith.constant 14 : i32
      %get3A_4718 = arith.index_cast %get3A_4717 : i32 to index
      %get3A_4719 = arith.constant 112 : index
      %get3A_4720 = tpu.vector_load %arg7[%get3A_4718, %get3A_4719] {strides = array<i32>} : memref<50x128xf32, #tpu.memory_space<vmem>>, vector<1x16xf32>,
      %get3A_4721 = vector.shape_cast %get3A_4720 : vector<1x16xf32> to vector<16xf32>
      %get3A_4722 = arith.constant 15 : i32
      %get3A_4723 = arith.index_cast %get3A_4722 : i32 to index
      %get3A_4724 = arith.constant 112 : index
      %get3A_4725 = tpu.vector_load %arg7[%get3A_4723, %get3A_4724] {strides = array<i32>} : memref<50x128xf32, #tpu.memory_space<vmem>>, vector<1x16xf32>,
      %get3A_4726 = vector.shape_cast %get3A_4725 : vector<1x16xf32> to vector<16xf32>
      %get3A_4727 = arith.constant 16 : i32
      %get3A_4728 = arith.index_cast %get3A_4727 : i32 to index
      %get3A_4729 = arith.constant 112 : index
      %get3A_4730 = tpu.vector_load %arg7[%get3A_4728, %get3A_4729] {strides = array<i32>} : memref<50x128xf32, #tpu.memory_space<vmem>>, vector<1x16xf32>,
      %get3A_4731 = vector.shape_cast %get3A_4730 : vector<1x16xf32> to vector<16xf32>
      %get3A_4732 = arith.constant 17 : i32
      %get3A_4733 = arith.index_cast %get3A_4732 : i32 to index
      %get3A_4734 = arith.constant 112 : index
      %get3A_4735 = tpu.vector_load %arg7[%get3A_4733, %get3A_4734] {strides = array<i32>} : memref<50x128xf32, #tpu.memory_space<vmem>>, vector<1x16xf32>,
      %get3A_4736 = vector.shape_cast %get3A_4735 : vector<1x16xf32> to vector<16xf32>
      %get3A_4737 = arith.constant 18 : i32
      %get3A_4738 = arith.index_cast %get3A_4737 : i32 to index
      %get3A_4739 = arith.constant 112 : index
      %get3A_4740 = tpu.vector_load %arg7[%get3A_4738, %get3A_4739] {strides = array<i32>} : memref<50x128xf32, #tpu.memory_space<vmem>>, vector<1x16xf32>,
      %get3A_4741 = vector.shape_cast %get3A_4740 : vector<1x16xf32> to vector<16xf32>
      %get3A_4742 = arith.constant 19 : i32
      %get3A_4743 = arith.index_cast %get3A_4742 : i32 to index
      %get3A_4744 = arith.constant 112 : index
      %get3A_4745 = tpu.vector_load %arg7[%get3A_4743, %get3A_4744] {strides = array<i32>} : memref<50x128xf32, #tpu.memory_space<vmem>>, vector<1x16xf32>,
      %get3A_4746 = vector.shape_cast %get3A_4745 : vector<1x16xf32> to vector<16xf32>
      %get3A_4747 = arith.constant 20 : i32
      %get3A_4748 = arith.index_cast %get3A_4747 : i32 to index
      %get3A_4749 = arith.constant 112 : index
      %get3A_4750 = tpu.vector_load %arg7[%get3A_4748, %get3A_4749] {strides = array<i32>} : memref<50x128xf32, #tpu.memory_space<vmem>>, vector<1x16xf32>,
      %get3A_4751 = vector.shape_cast %get3A_4750 : vector<1x16xf32> to vector<16xf32>
      %get3A_4752 = arith.constant 21 : i32
      %get3A_4753 = arith.index_cast %get3A_4752 : i32 to index
      %get3A_4754 = arith.constant 112 : index
      %get3A_4755 = tpu.vector_load %arg7[%get3A_4753, %get3A_4754] {strides = array<i32>} : memref<50x128xf32, #tpu.memory_space<vmem>>, vector<1x16xf32>,
      %get3A_4756 = vector.shape_cast %get3A_4755 : vector<1x16xf32> to vector<16xf32>
      %get3A_4757 = arith.constant 22 : i32
      %get3A_4758 = arith.index_cast %get3A_4757 : i32 to index
      %get3A_4759 = arith.constant 112 : index
      %get3A_4760 = tpu.vector_load %arg7[%get3A_4758, %get3A_4759] {strides = array<i32>} : memref<50x128xf32, #tpu.memory_space<vmem>>, vector<1x16xf32>,
      %get3A_4761 = vector.shape_cast %get3A_4760 : vector<1x16xf32> to vector<16xf32>
      %get3A_4762 = arith.constant 23 : i32
      %get3A_4763 = arith.index_cast %get3A_4762 : i32 to index
      %get3A_4764 = arith.constant 112 : index
      %get3A_4765 = tpu.vector_load %arg7[%get3A_4763, %get3A_4764] {strides = array<i32>} : memref<50x128xf32, #tpu.memory_space<vmem>>, vector<1x16xf32>,
      %get3A_4766 = vector.shape_cast %get3A_4765 : vector<1x16xf32> to vector<16xf32>
      %get3A_4767 = arith.constant 24 : i32
      %get3A_4768 = arith.index_cast %get3A_4767 : i32 to index
      %get3A_4769 = arith.constant 112 : index
      %get3A_4770 = tpu.vector_load %arg7[%get3A_4768, %get3A_4769] {strides = array<i32>} : memref<50x128xf32, #tpu.memory_space<vmem>>, vector<1x16xf32>,
      %get3A_4771 = vector.shape_cast %get3A_4770 : vector<1x16xf32> to vector<16xf32>
      %get3A_4772 = arith.constant 25 : i32
      %get3A_4773 = arith.index_cast %get3A_4772 : i32 to index
      %get3A_4774 = arith.constant 112 : index
      %get3A_4775 = tpu.vector_load %arg7[%get3A_4773, %get3A_4774] {strides = array<i32>} : memref<50x128xf32, #tpu.memory_space<vmem>>, vector<1x16xf32>,
      %get3A_4776 = vector.shape_cast %get3A_4775 : vector<1x16xf32> to vector<16xf32>
      %get3A_4777 = arith.constant 26 : i32
      %get3A_4778 = arith.index_cast %get3A_4777 : i32 to index
      %get3A_4779 = arith.constant 112 : index
      %get3A_4780 = tpu.vector_load %arg7[%get3A_4778, %get3A_4779] {strides = array<i32>} : memref<50x128xf32, #tpu.memory_space<vmem>>, vector<1x16xf32>,
      %get3A_4781 = vector.shape_cast %get3A_4780 : vector<1x16xf32> to vector<16xf32>
      %get3A_4782 = arith.constant 27 : i32
      %get3A_4783 = arith.index_cast %get3A_4782 : i32 to index
      %get3A_4784 = arith.constant 112 : index
      %get3A_4785 = tpu.vector_load %arg7[%get3A_4783, %get3A_4784] {strides = array<i32>} : memref<50x128xf32, #tpu.memory_space<vmem>>, vector<1x16xf32>,
      %get3A_4786 = vector.shape_cast %get3A_4785 : vector<1x16xf32> to vector<16xf32>
      %get3A_4787 = arith.constant 28 : i32
      %get3A_4788 = arith.index_cast %get3A_4787 : i32 to index
      %get3A_4789 = arith.constant 112 : index
      %get3A_4790 = tpu.vector_load %arg7[%get3A_4788, %get3A_4789] {strides = array<i32>} : memref<50x128xf32, #tpu.memory_space<vmem>>, vector<1x16xf32>,
      %get3A_4791 = vector.shape_cast %get3A_4790 : vector<1x16xf32> to vector<16xf32>
      %get3A_4792 = arith.constant 29 : i32
      %get3A_4793 = arith.index_cast %get3A_4792 : i32 to index
      %get3A_4794 = arith.constant 112 : index
      %get3A_4795 = tpu.vector_load %arg7[%get3A_4793, %get3A_4794] {strides = array<i32>} : memref<50x128xf32, #tpu.memory_space<vmem>>, vector<1x16xf32>,
      %get3A_4796 = vector.shape_cast %get3A_4795 : vector<1x16xf32> to vector<16xf32>
      %get3A_4797 = arith.constant 30 : i32
      %get3A_4798 = arith.index_cast %get3A_4797 : i32 to index
      %get3A_4799 = arith.constant 112 : index
      %get3A_4800 = tpu.vector_load %arg7[%get3A_4798, %get3A_4799] {strides = array<i32>} : memref<50x128xf32, #tpu.memory_space<vmem>>, vector<1x16xf32>,
      %get3A_4801 = vector.shape_cast %get3A_4800 : vector<1x16xf32> to vector<16xf32>
      %get3A_4802 = arith.constant 31 : i32
      %get3A_4803 = arith.index_cast %get3A_4802 : i32 to index
      %get3A_4804 = arith.constant 112 : index
      %get3A_4805 = tpu.vector_load %arg7[%get3A_4803, %get3A_4804] {strides = array<i32>} : memref<50x128xf32, #tpu.memory_space<vmem>>, vector<1x16xf32>,
      %get3A_4806 = vector.shape_cast %get3A_4805 : vector<1x16xf32> to vector<16xf32>
      %get3A_4807 = arith.constant 32 : i32
      %get3A_4808 = arith.index_cast %get3A_4807 : i32 to index
      %get3A_4809 = arith.constant 112 : index
      %get3A_4810 = tpu.vector_load %arg7[%get3A_4808, %get3A_4809] {strides = array<i32>} : memref<50x128xf32, #tpu.memory_space<vmem>>, vector<1x16xf32>,
      %get3A_4811 = vector.shape_cast %get3A_4810 : vector<1x16xf32> to vector<16xf32>
      %get3A_4812 = arith.constant 33 : i32
      %get3A_4813 = arith.index_cast %get3A_4812 : i32 to index
      %get3A_4814 = arith.constant 112 : index
      %get3A_4815 = tpu.vector_load %arg7[%get3A_4813, %get3A_4814] {strides = array<i32>} : memref<50x128xf32, #tpu.memory_space<vmem>>, vector<1x16xf32>,
      %get3A_4816 = vector.shape_cast %get3A_4815 : vector<1x16xf32> to vector<16xf32>
      %get3A_4817 = arith.constant 34 : i32
      %get3A_4818 = arith.index_cast %get3A_4817 : i32 to index
      %get3A_4819 = arith.constant 112 : index
      %get3A_4820 = tpu.vector_load %arg7[%get3A_4818, %get3A_4819] {strides = array<i32>} : memref<50x128xf32, #tpu.memory_space<vmem>>, vector<1x16xf32>,
      %get3A_4821 = vector.shape_cast %get3A_4820 : vector<1x16xf32> to vector<16xf32>
      %get3A_4822 = arith.constant 35 : i32
      %get3A_4823 = arith.index_cast %get3A_4822 : i32 to index
      %get3A_4824 = arith.constant 112 : index
      %get3A_4825 = tpu.vector_load %arg7[%get3A_4823, %get3A_4824] {strides = array<i32>} : memref<50x128xf32, #tpu.memory_space<vmem>>, vector<1x16xf32>,
      %get3A_4826 = vector.shape_cast %get3A_4825 : vector<1x16xf32> to vector<16xf32>
      %get3A_4827 = arith.constant 36 : i32
      %get3A_4828 = arith.index_cast %get3A_4827 : i32 to index
      %get3A_4829 = arith.constant 112 : index
      %get3A_4830 = tpu.vector_load %arg7[%get3A_4828, %get3A_4829] {strides = array<i32>} : memref<50x128xf32, #tpu.memory_space<vmem>>, vector<1x16xf32>,
      %get3A_4831 = vector.shape_cast %get3A_4830 : vector<1x16xf32> to vector<16xf32>
      %get3A_4832 = arith.constant 37 : i32
      %get3A_4833 = arith.index_cast %get3A_4832 : i32 to index
      %get3A_4834 = arith.constant 112 : index
      %get3A_4835 = tpu.vector_load %arg7[%get3A_4833, %get3A_4834] {strides = array<i32>} : memref<50x128xf32, #tpu.memory_space<vmem>>, vector<1x16xf32>,
      %get3A_4836 = vector.shape_cast %get3A_4835 : vector<1x16xf32> to vector<16xf32>
      %get3A_4837 = arith.constant 38 : i32
      %get3A_4838 = arith.index_cast %get3A_4837 : i32 to index
      %get3A_4839 = arith.constant 112 : index
      %get3A_4840 = tpu.vector_load %arg7[%get3A_4838, %get3A_4839] {strides = array<i32>} : memref<50x128xf32, #tpu.memory_space<vmem>>, vector<1x16xf32>,
      %get3A_4841 = vector.shape_cast %get3A_4840 : vector<1x16xf32> to vector<16xf32>
      %get3A_4842 = arith.constant 39 : i32
      %get3A_4843 = arith.index_cast %get3A_4842 : i32 to index
      %get3A_4844 = arith.constant 112 : index
      %get3A_4845 = tpu.vector_load %arg7[%get3A_4843, %get3A_4844] {strides = array<i32>} : memref<50x128xf32, #tpu.memory_space<vmem>>, vector<1x16xf32>,
      %get3A_4846 = vector.shape_cast %get3A_4845 : vector<1x16xf32> to vector<16xf32>
      %get3A_4847 = arith.constant 40 : i32
      %get3A_4848 = arith.index_cast %get3A_4847 : i32 to index
      %get3A_4849 = arith.constant 112 : index
      %get3A_4850 = tpu.vector_load %arg7[%get3A_4848, %get3A_4849] {strides = array<i32>} : memref<50x128xf32, #tpu.memory_space<vmem>>, vector<1x16xf32>,
      %get3A_4851 = vector.shape_cast %get3A_4850 : vector<1x16xf32> to vector<16xf32>
      %get3A_4852 = arith.constant 41 : i32
      %get3A_4853 = arith.index_cast %get3A_4852 : i32 to index
      %get3A_4854 = arith.constant 112 : index
      %get3A_4855 = tpu.vector_load %arg7[%get3A_4853, %get3A_4854] {strides = array<i32>} : memref<50x128xf32, #tpu.memory_space<vmem>>, vector<1x16xf32>,
      %get3A_4856 = vector.shape_cast %get3A_4855 : vector<1x16xf32> to vector<16xf32>
      %get3A_4857 = arith.constant 42 : i32
      %get3A_4858 = arith.index_cast %get3A_4857 : i32 to index
      %get3A_4859 = arith.constant 112 : index
      %get3A_4860 = tpu.vector_load %arg7[%get3A_4858, %get3A_4859] {strides = array<i32>} : memref<50x128xf32, #tpu.memory_space<vmem>>, vector<1x16xf32>,
      %get3A_4861 = vector.shape_cast %get3A_4860 : vector<1x16xf32> to vector<16xf32>
      %get3A_4862 = arith.constant 43 : i32
      %get3A_4863 = arith.index_cast %get3A_4862 : i32 to index
      %get3A_4864 = arith.constant 112 : index
      %get3A_4865 = tpu.vector_load %arg7[%get3A_4863, %get3A_4864] {strides = array<i32>} : memref<50x128xf32, #tpu.memory_space<vmem>>, vector<1x16xf32>,
      %get3A_4866 = vector.shape_cast %get3A_4865 : vector<1x16xf32> to vector<16xf32>
      %get3A_4867 = arith.constant 44 : i32
      %get3A_4868 = arith.index_cast %get3A_4867 : i32 to index
      %get3A_4869 = arith.constant 112 : index
      %get3A_4870 = tpu.vector_load %arg7[%get3A_4868, %get3A_4869] {strides = array<i32>} : memref<50x128xf32, #tpu.memory_space<vmem>>, vector<1x16xf32>,
      %get3A_4871 = vector.shape_cast %get3A_4870 : vector<1x16xf32> to vector<16xf32>
      %get3A_4872 = arith.constant 45 : i32
      %get3A_4873 = arith.index_cast %get3A_4872 : i32 to index
      %get3A_4874 = arith.constant 112 : index
      %get3A_4875 = tpu.vector_load %arg7[%get3A_4873, %get3A_4874] {strides = array<i32>} : memref<50x128xf32, #tpu.memory_space<vmem>>, vector<1x16xf32>,
      %get3A_4876 = vector.shape_cast %get3A_4875 : vector<1x16xf32> to vector<16xf32>
      %get3A_4877 = arith.constant 46 : i32
      %get3A_4878 = arith.index_cast %get3A_4877 : i32 to index
      %get3A_4879 = arith.constant 112 : index
      %get3A_4880 = tpu.vector_load %arg7[%get3A_4878, %get3A_4879] {strides = array<i32>} : memref<50x128xf32, #tpu.memory_space<vmem>>, vector<1x16xf32>,
      %get3A_4881 = vector.shape_cast %get3A_4880 : vector<1x16xf32> to vector<16xf32>
      %get3A_4882 = arith.constant 47 : i32
      %get3A_4883 = arith.index_cast %get3A_4882 : i32 to index
      %get3A_4884 = arith.constant 112 : index
      %get3A_4885 = tpu.vector_load %arg7[%get3A_4883, %get3A_4884] {strides = array<i32>} : memref<50x128xf32, #tpu.memory_space<vmem>>, vector<1x16xf32>,
      %get3A_4886 = vector.shape_cast %get3A_4885 : vector<1x16xf32> to vector<16xf32>
      %get3A_4887 = arith.constant 48 : i32
      %get3A_4888 = arith.index_cast %get3A_4887 : i32 to index
      %get3A_4889 = arith.constant 112 : index
      %get3A_4890 = tpu.vector_load %arg7[%get3A_4888, %get3A_4889] {strides = array<i32>} : memref<50x128xf32, #tpu.memory_space<vmem>>, vector<1x16xf32>,
      %get3A_4891 = vector.shape_cast %get3A_4890 : vector<1x16xf32> to vector<16xf32>
      %get3A_4892 = arith.constant 49 : i32
      %get3A_4893 = arith.index_cast %get3A_4892 : i32 to index
      %get3A_4894 = arith.constant 112 : index
      %get3A_4895 = tpu.vector_load %arg7[%get3A_4893, %get3A_4894] {strides = array<i32>} : memref<50x128xf32, #tpu.memory_space<vmem>>, vector<1x16xf32>,
      %get3A_4896 = vector.shape_cast %get3A_4895 : vector<1x16xf32> to vector<16xf32>
      %add3A_4897 = arith.addf %get3A_4651, %get3A_4656 : vector<16xf32>
      %add3A_4898 = arith.addf %get3A_4661, %get3A_4666 : vector<16xf32>
      %add3A_4899 = arith.addf %get3A_4671, %get3A_4676 : vector<16xf32>
      %add3A_4900 = arith.addf %get3A_4681, %get3A_4686 : vector<16xf32>
      %add3A_4901 = arith.addf %get3A_4691, %get3A_4696 : vector<16xf32>
      %add3A_4902 = arith.addf %get3A_4701, %get3A_4706 : vector<16xf32>
      %add3A_4903 = arith.addf %get3A_4711, %get3A_4716 : vector<16xf32>
      %add3A_4904 = arith.addf %get3A_4721, %get3A_4726 : vector<16xf32>
      %add3A_4905 = arith.addf %get3A_4731, %get3A_4736 : vector<16xf32>
      %add3A_4906 = arith.addf %get3A_4741, %get3A_4746 : vector<16xf32>
      %add3A_4907 = arith.addf %get3A_4751, %get3A_4756 : vector<16xf32>
      %add3A_4908 = arith.addf %get3A_4761, %get3A_4766 : vector<16xf32>
      %add3A_4909 = arith.addf %get3A_4771, %get3A_4776 : vector<16xf32>
      %add3A_4910 = arith.addf %get3A_4781, %get3A_4786 : vector<16xf32>
      %add3A_4911 = arith.addf %get3A_4791, %get3A_4796 : vector<16xf32>
      %add3A_4912 = arith.addf %get3A_4801, %get3A_4806 : vector<16xf32>
      %add3A_4913 = arith.addf %get3A_4811, %get3A_4816 : vector<16xf32>
      %add3A_4914 = arith.addf %get3A_4821, %get3A_4826 : vector<16xf32>
      %add3A_4915 = arith.addf %get3A_4831, %get3A_4836 : vector<16xf32>
      %add3A_4916 = arith.addf %get3A_4841, %get3A_4846 : vector<16xf32>
      %add3A_4917 = arith.addf %get3A_4851, %get3A_4856 : vector<16xf32>
      %add3A_4918 = arith.addf %get3A_4861, %get3A_4866 : vector<16xf32>
      %add3A_4919 = arith.addf %get3A_4871, %get3A_4876 : vector<16xf32>
      %add3A_4920 = arith.addf %get3A_4881, %get3A_4886 : vector<16xf32>
      %add3A_4921 = arith.addf %get3A_4891, %get3A_4896 : vector<16xf32>
      %add3A_4922 = arith.addf %add3A_4897, %add3A_4898 : vector<16xf32>
      %add3A_4923 = arith.addf %add3A_4899, %add3A_4900 : vector<16xf32>
      %add3A_4924 = arith.addf %add3A_4901, %add3A_4902 : vector<16xf32>
      %add3A_4925 = arith.addf %add3A_4903, %add3A_4904 : vector<16xf32>
      %add3A_4926 = arith.addf %add3A_4905, %add3A_4906 : vector<16xf32>
      %add3A_4927 = arith.addf %add3A_4907, %add3A_4908 : vector<16xf32>
      %add3A_4928 = arith.addf %add3A_4909, %add3A_4910 : vector<16xf32>
      %add3A_4929 = arith.addf %add3A_4911, %add3A_4912 : vector<16xf32>
      %add3A_4930 = arith.addf %add3A_4913, %add3A_4914 : vector<16xf32>
      %add3A_4931 = arith.addf %add3A_4915, %add3A_4916 : vector<16xf32>
      %add3A_4932 = arith.addf %add3A_4917, %add3A_4918 : vector<16xf32>
      %add3A_4933 = arith.addf %add3A_4919, %add3A_4920 : vector<16xf32>
      %add3A_4934 = arith.addf %add3A_4922, %add3A_4923 : vector<16xf32>
      %add3A_4935 = arith.addf %add3A_4924, %add3A_4925 : vector<16xf32>
      %add3A_4936 = arith.addf %add3A_4926, %add3A_4927 : vector<16xf32>
      %add3A_4937 = arith.addf %add3A_4928, %add3A_4929 : vector<16xf32>
      %add3A_4938 = arith.addf %add3A_4930, %add3A_4931 : vector<16xf32>
      %add3A_4939 = arith.addf %add3A_4932, %add3A_4933 : vector<16xf32>
      %add3A_4940 = arith.addf %add3A_4934, %add3A_4935 : vector<16xf32>
      %add3A_4941 = arith.addf %add3A_4936, %add3A_4937 : vector<16xf32>
      %add3A_4942 = arith.addf %add3A_4938, %add3A_4939 : vector<16xf32>
      %add3A_4943 = arith.addf %add3A_4940, %add3A_4941 : vector<16xf32>
      %add3A_4944 = arith.addf %add3A_4942, %add3A_4921 : vector<16xf32>
      %add3A_4945 = arith.addf %add3A_4943, %add3A_4944 : vector<16xf32>
      %mul3A_4946 = arith.constant 2.000000e-02 : f32
      %mul3A_4947 = vector.broadcast %mul3A_4946 : f32 to vector<16xf32>
      %mul3A_4948 = arith.mulf %add3A_4945, %mul3A_4947 : vector<16xf32>
      %swap3A_4949 = arith.index_cast %add3A_2491 : i32 to index
      %swap3A_4950 = arith.constant 112 : index
      %swap3A_4951 = tpu.vector_load %arg8[%swap3A_4949, %swap3A_4950] {strides = array<i32>} : memref<32x128xf32, #tpu.memory_space<vmem>>, vector<1x16xf32>,
      %swap3A_4952 = vector.shape_cast %swap3A_4951 : vector<1x16xf32> to vector<16xf32>
      %swap3A_4953 = vector.shape_cast %mul3A_4948 : vector<16xf32> to vector<1x16xf32>
      tpu.vector_store %arg8[%swap3A_4949, %swap3A_4950], %swap3A_4953 {strides = array<i32>} : memref<32x128xf32, #tpu.memory_space<vmem>>, vector<1x16xf32>,
      %scan3A_4954 = arith.constant 0 : i32
      scf.yield %scan3A_4954 : i32
    }
    %scan3A_14 = arith.constant 16 : i32
    "tpu.region"() ({
      %run_scoped3A = tpu.sem_alloc : memref<!tpu.dma_semaphore, #tpu.memory_space<semaphore_mem>>
      %dma_start3A_15 = arith.constant 0 : i32
      %dma_start3A_16 = tpu.memref_slice %arg4[%mul3A_2, %dma_start3A_15] : memref<1024x128xf32, #tpu.memory_space<hbm>> -> memref<32x128xf32, #tpu.memory_space<hbm>>
      %dma_start3A_17 = arith.constant 0 : i32
      %dma_start3A_18 = tpu.memref_slice %arg4[%mul3A_2, %dma_start3A_17] : memref<1024x128xf32, #tpu.memory_space<hbm>> -> memref<32x128xf32, #tpu.memory_space<hbm>>
      tpu.enqueue_dma source(%arg8 : memref<32x128xf32, #tpu.memory_space<vmem>>) target(%dma_start3A_18 : memref<32x128xf32, #tpu.memory_space<hbm>>) target_semaphore(%run_scoped3A : memref<!tpu.dma_semaphore, #tpu.memory_space<semaphore_mem>>)
      %dma_wait3A = arith.constant 0 : i32
      %dma_wait3A_19 = tpu.memref_slice %arg4[%mul3A_2, %dma_wait3A] : memref<1024x128xf32, #tpu.memory_space<hbm>> -> memref<32x128xf32, #tpu.memory_space<hbm>>
      %dma_wait3A_20 = arith.constant 0 : i32
      %dma_wait3A_21 = tpu.memref_slice %arg4[%mul3A_2, %dma_wait3A_20] : memref<1024x128xf32, #tpu.memory_space<hbm>> -> memref<32x128xf32, #tpu.memory_space<hbm>>
      tpu.wait_dma2 semaphore(%run_scoped3A : memref<!tpu.dma_semaphore, #tpu.memory_space<semaphore_mem>>) src(%arg8 : memref<32x128xf32, #tpu.memory_space<vmem>>) dst(%dma_wait3A_21 : memref<32x128xf32, #tpu.memory_space<hbm>>)
      tpu.yield
    }) : () -> ()
    return
  }
}

module attributes {stable_mosaic.version = 14 : i64} {
  func.func @_mm_body(%arg0: i32, %arg1: memref<1024x128xf32, #tpu.memory_space<vmem>>, %arg2: memref<2048x128xf32, #tpu.memory_space<vmem>>, %arg3: memref<1x2048xf32, #tpu.memory_space<vmem>>, %arg4: memref<1024x2048xf32, #tpu.memory_space<vmem>>) attributes {dimension_semantics = [#tpu.dimension_semantics<arbitrary>], iteration_bounds = array<i64: 49>, scalar_prefetch = 0 : i64, scratch_operands = 0 : i64, tpu.core_type = #tpu.core_type<tc>, window_params = [{pipeline_mode = #tpu.pipeline_mode<synchronous>, transform_indices = @transform_0, window_bounds = array<i64: 1024, 128>}, {transform_indices = @transform_1, window_bounds = array<i64: 2048, 128>}, {transform_indices = @transform_2, window_bounds = array<i64: 1, 2048>}, {transform_indices = @transform_3, window_bounds = array<i64: 1024, 2048>}]} {
    %get3A = arith.constant 0 : index
    %get3A_0 = arith.constant 0 : index
    %get3A_1 = vector.load %arg1[%get3A, %get3A_0] : memref<1024x128xf32, #tpu.memory_space<vmem>>, vector<1024x128xf32>
    %convert_element_type3A = arith.truncf %get3A_1 : vector<1024x128xf32> to vector<1024x128xbf16>
    %get3A_2 = arith.constant 0 : index
    %get3A_3 = arith.constant 0 : index
    %get3A_4 = vector.load %arg2[%get3A_2, %get3A_3] : memref<2048x128xf32, #tpu.memory_space<vmem>>, vector<2048x128xf32>
    %convert_element_type3A_5 = arith.truncf %get3A_4 : vector<2048x128xf32> to vector<2048x128xbf16>
    %dot_general3A = arith.constant dense<0.000000e+00> : vector<1024x2048xf32>
    %dot_general3A_6 = tpu.matmul %convert_element_type3A, %convert_element_type3A_5, %dot_general3A {dimension_numbers = #tpu.dot_dimension_numbers<[1], [1], [0], [0], [0, 0, 1, 0], [], []>, transpose_lhs_hint = false} : vector<1024x128xbf16>, vector<2048x128xbf16>, vector<1024x2048xf32> -> vector<1024x2048xf32>
    %get3A_7 = arith.constant 0 : index
    %get3A_8 = arith.constant 0 : index
    %get3A_9 = vector.load %arg3[%get3A_7, %get3A_8] : memref<1x2048xf32, #tpu.memory_space<vmem>>, vector<1x2048xf32>
    %add3A = vector.broadcast %get3A_9 : vector<1x2048xf32> to vector<1024x2048xf32>
    %add3A_10 = arith.addf %dot_general3A_6, %add3A : vector<1024x2048xf32>
    %swap3A = arith.constant 0 : index
    %swap3A_11 = arith.constant 0 : index
    %swap3A_12 = vector.load %arg4[%swap3A, %swap3A_11] : memref<1024x2048xf32, #tpu.memory_space<vmem>>, vector<1024x2048xf32>
    tpu.vector_store %arg4[%swap3A, %swap3A_11], %add3A_10 {strides = array<i32>} : memref<1024x2048xf32, #tpu.memory_space<vmem>>, vector<1024x2048xf32>,
    return
  }
  func.func @transform_0(%arg0: i32) -> (i32, i32) {
    %c0_i32 = arith.constant 0 : i32
    %c0_i32_0 = arith.constant 0 : i32
    %c0_i32_1 = arith.constant 0 : i32
    return %c0_i32, %c0_i32_0 : i32, i32
  }
  func.func @transform_1(%arg0: i32) -> (i32, i32) {
    %c0_i32 = arith.constant 0 : i32
    %c0_i32_0 = arith.constant 0 : i32
    return %arg0, %c0_i32 : i32, i32
  }
  func.func @transform_2(%arg0: i32) -> (i32, i32) {
    %c0_i32 = arith.constant 0 : i32
    %c0_i32_0 = arith.constant 0 : i32
    return %c0_i32, %arg0 : i32, i32
  }
  func.func @transform_3(%arg0: i32) -> (i32, i32) {
    %c0_i32 = arith.constant 0 : i32
    %c0_i32_0 = arith.constant 0 : i32
    return %c0_i32, %arg0 : i32, i32
  }
}

</mosaic_0001>

<sc_bundles>
// kernel: kernel.4.cloned.1.call-start
scs
__scs_entry_jumppad:
0x0: {  	(pc) =	sbr.rel $0x88, $3  }
0x1: {  	(tag) =	ssettag $0x0;
	lr =	simm.s32 $0x1  }
0x2: {  	[smem:$0x3F9D] =	sst lr;
	_ =	strace $0xD0000000  }
0x3: {  	_ = 	snop  }
0x4: {  	_ = 	snop  }
0x5: {  	_ = 	snop  }
0x6: {  	_ = 	snop  }
0x7: {  	_ = 	snop  }
__scs_overlays_trampoline_lowered:
0x8: {  	[smem:$0x3FAC] =	sst s0  }
0x9: {  	[smem:$0x3FAD] =	sst s1  }
0xa: {  	[smem:$0x3FAE] =	sst s2  }
0xb: {  	[smem:$0x3FAF] =	sst s3  }
0xc: {  	[smem:$0x3FB0] =	sst s4  }
0xd: {  	[smem:$0x3FB1] =	sst s5  }
0xe: {  	[smem:$0x3FB2] =	sst s6  }
0xf: {  	[smem:$0x3FB3] =	sst s7  }
0x10: {  	[smem:$0x3FB4] =	sst s8  }
0x11: {  	[smem:$0x3FB5] =	sst s9;
	s0 =	simm.s32 @!p0 $0x0  }
0x12: {  	s1 =	sld [smem:$0x3F9B];
	s0 =	simm.s32 @p0 $0x1  }
0x13: {  	[smem:$0x3FB6] =	sst s0;
	s0 =	simm.s32 @!p1 $0x0  }
0x14: {  	s2 =	sld [smem:$0x3F9A];
	s0 =	simm.s32 @p1 $0x1  }
0x15: {  	[smem:$0x3FB7] =	sst s0;
	s0 =	simm.s32 @!p2 $0x0  }
0x16: {  	s3 =	sld [smem:$0x3FDB];
	s0 =	simm.s32 @p2 $0x1  }
0x17: {  	s4 =	simm.s32 $0x1BF5;
	[smem:$0x3FB9] =	sst s0  }
0x18: {  	s0 =	sld [smem:$0x3F9C];
	_ =	swait.ge [sflag:s4], $0x0  }
0x19: {  	s7 =	sld [smem:$0x3F9D]  }
0x1a: {  	s8 =	sadd.s32 $0xFFFFE003, lr  }
0x1b: {  	s9 =	sadd.s32 $0xFFFFFEF7, lr;
	s5 =	simm.s32 $0xFFFFFFFF;
	p2 =	slt.u32 s8, $0xFFFFF086  }
0x1c: {  	p1 =	slt.u32 s9, $0xF7A;
	s5 =	simm.s32 @!p2 $0x0  }
0x1d: {  	s5 =	simm.s32 @p1 $0x1;
	p0 =	seq.s32 s7, s2  }
0x1e: {  	s7 =	smul.u32 @!p0 $0xF7A, s2;
	p2 =	seq.s32 @!p0 s5, $0x0  }
0x1f: {  	s9 =	smul.u32 $0xF7A, s1;
	s8 =	simm.s32 @!p0 $0x1BF5;
	p2 =	por !p2, p0  }
0x20: {  	[sflag:s8] =	ssyncset.s32 @!p0 $0xFFFFF086;
	s6 =	sadd.s32 @!p0 s3, s7;
	s7 =	simm.s32 @!p0 $0x108  }
0x21: {  	s3 =	sadd.s32 s3, s9;
	s6 =	sadd.s32 @!p0 $0x88, s6;
	s7 =	simm.s32 @p2 $0x1082  }
0x22: {  	[simem:s7], [sflag:s8] =	dma.local @!p0 [hbm:s6], $0xF7A  }
0x23: {  	s9 =	sor.u32 $0xD0000000, s2;
	s6 =	simm.s32 $0x108;
	_ =	swait.ge @!p0 [sflag:s8], $0x0  }
0x24: {  	s3 =	sadd.s32 $0x88, s3;
	s6 =	simm.s32 @!p1 $0x1082;
	[sflag:s4] =	ssyncset.s32 $0xFFFFF086  }
0x25: {  	[simem:s6], [sflag:s4] =	dma.local [hbm:s3], $0xF7A  }
0x26: {  	[smem:$0x3F9D] =	sst s1;
	(tag) =	ssettag s2;
	_ =	strace s9  }
0x27: {  	s1 =	sld [smem:$0x3FAD]  }
0x28: {  	s2 =	sld [smem:$0x3FAE]  }
0x29: {  	s4 =	sld [smem:$0x3FB0]  }
0x2a: {  	p0 =	seq.s32 s5, $0x0;
	s5 =	sld [smem:$0x3FB1]  }
0x2b: {  	s6 =	sld [smem:$0x3FB2]  }
0x2c: {  	s7 =	sld [smem:$0x3FB3]  }
0x2d: {  	s3 =	simm.s32 $0x108;
	s8 =	sld [smem:$0x3FB4]  }
0x2e: {  	s3 =	simm.s32 @!p0 $0x1082;
	s9 =	sld [smem:$0x3FB5]  }
0x2f: {  	lr =	sadd.s32 s0, s3;
	s0 =	sld [smem:$0x3FAC]  }
0x30: {  	s3 =	sld [smem:$0x3FAF]  }
0x31: {  	[smem:$0x3FB8] =	sst s10  }
0x32: {  	s10 =	sld [smem:$0x3FB6];
	_ =	sdelay $0x3  }
0x33: {  	p0 =	seq.s32 s10, $0x1;
	s10 =	sld [smem:$0x3FB8];
	_ =	sdelay $0x3  }
0x34: {  	[smem:$0x3FB8] =	sst s10  }
0x35: {  	s10 =	sld [smem:$0x3FB7];
	_ =	sdelay $0x3  }
0x36: {  	p1 =	seq.s32 s10, $0x1;
	s10 =	sld [smem:$0x3FB8];
	_ =	sdelay $0x3  }
0x37: {  	[smem:$0x3FB8] =	sst s10  }
0x38: {  	s10 =	sld [smem:$0x3FB9]  }
0x39: {  	_ = 	snop;
	(pc) =	sbr.ind lr, $3  }
0x3a: {  	_ = 	snop  }
0x3b: {  	_ = 	snop  }
0x3c: {  	p2 =	seq.s32 s10, $0x1;
	s10 =	sld [smem:$0x3FB8]  }
0x3d: {  	_ =	shalt  }
0x3e: {  	_ =	shalt  }
0x3f: {  	_ =	shalt  }
0x40: {  	_ =	shalt  }
0x41: {  	_ =	shalt  }
0x42: {  	_ =	shalt  }
0x43: {  	_ =	shalt  }
0x44: {  	_ =	shalt  }
0x45: {  	_ =	shalt  }
0x46: {  	_ =	shalt  }
0x47: {  	_ =	shalt  }
0x48: {  	_ =	shalt  }
0x49: {  	_ =	shalt  }
0x4a: {  	_ =	shalt  }
0x4b: {  	_ =	shalt  }
0x4c: {  	_ =	shalt  }
0x4d: {  	_ =	shalt  }
0x4e: {  	_ =	shalt  }
0x4f: {  	_ =	shalt  }
0x50: {  	_ =	shalt  }
0x51: {  	_ =	shalt  }
0x52: {  	_ =	shalt  }
0x53: {  	_ =	shalt  }
0x54: {  	_ =	shalt  }
0x55: {  	_ =	shalt  }
0x56: {  	_ =	shalt  }
0x57: {  	_ =	shalt  }
0x58: {  	_ =	shalt  }
0x59: {  	_ =	shalt  }
0x5a: {  	_ =	shalt  }
0x5b: {  	_ =	shalt  }
0x5c: {  	_ =	shalt  }
0x5d: {  	_ =	shalt  }
0x5e: {  	_ =	shalt  }
0x5f: {  	_ =	shalt  }
0x60: {  	_ =	shalt  }
0x61: {  	_ =	shalt  }
0x62: {  	_ =	shalt  }
0x63: {  	_ =	shalt  }
0x64: {  	_ =	shalt  }
0x65: {  	_ =	shalt  }
0x66: {  	_ =	shalt  }
0x67: {  	_ =	shalt  }
0x68: {  	_ =	shalt  }
0x69: {  	_ =	shalt  }
0x6a: {  	_ =	shalt  }
0x6b: {  	_ =	shalt  }
0x6c: {  	_ =	shalt  }
0x6d: {  	_ =	shalt  }
0x6e: {  	_ =	shalt  }
0x6f: {  	_ =	shalt  }
0x70: {  	_ =	shalt  }
0x71: {  	_ =	shalt  }
0x72: {  	_ =	shalt  }
0x73: {  	_ =	shalt  }
0x74: {  	_ =	shalt  }
0x75: {  	_ =	shalt  }
0x76: {  	_ =	shalt  }
0x77: {  	_ =	shalt  }
0x78: {  	_ =	shalt  }
0x79: {  	_ =	shalt  }
0x7a: {  	_ =	shalt  }
0x7b: {  	_ =	shalt  }
0x7c: {  	_ =	shalt  }
0x7d: {  	_ =	shalt  }
0x7e: {  	_ =	shalt  }
0x7f: {  	_ =	shalt  }
0x80: {  	_ =	shalt  }
0x81: {  	_ =	shalt  }
0x82: {  	_ =	shalt  }
0x83: {  	_ =	shalt  }
0x84: {  	_ =	shalt  }
0x85: {  	_ =	shalt  }
0x86: {  	_ =	shalt  }
0x87: {  	_ =	shalt  }
.Lfunc_end0:
.L_simem_size_0:
called_computation_lowered:
.L_overlay_start_0:
0x88: {  	s2 =	sld [smem:$0x3FD9]  }
0x89: {  	s3 =	sld [smem:$0x3FFE];
	_ =	sdelay $0x1  }
0x8a: {  	s1 =	srdreg.scid  }
0x8b: {  	s0 =	sand.u32 $0x1, s1  }
0x8c: {  	s17 =	sshll.u32 s0, $0xA;
	s2 =	sadd.s32 s3, s2  }
0x8d: {  	s2 =	sadd.s32 s2, s17  }
0x8e: {  	[smem:$0x3FC4] =	sst s2  }
0x8f: {  	_ = 	snop  }
0x90: {  	s2 =	sld [smem:$0x3FC8]  }
0x91: {  	s18 =	sld [smem:$0x3FD0];
	(tm) =	ssettm $0x1  }
0x92: {  	s4 =	sld [smem:$0x3FFB];
	_ =	sdelay $0x3  }
0x93: {  	_ =	strace s4  }
0x94: {  	s4 =	sld [smem:$0x3FFC];
	_ =	sdelay $0x3  }
0x95: {  	_ =	strace s4  }
0x96: {  	s4 =	sld [smem:$0x3FFD];
	_ =	sdelay $0x3  }
0x97: {  	_ =	strace s4  }
0x98: {  	_ =	strace $0x8FFFFFFF  }
0x99: {  	s19 =	sld [smem:$0x3FDB];
	_ =	sdelay $0x1  }
0x9a: {  	s5 =	simm.s32 $_scs_section_size  }
0x9b: {  	s6 =	simm.s32 $_size__tile_overlayer_lowered;
	s7 =	simm.s32 $_tile_overlayer_lowered  }
0x9c: {  	s22 =	simm.s32 $0x1BFF;
	s21 =	sshll.u32 s7, $0x1;
	s4 =	sadd.s32 s5, s19  }
0x9d: {  	s8 =	simm.s32 $0x0;
	s20 =	sshll.u32 s6, $0x1;
	s6 =	sadd.s32 s21, s4  }
0x9e: {  	[timem:s8], [sflag:s22] =	dma.local [hbm:s6], s20  }
0x9f: {  	_ =	swait.ge [sflag:s22], s20  }
0xa0: {  	s5 =	ssub.s32 $0x0, s20;
	[sflag:s22] =	ssyncset.done $0x0  }
0xa1: {  	[sflag:s22] =	ssyncadd.s32 s5;
	_ =	sdelay $0x1  }
0xa2: {  	s23 =	simm.s32 $0x1B8B  }
0xa3: {  	_ =	swait.ge [sflag:s23], $0x1  }
0xa4: {  	[sflag:s23] =	ssyncset.done $0x0  }
0xa5: {  	s25 =	simm.s32 $0x1B8E;
	s24 =	sld [smem:$0x3FFE];
	[sflag:s23] =	ssyncadd.s32 $0xFFFFFFFF  }
0xa6: {  	s26 =	simm.s32 $execute0_lowered;
	[smem:$0x3FD2] =	sst s25  }
0xa7: {  	s6 =	sshll.u32 s26, $0x1;
	_ =	strace $0x80000046;
	[dreg:$0x1] =	wrdreg $0xFFFFFFFF  }
0xa8: {  	s28 =	simm.s32 $_size_execute0_lowered;
	s4 =	sadd.s32 s4, s6;
	[dreg:$0x0] =	wrdreg $0x0  }
0xa9: {  	s6 =	sshll.u32 s28, $0x1;
	[dreg:$0x2] =	wrdreg s4  }
0xaa: {  	[dreg:$0x3] =	wrdreg s6  }
0xab: {  	[dreg:$0x4] =	wrdreg $0xC0  }
0xac: {  	_ =	task [dreg:s8], $0x5FFFF  }
0xad: {  	[dreg:$0x1] =	wrdreg $0xFFFFFFFF  }
0xae: {  	[dreg:$0x0] =	wrdreg $0x60  }
0xaf: {  	[dreg:$0x2] =	wrdreg s18  }
0xb0: {  	[dreg:$0x3] =	wrdreg s2  }
0xb1: {  	[dreg:$0x4] =	wrdreg s24  }
0xb2: {  	[dreg:$0x5] =	wrdreg $0x9  }
0xb3: {  	_ =	task.clear_ibuf [dreg:s8], $0x6FFFF;
	_ =	strace $0x90000046  }
0xb4: {  	s29 =	simm.s32 $0x9;
	_ =	strace $0x80000048  }
0xb5: {  	_ =	swait.ge [sflag:s29], $0x1  }
0xb6: {  	[sflag:s29] =	ssyncadd.s32 $0xFFFFFFFF  }
0xb7: {  	_ =	strace $0x90000048  }
0xb8: {  	_ =	sfence  }
0xb9: {  	s30 =	sld [smem:$0x0];
	_ =	sdelay $0x2  }
0xba: {  	s31 =	sshll.u32 s1, $0xD;
	s1 =	sshrl.u32 s1, $0x2  }
0xbb: {  	s3 =	sand.u32 $0x4000, s31;
	s1 =	sadd.s32 s1, s30  }
0xbc: {  	s0 =	sor.u32 s3, s0;
	s1 =	sshll.u32 s1, $0x11  }
0xbd: {  	s0 =	sor.u32 s1, s0  }
0xbe: {  	s0 =	sadd.s32 $0x8F2B, s0  }
0xbf: {  	[sflag:s0] =	ssyncadd.remote.s32 $0x1  }
0xc0: {  	_ =	sfence.sel $0xFFFF  }
0xc1: {  	[dreg:$0x0] =	wrdreg $0xFFFFFFFF;
	(pc) =	sbr.abs _section_cstart, $3  }
0xc2: {  	[dreg:$0x1] =	wrdreg $0xFFFFFFFF  }
0xc3: {  	_ =	task.clear_ibuf [dreg:s8], $0x2FFFF;
	_ =	strace $0x9FFFFFFF  }
0xc4: {  	(tm) =	ssettm $0x7FFFFFFF  }
0xc5: {  	_ =	shalt  }
tec
execute0_lowered:
.L_overlay_start_1:
0x0: {  	(tag) =	ssettag $0x1  }
0x1: {  	s4 =	rddreg [dreg:$0x0]  }
0x2: {  	s2 =	rddreg [dreg:$0x1]  }
0x3: {  	s5 =	rddreg [dreg:$0x2];
	s3 =	srdreg.scid  }
0x4: {  	s0 =	rddreg [dreg:$0x3];
	s1 =	stileid.u32;
	s9 =	simm.s32 $0x1000  }
0x5: {  	s10 =	simm.s32 $0x2C00;
	s11 =	simm.s32 $0x1;
	s12 =	simm.s32 $0x2  }
0x6: {  	s13 =	simm.s32 $0x4800;
	s14 =	simm.s32 $0x0;
	s6 =	sand.u32 $0x1, s3  }
0x7: {  	s3 =	simm.s32 $0x0;
	s7 =	sshll.u32 s1, $0xA;
	s8 =	sshll.u32 s6, $0x9  }
0x8: {  	[smem:$0x7FF] =	sst s3;
	s6 =	ssub.s32 $0x2, s6;
	s7 =	sor.u32 s8, s7  }
0x9: {  	_ =	strace $0x80000047;
	s31 =	sshrl.u32 s6, $0x1;
	s8 =	simm.s32 $0x32  }
0xa: {  	s5 =	sadd.s32 s7, s5;
	s6 =	ssub.s32 s6, s31;
	s4 =	sadd.s32 s4, s7  }
0xb: {  	s7 =	simm.s32 $0x3;
	s5 =	sadd.s32 $0x600, s5;
	s6 =	smax.u32 s6, $0x1  }
.LBB2_1:
0xc: {  	[tilespmem:s3], [sflag:$0x3] =	stream.linear.gather [hbm4b:s4+s3], $0x1000, $0x38;
	[tilespmem:$0x5800] =	vst v63  }
0xd: {  	_ =	swait.ge [sflag:s7], $0x1000  }
0xe: {  	[sflag:s7] =	ssyncset.done $0x0  }
0xf: {  	s15 =	simm.s32 $0x0;
	[sflag:s7] =	ssyncadd.s32 $0xFFFFF000  }
0x10: {  	[tilespmem:s9], [sflag:$0x1] =	stream.indirect.gather [hbm4b:s2+s8], $0x80, s3, s8, $0xb8;
	[tilespmem:$0x5800] =	vst v63  }
.LBB2_2:
0x11: {  	s16 =	sshra.s32 s15, $0x2  }
0x12: {  	s17 =	sadd.s32 $0x80, s16  }
0x13: {  	[tilespmem:s10], [sflag:$0x2] =	stream.indirect.gather [hbm4b:s2+s8], $0x80, s17, s8, $0xb8;
	[tilespmem:$0x5800] =	vst v63  }
0x14: {  	_ =	swait.ge [sflag:s11], $0x1900  }
0x15: {  	[sflag:s11] =	ssyncset.done $0x0  }
0x16: {  	[sflag:s11] =	ssyncadd.s32 $0xFFFFE700  }
0x17: {  	v0 =	vld [tilespmem:$0x1000]  }
0x18: {  	v1 =	vld [tilespmem:$0x1080]  }
0x19: {  	v2 =	vld [tilespmem:$0x1100]  }
0x1a: {  	v3 =	vld [tilespmem:$0x1180]  }
0x1b: {  	v4 =	vld [tilespmem:$0x1200]  }
0x1c: {  	v5 =	vld [tilespmem:$0x1280]  }
0x1d: {  	v6 =	vld [tilespmem:$0x1300]  }
0x1e: {  	v7 =	vld [tilespmem:$0x1380]  }
0x1f: {  	v8 =	vld [tilespmem:$0x1400]  }
0x20: {  	v9 =	vld [tilespmem:$0x1480]  }
0x21: {  	v10 =	vld [tilespmem:$0x1500]  }
0x22: {  	v11 =	vld [tilespmem:$0x1580]  }
0x23: {  	v12 =	vld [tilespmem:$0x1600]  }
0x24: {  	v13 =	vld [tilespmem:$0x1680]  }
0x25: {  	v14 =	vld [tilespmem:$0x1700]  }
0x26: {  	v15 =	vld [tilespmem:$0x1780]  }
0x27: {  	v16 =	vld [tilespmem:$0x1800]  }
0x28: {  	v17 =	vld [tilespmem:$0x1880]  }
0x29: {  	v18 =	vld [tilespmem:$0x1900]  }
0x2a: {  	v19 =	vld [tilespmem:$0x1980]  }
0x2b: {  	v20 =	vld [tilespmem:$0x1A00]  }
0x2c: {  	v21 =	vld [tilespmem:$0x1A80]  }
0x2d: {  	v22 =	vld [tilespmem:$0x1B00]  }
0x2e: {  	v23 =	vld [tilespmem:$0x1B80]  }
0x2f: {  	v24 =	vld [tilespmem:$0x1C00]  }
0x30: {  	v25 =	vld [tilespmem:$0x1C80]  }
0x31: {  	v26 =	vld [tilespmem:$0x1D00]  }
0x32: {  	v27 =	vld [tilespmem:$0x1D80]  }
0x33: {  	v28 =	vld [tilespmem:$0x1E00]  }
0x34: {  	v29 =	vld [tilespmem:$0x1E80]  }
0x35: {  	v30 =	vld [tilespmem:$0x1F00]  }
0x36: {  	v31 =	vld [tilespmem:$0x1F80]  }
0x37: {  	v32 =	vld [tilespmem:$0x2000]  }
0x38: {  	v33 =	vld [tilespmem:$0x2080]  }
0x39: {  	v34 =	vld [tilespmem:$0x2100]  }
0x3a: {  	v35 =	vld [tilespmem:$0x2180]  }
0x3b: {  	v36 =	vld [tilespmem:$0x2200]  }
0x3c: {  	v37 =	vld [tilespmem:$0x2280]  }
0x3d: {  	v38 =	vld [tilespmem:$0x2300];
	v0 =	vadd.f32 v1, v0;
	v1 =	vadd.f32 v3, v2  }
0x3e: {  	v39 =	vld [tilespmem:$0x2380];
	v3 =	vadd.f32 v5, v4;
	v4 =	vadd.f32 v7, v6  }
0x3f: {  	v40 =	vld [tilespmem:$0x2400];
	v42 =	vadd.f32 v9, v8;
	v43 =	vadd.f32 v11, v10  }
0x40: {  	v41 =	vld [tilespmem:$0x2480];
	v45 =	vadd.f32 v13, v12;
	v46 =	vadd.f32 v15, v14  }
0x41: {  	v50 =	vld [tilespmem:$0x2700];
	v48 =	vadd.f32 v17, v16;
	v49 =	vadd.f32 v19, v18  }
0x42: {  	v53 =	vld [tilespmem:$0x2780];
	v51 =	vadd.f32 v21, v20;
	v52 =	vadd.f32 v23, v22  }
0x43: {  	v54 =	vadd.f32 v25, v24;
	v55 =	vadd.f32 v27, v26  }
0x44: {  	v56 =	vadd.f32 v29, v28;
	v57 =	vadd.f32 v31, v30  }
0x45: {  	v63 =	vld [tilespmem:$0x2580];
	v58 =	vadd.f32 v33, v32;
	v59 =	vadd.f32 v35, v34  }
0x46: {  	v44 =	vld [tilespmem:$0x2600];
	v60 =	vadd.f32 v37, v36;
	v61 =	vadd.f32 v39, v38  }
0x47: {  	v47 =	vld [tilespmem:$0x2680];
	v62 =	vadd.f32 v41, v40;
	v17 =	vadd.f32 v53, v50  }
0x48: {  	v2 =	vld [tilespmem:$0x2500];
	v0 =	vadd.f32 v1, v0;
	v27 =	vadd.f32 v4, v3  }
0x49: {  	v28 =	vadd.f32 v43, v42;
	v29 =	vadd.f32 v46, v45  }
0x4a: {  	v30 =	vadd.f32 v49, v48;
	v31 =	vadd.f32 v52, v51  }
0x4b: {  	v33 =	vadd.f32 v55, v54;
	v34 =	vadd.f32 v57, v56  }
0x4c: {  	v32 =	vld [tilespmem:$0x2800];
	v36 =	vadd.f32 v59, v58;
	v37 =	vadd.f32 v61, v60  }
0x4d: {  	v35 =	vld [tilespmem:$0x2880];
	v2 =	vadd.f32 v63, v2;
	v63 =	vadd.f32 v47, v44  }
0x4e: {  	v0 =	vadd.f32 v27, v0;
	v38 =	vadd.f32 v29, v28  }
0x4f: {  	v2 =	vadd.f32 v2, v62;
	v5 =	vadd.f32 v17, v63  }
0x50: {  	v39 =	vadd.f32 v31, v30;
	v40 =	vadd.f32 v34, v33  }
0x51: {  	v41 =	vadd.f32 v37, v36;
	v2 =	vadd.f32 v5, v2  }
0x52: {  	v42 =	vadd.f32 v35, v32;
	v0 =	vadd.f32 v38, v0  }
0x53: {  	v43 =	vadd.f32 v40, v39;
	v2 =	vadd.f32 v2, v41;
	_ =	sdelay $0x1  }
0x54: {  	v0 =	vadd.f32 v43, v0;
	v44 =	vadd.f32 v2, v42;
	_ =	sdelay $0x1  }
0x55: {  	v0 =	vadd.f32 v44, v0;
	_ =	sdelay $0x1  }
0x56: {  	v0 =	vmul.f32 $1.999999960e-02, v0;
	_ =	sdelay $0x1  }
0x57: {  	[tilespmem:s16+$0x4800] =	vst v0  }
0x58: {  	v0 =	vld [tilespmem:$0x1010]  }
0x59: {  	v1 =	vld [tilespmem:$0x1090]  }
0x5a: {  	v45 =	vld [tilespmem:$0x1110]  }
0x5b: {  	v46 =	vld [tilespmem:$0x1190]  }
0x5c: {  	v4 =	vld [tilespmem:$0x1210]  }
0x5d: {  	v47 =	vld [tilespmem:$0x1290]  }
0x5e: {  	v48 =	vld [tilespmem:$0x1310]  }
0x5f: {  	v49 =	vld [tilespmem:$0x1390]  }
0x60: {  	v8 =	vld [tilespmem:$0x1410]  }
0x61: {  	v50 =	vld [tilespmem:$0x1490]  }
0x62: {  	v51 =	vld [tilespmem:$0x1510]  }
0x63: {  	v52 =	vld [tilespmem:$0x1590]  }
0x64: {  	v12 =	vld [tilespmem:$0x1610]  }
0x65: {  	v53 =	vld [tilespmem:$0x1690]  }
0x66: {  	v54 =	vld [tilespmem:$0x1710]  }
0x67: {  	v55 =	vld [tilespmem:$0x1790]  }
0x68: {  	v16 =	vld [tilespmem:$0x1810]  }
0x69: {  	v56 =	vld [tilespmem:$0x1890]  }
0x6a: {  	v57 =	vld [tilespmem:$0x1910]  }
0x6b: {  	v58 =	vld [tilespmem:$0x1990]  }
0x6c: {  	v20 =	vld [tilespmem:$0x1A10]  }
0x6d: {  	v59 =	vld [tilespmem:$0x1A90]  }
0x6e: {  	v60 =	vld [tilespmem:$0x1B10]  }
0x6f: {  	v61 =	vld [tilespmem:$0x1B90]  }
0x70: {  	v24 =	vld [tilespmem:$0x1C10]  }
0x71: {  	v62 =	vld [tilespmem:$0x1C90]  }
0x72: {  	v26 =	vld [tilespmem:$0x1D10]  }
0x73: {  	v63 =	vld [tilespmem:$0x1D90]  }
0x74: {  	v28 =	vld [tilespmem:$0x1E10]  }
0x75: {  	v29 =	vld [tilespmem:$0x1E90]  }
0x76: {  	v30 =	vld [tilespmem:$0x1F10]  }
0x77: {  	v31 =	vld [tilespmem:$0x1F90]  }
0x78: {  	v32 =	vld [tilespmem:$0x2010]  }
0x79: {  	v33 =	vld [tilespmem:$0x2090]  }
0x7a: {  	v34 =	vld [tilespmem:$0x2110]  }
0x7b: {  	v35 =	vld [tilespmem:$0x2190]  }
0x7c: {  	v36 =	vld [tilespmem:$0x2210]  }
0x7d: {  	v37 =	vld [tilespmem:$0x2290]  }
0x7e: {  	v38 =	vld [tilespmem:$0x2310];
	v0 =	vadd.f32 v1, v0;
	v45 =	vadd.f32 v46, v45  }
0x7f: {  	v39 =	vld [tilespmem:$0x2390];
	v47 =	vadd.f32 v47, v4;
	v48 =	vadd.f32 v49, v48  }
0x80: {  	v40 =	vld [tilespmem:$0x2410];
	v50 =	vadd.f32 v50, v8;
	v51 =	vadd.f32 v52, v51  }
0x81: {  	v44 =	vld [tilespmem:$0x2490];
	v53 =	vadd.f32 v53, v12;
	v54 =	vadd.f32 v55, v54  }
0x82: {  	v46 =	vld [tilespmem:$0x2510];
	v56 =	vadd.f32 v56, v16;
	v57 =	vadd.f32 v58, v57  }
0x83: {  	v49 =	vld [tilespmem:$0x2590];
	v59 =	vadd.f32 v59, v20;
	v60 =	vadd.f32 v61, v60  }
0x84: {  	v52 =	vld [tilespmem:$0x2610];
	v62 =	vadd.f32 v62, v24;
	v63 =	vadd.f32 v63, v26  }
0x85: {  	v55 =	vld [tilespmem:$0x2690];
	v29 =	vadd.f32 v29, v28;
	v31 =	vadd.f32 v31, v30  }
0x86: {  	v58 =	vld [tilespmem:$0x2710];
	v33 =	vadd.f32 v33, v32;
	v35 =	vadd.f32 v35, v34  }
0x87: {  	v61 =	vld [tilespmem:$0x2790];
	v37 =	vadd.f32 v37, v36;
	v39 =	vadd.f32 v39, v38  }
0x88: {  	v42 =	vadd.f32 v44, v40;
	v0 =	vadd.f32 v45, v0  }
0x89: {  	v45 =	vadd.f32 v48, v47;
	v47 =	vadd.f32 v54, v53  }
0x8a: {  	v48 =	vadd.f32 v57, v56;
	v54 =	vadd.f32 v35, v33  }
0x8b: {  	v0 =	vadd.f32 v45, v0;
	v2 =	vadd.f32 v49, v46  }
0x8c: {  	v43 =	vadd.f32 v55, v52;
	v44 =	vadd.f32 v61, v58  }
0x8d: {  	v46 =	vadd.f32 v51, v50;
	v49 =	vadd.f32 v60, v59  }
0x8e: {  	v53 =	vld [tilespmem:$0x2890];
	v51 =	vadd.f32 v63, v62;
	v52 =	vadd.f32 v31, v29  }
0x8f: {  	v50 =	vld [tilespmem:$0x2810];
	v55 =	vadd.f32 v39, v37;
	v2 =	vadd.f32 v2, v42  }
0x90: {  	v5 =	vadd.f32 v44, v43;
	v56 =	vadd.f32 v47, v46  }
0x91: {  	v57 =	vadd.f32 v49, v48;
	v58 =	vadd.f32 v52, v51  }
0x92: {  	v59 =	vadd.f32 v55, v54;
	v2 =	vadd.f32 v5, v2  }
0x93: {  	v0 =	vadd.f32 v56, v0;
	v61 =	vadd.f32 v58, v57  }
0x94: {  	v60 =	vadd.f32 v53, v50;
	v2 =	vadd.f32 v2, v59;
	_ =	sdelay $0x1  }
0x95: {  	v0 =	vadd.f32 v61, v0;
	v62 =	vadd.f32 v2, v60;
	_ =	sdelay $0x1  }
0x96: {  	v0 =	vadd.f32 v62, v0;
	_ =	sdelay $0x1  }
0x97: {  	v0 =	vmul.f32 $1.999999960e-02, v0;
	_ =	sdelay $0x1  }
0x98: {  	[tilespmem:s16+$0x4810] =	vst v0  }
0x99: {  	v0 =	vld [tilespmem:$0x1020]  }
0x9a: {  	v1 =	vld [tilespmem:$0x10A0]  }
0x9b: {  	v2 =	vld [tilespmem:$0x1120]  }
0x9c: {  	v3 =	vld [tilespmem:$0x11A0]  }
0x9d: {  	v4 =	vld [tilespmem:$0x1220]  }
0x9e: {  	v5 =	vld [tilespmem:$0x12A0]  }
0x9f: {  	v6 =	vld [tilespmem:$0x1320]  }
0xa0: {  	v63 =	vld [tilespmem:$0x13A0]  }
0xa1: {  	v8 =	vld [tilespmem:$0x1420]  }
0xa2: {  	v9 =	vld [tilespmem:$0x14A0]  }
0xa3: {  	v10 =	vld [tilespmem:$0x1520]  }
0xa4: {  	v44 =	vld [tilespmem:$0x15A0]  }
0xa5: {  	v12 =	vld [tilespmem:$0x1620]  }
0xa6: {  	v45 =	vld [tilespmem:$0x16A0]  }
0xa7: {  	v46 =	vld [tilespmem:$0x1720]  }
0xa8: {  	v47 =	vld [tilespmem:$0x17A0]  }
0xa9: {  	v16 =	vld [tilespmem:$0x1820]  }
0xaa: {  	v48 =	vld [tilespmem:$0x18A0]  }
0xab: {  	v49 =	vld [tilespmem:$0x1920]  }
0xac: {  	v50 =	vld [tilespmem:$0x19A0]  }
0xad: {  	v20 =	vld [tilespmem:$0x1A20]  }
0xae: {  	v51 =	vld [tilespmem:$0x1AA0]  }
0xaf: {  	v52 =	vld [tilespmem:$0x1B20]  }
0xb0: {  	v53 =	vld [tilespmem:$0x1BA0]  }
0xb1: {  	v24 =	vld [tilespmem:$0x1C20]  }
0xb2: {  	v54 =	vld [tilespmem:$0x1CA0]  }
0xb3: {  	v26 =	vld [tilespmem:$0x1D20]  }
0xb4: {  	v55 =	vld [tilespmem:$0x1DA0]  }
0xb5: {  	v28 =	vld [tilespmem:$0x1E20]  }
0xb6: {  	v56 =	vld [tilespmem:$0x1EA0]  }
0xb7: {  	v30 =	vld [tilespmem:$0x1F20]  }
0xb8: {  	v57 =	vld [tilespmem:$0x1FA0]  }
0xb9: {  	v32 =	vld [tilespmem:$0x2020]  }
0xba: {  	v58 =	vld [tilespmem:$0x20A0]  }
0xbb: {  	v34 =	vld [tilespmem:$0x2120]  }
0xbc: {  	v59 =	vld [tilespmem:$0x21A0]  }
0xbd: {  	v36 =	vld [tilespmem:$0x2220];
	v0 =	vadd.f32 v1, v0;
	v1 =	vadd.f32 v3, v2  }
0xbe: {  	v60 =	vld [tilespmem:$0x22A0];
	v3 =	vadd.f32 v5, v4;
	v4 =	vadd.f32 v63, v6  }
0xbf: {  	v38 =	vld [tilespmem:$0x2320];
	v42 =	vadd.f32 v9, v8;
	v43 =	vadd.f32 v44, v10  }
0xc0: {  	v61 =	vld [tilespmem:$0x23A0];
	v45 =	vadd.f32 v45, v12;
	v46 =	vadd.f32 v47, v46  }
0xc1: {  	v40 =	vld [tilespmem:$0x2420];
	v48 =	vadd.f32 v48, v16;
	v49 =	vadd.f32 v50, v49  }
0xc2: {  	v62 =	vld [tilespmem:$0x24A0];
	v51 =	vadd.f32 v51, v20;
	v52 =	vadd.f32 v53, v52  }
0xc3: {  	v2 =	vld [tilespmem:$0x2520];
	v54 =	vadd.f32 v54, v24;
	v55 =	vadd.f32 v55, v26  }
0xc4: {  	v63 =	vld [tilespmem:$0x25A0];
	v56 =	vadd.f32 v56, v28;
	v57 =	vadd.f32 v57, v30  }
0xc5: {  	v44 =	vld [tilespmem:$0x2620];
	v58 =	vadd.f32 v58, v32;
	v59 =	vadd.f32 v59, v34  }
0xc6: {  	v47 =	vld [tilespmem:$0x26A0];
	v60 =	vadd.f32 v60, v36;
	v61 =	vadd.f32 v61, v38  }
0xc7: {  	v50 =	vld [tilespmem:$0x2720];
	v62 =	vadd.f32 v62, v40;
	v0 =	vadd.f32 v1, v0  }
0xc8: {  	v53 =	vld [tilespmem:$0x27A0];
	v27 =	vadd.f32 v4, v3;
	v28 =	vadd.f32 v43, v42  }
0xc9: {  	v29 =	vadd.f32 v46, v45;
	v30 =	vadd.f32 v49, v48  }
0xca: {  	v31 =	vadd.f32 v52, v51;
	v33 =	vadd.f32 v55, v54  }
0xcb: {  	v34 =	vadd.f32 v57, v56;
	v36 =	vadd.f32 v59, v58  }
0xcc: {  	v35 =	vld [tilespmem:$0x28A0];
	v37 =	vadd.f32 v61, v60;
	v2 =	vadd.f32 v63, v2  }
0xcd: {  	v32 =	vld [tilespmem:$0x2820];
	v63 =	vadd.f32 v47, v44;
	v17 =	vadd.f32 v53, v50  }
0xce: {  	v0 =	vadd.f32 v27, v0;
	v38 =	vadd.f32 v29, v28  }
0xcf: {  	v2 =	vadd.f32 v2, v62;
	v5 =	vadd.f32 v17, v63  }
0xd0: {  	v39 =	vadd.f32 v31, v30;
	v40 =	vadd.f32 v34, v33  }
0xd1: {  	v41 =	vadd.f32 v37, v36;
	v2 =	vadd.f32 v5, v2  }
0xd2: {  	v42 =	vadd.f32 v35, v32;
	v0 =	vadd.f32 v38, v0  }
0xd3: {  	v43 =	vadd.f32 v40, v39;
	v2 =	vadd.f32 v2, v41;
	_ =	sdelay $0x1  }
0xd4: {  	v0 =	vadd.f32 v43, v0;
	v44 =	vadd.f32 v2, v42;
	_ =	sdelay $0x1  }
0xd5: {  	v0 =	vadd.f32 v44, v0;
	_ =	sdelay $0x1  }
0xd6: {  	v0 =	vmul.f32 $1.999999960e-02, v0;
	_ =	sdelay $0x1  }
0xd7: {  	[tilespmem:s16+$0x4820] =	vst v0  }
0xd8: {  	v0 =	vld [tilespmem:$0x1030]  }
0xd9: {  	v1 =	vld [tilespmem:$0x10B0]  }
0xda: {  	v45 =	vld [tilespmem:$0x1130]  }
0xdb: {  	v46 =	vld [tilespmem:$0x11B0]  }
0xdc: {  	v4 =	vld [tilespmem:$0x1230]  }
0xdd: {  	v47 =	vld [tilespmem:$0x12B0]  }
0xde: {  	v48 =	vld [tilespmem:$0x1330]  }
0xdf: {  	v49 =	vld [tilespmem:$0x13B0]  }
0xe0: {  	v8 =	vld [tilespmem:$0x1430]  }
0xe1: {  	v50 =	vld [tilespmem:$0x14B0]  }
0xe2: {  	v51 =	vld [tilespmem:$0x1530]  }
0xe3: {  	v52 =	vld [tilespmem:$0x15B0]  }
0xe4: {  	v12 =	vld [tilespmem:$0x1630]  }
0xe5: {  	v53 =	vld [tilespmem:$0x16B0]  }
0xe6: {  	v54 =	vld [tilespmem:$0x1730]  }
0xe7: {  	v55 =	vld [tilespmem:$0x17B0]  }
0xe8: {  	v16 =	vld [tilespmem:$0x1830]  }
0xe9: {  	v56 =	vld [tilespmem:$0x18B0]  }
0xea: {  	v57 =	vld [tilespmem:$0x1930]  }
0xeb: {  	v58 =	vld [tilespmem:$0x19B0]  }
0xec: {  	v20 =	vld [tilespmem:$0x1A30]  }
0xed: {  	v59 =	vld [tilespmem:$0x1AB0]  }
0xee: {  	v60 =	vld [tilespmem:$0x1B30]  }
0xef: {  	v61 =	vld [tilespmem:$0x1BB0]  }
0xf0: {  	v24 =	vld [tilespmem:$0x1C30]  }
0xf1: {  	v62 =	vld [tilespmem:$0x1CB0]  }
0xf2: {  	v26 =	vld [tilespmem:$0x1D30]  }
0xf3: {  	v63 =	vld [tilespmem:$0x1DB0]  }
0xf4: {  	v28 =	vld [tilespmem:$0x1E30]  }
0xf5: {  	v29 =	vld [tilespmem:$0x1EB0]  }
0xf6: {  	v30 =	vld [tilespmem:$0x1F30]  }
0xf7: {  	v31 =	vld [tilespmem:$0x1FB0]  }
0xf8: {  	v32 =	vld [tilespmem:$0x2030]  }
0xf9: {  	v33 =	vld [tilespmem:$0x20B0]  }
0xfa: {  	v34 =	vld [tilespmem:$0x2130]  }
0xfb: {  	v35 =	vld [tilespmem:$0x21B0]  }
0xfc: {  	v36 =	vld [tilespmem:$0x2230]  }
0xfd: {  	v37 =	vld [tilespmem:$0x22B0]  }
0xfe: {  	v38 =	vld [tilespmem:$0x2330];
	v0 =	vadd.f32 v1, v0;
	v45 =	vadd.f32 v46, v45  }
0xff: {  	v39 =	vld [tilespmem:$0x23B0];
	v47 =	vadd.f32 v47, v4;
	v48 =	vadd.f32 v49, v48  }
0x100: {  	v40 =	vld [tilespmem:$0x2430];
	v50 =	vadd.f32 v50, v8;
	v51 =	vadd.f32 v52, v51  }
0x101: {  	v44 =	vld [tilespmem:$0x24B0];
	v53 =	vadd.f32 v53, v12;
	v54 =	vadd.f32 v55, v54  }
0x102: {  	v46 =	vld [tilespmem:$0x2530];
	v56 =	vadd.f32 v56, v16;
	v57 =	vadd.f32 v58, v57  }
0x103: {  	v49 =	vld [tilespmem:$0x25B0];
	v59 =	vadd.f32 v59, v20;
	v60 =	vadd.f32 v61, v60  }
0x104: {  	v52 =	vld [tilespmem:$0x2630];
	v62 =	vadd.f32 v62, v24;
	v63 =	vadd.f32 v63, v26  }
0x105: {  	v55 =	vld [tilespmem:$0x26B0];
	v29 =	vadd.f32 v29, v28;
	v31 =	vadd.f32 v31, v30  }
0x106: {  	v58 =	vld [tilespmem:$0x2730];
	v33 =	vadd.f32 v33, v32;
	v35 =	vadd.f32 v35, v34  }
0x107: {  	v61 =	vld [tilespmem:$0x27B0];
	v37 =	vadd.f32 v37, v36;
	v39 =	vadd.f32 v39, v38  }
0x108: {  	v42 =	vadd.f32 v44, v40;
	v0 =	vadd.f32 v45, v0  }
0x109: {  	v45 =	vadd.f32 v48, v47;
	v47 =	vadd.f32 v54, v53  }
0x10a: {  	v48 =	vadd.f32 v57, v56;
	v54 =	vadd.f32 v35, v33  }
0x10b: {  	v0 =	vadd.f32 v45, v0;
	v2 =	vadd.f32 v49, v46  }
0x10c: {  	v43 =	vadd.f32 v55, v52;
	v44 =	vadd.f32 v61, v58  }
0x10d: {  	v46 =	vadd.f32 v51, v50;
	v49 =	vadd.f32 v60, v59  }
0x10e: {  	v53 =	vld [tilespmem:$0x28B0];
	v51 =	vadd.f32 v63, v62;
	v52 =	vadd.f32 v31, v29  }
0x10f: {  	v50 =	vld [tilespmem:$0x2830];
	v55 =	vadd.f32 v39, v37;
	v2 =	vadd.f32 v2, v42  }
0x110: {  	v5 =	vadd.f32 v44, v43;
	v56 =	vadd.f32 v47, v46  }
0x111: {  	v57 =	vadd.f32 v49, v48;
	v58 =	vadd.f32 v52, v51  }
0x112: {  	v59 =	vadd.f32 v55, v54;
	v2 =	vadd.f32 v5, v2  }
0x113: {  	v0 =	vadd.f32 v56, v0;
	v61 =	vadd.f32 v58, v57  }
0x114: {  	v60 =	vadd.f32 v53, v50;
	v2 =	vadd.f32 v2, v59;
	_ =	sdelay $0x1  }
0x115: {  	v0 =	vadd.f32 v61, v0;
	v62 =	vadd.f32 v2, v60;
	_ =	sdelay $0x1  }
0x116: {  	v0 =	vadd.f32 v62, v0;
	_ =	sdelay $0x1  }
0x117: {  	v0 =	vmul.f32 $1.999999960e-02, v0;
	_ =	sdelay $0x1  }
0x118: {  	[tilespmem:s16+$0x4830] =	vst v0  }
0x119: {  	v0 =	vld [tilespmem:$0x1040]  }
0x11a: {  	v1 =	vld [tilespmem:$0x10C0]  }
0x11b: {  	v2 =	vld [tilespmem:$0x1140]  }
0x11c: {  	v3 =	vld [tilespmem:$0x11C0]  }
0x11d: {  	v4 =	vld [tilespmem:$0x1240]  }
0x11e: {  	v5 =	vld [tilespmem:$0x12C0]  }
0x11f: {  	v6 =	vld [tilespmem:$0x1340]  }
0x120: {  	v63 =	vld [tilespmem:$0x13C0]  }
0x121: {  	v8 =	vld [tilespmem:$0x1440]  }
0x122: {  	v9 =	vld [tilespmem:$0x14C0]  }
0x123: {  	v10 =	vld [tilespmem:$0x1540]  }
0x124: {  	v44 =	vld [tilespmem:$0x15C0]  }
0x125: {  	v12 =	vld [tilespmem:$0x1640]  }
0x126: {  	v45 =	vld [tilespmem:$0x16C0]  }
0x127: {  	v46 =	vld [tilespmem:$0x1740]  }
0x128: {  	v47 =	vld [tilespmem:$0x17C0]  }
0x129: {  	v16 =	vld [tilespmem:$0x1840]  }
0x12a: {  	v48 =	vld [tilespmem:$0x18C0]  }
0x12b: {  	v49 =	vld [tilespmem:$0x1940]  }
0x12c: {  	v50 =	vld [tilespmem:$0x19C0]  }
0x12d: {  	v20 =	vld [tilespmem:$0x1A40]  }
0x12e: {  	v51 =	vld [tilespmem:$0x1AC0]  }
0x12f: {  	v52 =	vld [tilespmem:$0x1B40]  }
0x130: {  	v53 =	vld [tilespmem:$0x1BC0]  }
0x131: {  	v24 =	vld [tilespmem:$0x1C40]  }
0x132: {  	v54 =	vld [tilespmem:$0x1CC0]  }
0x133: {  	v26 =	vld [tilespmem:$0x1D40]  }
0x134: {  	v55 =	vld [tilespmem:$0x1DC0]  }
0x135: {  	v28 =	vld [tilespmem:$0x1E40]  }
0x136: {  	v56 =	vld [tilespmem:$0x1EC0]  }
0x137: {  	v30 =	vld [tilespmem:$0x1F40]  }
0x138: {  	v57 =	vld [tilespmem:$0x1FC0]  }
0x139: {  	v32 =	vld [tilespmem:$0x2040]  }
0x13a: {  	v58 =	vld [tilespmem:$0x20C0]  }
0x13b: {  	v34 =	vld [tilespmem:$0x2140]  }
0x13c: {  	v59 =	vld [tilespmem:$0x21C0]  }
0x13d: {  	v36 =	vld [tilespmem:$0x2240];
	v0 =	vadd.f32 v1, v0;
	v1 =	vadd.f32 v3, v2  }
0x13e: {  	v60 =	vld [tilespmem:$0x22C0];
	v3 =	vadd.f32 v5, v4;
	v4 =	vadd.f32 v63, v6  }
0x13f: {  	v38 =	vld [tilespmem:$0x2340];
	v42 =	vadd.f32 v9, v8;
	v43 =	vadd.f32 v44, v10  }
0x140: {  	v61 =	vld [tilespmem:$0x23C0];
	v45 =	vadd.f32 v45, v12;
	v46 =	vadd.f32 v47, v46  }
0x141: {  	v40 =	vld [tilespmem:$0x2440];
	v48 =	vadd.f32 v48, v16;
	v49 =	vadd.f32 v50, v49  }
0x142: {  	v62 =	vld [tilespmem:$0x24C0];
	v51 =	vadd.f32 v51, v20;
	v52 =	vadd.f32 v53, v52  }
0x143: {  	v2 =	vld [tilespmem:$0x2540];
	v54 =	vadd.f32 v54, v24;
	v55 =	vadd.f32 v55, v26  }
0x144: {  	v63 =	vld [tilespmem:$0x25C0];
	v56 =	vadd.f32 v56, v28;
	v57 =	vadd.f32 v57, v30  }
0x145: {  	v44 =	vld [tilespmem:$0x2640];
	v58 =	vadd.f32 v58, v32;
	v59 =	vadd.f32 v59, v34  }
0x146: {  	v47 =	vld [tilespmem:$0x26C0];
	v60 =	vadd.f32 v60, v36;
	v61 =	vadd.f32 v61, v38  }
0x147: {  	v50 =	vld [tilespmem:$0x2740];
	v62 =	vadd.f32 v62, v40;
	v0 =	vadd.f32 v1, v0  }
0x148: {  	v53 =	vld [tilespmem:$0x27C0];
	v27 =	vadd.f32 v4, v3;
	v28 =	vadd.f32 v43, v42  }
0x149: {  	v29 =	vadd.f32 v46, v45;
	v30 =	vadd.f32 v49, v48  }
0x14a: {  	v31 =	vadd.f32 v52, v51;
	v33 =	vadd.f32 v55, v54  }
0x14b: {  	v34 =	vadd.f32 v57, v56;
	v36 =	vadd.f32 v59, v58  }
0x14c: {  	v35 =	vld [tilespmem:$0x28C0];
	v37 =	vadd.f32 v61, v60;
	v2 =	vadd.f32 v63, v2  }
0x14d: {  	v32 =	vld [tilespmem:$0x2840];
	v63 =	vadd.f32 v47, v44;
	v17 =	vadd.f32 v53, v50  }
0x14e: {  	v0 =	vadd.f32 v27, v0;
	v38 =	vadd.f32 v29, v28  }
0x14f: {  	v2 =	vadd.f32 v2, v62;
	v5 =	vadd.f32 v17, v63  }
0x150: {  	v39 =	vadd.f32 v31, v30;
	v40 =	vadd.f32 v34, v33  }
0x151: {  	v41 =	vadd.f32 v37, v36;
	v2 =	vadd.f32 v5, v2  }
0x152: {  	v42 =	vadd.f32 v35, v32;
	v0 =	vadd.f32 v38, v0  }
0x153: {  	v43 =	vadd.f32 v40, v39;
	v2 =	vadd.f32 v2, v41;
	_ =	sdelay $0x1  }
0x154: {  	v0 =	vadd.f32 v43, v0;
	v44 =	vadd.f32 v2, v42;
	_ =	sdelay $0x1  }
0x155: {  	v0 =	vadd.f32 v44, v0;
	_ =	sdelay $0x1  }
0x156: {  	v0 =	vmul.f32 $1.999999960e-02, v0;
	_ =	sdelay $0x1  }
0x157: {  	[tilespmem:s16+$0x4840] =	vst v0  }
0x158: {  	v0 =	vld [tilespmem:$0x1050]  }
0x159: {  	v1 =	vld [tilespmem:$0x10D0]  }
0x15a: {  	v45 =	vld [tilespmem:$0x1150]  }
0x15b: {  	v46 =	vld [tilespmem:$0x11D0]  }
0x15c: {  	v4 =	vld [tilespmem:$0x1250]  }
0x15d: {  	v47 =	vld [tilespmem:$0x12D0]  }
0x15e: {  	v48 =	vld [tilespmem:$0x1350]  }
0x15f: {  	v49 =	vld [tilespmem:$0x13D0]  }
0x160: {  	v8 =	vld [tilespmem:$0x1450]  }
0x161: {  	v50 =	vld [tilespmem:$0x14D0]  }
0x162: {  	v51 =	vld [tilespmem:$0x1550]  }
0x163: {  	v52 =	vld [tilespmem:$0x15D0]  }
0x164: {  	v12 =	vld [tilespmem:$0x1650]  }
0x165: {  	v53 =	vld [tilespmem:$0x16D0]  }
0x166: {  	v54 =	vld [tilespmem:$0x1750]  }
0x167: {  	v55 =	vld [tilespmem:$0x17D0]  }
0x168: {  	v16 =	vld [tilespmem:$0x1850]  }
0x169: {  	v56 =	vld [tilespmem:$0x18D0]  }
0x16a: {  	v57 =	vld [tilespmem:$0x1950]  }
0x16b: {  	v58 =	vld [tilespmem:$0x19D0]  }
0x16c: {  	v20 =	vld [tilespmem:$0x1A50]  }
0x16d: {  	v59 =	vld [tilespmem:$0x1AD0]  }
0x16e: {  	v60 =	vld [tilespmem:$0x1B50]  }
0x16f: {  	v61 =	vld [tilespmem:$0x1BD0]  }
0x170: {  	v24 =	vld [tilespmem:$0x1C50]  }
0x171: {  	v62 =	vld [tilespmem:$0x1CD0]  }
0x172: {  	v26 =	vld [tilespmem:$0x1D50]  }
0x173: {  	v63 =	vld [tilespmem:$0x1DD0]  }
0x174: {  	v28 =	vld [tilespmem:$0x1E50]  }
0x175: {  	v29 =	vld [tilespmem:$0x1ED0]  }
0x176: {  	v30 =	vld [tilespmem:$0x1F50]  }
0x177: {  	v31 =	vld [tilespmem:$0x1FD0]  }
0x178: {  	v32 =	vld [tilespmem:$0x2050]  }
0x179: {  	v33 =	vld [tilespmem:$0x20D0]  }
0x17a: {  	v34 =	vld [tilespmem:$0x2150]  }
0x17b: {  	v35 =	vld [tilespmem:$0x21D0]  }
0x17c: {  	v36 =	vld [tilespmem:$0x2250]  }
0x17d: {  	v37 =	vld [tilespmem:$0x22D0]  }
0x17e: {  	v38 =	vld [tilespmem:$0x2350];
	v0 =	vadd.f32 v1, v0;
	v45 =	vadd.f32 v46, v45  }
0x17f: {  	v39 =	vld [tilespmem:$0x23D0];
	v47 =	vadd.f32 v47, v4;
	v48 =	vadd.f32 v49, v48  }
0x180: {  	v40 =	vld [tilespmem:$0x2450];
	v50 =	vadd.f32 v50, v8;
	v51 =	vadd.f32 v52, v51  }
0x181: {  	v44 =	vld [tilespmem:$0x24D0];
	v53 =	vadd.f32 v53, v12;
	v54 =	vadd.f32 v55, v54  }
0x182: {  	v46 =	vld [tilespmem:$0x2550];
	v56 =	vadd.f32 v56, v16;
	v57 =	vadd.f32 v58, v57  }
0x183: {  	v49 =	vld [tilespmem:$0x25D0];
	v59 =	vadd.f32 v59, v20;
	v60 =	vadd.f32 v61, v60  }
0x184: {  	v52 =	vld [tilespmem:$0x2650];
	v62 =	vadd.f32 v62, v24;
	v63 =	vadd.f32 v63, v26  }
0x185: {  	v55 =	vld [tilespmem:$0x26D0];
	v29 =	vadd.f32 v29, v28;
	v31 =	vadd.f32 v31, v30  }
0x186: {  	v58 =	vld [tilespmem:$0x2750];
	v33 =	vadd.f32 v33, v32;
	v35 =	vadd.f32 v35, v34  }
0x187: {  	v61 =	vld [tilespmem:$0x27D0];
	v37 =	vadd.f32 v37, v36;
	v39 =	vadd.f32 v39, v38  }
0x188: {  	v42 =	vadd.f32 v44, v40;
	v0 =	vadd.f32 v45, v0  }
0x189: {  	v45 =	vadd.f32 v48, v47;
	v47 =	vadd.f32 v54, v53  }
0x18a: {  	v48 =	vadd.f32 v57, v56;
	v54 =	vadd.f32 v35, v33  }
0x18b: {  	v0 =	vadd.f32 v45, v0;
	v2 =	vadd.f32 v49, v46  }
0x18c: {  	v43 =	vadd.f32 v55, v52;
	v44 =	vadd.f32 v61, v58  }
0x18d: {  	v46 =	vadd.f32 v51, v50;
	v49 =	vadd.f32 v60, v59  }
0x18e: {  	v53 =	vld [tilespmem:$0x28D0];
	v51 =	vadd.f32 v63, v62;
	v52 =	vadd.f32 v31, v29  }
0x18f: {  	v50 =	vld [tilespmem:$0x2850];
	v55 =	vadd.f32 v39, v37;
	v2 =	vadd.f32 v2, v42  }
0x190: {  	v5 =	vadd.f32 v44, v43;
	v56 =	vadd.f32 v47, v46  }
0x191: {  	v57 =	vadd.f32 v49, v48;
	v58 =	vadd.f32 v52, v51  }
0x192: {  	v59 =	vadd.f32 v55, v54;
	v2 =	vadd.f32 v5, v2  }
0x193: {  	v0 =	vadd.f32 v56, v0;
	v61 =	vadd.f32 v58, v57  }
0x194: {  	v60 =	vadd.f32 v53, v50;
	v2 =	vadd.f32 v2, v59;
	_ =	sdelay $0x1  }
0x195: {  	v0 =	vadd.f32 v61, v0;
	v62 =	vadd.f32 v2, v60;
	_ =	sdelay $0x1  }
0x196: {  	v0 =	vadd.f32 v62, v0;
	_ =	sdelay $0x1  }
0x197: {  	v0 =	vmul.f32 $1.999999960e-02, v0;
	_ =	sdelay $0x1  }
0x198: {  	[tilespmem:s16+$0x4850] =	vst v0  }
0x199: {  	v0 =	vld [tilespmem:$0x1060]  }
0x19a: {  	v1 =	vld [tilespmem:$0x10E0]  }
0x19b: {  	v2 =	vld [tilespmem:$0x1160]  }
0x19c: {  	v3 =	vld [tilespmem:$0x11E0]  }
0x19d: {  	v4 =	vld [tilespmem:$0x1260]  }
0x19e: {  	v5 =	vld [tilespmem:$0x12E0]  }
0x19f: {  	v6 =	vld [tilespmem:$0x1360]  }
0x1a0: {  	v63 =	vld [tilespmem:$0x13E0]  }
0x1a1: {  	v8 =	vld [tilespmem:$0x1460]  }
0x1a2: {  	v9 =	vld [tilespmem:$0x14E0]  }
0x1a3: {  	v10 =	vld [tilespmem:$0x1560]  }
0x1a4: {  	v44 =	vld [tilespmem:$0x15E0]  }
0x1a5: {  	v12 =	vld [tilespmem:$0x1660]  }
0x1a6: {  	v45 =	vld [tilespmem:$0x16E0]  }
0x1a7: {  	v46 =	vld [tilespmem:$0x1760]  }
0x1a8: {  	v47 =	vld [tilespmem:$0x17E0]  }
0x1a9: {  	v16 =	vld [tilespmem:$0x1860]  }
0x1aa: {  	v48 =	vld [tilespmem:$0x18E0]  }
0x1ab: {  	v49 =	vld [tilespmem:$0x1960]  }
0x1ac: {  	v50 =	vld [tilespmem:$0x19E0]  }
0x1ad: {  	v20 =	vld [tilespmem:$0x1A60]  }
0x1ae: {  	v51 =	vld [tilespmem:$0x1AE0]  }
0x1af: {  	v52 =	vld [tilespmem:$0x1B60]  }
0x1b0: {  	v53 =	vld [tilespmem:$0x1BE0]  }
0x1b1: {  	v24 =	vld [tilespmem:$0x1C60]  }
0x1b2: {  	v54 =	vld [tilespmem:$0x1CE0]  }
0x1b3: {  	v26 =	vld [tilespmem:$0x1D60]  }
0x1b4: {  	v55 =	vld [tilespmem:$0x1DE0]  }
0x1b5: {  	v28 =	vld [tilespmem:$0x1E60]  }
0x1b6: {  	v56 =	vld [tilespmem:$0x1EE0]  }
0x1b7: {  	v30 =	vld [tilespmem:$0x1F60]  }
0x1b8: {  	v57 =	vld [tilespmem:$0x1FE0]  }
0x1b9: {  	v32 =	vld [tilespmem:$0x2060]  }
0x1ba: {  	v58 =	vld [tilespmem:$0x20E0]  }
0x1bb: {  	v34 =	vld [tilespmem:$0x2160]  }
0x1bc: {  	v59 =	vld [tilespmem:$0x21E0]  }
0x1bd: {  	v36 =	vld [tilespmem:$0x2260];
	v0 =	vadd.f32 v1, v0;
	v1 =	vadd.f32 v3, v2  }
0x1be: {  	v60 =	vld [tilespmem:$0x22E0];
	v3 =	vadd.f32 v5, v4;
	v4 =	vadd.f32 v63, v6  }
0x1bf: {  	v38 =	vld [tilespmem:$0x2360];
	v42 =	vadd.f32 v9, v8;
	v43 =	vadd.f32 v44, v10  }
0x1c0: {  	v61 =	vld [tilespmem:$0x23E0];
	v45 =	vadd.f32 v45, v12;
	v46 =	vadd.f32 v47, v46  }
0x1c1: {  	v40 =	vld [tilespmem:$0x2460];
	v48 =	vadd.f32 v48, v16;
	v49 =	vadd.f32 v50, v49  }
0x1c2: {  	v62 =	vld [tilespmem:$0x24E0];
	v51 =	vadd.f32 v51, v20;
	v52 =	vadd.f32 v53, v52  }
0x1c3: {  	v2 =	vld [tilespmem:$0x2560];
	v54 =	vadd.f32 v54, v24;
	v55 =	vadd.f32 v55, v26  }
0x1c4: {  	v63 =	vld [tilespmem:$0x25E0];
	v56 =	vadd.f32 v56, v28;
	v57 =	vadd.f32 v57, v30  }
0x1c5: {  	v44 =	vld [tilespmem:$0x2660];
	v58 =	vadd.f32 v58, v32;
	v59 =	vadd.f32 v59, v34  }
0x1c6: {  	v47 =	vld [tilespmem:$0x26E0];
	v60 =	vadd.f32 v60, v36;
	v61 =	vadd.f32 v61, v38  }
0x1c7: {  	v50 =	vld [tilespmem:$0x2760];
	v62 =	vadd.f32 v62, v40;
	v0 =	vadd.f32 v1, v0  }
0x1c8: {  	v53 =	vld [tilespmem:$0x27E0];
	v27 =	vadd.f32 v4, v3;
	v28 =	vadd.f32 v43, v42  }
0x1c9: {  	v29 =	vadd.f32 v46, v45;
	v30 =	vadd.f32 v49, v48  }
0x1ca: {  	v31 =	vadd.f32 v52, v51;
	v33 =	vadd.f32 v55, v54  }
0x1cb: {  	v34 =	vadd.f32 v57, v56;
	v36 =	vadd.f32 v59, v58  }
0x1cc: {  	v35 =	vld [tilespmem:$0x28E0];
	v37 =	vadd.f32 v61, v60;
	v2 =	vadd.f32 v63, v2  }
0x1cd: {  	v32 =	vld [tilespmem:$0x2860];
	v63 =	vadd.f32 v47, v44;
	v17 =	vadd.f32 v53, v50  }
0x1ce: {  	v0 =	vadd.f32 v27, v0;
	v38 =	vadd.f32 v29, v28  }
0x1cf: {  	v2 =	vadd.f32 v2, v62;
	v5 =	vadd.f32 v17, v63  }
0x1d0: {  	v39 =	vadd.f32 v31, v30;
	v40 =	vadd.f32 v34, v33  }
0x1d1: {  	v41 =	vadd.f32 v37, v36;
	v2 =	vadd.f32 v5, v2  }
0x1d2: {  	v42 =	vadd.f32 v35, v32;
	v0 =	vadd.f32 v38, v0  }
0x1d3: {  	v43 =	vadd.f32 v40, v39;
	v2 =	vadd.f32 v2, v41;
	_ =	sdelay $0x1  }
0x1d4: {  	v0 =	vadd.f32 v43, v0;
	v44 =	vadd.f32 v2, v42;
	_ =	sdelay $0x1  }
0x1d5: {  	v0 =	vadd.f32 v44, v0;
	_ =	sdelay $0x1  }
0x1d6: {  	v0 =	vmul.f32 $1.999999960e-02, v0;
	_ =	sdelay $0x1  }
0x1d7: {  	[tilespmem:s16+$0x4860] =	vst v0  }
0x1d8: {  	v0 =	vld [tilespmem:$0x1070]  }
0x1d9: {  	v1 =	vld [tilespmem:$0x10F0]  }
0x1da: {  	v45 =	vld [tilespmem:$0x1170]  }
0x1db: {  	v46 =	vld [tilespmem:$0x11F0]  }
0x1dc: {  	v4 =	vld [tilespmem:$0x1270]  }
0x1dd: {  	v47 =	vld [tilespmem:$0x12F0]  }
0x1de: {  	v48 =	vld [tilespmem:$0x1370]  }
0x1df: {  	v49 =	vld [tilespmem:$0x13F0]  }
0x1e0: {  	v8 =	vld [tilespmem:$0x1470]  }
0x1e1: {  	v50 =	vld [tilespmem:$0x14F0]  }
0x1e2: {  	v51 =	vld [tilespmem:$0x1570]  }
0x1e3: {  	v52 =	vld [tilespmem:$0x15F0]  }
0x1e4: {  	v12 =	vld [tilespmem:$0x1670]  }
0x1e5: {  	v53 =	vld [tilespmem:$0x16F0]  }
0x1e6: {  	v54 =	vld [tilespmem:$0x1770]  }
0x1e7: {  	v55 =	vld [tilespmem:$0x17F0]  }
0x1e8: {  	v16 =	vld [tilespmem:$0x1870]  }
0x1e9: {  	v56 =	vld [tilespmem:$0x18F0]  }
0x1ea: {  	v57 =	vld [tilespmem:$0x1970]  }
0x1eb: {  	v58 =	vld [tilespmem:$0x19F0]  }
0x1ec: {  	v20 =	vld [tilespmem:$0x1A70]  }
0x1ed: {  	v59 =	vld [tilespmem:$0x1AF0]  }
0x1ee: {  	v60 =	vld [tilespmem:$0x1B70]  }
0x1ef: {  	v61 =	vld [tilespmem:$0x1BF0]  }
0x1f0: {  	v24 =	vld [tilespmem:$0x1C70]  }
0x1f1: {  	v62 =	vld [tilespmem:$0x1CF0]  }
0x1f2: {  	v26 =	vld [tilespmem:$0x1D70]  }
0x1f3: {  	v63 =	vld [tilespmem:$0x1DF0]  }
0x1f4: {  	v28 =	vld [tilespmem:$0x1E70]  }
0x1f5: {  	v29 =	vld [tilespmem:$0x1EF0]  }
0x1f6: {  	v30 =	vld [tilespmem:$0x1F70]  }
0x1f7: {  	v31 =	vld [tilespmem:$0x1FF0]  }
0x1f8: {  	v32 =	vld [tilespmem:$0x2070]  }
0x1f9: {  	v33 =	vld [tilespmem:$0x20F0]  }
0x1fa: {  	v34 =	vld [tilespmem:$0x2170]  }
0x1fb: {  	v35 =	vld [tilespmem:$0x21F0]  }
0x1fc: {  	v36 =	vld [tilespmem:$0x2270]  }
0x1fd: {  	v37 =	vld [tilespmem:$0x22F0]  }
0x1fe: {  	v38 =	vld [tilespmem:$0x2370];
	v0 =	vadd.f32 v1, v0;
	v45 =	vadd.f32 v46, v45  }
0x1ff: {  	v39 =	vld [tilespmem:$0x23F0];
	v47 =	vadd.f32 v47, v4;
	v48 =	vadd.f32 v49, v48  }
0x200: {  	v40 =	vld [tilespmem:$0x2470];
	v50 =	vadd.f32 v50, v8;
	v51 =	vadd.f32 v52, v51  }
0x201: {  	v44 =	vld [tilespmem:$0x24F0];
	v53 =	vadd.f32 v53, v12;
	v54 =	vadd.f32 v55, v54  }
0x202: {  	v46 =	vld [tilespmem:$0x2570];
	v56 =	vadd.f32 v56, v16;
	v57 =	vadd.f32 v58, v57  }
0x203: {  	v49 =	vld [tilespmem:$0x25F0];
	v59 =	vadd.f32 v59, v20;
	v60 =	vadd.f32 v61, v60  }
0x204: {  	v52 =	vld [tilespmem:$0x2670];
	v62 =	vadd.f32 v62, v24;
	v63 =	vadd.f32 v63, v26  }
0x205: {  	v55 =	vld [tilespmem:$0x26F0];
	v29 =	vadd.f32 v29, v28;
	v31 =	vadd.f32 v31, v30  }
0x206: {  	v58 =	vld [tilespmem:$0x2770];
	v33 =	vadd.f32 v33, v32;
	v35 =	vadd.f32 v35, v34  }
0x207: {  	v61 =	vld [tilespmem:$0x27F0];
	v37 =	vadd.f32 v37, v36;
	v39 =	vadd.f32 v39, v38  }
0x208: {  	v42 =	vadd.f32 v44, v40;
	v0 =	vadd.f32 v45, v0  }
0x209: {  	v45 =	vadd.f32 v48, v47;
	v47 =	vadd.f32 v54, v53  }
0x20a: {  	v48 =	vadd.f32 v57, v56;
	v54 =	vadd.f32 v35, v33  }
0x20b: {  	v0 =	vadd.f32 v45, v0;
	v2 =	vadd.f32 v49, v46  }
0x20c: {  	v43 =	vadd.f32 v55, v52;
	v44 =	vadd.f32 v61, v58  }
0x20d: {  	v46 =	vadd.f32 v51, v50;
	v49 =	vadd.f32 v60, v59  }
0x20e: {  	v53 =	vld [tilespmem:$0x28F0];
	v51 =	vadd.f32 v63, v62;
	v52 =	vadd.f32 v31, v29  }
0x20f: {  	v50 =	vld [tilespmem:$0x2870];
	v55 =	vadd.f32 v39, v37;
	v2 =	vadd.f32 v2, v42  }
0x210: {  	v5 =	vadd.f32 v44, v43;
	v56 =	vadd.f32 v47, v46  }
0x211: {  	v57 =	vadd.f32 v49, v48;
	v58 =	vadd.f32 v52, v51  }
0x212: {  	v59 =	vadd.f32 v55, v54;
	v2 =	vadd.f32 v5, v2  }
0x213: {  	v0 =	vadd.f32 v56, v0;
	v61 =	vadd.f32 v58, v57  }
0x214: {  	v60 =	vadd.f32 v53, v50;
	v2 =	vadd.f32 v2, v59;
	_ =	sdelay $0x1  }
0x215: {  	v0 =	vadd.f32 v61, v0;
	v62 =	vadd.f32 v2, v60;
	_ =	sdelay $0x1  }
0x216: {  	v0 =	vadd.f32 v62, v0;
	_ =	sdelay $0x1  }
0x217: {  	p0 =	seq.s32 s15, $0x3C00;
	v0 =	vmul.f32 $1.999999960e-02, v0  }
0x218: {  	s17 =	sshra.s32 @!p0 s15, $0x2  }
0x219: {  	s18 =	simm.s32 @!p0 $0x32;
	s19 =	simm.s32 @!p0 $0x1000;
	s17 =	sadd.s32 @!p0 $0x100, s17;
	[tilespmem:s16+$0x4870] =	vst v0  }
0x21a: {  	[tilespmem:s19], [sflag:$0x1] =	stream.indirect.gather @!p0 [hbm4b:s2+s18], $0x80, s17, s18, $0xb8;
	[tilespmem:$0x5800] =	vst v63  }
0x21b: {  	_ =	swait.ge [sflag:s12], $0x1900  }
0x21c: {  	[sflag:s12] =	ssyncset.done $0x0  }
0x21d: {  	[sflag:s12] =	ssyncadd.s32 $0xFFFFE700  }
0x21e: {  	v0 =	vld [tilespmem:$0x2C00]  }
0x21f: {  	v1 =	vld [tilespmem:$0x2C80]  }
0x220: {  	v2 =	vld [tilespmem:$0x2D00]  }
0x221: {  	v3 =	vld [tilespmem:$0x2D80]  }
0x222: {  	v4 =	vld [tilespmem:$0x2E00]  }
0x223: {  	v5 =	vld [tilespmem:$0x2E80]  }
0x224: {  	v6 =	vld [tilespmem:$0x2F00]  }
0x225: {  	v63 =	vld [tilespmem:$0x2F80]  }
0x226: {  	v8 =	vld [tilespmem:$0x3000]  }
0x227: {  	v9 =	vld [tilespmem:$0x3080]  }
0x228: {  	v10 =	vld [tilespmem:$0x3100]  }
0x229: {  	v44 =	vld [tilespmem:$0x3180]  }
0x22a: {  	v12 =	vld [tilespmem:$0x3200]  }
0x22b: {  	v45 =	vld [tilespmem:$0x3280]  }
0x22c: {  	v46 =	vld [tilespmem:$0x3300]  }
0x22d: {  	v47 =	vld [tilespmem:$0x3380]  }
0x22e: {  	v16 =	vld [tilespmem:$0x3400]  }
0x22f: {  	v48 =	vld [tilespmem:$0x3480]  }
0x230: {  	v49 =	vld [tilespmem:$0x3500]  }
0x231: {  	v50 =	vld [tilespmem:$0x3580]  }
0x232: {  	v20 =	vld [tilespmem:$0x3600]  }
0x233: {  	v51 =	vld [tilespmem:$0x3680]  }
0x234: {  	v52 =	vld [tilespmem:$0x3700]  }
0x235: {  	v53 =	vld [tilespmem:$0x3780]  }
0x236: {  	v24 =	vld [tilespmem:$0x3800]  }
0x237: {  	v54 =	vld [tilespmem:$0x3880]  }
0x238: {  	v26 =	vld [tilespmem:$0x3900]  }
0x239: {  	v55 =	vld [tilespmem:$0x3980]  }
0x23a: {  	v28 =	vld [tilespmem:$0x3A00]  }
0x23b: {  	v56 =	vld [tilespmem:$0x3A80]  }
0x23c: {  	v30 =	vld [tilespmem:$0x3B00]  }
0x23d: {  	v57 =	vld [tilespmem:$0x3B80]  }
0x23e: {  	v32 =	vld [tilespmem:$0x3C00]  }
0x23f: {  	v58 =	vld [tilespmem:$0x3C80]  }
0x240: {  	v34 =	vld [tilespmem:$0x3D00]  }
0x241: {  	v59 =	vld [tilespmem:$0x3D80]  }
0x242: {  	v36 =	vld [tilespmem:$0x3E00];
	v0 =	vadd.f32 v1, v0;
	v1 =	vadd.f32 v3, v2  }
0x243: {  	v60 =	vld [tilespmem:$0x3E80];
	v3 =	vadd.f32 v5, v4;
	v4 =	vadd.f32 v63, v6  }
0x244: {  	v38 =	vld [tilespmem:$0x3F00];
	v42 =	vadd.f32 v9, v8;
	v43 =	vadd.f32 v44, v10  }
0x245: {  	v61 =	vld [tilespmem:$0x3F80];
	v45 =	vadd.f32 v45, v12;
	v46 =	vadd.f32 v47, v46  }
0x246: {  	v40 =	vld [tilespmem:$0x4000];
	v48 =	vadd.f32 v48, v16;
	v49 =	vadd.f32 v50, v49  }
0x247: {  	v62 =	vld [tilespmem:$0x4080];
	v51 =	vadd.f32 v51, v20;
	v52 =	vadd.f32 v53, v52  }
0x248: {  	v2 =	vld [tilespmem:$0x4100];
	v54 =	vadd.f32 v54, v24;
	v55 =	vadd.f32 v55, v26  }
0x249: {  	v63 =	vld [tilespmem:$0x4180];
	v56 =	vadd.f32 v56, v28;
	v57 =	vadd.f32 v57, v30  }
0x24a: {  	v44 =	vld [tilespmem:$0x4200];
	v58 =	vadd.f32 v58, v32;
	v59 =	vadd.f32 v59, v34  }
0x24b: {  	v47 =	vld [tilespmem:$0x4280];
	v60 =	vadd.f32 v60, v36;
	v61 =	vadd.f32 v61, v38  }
0x24c: {  	v50 =	vld [tilespmem:$0x4300];
	v62 =	vadd.f32 v62, v40;
	v0 =	vadd.f32 v1, v0  }
0x24d: {  	v53 =	vld [tilespmem:$0x4380];
	v27 =	vadd.f32 v4, v3;
	v28 =	vadd.f32 v43, v42  }
0x24e: {  	v29 =	vadd.f32 v46, v45;
	v30 =	vadd.f32 v49, v48  }
0x24f: {  	v31 =	vadd.f32 v52, v51;
	v33 =	vadd.f32 v55, v54  }
0x250: {  	v34 =	vadd.f32 v57, v56;
	v36 =	vadd.f32 v59, v58  }
0x251: {  	v35 =	vld [tilespmem:$0x4480];
	v37 =	vadd.f32 v61, v60;
	v2 =	vadd.f32 v63, v2  }
0x252: {  	v32 =	vld [tilespmem:$0x4400];
	v63 =	vadd.f32 v47, v44;
	v17 =	vadd.f32 v53, v50  }
0x253: {  	v0 =	vadd.f32 v27, v0;
	v38 =	vadd.f32 v29, v28  }
0x254: {  	v2 =	vadd.f32 v2, v62;
	v5 =	vadd.f32 v17, v63  }
0x255: {  	v39 =	vadd.f32 v31, v30;
	v40 =	vadd.f32 v34, v33  }
0x256: {  	v41 =	vadd.f32 v37, v36;
	v2 =	vadd.f32 v5, v2  }
0x257: {  	v42 =	vadd.f32 v35, v32;
	v0 =	vadd.f32 v38, v0  }
0x258: {  	v43 =	vadd.f32 v40, v39;
	v2 =	vadd.f32 v2, v41;
	_ =	sdelay $0x1  }
0x259: {  	v0 =	vadd.f32 v43, v0;
	v44 =	vadd.f32 v2, v42;
	_ =	sdelay $0x1  }
0x25a: {  	v0 =	vadd.f32 v44, v0;
	_ =	sdelay $0x1  }
0x25b: {  	v0 =	vmul.f32 $1.999999960e-02, v0;
	_ =	sdelay $0x1  }
0x25c: {  	[tilespmem:s16+$0x4880] =	vst v0  }
0x25d: {  	v0 =	vld [tilespmem:$0x2C10]  }
0x25e: {  	v1 =	vld [tilespmem:$0x2C90]  }
0x25f: {  	v45 =	vld [tilespmem:$0x2D10]  }
0x260: {  	v46 =	vld [tilespmem:$0x2D90]  }
0x261: {  	v4 =	vld [tilespmem:$0x2E10]  }
0x262: {  	v47 =	vld [tilespmem:$0x2E90]  }
0x263: {  	v48 =	vld [tilespmem:$0x2F10]  }
0x264: {  	v49 =	vld [tilespmem:$0x2F90]  }
0x265: {  	v8 =	vld [tilespmem:$0x3010]  }
0x266: {  	v50 =	vld [tilespmem:$0x3090]  }
0x267: {  	v51 =	vld [tilespmem:$0x3110]  }
0x268: {  	v52 =	vld [tilespmem:$0x3190]  }
0x269: {  	v12 =	vld [tilespmem:$0x3210]  }
0x26a: {  	v53 =	vld [tilespmem:$0x3290]  }
0x26b: {  	v54 =	vld [tilespmem:$0x3310]  }
0x26c: {  	v55 =	vld [tilespmem:$0x3390]  }
0x26d: {  	v16 =	vld [tilespmem:$0x3410]  }
0x26e: {  	v56 =	vld [tilespmem:$0x3490]  }
0x26f: {  	v57 =	vld [tilespmem:$0x3510]  }
0x270: {  	v58 =	vld [tilespmem:$0x3590]  }
0x271: {  	v20 =	vld [tilespmem:$0x3610]  }
0x272: {  	v59 =	vld [tilespmem:$0x3690]  }
0x273: {  	v60 =	vld [tilespmem:$0x3710]  }
0x274: {  	v61 =	vld [tilespmem:$0x3790]  }
0x275: {  	v24 =	vld [tilespmem:$0x3810]  }
0x276: {  	v62 =	vld [tilespmem:$0x3890]  }
0x277: {  	v26 =	vld [tilespmem:$0x3910]  }
0x278: {  	v63 =	vld [tilespmem:$0x3990]  }
0x279: {  	v28 =	vld [tilespmem:$0x3A10]  }
0x27a: {  	v29 =	vld [tilespmem:$0x3A90]  }
0x27b: {  	v30 =	vld [tilespmem:$0x3B10]  }
0x27c: {  	v31 =	vld [tilespmem:$0x3B90]  }
0x27d: {  	v32 =	vld [tilespmem:$0x3C10]  }
0x27e: {  	v33 =	vld [tilespmem:$0x3C90]  }
0x27f: {  	v34 =	vld [tilespmem:$0x3D10]  }
0x280: {  	v35 =	vld [tilespmem:$0x3D90]  }
0x281: {  	v36 =	vld [tilespmem:$0x3E10]  }
0x282: {  	v37 =	vld [tilespmem:$0x3E90]  }
0x283: {  	v38 =	vld [tilespmem:$0x3F10];
	v0 =	vadd.f32 v1, v0;
	v45 =	vadd.f32 v46, v45  }
0x284: {  	v39 =	vld [tilespmem:$0x3F90];
	v47 =	vadd.f32 v47, v4;
	v48 =	vadd.f32 v49, v48  }
0x285: {  	v40 =	vld [tilespmem:$0x4010];
	v50 =	vadd.f32 v50, v8;
	v51 =	vadd.f32 v52, v51  }
0x286: {  	v44 =	vld [tilespmem:$0x4090];
	v53 =	vadd.f32 v53, v12;
	v54 =	vadd.f32 v55, v54  }
0x287: {  	v46 =	vld [tilespmem:$0x4110];
	v56 =	vadd.f32 v56, v16;
	v57 =	vadd.f32 v58, v57  }
0x288: {  	v49 =	vld [tilespmem:$0x4190];
	v59 =	vadd.f32 v59, v20;
	v60 =	vadd.f32 v61, v60  }
0x289: {  	v52 =	vld [tilespmem:$0x4210];
	v62 =	vadd.f32 v62, v24;
	v63 =	vadd.f32 v63, v26  }
0x28a: {  	v55 =	vld [tilespmem:$0x4290];
	v29 =	vadd.f32 v29, v28;
	v31 =	vadd.f32 v31, v30  }
0x28b: {  	v58 =	vld [tilespmem:$0x4310];
	v33 =	vadd.f32 v33, v32;
	v35 =	vadd.f32 v35, v34  }
0x28c: {  	v61 =	vld [tilespmem:$0x4390];
	v37 =	vadd.f32 v37, v36;
	v39 =	vadd.f32 v39, v38  }
0x28d: {  	v42 =	vadd.f32 v44, v40;
	v0 =	vadd.f32 v45, v0  }
0x28e: {  	v45 =	vadd.f32 v48, v47;
	v47 =	vadd.f32 v54, v53  }
0x28f: {  	v48 =	vadd.f32 v57, v56;
	v54 =	vadd.f32 v35, v33  }
0x290: {  	v0 =	vadd.f32 v45, v0;
	v2 =	vadd.f32 v49, v46  }
0x291: {  	v43 =	vadd.f32 v55, v52;
	v44 =	vadd.f32 v61, v58  }
0x292: {  	v46 =	vadd.f32 v51, v50;
	v49 =	vadd.f32 v60, v59  }
0x293: {  	v53 =	vld [tilespmem:$0x4490];
	v51 =	vadd.f32 v63, v62;
	v52 =	vadd.f32 v31, v29  }
0x294: {  	v50 =	vld [tilespmem:$0x4410];
	v55 =	vadd.f32 v39, v37;
	v2 =	vadd.f32 v2, v42  }
0x295: {  	v5 =	vadd.f32 v44, v43;
	v56 =	vadd.f32 v47, v46  }
0x296: {  	v57 =	vadd.f32 v49, v48;
	v58 =	vadd.f32 v52, v51  }
0x297: {  	v59 =	vadd.f32 v55, v54;
	v2 =	vadd.f32 v5, v2  }
0x298: {  	v0 =	vadd.f32 v56, v0;
	v61 =	vadd.f32 v58, v57  }
0x299: {  	v60 =	vadd.f32 v53, v50;
	v2 =	vadd.f32 v2, v59;
	_ =	sdelay $0x1  }
0x29a: {  	v0 =	vadd.f32 v61, v0;
	v62 =	vadd.f32 v2, v60;
	_ =	sdelay $0x1  }
0x29b: {  	v0 =	vadd.f32 v62, v0;
	_ =	sdelay $0x1  }
0x29c: {  	v0 =	vmul.f32 $1.999999960e-02, v0;
	_ =	sdelay $0x1  }
0x29d: {  	[tilespmem:s16+$0x4890] =	vst v0  }
0x29e: {  	v0 =	vld [tilespmem:$0x2C20]  }
0x29f: {  	v1 =	vld [tilespmem:$0x2CA0]  }
0x2a0: {  	v2 =	vld [tilespmem:$0x2D20]  }
0x2a1: {  	v3 =	vld [tilespmem:$0x2DA0]  }
0x2a2: {  	v4 =	vld [tilespmem:$0x2E20]  }
0x2a3: {  	v5 =	vld [tilespmem:$0x2EA0]  }
0x2a4: {  	v6 =	vld [tilespmem:$0x2F20]  }
0x2a5: {  	v63 =	vld [tilespmem:$0x2FA0]  }
0x2a6: {  	v8 =	vld [tilespmem:$0x3020]  }
0x2a7: {  	v9 =	vld [tilespmem:$0x30A0]  }
0x2a8: {  	v10 =	vld [tilespmem:$0x3120]  }
0x2a9: {  	v44 =	vld [tilespmem:$0x31A0]  }
0x2aa: {  	v12 =	vld [tilespmem:$0x3220]  }
0x2ab: {  	v45 =	vld [tilespmem:$0x32A0]  }
0x2ac: {  	v46 =	vld [tilespmem:$0x3320]  }
0x2ad: {  	v47 =	vld [tilespmem:$0x33A0]  }
0x2ae: {  	v16 =	vld [tilespmem:$0x3420]  }
0x2af: {  	v48 =	vld [tilespmem:$0x34A0]  }
0x2b0: {  	v49 =	vld [tilespmem:$0x3520]  }
0x2b1: {  	v50 =	vld [tilespmem:$0x35A0]  }
0x2b2: {  	v20 =	vld [tilespmem:$0x3620]  }
0x2b3: {  	v51 =	vld [tilespmem:$0x36A0]  }
0x2b4: {  	v52 =	vld [tilespmem:$0x3720]  }
0x2b5: {  	v53 =	vld [tilespmem:$0x37A0]  }
0x2b6: {  	v24 =	vld [tilespmem:$0x3820]  }
0x2b7: {  	v54 =	vld [tilespmem:$0x38A0]  }
0x2b8: {  	v26 =	vld [tilespmem:$0x3920]  }
0x2b9: {  	v55 =	vld [tilespmem:$0x39A0]  }
0x2ba: {  	v28 =	vld [tilespmem:$0x3A20]  }
0x2bb: {  	v56 =	vld [tilespmem:$0x3AA0]  }
0x2bc: {  	v30 =	vld [tilespmem:$0x3B20]  }
0x2bd: {  	v57 =	vld [tilespmem:$0x3BA0]  }
0x2be: {  	v32 =	vld [tilespmem:$0x3C20]  }
0x2bf: {  	v58 =	vld [tilespmem:$0x3CA0]  }
0x2c0: {  	v34 =	vld [tilespmem:$0x3D20]  }
0x2c1: {  	v59 =	vld [tilespmem:$0x3DA0]  }
0x2c2: {  	v36 =	vld [tilespmem:$0x3E20];
	v0 =	vadd.f32 v1, v0;
	v1 =	vadd.f32 v3, v2  }
0x2c3: {  	v60 =	vld [tilespmem:$0x3EA0];
	v3 =	vadd.f32 v5, v4;
	v4 =	vadd.f32 v63, v6  }
0x2c4: {  	v38 =	vld [tilespmem:$0x3F20];
	v42 =	vadd.f32 v9, v8;
	v43 =	vadd.f32 v44, v10  }
0x2c5: {  	v61 =	vld [tilespmem:$0x3FA0];
	v45 =	vadd.f32 v45, v12;
	v46 =	vadd.f32 v47, v46  }
0x2c6: {  	v40 =	vld [tilespmem:$0x4020];
	v48 =	vadd.f32 v48, v16;
	v49 =	vadd.f32 v50, v49  }
0x2c7: {  	v62 =	vld [tilespmem:$0x40A0];
	v51 =	vadd.f32 v51, v20;
	v52 =	vadd.f32 v53, v52  }
0x2c8: {  	v2 =	vld [tilespmem:$0x4120];
	v54 =	vadd.f32 v54, v24;
	v55 =	vadd.f32 v55, v26  }
0x2c9: {  	v63 =	vld [tilespmem:$0x41A0];
	v56 =	vadd.f32 v56, v28;
	v57 =	vadd.f32 v57, v30  }
0x2ca: {  	v44 =	vld [tilespmem:$0x4220];
	v58 =	vadd.f32 v58, v32;
	v59 =	vadd.f32 v59, v34  }
0x2cb: {  	v47 =	vld [tilespmem:$0x42A0];
	v60 =	vadd.f32 v60, v36;
	v61 =	vadd.f32 v61, v38  }
0x2cc: {  	v50 =	vld [tilespmem:$0x4320];
	v62 =	vadd.f32 v62, v40;
	v0 =	vadd.f32 v1, v0  }
0x2cd: {  	v53 =	vld [tilespmem:$0x43A0];
	v27 =	vadd.f32 v4, v3;
	v28 =	vadd.f32 v43, v42  }
0x2ce: {  	v29 =	vadd.f32 v46, v45;
	v30 =	vadd.f32 v49, v48  }
0x2cf: {  	v31 =	vadd.f32 v52, v51;
	v33 =	vadd.f32 v55, v54  }
0x2d0: {  	v34 =	vadd.f32 v57, v56;
	v36 =	vadd.f32 v59, v58  }
0x2d1: {  	v35 =	vld [tilespmem:$0x44A0];
	v37 =	vadd.f32 v61, v60;
	v2 =	vadd.f32 v63, v2  }
0x2d2: {  	v32 =	vld [tilespmem:$0x4420];
	v63 =	vadd.f32 v47, v44;
	v17 =	vadd.f32 v53, v50  }
0x2d3: {  	v0 =	vadd.f32 v27, v0;
	v38 =	vadd.f32 v29, v28  }
0x2d4: {  	v2 =	vadd.f32 v2, v62;
	v5 =	vadd.f32 v17, v63  }
0x2d5: {  	v39 =	vadd.f32 v31, v30;
	v40 =	vadd.f32 v34, v33  }
0x2d6: {  	v41 =	vadd.f32 v37, v36;
	v2 =	vadd.f32 v5, v2  }
0x2d7: {  	v42 =	vadd.f32 v35, v32;
	v0 =	vadd.f32 v38, v0  }
0x2d8: {  	v43 =	vadd.f32 v40, v39;
	v2 =	vadd.f32 v2, v41;
	_ =	sdelay $0x1  }
0x2d9: {  	v0 =	vadd.f32 v43, v0;
	v44 =	vadd.f32 v2, v42;
	_ =	sdelay $0x1  }
0x2da: {  	v0 =	vadd.f32 v44, v0;
	_ =	sdelay $0x1  }
0x2db: {  	v0 =	vmul.f32 $1.999999960e-02, v0;
	_ =	sdelay $0x1  }
0x2dc: {  	[tilespmem:s16+$0x48A0] =	vst v0  }
0x2dd: {  	v0 =	vld [tilespmem:$0x2C30]  }
0x2de: {  	v1 =	vld [tilespmem:$0x2CB0]  }
0x2df: {  	v45 =	vld [tilespmem:$0x2D30]  }
0x2e0: {  	v46 =	vld [tilespmem:$0x2DB0]  }
0x2e1: {  	v4 =	vld [tilespmem:$0x2E30]  }
0x2e2: {  	v47 =	vld [tilespmem:$0x2EB0]  }
0x2e3: {  	v48 =	vld [tilespmem:$0x2F30]  }
0x2e4: {  	v49 =	vld [tilespmem:$0x2FB0]  }
0x2e5: {  	v8 =	vld [tilespmem:$0x3030]  }
0x2e6: {  	v50 =	vld [tilespmem:$0x30B0]  }
0x2e7: {  	v51 =	vld [tilespmem:$0x3130]  }
0x2e8: {  	v52 =	vld [tilespmem:$0x31B0]  }
0x2e9: {  	v12 =	vld [tilespmem:$0x3230]  }
0x2ea: {  	v53 =	vld [tilespmem:$0x32B0]  }
0x2eb: {  	v54 =	vld [tilespmem:$0x3330]  }
0x2ec: {  	v55 =	vld [tilespmem:$0x33B0]  }
0x2ed: {  	v16 =	vld [tilespmem:$0x3430]  }
0x2ee: {  	v56 =	vld [tilespmem:$0x34B0]  }
0x2ef: {  	v57 =	vld [tilespmem:$0x3530]  }
0x2f0: {  	v58 =	vld [tilespmem:$0x35B0]  }
0x2f1: {  	v20 =	vld [tilespmem:$0x3630]  }
0x2f2: {  	v59 =	vld [tilespmem:$0x36B0]  }
0x2f3: {  	v60 =	vld [tilespmem:$0x3730]  }
0x2f4: {  	v61 =	vld [tilespmem:$0x37B0]  }
0x2f5: {  	v24 =	vld [tilespmem:$0x3830]  }
0x2f6: {  	v62 =	vld [tilespmem:$0x38B0]  }
0x2f7: {  	v26 =	vld [tilespmem:$0x3930]  }
0x2f8: {  	v63 =	vld [tilespmem:$0x39B0]  }
0x2f9: {  	v28 =	vld [tilespmem:$0x3A30]  }
0x2fa: {  	v29 =	vld [tilespmem:$0x3AB0]  }
0x2fb: {  	v30 =	vld [tilespmem:$0x3B30]  }
0x2fc: {  	v31 =	vld [tilespmem:$0x3BB0]  }
0x2fd: {  	v32 =	vld [tilespmem:$0x3C30]  }
0x2fe: {  	v33 =	vld [tilespmem:$0x3CB0]  }
0x2ff: {  	v34 =	vld [tilespmem:$0x3D30]  }
0x300: {  	v35 =	vld [tilespmem:$0x3DB0]  }
0x301: {  	v36 =	vld [tilespmem:$0x3E30]  }
0x302: {  	v37 =	vld [tilespmem:$0x3EB0]  }
0x303: {  	v38 =	vld [tilespmem:$0x3F30];
	v0 =	vadd.f32 v1, v0;
	v45 =	vadd.f32 v46, v45  }
0x304: {  	v39 =	vld [tilespmem:$0x3FB0];
	v47 =	vadd.f32 v47, v4;
	v48 =	vadd.f32 v49, v48  }
0x305: {  	v40 =	vld [tilespmem:$0x4030];
	v50 =	vadd.f32 v50, v8;
	v51 =	vadd.f32 v52, v51  }
0x306: {  	v44 =	vld [tilespmem:$0x40B0];
	v53 =	vadd.f32 v53, v12;
	v54 =	vadd.f32 v55, v54  }
0x307: {  	v46 =	vld [tilespmem:$0x4130];
	v56 =	vadd.f32 v56, v16;
	v57 =	vadd.f32 v58, v57  }
0x308: {  	v49 =	vld [tilespmem:$0x41B0];
	v59 =	vadd.f32 v59, v20;
	v60 =	vadd.f32 v61, v60  }
0x309: {  	v52 =	vld [tilespmem:$0x4230];
	v62 =	vadd.f32 v62, v24;
	v63 =	vadd.f32 v63, v26  }
0x30a: {  	v55 =	vld [tilespmem:$0x42B0];
	v29 =	vadd.f32 v29, v28;
	v31 =	vadd.f32 v31, v30  }
0x30b: {  	v58 =	vld [tilespmem:$0x4330];
	v33 =	vadd.f32 v33, v32;
	v35 =	vadd.f32 v35, v34  }
0x30c: {  	v61 =	vld [tilespmem:$0x43B0];
	v37 =	vadd.f32 v37, v36;
	v39 =	vadd.f32 v39, v38  }
0x30d: {  	v42 =	vadd.f32 v44, v40;
	v0 =	vadd.f32 v45, v0  }
0x30e: {  	v45 =	vadd.f32 v48, v47;
	v47 =	vadd.f32 v54, v53  }
0x30f: {  	v48 =	vadd.f32 v57, v56;
	v54 =	vadd.f32 v35, v33  }
0x310: {  	v0 =	vadd.f32 v45, v0;
	v2 =	vadd.f32 v49, v46  }
0x311: {  	v43 =	vadd.f32 v55, v52;
	v44 =	vadd.f32 v61, v58  }
0x312: {  	v46 =	vadd.f32 v51, v50;
	v49 =	vadd.f32 v60, v59  }
0x313: {  	v53 =	vld [tilespmem:$0x44B0];
	v51 =	vadd.f32 v63, v62;
	v52 =	vadd.f32 v31, v29  }
0x314: {  	v50 =	vld [tilespmem:$0x4430];
	v55 =	vadd.f32 v39, v37;
	v2 =	vadd.f32 v2, v42  }
0x315: {  	v5 =	vadd.f32 v44, v43;
	v56 =	vadd.f32 v47, v46  }
0x316: {  	v57 =	vadd.f32 v49, v48;
	v58 =	vadd.f32 v52, v51  }
0x317: {  	v59 =	vadd.f32 v55, v54;
	v2 =	vadd.f32 v5, v2  }
0x318: {  	v0 =	vadd.f32 v56, v0;
	v61 =	vadd.f32 v58, v57  }
0x319: {  	v60 =	vadd.f32 v53, v50;
	v2 =	vadd.f32 v2, v59;
	_ =	sdelay $0x1  }
0x31a: {  	v0 =	vadd.f32 v61, v0;
	v62 =	vadd.f32 v2, v60;
	_ =	sdelay $0x1  }
0x31b: {  	v0 =	vadd.f32 v62, v0;
	_ =	sdelay $0x1  }
0x31c: {  	v0 =	vmul.f32 $1.999999960e-02, v0;
	_ =	sdelay $0x1  }
0x31d: {  	[tilespmem:s16+$0x48B0] =	vst v0  }
0x31e: {  	v0 =	vld [tilespmem:$0x2C40]  }
0x31f: {  	v1 =	vld [tilespmem:$0x2CC0]  }
0x320: {  	v2 =	vld [tilespmem:$0x2D40]  }
0x321: {  	v3 =	vld [tilespmem:$0x2DC0]  }
0x322: {  	v4 =	vld [tilespmem:$0x2E40]  }
0x323: {  	v5 =	vld [tilespmem:$0x2EC0]  }
0x324: {  	v6 =	vld [tilespmem:$0x2F40]  }
0x325: {  	v63 =	vld [tilespmem:$0x2FC0]  }
0x326: {  	v8 =	vld [tilespmem:$0x3040]  }
0x327: {  	v9 =	vld [tilespmem:$0x30C0]  }
0x328: {  	v10 =	vld [tilespmem:$0x3140]  }
0x329: {  	v44 =	vld [tilespmem:$0x31C0]  }
0x32a: {  	v12 =	vld [tilespmem:$0x3240]  }
0x32b: {  	v45 =	vld [tilespmem:$0x32C0]  }
0x32c: {  	v46 =	vld [tilespmem:$0x3340]  }
0x32d: {  	v47 =	vld [tilespmem:$0x33C0]  }
0x32e: {  	v16 =	vld [tilespmem:$0x3440]  }
0x32f: {  	v48 =	vld [tilespmem:$0x34C0]  }
0x330: {  	v49 =	vld [tilespmem:$0x3540]  }
0x331: {  	v50 =	vld [tilespmem:$0x35C0]  }
0x332: {  	v20 =	vld [tilespmem:$0x3640]  }
0x333: {  	v51 =	vld [tilespmem:$0x36C0]  }
0x334: {  	v52 =	vld [tilespmem:$0x3740]  }
0x335: {  	v53 =	vld [tilespmem:$0x37C0]  }
0x336: {  	v24 =	vld [tilespmem:$0x3840]  }
0x337: {  	v54 =	vld [tilespmem:$0x38C0]  }
0x338: {  	v26 =	vld [tilespmem:$0x3940]  }
0x339: {  	v55 =	vld [tilespmem:$0x39C0]  }
0x33a: {  	v28 =	vld [tilespmem:$0x3A40]  }
0x33b: {  	v56 =	vld [tilespmem:$0x3AC0]  }
0x33c: {  	v30 =	vld [tilespmem:$0x3B40]  }
0x33d: {  	v57 =	vld [tilespmem:$0x3BC0]  }
0x33e: {  	v32 =	vld [tilespmem:$0x3C40]  }
0x33f: {  	v58 =	vld [tilespmem:$0x3CC0]  }
0x340: {  	v34 =	vld [tilespmem:$0x3D40]  }
0x341: {  	v59 =	vld [tilespmem:$0x3DC0]  }
0x342: {  	v36 =	vld [tilespmem:$0x3E40];
	v0 =	vadd.f32 v1, v0;
	v1 =	vadd.f32 v3, v2  }
0x343: {  	v60 =	vld [tilespmem:$0x3EC0];
	v3 =	vadd.f32 v5, v4;
	v4 =	vadd.f32 v63, v6  }
0x344: {  	v38 =	vld [tilespmem:$0x3F40];
	v42 =	vadd.f32 v9, v8;
	v43 =	vadd.f32 v44, v10  }
0x345: {  	v61 =	vld [tilespmem:$0x3FC0];
	v45 =	vadd.f32 v45, v12;
	v46 =	vadd.f32 v47, v46  }
0x346: {  	v40 =	vld [tilespmem:$0x4040];
	v48 =	vadd.f32 v48, v16;
	v49 =	vadd.f32 v50, v49  }
0x347: {  	v62 =	vld [tilespmem:$0x40C0];
	v51 =	vadd.f32 v51, v20;
	v52 =	vadd.f32 v53, v52  }
0x348: {  	v2 =	vld [tilespmem:$0x4140];
	v54 =	vadd.f32 v54, v24;
	v55 =	vadd.f32 v55, v26  }
0x349: {  	v63 =	vld [tilespmem:$0x41C0];
	v56 =	vadd.f32 v56, v28;
	v57 =	vadd.f32 v57, v30  }
0x34a: {  	v44 =	vld [tilespmem:$0x4240];
	v58 =	vadd.f32 v58, v32;
	v59 =	vadd.f32 v59, v34  }
0x34b: {  	v47 =	vld [tilespmem:$0x42C0];
	v60 =	vadd.f32 v60, v36;
	v61 =	vadd.f32 v61, v38  }
0x34c: {  	v50 =	vld [tilespmem:$0x4340];
	v62 =	vadd.f32 v62, v40;
	v0 =	vadd.f32 v1, v0  }
0x34d: {  	v53 =	vld [tilespmem:$0x43C0];
	v27 =	vadd.f32 v4, v3;
	v28 =	vadd.f32 v43, v42  }
0x34e: {  	v29 =	vadd.f32 v46, v45;
	v30 =	vadd.f32 v49, v48  }
0x34f: {  	v31 =	vadd.f32 v52, v51;
	v33 =	vadd.f32 v55, v54  }
0x350: {  	v34 =	vadd.f32 v57, v56;
	v36 =	vadd.f32 v59, v58  }
0x351: {  	v35 =	vld [tilespmem:$0x44C0];
	v37 =	vadd.f32 v61, v60;
	v2 =	vadd.f32 v63, v2  }
0x352: {  	v32 =	vld [tilespmem:$0x4440];
	v63 =	vadd.f32 v47, v44;
	v17 =	vadd.f32 v53, v50  }
0x353: {  	v0 =	vadd.f32 v27, v0;
	v38 =	vadd.f32 v29, v28  }
0x354: {  	v2 =	vadd.f32 v2, v62;
	v5 =	vadd.f32 v17, v63  }
0x355: {  	v39 =	vadd.f32 v31, v30;
	v40 =	vadd.f32 v34, v33  }
0x356: {  	v41 =	vadd.f32 v37, v36;
	v2 =	vadd.f32 v5, v2  }
0x357: {  	v42 =	vadd.f32 v35, v32;
	v0 =	vadd.f32 v38, v0  }
0x358: {  	v43 =	vadd.f32 v40, v39;
	v2 =	vadd.f32 v2, v41;
	_ =	sdelay $0x1  }
0x359: {  	v0 =	vadd.f32 v43, v0;
	v44 =	vadd.f32 v2, v42;
	_ =	sdelay $0x1  }
0x35a: {  	v0 =	vadd.f32 v44, v0;
	_ =	sdelay $0x1  }
0x35b: {  	v0 =	vmul.f32 $1.999999960e-02, v0;
	_ =	sdelay $0x1  }
0x35c: {  	[tilespmem:s16+$0x48C0] =	vst v0  }
0x35d: {  	v0 =	vld [tilespmem:$0x2C50]  }
0x35e: {  	v1 =	vld [tilespmem:$0x2CD0]  }
0x35f: {  	v45 =	vld [tilespmem:$0x2D50]  }
0x360: {  	v46 =	vld [tilespmem:$0x2DD0]  }
0x361: {  	v4 =	vld [tilespmem:$0x2E50]  }
0x362: {  	v47 =	vld [tilespmem:$0x2ED0]  }
0x363: {  	v48 =	vld [tilespmem:$0x2F50]  }
0x364: {  	v49 =	vld [tilespmem:$0x2FD0]  }
0x365: {  	v8 =	vld [tilespmem:$0x3050]  }
0x366: {  	v50 =	vld [tilespmem:$0x30D0]  }
0x367: {  	v51 =	vld [tilespmem:$0x3150]  }
0x368: {  	v52 =	vld [tilespmem:$0x31D0]  }
0x369: {  	v12 =	vld [tilespmem:$0x3250]  }
0x36a: {  	v53 =	vld [tilespmem:$0x32D0]  }
0x36b: {  	v54 =	vld [tilespmem:$0x3350]  }
0x36c: {  	v55 =	vld [tilespmem:$0x33D0]  }
0x36d: {  	v16 =	vld [tilespmem:$0x3450]  }
0x36e: {  	v56 =	vld [tilespmem:$0x34D0]  }
0x36f: {  	v57 =	vld [tilespmem:$0x3550]  }
0x370: {  	v58 =	vld [tilespmem:$0x35D0]  }
0x371: {  	v20 =	vld [tilespmem:$0x3650]  }
0x372: {  	v59 =	vld [tilespmem:$0x36D0]  }
0x373: {  	v60 =	vld [tilespmem:$0x3750]  }
0x374: {  	v61 =	vld [tilespmem:$0x37D0]  }
0x375: {  	v24 =	vld [tilespmem:$0x3850]  }
0x376: {  	v62 =	vld [tilespmem:$0x38D0]  }
0x377: {  	v26 =	vld [tilespmem:$0x3950]  }
0x378: {  	v63 =	vld [tilespmem:$0x39D0]  }
0x379: {  	v28 =	vld [tilespmem:$0x3A50]  }
0x37a: {  	v29 =	vld [tilespmem:$0x3AD0]  }
0x37b: {  	v30 =	vld [tilespmem:$0x3B50]  }
0x37c: {  	v31 =	vld [tilespmem:$0x3BD0]  }
0x37d: {  	v32 =	vld [tilespmem:$0x3C50]  }
0x37e: {  	v33 =	vld [tilespmem:$0x3CD0]  }
0x37f: {  	v34 =	vld [tilespmem:$0x3D50]  }
0x380: {  	v35 =	vld [tilespmem:$0x3DD0]  }
0x381: {  	v36 =	vld [tilespmem:$0x3E50]  }
0x382: {  	v37 =	vld [tilespmem:$0x3ED0]  }
0x383: {  	v38 =	vld [tilespmem:$0x3F50];
	v0 =	vadd.f32 v1, v0;
	v45 =	vadd.f32 v46, v45  }
0x384: {  	v39 =	vld [tilespmem:$0x3FD0];
	v47 =	vadd.f32 v47, v4;
	v48 =	vadd.f32 v49, v48  }
0x385: {  	v40 =	vld [tilespmem:$0x4050];
	v50 =	vadd.f32 v50, v8;
	v51 =	vadd.f32 v52, v51  }
0x386: {  	v44 =	vld [tilespmem:$0x40D0];
	v53 =	vadd.f32 v53, v12;
	v54 =	vadd.f32 v55, v54  }
0x387: {  	v46 =	vld [tilespmem:$0x4150];
	v56 =	vadd.f32 v56, v16;
	v57 =	vadd.f32 v58, v57  }
0x388: {  	v49 =	vld [tilespmem:$0x41D0];
	v59 =	vadd.f32 v59, v20;
	v60 =	vadd.f32 v61, v60  }
0x389: {  	v52 =	vld [tilespmem:$0x4250];
	v62 =	vadd.f32 v62, v24;
	v63 =	vadd.f32 v63, v26  }
0x38a: {  	v55 =	vld [tilespmem:$0x42D0];
	v29 =	vadd.f32 v29, v28;
	v31 =	vadd.f32 v31, v30  }
0x38b: {  	v58 =	vld [tilespmem:$0x4350];
	v33 =	vadd.f32 v33, v32;
	v35 =	vadd.f32 v35, v34  }
0x38c: {  	v61 =	vld [tilespmem:$0x43D0];
	v37 =	vadd.f32 v37, v36;
	v39 =	vadd.f32 v39, v38  }
0x38d: {  	v42 =	vadd.f32 v44, v40;
	v0 =	vadd.f32 v45, v0  }
0x38e: {  	v45 =	vadd.f32 v48, v47;
	v47 =	vadd.f32 v54, v53  }
0x38f: {  	v48 =	vadd.f32 v57, v56;
	v54 =	vadd.f32 v35, v33  }
0x390: {  	v0 =	vadd.f32 v45, v0;
	v2 =	vadd.f32 v49, v46  }
0x391: {  	v43 =	vadd.f32 v55, v52;
	v44 =	vadd.f32 v61, v58  }
0x392: {  	v46 =	vadd.f32 v51, v50;
	v49 =	vadd.f32 v60, v59  }
0x393: {  	v53 =	vld [tilespmem:$0x44D0];
	v51 =	vadd.f32 v63, v62;
	v52 =	vadd.f32 v31, v29  }
0x394: {  	v50 =	vld [tilespmem:$0x4450];
	v55 =	vadd.f32 v39, v37;
	v2 =	vadd.f32 v2, v42  }
0x395: {  	v5 =	vadd.f32 v44, v43;
	v56 =	vadd.f32 v47, v46  }
0x396: {  	v57 =	vadd.f32 v49, v48;
	v58 =	vadd.f32 v52, v51  }
0x397: {  	v59 =	vadd.f32 v55, v54;
	v2 =	vadd.f32 v5, v2  }
0x398: {  	v0 =	vadd.f32 v56, v0;
	v61 =	vadd.f32 v58, v57  }
0x399: {  	v60 =	vadd.f32 v53, v50;
	v2 =	vadd.f32 v2, v59;
	_ =	sdelay $0x1  }
0x39a: {  	v0 =	vadd.f32 v61, v0;
	v62 =	vadd.f32 v2, v60;
	_ =	sdelay $0x1  }
0x39b: {  	v0 =	vadd.f32 v62, v0;
	_ =	sdelay $0x1  }
0x39c: {  	v0 =	vmul.f32 $1.999999960e-02, v0;
	_ =	sdelay $0x1  }
0x39d: {  	[tilespmem:s16+$0x48D0] =	vst v0  }
0x39e: {  	v0 =	vld [tilespmem:$0x2C60]  }
0x39f: {  	v1 =	vld [tilespmem:$0x2CE0]  }
0x3a0: {  	v2 =	vld [tilespmem:$0x2D60]  }
0x3a1: {  	v3 =	vld [tilespmem:$0x2DE0]  }
0x3a2: {  	v4 =	vld [tilespmem:$0x2E60]  }
0x3a3: {  	v5 =	vld [tilespmem:$0x2EE0]  }
0x3a4: {  	v6 =	vld [tilespmem:$0x2F60]  }
0x3a5: {  	v63 =	vld [tilespmem:$0x2FE0]  }
0x3a6: {  	v8 =	vld [tilespmem:$0x3060]  }
0x3a7: {  	v9 =	vld [tilespmem:$0x30E0]  }
0x3a8: {  	v10 =	vld [tilespmem:$0x3160]  }
0x3a9: {  	v44 =	vld [tilespmem:$0x31E0]  }
0x3aa: {  	v12 =	vld [tilespmem:$0x3260]  }
0x3ab: {  	v45 =	vld [tilespmem:$0x32E0]  }
0x3ac: {  	v46 =	vld [tilespmem:$0x3360]  }
0x3ad: {  	v47 =	vld [tilespmem:$0x33E0]  }
0x3ae: {  	v16 =	vld [tilespmem:$0x3460]  }
0x3af: {  	v48 =	vld [tilespmem:$0x34E0]  }
0x3b0: {  	v49 =	vld [tilespmem:$0x3560]  }
0x3b1: {  	v50 =	vld [tilespmem:$0x35E0]  }
0x3b2: {  	v20 =	vld [tilespmem:$0x3660]  }
0x3b3: {  	v51 =	vld [tilespmem:$0x36E0]  }
0x3b4: {  	v52 =	vld [tilespmem:$0x3760]  }
0x3b5: {  	v53 =	vld [tilespmem:$0x37E0]  }
0x3b6: {  	v24 =	vld [tilespmem:$0x3860]  }
0x3b7: {  	v54 =	vld [tilespmem:$0x38E0]  }
0x3b8: {  	v26 =	vld [tilespmem:$0x3960]  }
0x3b9: {  	v55 =	vld [tilespmem:$0x39E0]  }
0x3ba: {  	v28 =	vld [tilespmem:$0x3A60]  }
0x3bb: {  	v56 =	vld [tilespmem:$0x3AE0]  }
0x3bc: {  	v30 =	vld [tilespmem:$0x3B60]  }
0x3bd: {  	v57 =	vld [tilespmem:$0x3BE0]  }
0x3be: {  	v32 =	vld [tilespmem:$0x3C60]  }
0x3bf: {  	v58 =	vld [tilespmem:$0x3CE0]  }
0x3c0: {  	v34 =	vld [tilespmem:$0x3D60]  }
0x3c1: {  	v59 =	vld [tilespmem:$0x3DE0]  }
0x3c2: {  	v36 =	vld [tilespmem:$0x3E60];
	v0 =	vadd.f32 v1, v0;
	v1 =	vadd.f32 v3, v2  }
0x3c3: {  	v60 =	vld [tilespmem:$0x3EE0];
	v3 =	vadd.f32 v5, v4;
	v4 =	vadd.f32 v63, v6  }
0x3c4: {  	v38 =	vld [tilespmem:$0x3F60];
	v42 =	vadd.f32 v9, v8;
	v43 =	vadd.f32 v44, v10  }
0x3c5: {  	v61 =	vld [tilespmem:$0x3FE0];
	v45 =	vadd.f32 v45, v12;
	v46 =	vadd.f32 v47, v46  }
0x3c6: {  	v40 =	vld [tilespmem:$0x4060];
	v48 =	vadd.f32 v48, v16;
	v49 =	vadd.f32 v50, v49  }
0x3c7: {  	v62 =	vld [tilespmem:$0x40E0];
	v51 =	vadd.f32 v51, v20;
	v52 =	vadd.f32 v53, v52  }
0x3c8: {  	v2 =	vld [tilespmem:$0x4160];
	v54 =	vadd.f32 v54, v24;
	v55 =	vadd.f32 v55, v26  }
0x3c9: {  	v63 =	vld [tilespmem:$0x41E0];
	v56 =	vadd.f32 v56, v28;
	v57 =	vadd.f32 v57, v30  }
0x3ca: {  	v44 =	vld [tilespmem:$0x4260];
	v58 =	vadd.f32 v58, v32;
	v59 =	vadd.f32 v59, v34  }
0x3cb: {  	v47 =	vld [tilespmem:$0x42E0];
	v60 =	vadd.f32 v60, v36;
	v61 =	vadd.f32 v61, v38  }
0x3cc: {  	v50 =	vld [tilespmem:$0x4360];
	v62 =	vadd.f32 v62, v40;
	v0 =	vadd.f32 v1, v0  }
0x3cd: {  	v53 =	vld [tilespmem:$0x43E0];
	v28 =	vadd.f32 v4, v3;
	v29 =	vadd.f32 v43, v42  }
0x3ce: {  	v30 =	vadd.f32 v46, v45;
	v31 =	vadd.f32 v49, v48  }
0x3cf: {  	v32 =	vadd.f32 v52, v51;
	v34 =	vadd.f32 v55, v54  }
0x3d0: {  	v35 =	vadd.f32 v57, v56;
	v37 =	vadd.f32 v59, v58  }
0x3d1: {  	v33 =	vld [tilespmem:$0x4460];
	v38 =	vadd.f32 v61, v60;
	v2 =	vadd.f32 v63, v2  }
0x3d2: {  	v36 =	vld [tilespmem:$0x44E0];
	v63 =	vadd.f32 v47, v44;
	v27 =	vadd.f32 v53, v50  }
0x3d3: {  	v0 =	vadd.f32 v28, v0;
	v39 =	vadd.f32 v30, v29  }
0x3d4: {  	v2 =	vadd.f32 v2, v62;
	v5 =	vadd.f32 v27, v63  }
0x3d5: {  	v40 =	vadd.f32 v32, v31;
	v41 =	vadd.f32 v35, v34  }
0x3d6: {  	v42 =	vadd.f32 v38, v37;
	v2 =	vadd.f32 v5, v2  }
0x3d7: {  	v43 =	vadd.f32 v36, v33;
	v0 =	vadd.f32 v39, v0  }
0x3d8: {  	v44 =	vadd.f32 v41, v40;
	v2 =	vadd.f32 v2, v42;
	_ =	sdelay $0x1  }
0x3d9: {  	v0 =	vadd.f32 v44, v0;
	v45 =	vadd.f32 v2, v43;
	_ =	sdelay $0x1  }
0x3da: {  	v0 =	vadd.f32 v45, v0;
	_ =	sdelay $0x1  }
0x3db: {  	v0 =	vmul.f32 $1.999999960e-02, v0;
	_ =	sdelay $0x1  }
0x3dc: {  	[tilespmem:s16+$0x48E0] =	vst v0  }
0x3dd: {  	v0 =	vld [tilespmem:$0x2C70]  }
0x3de: {  	v1 =	vld [tilespmem:$0x2CF0]  }
0x3df: {  	v2 =	vld [tilespmem:$0x2D70]  }
0x3e0: {  	v46 =	vld [tilespmem:$0x2DF0]  }
0x3e1: {  	v4 =	vld [tilespmem:$0x2E70]  }
0x3e2: {  	v47 =	vld [tilespmem:$0x2EF0]  }
0x3e3: {  	v48 =	vld [tilespmem:$0x2F70]  }
0x3e4: {  	v49 =	vld [tilespmem:$0x2FF0]  }
0x3e5: {  	v8 =	vld [tilespmem:$0x3070]  }
0x3e6: {  	v50 =	vld [tilespmem:$0x30F0]  }
0x3e7: {  	v51 =	vld [tilespmem:$0x3170]  }
0x3e8: {  	v52 =	vld [tilespmem:$0x31F0]  }
0x3e9: {  	v12 =	vld [tilespmem:$0x3270]  }
0x3ea: {  	v53 =	vld [tilespmem:$0x32F0]  }
0x3eb: {  	v54 =	vld [tilespmem:$0x3370]  }
0x3ec: {  	v55 =	vld [tilespmem:$0x33F0]  }
0x3ed: {  	v16 =	vld [tilespmem:$0x3470]  }
0x3ee: {  	v56 =	vld [tilespmem:$0x34F0]  }
0x3ef: {  	v57 =	vld [tilespmem:$0x3570]  }
0x3f0: {  	v58 =	vld [tilespmem:$0x35F0]  }
0x3f1: {  	v20 =	vld [tilespmem:$0x3670]  }
0x3f2: {  	v59 =	vld [tilespmem:$0x36F0]  }
0x3f3: {  	v60 =	vld [tilespmem:$0x3770]  }
0x3f4: {  	v61 =	vld [tilespmem:$0x37F0]  }
0x3f5: {  	v24 =	vld [tilespmem:$0x3870]  }
0x3f6: {  	v62 =	vld [tilespmem:$0x38F0]  }
0x3f7: {  	v26 =	vld [tilespmem:$0x3970]  }
0x3f8: {  	v63 =	vld [tilespmem:$0x39F0]  }
0x3f9: {  	v28 =	vld [tilespmem:$0x3A70]  }
0x3fa: {  	v29 =	vld [tilespmem:$0x3AF0]  }
0x3fb: {  	v30 =	vld [tilespmem:$0x3B70]  }
0x3fc: {  	v31 =	vld [tilespmem:$0x3BF0]  }
0x3fd: {  	v32 =	vld [tilespmem:$0x3C70]  }
0x3fe: {  	v33 =	vld [tilespmem:$0x3CF0]  }
0x3ff: {  	v34 =	vld [tilespmem:$0x3D70]  }
0x400: {  	v35 =	vld [tilespmem:$0x3DF0]  }
0x401: {  	v36 =	vld [tilespmem:$0x3E70]  }
0x402: {  	v37 =	vld [tilespmem:$0x3EF0]  }
0x403: {  	v38 =	vld [tilespmem:$0x3F70]  }
0x404: {  	v39 =	vld [tilespmem:$0x3FF0]  }
0x405: {  	v44 =	vld [tilespmem:$0x4070];
	v0 =	vadd.f32 v1, v0;
	v1 =	vadd.f32 v46, v2  }
0x406: {  	v45 =	vld [tilespmem:$0x40F0];
	v47 =	vadd.f32 v47, v4;
	v48 =	vadd.f32 v49, v48  }
0x407: {  	v46 =	vld [tilespmem:$0x4170];
	v50 =	vadd.f32 v50, v8;
	v51 =	vadd.f32 v52, v51  }
0x408: {  	v49 =	vld [tilespmem:$0x41F0];
	v53 =	vadd.f32 v53, v12;
	v54 =	vadd.f32 v55, v54  }
0x409: {  	v52 =	vld [tilespmem:$0x4270];
	v56 =	vadd.f32 v56, v16;
	v57 =	vadd.f32 v58, v57  }
0x40a: {  	v55 =	vld [tilespmem:$0x42F0];
	v59 =	vadd.f32 v59, v20;
	v60 =	vadd.f32 v61, v60  }
0x40b: {  	v58 =	vld [tilespmem:$0x4370];
	v62 =	vadd.f32 v62, v24;
	v63 =	vadd.f32 v63, v26  }
0x40c: {  	v61 =	vld [tilespmem:$0x43F0];
	v29 =	vadd.f32 v29, v28;
	v31 =	vadd.f32 v31, v30  }
0x40d: {  	v33 =	vadd.f32 v33, v32;
	v35 =	vadd.f32 v35, v34  }
0x40e: {  	v37 =	vadd.f32 v37, v36;
	v42 =	vadd.f32 v39, v38  }
0x40f: {  	v43 =	vadd.f32 v45, v44;
	v0 =	vadd.f32 v1, v0  }
0x410: {  	v2 =	vadd.f32 v49, v46;
	v44 =	vadd.f32 v55, v52  }
0x411: {  	v45 =	vadd.f32 v61, v58;
	v46 =	vadd.f32 v48, v47  }
0x412: {  	v47 =	vadd.f32 v51, v50;
	v48 =	vadd.f32 v54, v53  }
0x413: {  	v49 =	vadd.f32 v57, v56;
	v50 =	vadd.f32 v60, v59  }
0x414: {  	v52 =	vadd.f32 v63, v62;
	v53 =	vadd.f32 v31, v29  }
0x415: {  	v51 =	vld [tilespmem:$0x4470];
	v55 =	vadd.f32 v35, v33;
	v56 =	vadd.f32 v42, v37  }
0x416: {  	v54 =	vld [tilespmem:$0x44F0];
	v2 =	vadd.f32 v2, v43;
	v5 =	vadd.f32 v45, v44  }
0x417: {  	v0 =	vadd.f32 v46, v0;
	v57 =	vadd.f32 v48, v47  }
0x418: {  	v58 =	vadd.f32 v50, v49;
	v59 =	vadd.f32 v53, v52  }
0x419: {  	v60 =	vadd.f32 v56, v55;
	v2 =	vadd.f32 v5, v2  }
0x41a: {  	v0 =	vadd.f32 v57, v0;
	v62 =	vadd.f32 v59, v58  }
0x41b: {  	v61 =	vadd.f32 v54, v51;
	v2 =	vadd.f32 v2, v60;
	_ =	sdelay $0x1  }
0x41c: {  	s15 =	sadd.s32 $0x400, s15;
	v0 =	vadd.f32 v62, v0;
	v63 =	vadd.f32 v2, v61  }
0x41d: {  	p0 =	sne.s32 s15, $0x4000  }
.Ltmp0:
0x41e: {  	v0 =	vadd.f32 v63, v0;
	(pc) =	sbr.rel @p0 .LBB2_2-.Ltmp0, $3  }
0x41f: {  	_ = 	snop  }
0x420: {  	v0 =	vmul.f32 $1.999999960e-02, v0;
	_ =	sdelay $0x1  }
0x421: {  	[tilespmem:s16+$0x48F0] =	vst v0  }
0x422: {  	s14 =	sadd.s32 $0x1, s14  }
0x423: {  	p0 =	sne.s32 s14, s6  }
.Ltmp1:
0x424: {  	_ = 	snop;
	(pc) =	sbr.rel @p0 .LBB2_1-.Ltmp1, $4  }
0x425: {  	[hbm4b:s5+s3] =	stream.linear.scatter [tilespmem:s13], [sflag:$0x3], $0x1000, $0x38;
	[tilespmem:$0x5800] =	vst v63  }
0x426: {  	_ =	swait.ge [sflag:s7], $0x1000  }
0x427: {  	[sflag:s7] =	ssyncset.done $0x0  }
0x428: {  	[sflag:s7] =	ssyncadd.s32 $0xFFFFF000  }
0x429: {  	_ =	sfence.sel $0x180000  }
0x42a: {  	[bflag:$0x0] =	sbarrier.arrive $0xFFFF  }
0x42b: {  	p0 =	sne.s32 s1, $0x0;
	_ =	strace $0x90000047  }
0x42c: {  	s0 =	sadd.s32 @!p0 $0x100000, s0;
	[bflag:$0x2] =	sbarrier.arrive $0xFFFF  }
0x42d: {  	[sflag:s0] =	ssyncadd.tile.s32 @!p0 $0x1;
	_ =	shalt  }
.Lfunc_end2:
_tile_overlayer_lowered:
.L_overlay_start_2:
0x42e: {  	(tag) =	ssettag $0x2  }
0x42f: {  	s0 =	rddreg [dreg:$0x0];
	s2 =	stileid.u32  }
0x430: {  	s1 =	rddreg [dreg:$0x1];
	p0 =	sne.s32 s2, $0x0  }
0x431: {  	s3 =	rddreg [dreg:$0x2];
	[bflag:$0x3] =	sbarrier.arrive $0xFFFF;
	s2 =	simm.s32 @!p0 $0x1C03  }
0x432: {  	[timem:s3], [sflag:s2] =	dma.local @!p0 [hbm:s0], s1  }
0x433: {  	s0 =	simm.s32 @!p0 $0x3  }
0x434: {  	_ =	swait.ge @!p0 [sflag:s0], s1  }
0x435: {  	s1 =	ssub.s32 @!p0 $0x0, s1;
	[sflag:s0] =	ssyncset.done @!p0 $0x0  }
0x436: {  	[sflag:s0] =	ssyncadd.s32 @!p0 s1  }
0x437: {  	[bflag:$0x3] =	sbarrier.arrive $0xFFFF  }
0x438: {  	_ =	shalt  }

</sc_bundles>
